<compile_context>
chip_gen: v7x
topology: tpu7x:2x2x1
jax: 0.10.2.dev20260603
libtpu: 0.0.44.dev20260713+nightly
codegen_flags: <defaults>
</compile_context>

<pallas_src>
import functools

import jax
import jax.numpy as jnp
from jax import lax
from jax.experimental import pallas as pl
from jax.experimental.pallas import tpu as pltpu
from jax.experimental.pallas import tpu_sc as plsc

_N = 10000
_E = 320000
_D = 128
_H1, _C1 = 4, 32
_H2, _C2 = 1, 32

_NC = 2
_NS = 16
_NW = _NC * _NS
_EPW = _E // _NW



def _prep1_body(x_ref, w_ref, as_ref, ad_ref, h_ref, s_ref, d_ref):
    h = jnp.dot(x_ref[...], w_ref[...], preferred_element_type=jnp.float32)
    h_ref[...] = h
    s_ref[...] = jnp.dot(h, as_ref[...], preferred_element_type=jnp.float32)
    d_ref[...] = jnp.dot(h, ad_ref[...], preferred_element_type=jnp.float32)


def _tc_prep1(x, W, As, Ad, heads):
    f = W.shape[1]
    blk = 1000
    return pl.pallas_call(
        _prep1_body,
        grid=(_N // blk,),
        in_specs=[
            pl.BlockSpec((blk, x.shape[1]), lambda i: (i, 0)),
            pl.BlockSpec(W.shape, lambda i: (0, 0)),
            pl.BlockSpec(As.shape, lambda i: (0, 0)),
            pl.BlockSpec(Ad.shape, lambda i: (0, 0)),
        ],
        out_specs=[
            pl.BlockSpec((blk, f), lambda i: (i, 0)),
            pl.BlockSpec((blk, heads), lambda i: (i, 0)),
            pl.BlockSpec((blk, heads), lambda i: (i, 0)),
        ],
        out_shape=[
            jax.ShapeDtypeStruct((_N, f), jnp.float32),
            jax.ShapeDtypeStruct((_N, heads), jnp.float32),
            jax.ShapeDtypeStruct((_N, heads), jnp.float32),
        ],
    )(x, W, As, Ad)


def _mid_body(p_ref, r_ref):
    s = jnp.sum(p_ref[...], axis=0, keepdims=True)
    r_ref[...] = 1.0 / (s + 1e-30)


def _tc_mid(parts):
    nh = parts.shape[1]
    return pl.pallas_call(
        _mid_body,
        grid=(1,),
        in_specs=[pl.BlockSpec(parts.shape, lambda i: (0, 0))],
        out_specs=pl.BlockSpec((1, nh), lambda i: (0, 0)),
        out_shape=jax.ShapeDtypeStruct((1, nh), jnp.float32),
    )(parts)


def _prep2_body(p_ref, b_ref, w_ref, as_ref, ad_ref, h_ref, s_ref, d_ref):
    p = p_ref[...]
    t = p[0] + p[1] + b_ref[...]
    g = jnp.where(t > 0.0, t, jnp.exp(jnp.minimum(t, 0.0)) - 1.0)
    h = jnp.dot(g, w_ref[...], preferred_element_type=jnp.float32)
    pad = jnp.zeros((h.shape[0], _D - h.shape[1]), jnp.float32)
    h_ref[...] = jnp.concatenate([h, pad], axis=1)
    s_ref[...] = jnp.dot(h, as_ref[...], preferred_element_type=jnp.float32)
    d_ref[...] = jnp.dot(h, ad_ref[...], preferred_element_type=jnp.float32)


def _tc_prep2(parts, b, W, As, Ad, heads):
    f_in = parts.shape[2]
    blk = 1000
    return pl.pallas_call(
        _prep2_body,
        grid=(_N // blk,),
        in_specs=[
            pl.BlockSpec((2, blk, f_in), lambda i: (0, i, 0)),
            pl.BlockSpec(b.shape, lambda i: (0, 0)),
            pl.BlockSpec(W.shape, lambda i: (0, 0)),
            pl.BlockSpec(As.shape, lambda i: (0, 0)),
            pl.BlockSpec(Ad.shape, lambda i: (0, 0)),
        ],
        out_specs=[
            pl.BlockSpec((blk, _D), lambda i: (i, 0)),
            pl.BlockSpec((blk, heads), lambda i: (i, 0)),
            pl.BlockSpec((blk, heads), lambda i: (i, 0)),
        ],
        out_shape=[
            jax.ShapeDtypeStruct((_N, _D), jnp.float32),
            jax.ShapeDtypeStruct((_N, heads), jnp.float32),
            jax.ShapeDtypeStruct((_N, heads), jnp.float32),
        ],
    )(parts, b, W, As, Ad)


def _final_body(p_ref, b_ref, o_ref):
    p = p_ref[...]
    f = b_ref.shape[1]
    o_ref[...] = p[0][:, :f] + p[1][:, :f] + b_ref[...]


def _tc_final(parts, b):
    f = b.shape[1]
    return pl.pallas_call(
        _final_body,
        grid=(1,),
        in_specs=[
            pl.BlockSpec(parts.shape, lambda i: (0, 0, 0)),
            pl.BlockSpec((1, f), lambda i: (0, 0)),
        ],
        out_specs=pl.BlockSpec((_N, f), lambda i: (0, 0)),
        out_shape=jax.ShapeDtypeStruct((_N, f), jnp.float32),
    )(parts, b)



def _sc_mesh():
    return plsc.VectorSubcoreMesh(core_axis_name="c", subcore_axis_name="s")

_SC_PARAMS = pltpu.CompilerParams(needs_layout_passes=False)


def _make_sc_pass1(heads, k1):
    nh = _N * heads
    grp = k1 // 16

    def body(src_hbm, dst_hbm, as_hbm, ad_hbm, ex_hbm, den_hbm,
             as_v, ad_v, den_v, src_v, dst_v, *ex_vs):
        ci = lax.axis_index("c")
        si = lax.axis_index("s")
        w = si * _NC + ci
        base = w * _EPW

        pltpu.sync_copy(as_hbm, as_v)
        pltpu.sync_copy(ad_hbm, ad_v)

        def zero_body(i, _):
            den_v[pl.ds(i * 16, 16)] = jnp.zeros((16,), jnp.float32)
            return 0
        lax.fori_loop(0, nh // 16, zero_body, 0)

        def chunk_body(c, _):
            off = base + c * k1
            pltpu.sync_copy(src_hbm.at[pl.ds(off, k1)], src_v)
            pltpu.sync_copy(dst_hbm.at[pl.ds(off, k1)], dst_v)

            def grp_body(g, _):
                s16 = src_v[pl.ds(g * 16, 16)]
                d16 = dst_v[pl.ds(g * 16, 16)]
                for h in range(heads):
                    a1 = plsc.load_gather(as_v, [s16 * heads + h])
                    a2 = plsc.load_gather(ad_v, [d16 * heads + h])
                    z = a1 + a2
                    z = jnp.where(z >= 0.0, z, 0.2 * z)
                    e = jnp.exp(z)
                    ex_vs[h][pl.ds(g * 16, 16)] = e
                    plsc.addupdate_scatter(den_v, [d16 * heads + h], e)
                return 0
            lax.fori_loop(0, grp, grp_body, 0)

            for h in range(heads):
                pltpu.sync_copy(ex_vs[h], ex_hbm.at[pl.ds(h * _E + off, k1)])
            return 0
        lax.fori_loop(0, _EPW // k1, chunk_body, 0)

        pltpu.sync_copy(den_v, den_hbm.at[pl.ds(w * nh, nh)])

    return functools.partial(
        pl.kernel,
        body,
        out_type=[
            jax.ShapeDtypeStruct((heads * _E,), jnp.float32),
            jax.ShapeDtypeStruct((_NW * nh,), jnp.float32),
        ],
        mesh=_sc_mesh(),
        compiler_params=_SC_PARAMS,
        scratch_types=[
            pltpu.VMEM((nh,), jnp.float32),
            pltpu.VMEM((nh,), jnp.float32),
            pltpu.VMEM((nh,), jnp.float32),
            pltpu.VMEM((k1,), jnp.int32),
            pltpu.VMEM((k1,), jnp.int32),
        ] + [pltpu.VMEM((k1,), jnp.float32) for _ in range(heads)],
    )


def _make_sc_coef(heads, kc):
    nh = _N * heads
    grp = kc // 16

    def body(dst_hbm, ex_hbm, rd_hbm, co_hbm, rd_v, dst_v, *ex_vs):
        ci = lax.axis_index("c")
        si = lax.axis_index("s")
        w = si * _NC + ci
        base = w * _EPW

        pltpu.sync_copy(rd_hbm, rd_v)

        def chunk_body(c, _):
            off = base + c * kc
            pltpu.sync_copy(dst_hbm.at[pl.ds(off, kc)], dst_v)
            for h in range(heads):
                pltpu.sync_copy(ex_hbm.at[pl.ds(h * _E + off, kc)], ex_vs[h])

            def grp_body(g, _):
                d16 = dst_v[pl.ds(g * 16, 16)]
                for h in range(heads):
                    rd16 = plsc.load_gather(rd_v, [d16 * heads + h])
                    e16 = ex_vs[h][pl.ds(g * 16, 16)]
                    ex_vs[h][pl.ds(g * 16, 16)] = e16 * rd16
                return 0
            lax.fori_loop(0, grp, grp_body, 0)

            for h in range(heads):
                pltpu.sync_copy(ex_vs[h], co_hbm.at[pl.ds(h * _E + off, kc)])
            return 0
        lax.fori_loop(0, _EPW // kc, chunk_body, 0)

    return functools.partial(
        pl.kernel,
        body,
        out_type=jax.ShapeDtypeStruct((heads * _E,), jnp.float32),
        mesh=_sc_mesh(),
        compiler_params=_SC_PARAMS,
        scratch_types=[
            pltpu.VMEM((nh,), jnp.float32),
            pltpu.VMEM((kc,), jnp.int32),
        ] + [pltpu.VMEM((kc,), jnp.float32) for _ in range(heads)],
    )


def _make_sc_pass2(heads, ch, ks, kb):
    f = heads * ch
    nsub = ks // kb
    gp = kb // 16
    rpt_main = 640
    rpt_last = _N - (_NS - 1) * rpt_main

    def body(src_hbm, dst_hbm, co_hbm, h_hbm, out_hbm,
             sup_s, sup_d, src_b, dst_b, rows, scl, acc, sem, *sup_cs):
        ci = lax.axis_index("c")
        si = lax.axis_index("s")
        w = si * _NC + ci
        base = w * _EPW

        def zb(i, _):
            for j in range(_D // 16):
                scl[i, pl.ds(j * 16, 16)] = jnp.zeros((16,), jnp.float32)
            return 0
        lax.fori_loop(0, kb, zb, 0)
        row0 = si * rpt_main

        @pl.when(si < _NS - 1)
        def _zero_main():
            for zo in range(0, rpt_main, kb):
                pltpu.sync_copy(scl, acc.at[pl.ds(row0 + zo, kb)])

        @pl.when(si == _NS - 1)
        def _zero_last():
            for zo in range(0, rpt_last, kb):
                pltpu.sync_copy(scl, acc.at[pl.ds(row0 + zo, kb)])
        plsc.subcore_barrier()

        def sup_body(sc_i, _):
            off = base + sc_i * ks
            pltpu.sync_copy(src_hbm.at[pl.ds(off, ks)], sup_s)
            pltpu.sync_copy(dst_hbm.at[pl.ds(off, ks)], sup_d)
            for h in range(heads):
                pltpu.sync_copy(co_hbm.at[pl.ds(h * _E + off, ks)], sup_cs[h])

            def sub_body(b, _):
                sbase = b * kb

                def cp(g, _):
                    src_b[pl.ds(g * 16, 16)] = sup_s[pl.ds(sbase + g * 16, 16)]
                    dst_b[pl.ds(g * 16, 16)] = sup_d[pl.ds(sbase + g * 16, 16)]
                    return 0
                lax.fori_loop(0, gp, cp, 0)

                pltpu.async_copy(h_hbm.at[src_b], rows, sem).wait()

                def grp_body(g, _):
                    row16 = g * 16 + lax.iota(jnp.int32, 16)
                    for h in range(heads):
                        coef = sup_cs[h][pl.ds(sbase + g * 16, 16)]
                        for cc in range(ch):
                            col = jnp.full((16,), h * ch + cc, jnp.int32)
                            v = plsc.load_gather(rows, [row16, col])
                            plsc.store_scatter(scl, [row16, col], v * coef)
                    return 0
                lax.fori_loop(0, gp, grp_body, 0)

                pltpu.sync_copy(scl, acc.at[dst_b], add=True)
                return 0
            lax.fori_loop(0, nsub, sub_body, 0)
            return 0
        lax.fori_loop(0, _EPW // ks, sup_body, 0)

        plsc.subcore_barrier()

        @pl.when(si < _NS - 1)
        def _out_main():
            pltpu.sync_copy(acc.at[pl.ds(row0, rpt_main)],
                            out_hbm.at[pl.ds(ci * _N + row0, rpt_main)])

        @pl.when(si == _NS - 1)
        def _out_last():
            pltpu.sync_copy(acc.at[pl.ds(row0, rpt_last)],
                            out_hbm.at[pl.ds(ci * _N + row0, rpt_last)])

    return functools.partial(
        pl.kernel,
        body,
        out_type=jax.ShapeDtypeStruct((_NC * _N, _D), jnp.float32),
        mesh=_sc_mesh(),
        compiler_params=_SC_PARAMS,
        scratch_types=[
            pltpu.VMEM((ks,), jnp.int32),
            pltpu.VMEM((ks,), jnp.int32),
            pltpu.VMEM((kb,), jnp.int32),
            pltpu.VMEM((kb,), jnp.int32),
            pltpu.VMEM((kb, _D), jnp.float32),
            pltpu.VMEM((kb, _D), jnp.float32),
            pltpu.VMEM_SHARED((_N, _D), jnp.float32),
            pltpu.SemaphoreType.DMA,
        ] + [pltpu.VMEM((ks,), jnp.float32) for _ in range(heads)],
    )


def _expand_att(att, heads, ch):
    a = att.reshape(heads, ch)
    m = jnp.zeros((heads, ch, heads), jnp.float32)
    m = m.at[jnp.arange(heads), :, jnp.arange(heads)].set(a)
    return m.reshape(heads * ch, heads)


def kernel(x, edge_index, W1, att_src1, att_dst1, b1, W2, att_src2, att_dst2, b2):
    src = edge_index[0]
    dst = edge_index[1]

    sc1_l1 = _make_sc_pass1(_H1, 400)()
    sc1_l2 = _make_sc_pass1(_H2, 2000)()
    scc_l1 = _make_sc_coef(_H1, 2000)()
    scc_l2 = _make_sc_coef(_H2, 2000)()
    sc2_l1 = _make_sc_pass2(_H1, _C1, 2000, 80)()
    sc2_l2 = _make_sc_pass2(_H2, _C2, 2000, 80)()

    As1 = _expand_att(att_src1, _H1, _C1)
    Ad1 = _expand_att(att_dst1, _H1, _C1)
    h1, as1, ad1 = _tc_prep1(x, W1, As1, Ad1, _H1)
    ex1, den1 = sc1_l1(src, dst, as1.reshape(-1), ad1.reshape(-1))
    rd1 = _tc_mid(den1.reshape(_NW, _N * _H1)).reshape(-1)
    co1 = scc_l1(dst, ex1, rd1)
    parts1 = sc2_l1(src, dst, co1, h1).reshape(_NC, _N, _D)

    As2 = att_src2.reshape(_C2, _H2)
    Ad2 = att_dst2.reshape(_C2, _H2)
    h2, as2, ad2 = _tc_prep2(parts1, b1.reshape(1, -1), W2, As2, Ad2, _H2)
    ex2, den2 = sc1_l2(src, dst, as2.reshape(-1), ad2.reshape(-1))
    rd2 = _tc_mid(den2.reshape(_NW, _N * _H2)).reshape(-1)
    co2 = scc_l2(dst, ex2, rd2)
    parts2 = sc2_l2(src, dst, co2, h2).reshape(_NC, _N, _D)

    return _tc_final(parts2, b2.reshape(1, -1))

# --- scband reference (transcript-rebuilt; emitter-appended) ---
"""Pipeline reference for scband-gatmodel-2379411882310 (READ-ONLY COPY).

The authoritative reference and input builder live on the scoring server;
editing this copy changes nothing except your own understanding.
"""

import jax, jax.numpy as jnp
import numpy as np

N = 10000
E = 320000
D_IN = 128
H1, C1 = 4, 32
H2, C2 = 1, 32


def gat_layer(x, edge_index, W, att_src, att_dst, bias, heads, out_ch, concat):
    n = x.shape[0]
    src = edge_index[0]
    dst = edge_index[1]
    h = (x @ W).reshape(n, heads, out_ch)
    a_s = (h * att_src).sum(-1)
    a_d = (h * att_dst).sum(-1)
    alpha = a_s[src] + a_d[dst]
    alpha = jax.nn.leaky_relu(alpha, negative_slope=0.2)
    amax = jax.ops.segment_max(alpha, dst, num_segments=n)
    amax = jnp.where(jnp.isfinite(amax), amax, 0.0)
    ex = jnp.exp(alpha - amax[dst])
    denom = jax.ops.segment_sum(ex, dst, num_segments=n)
    coef = ex / (denom[dst] + 1e-16)
    msg = h[src] * coef[:, :, None]
    out = jax.ops.segment_sum(msg, dst, num_segments=n)
    if concat:
        out = out.reshape(n, heads * out_ch)
    else:
        out = out.mean(axis=1)
    return out + bias


def setup_inputs(seed: int = 0):
    key = jax.random.key(seed)
    ks = jax.random.split(key, 12)
    x = jax.random.normal(ks[0], (N, D_IN), dtype=jnp.float32)
    edge_index = jax.random.randint(ks[1], (2, E), 0, N)
    W1 = jax.random.normal(ks[2], (D_IN, H1 * C1), dtype=jnp.float32) * 0.1
    att_src1 = jax.random.normal(ks[3], (1, H1, C1), dtype=jnp.float32) * 0.1
    att_dst1 = jax.random.normal(ks[4], (1, H1, C1), dtype=jnp.float32) * 0.1
    b1 = jnp.zeros((H1 * C1,), dtype=jnp.float32)
    W2 = jax.random.normal(ks[5], (H1 * C1, H2 * C2), dtype=jnp.float32) * 0.1
    att_src2 = jax.random.normal(ks[6], (1, H2, C2), dtype=jnp.float32) * 0.1
    att_dst2 = jax.random.normal(ks[7], (1, H2, C2), dtype=jnp.float32) * 0.1
    b2 = jnp.zeros((C2,), dtype=jnp.float32)
    return {"x": x, "edge_index": edge_index, "W1": W1, "att_src1": att_src1, "att_dst1": att_dst1, "b1": b1, "W2": W2, "att_src2": att_src2, "att_dst2": att_dst2, "b2": b2}


def reference(x, edge_index, W1, att_src1, att_dst1, b1, W2, att_src2, att_dst2, b2):
    h = gat_layer(x, edge_index, W1, att_src1, att_dst1, b1, H1, C1, True)
    h = jax.nn.elu(h)
    out = gat_layer(h, edge_index, W2, att_src2, att_dst2, b2, H2, C2, False)
    return out

if __name__ == "__main__":
    import jax
    _d = setup_inputs()
    print(jax.jit(kernel)(*tuple(_d.values())))

</pallas_src>

<mosaic_0001>
#map = affine_map<(d0, d1) -> (0)>
module attributes {stable_mosaic.version = 14 : i64} {
  func.func @body(%arg0: i32, %arg1: i32, %arg2: memref<320000xi32, #tpu.memory_space<hbm>>, %arg3: memref<320000xi32, #tpu.memory_space<hbm>>, %arg4: memref<40000xf32, #tpu.memory_space<hbm>>, %arg5: memref<40000xf32, #tpu.memory_space<hbm>>, %arg6: memref<1280000xf32, #tpu.memory_space<hbm>>, %arg7: memref<1280000xf32, #tpu.memory_space<hbm>>, %arg8: memref<40000xf32, #tpu.memory_space<vmem>>, %arg9: memref<40000xf32, #tpu.memory_space<vmem>>, %arg10: memref<40000xf32, #tpu.memory_space<vmem>>, %arg11: memref<400xi32, #tpu.memory_space<vmem>>, %arg12: memref<400xi32, #tpu.memory_space<vmem>>, %arg13: memref<400xf32, #tpu.memory_space<vmem>>, %arg14: memref<400xf32, #tpu.memory_space<vmem>>, %arg15: memref<400xf32, #tpu.memory_space<vmem>>, %arg16: memref<400xf32, #tpu.memory_space<vmem>>) attributes {dimension_semantics = [#tpu.dimension_semantics<core_parallel>, #tpu.dimension_semantics<subcore_parallel>], iteration_bounds = array<i64: 2, 16>, scalar_prefetch = 0 : i64, scratch_operands = 9 : i64, tpu.core_type = #tpu.core_type<sc_vector_subcore>, window_params = [{transform_indices = #map}, {transform_indices = #map}, {transform_indices = #map}, {transform_indices = #map}, {transform_indices = #map}, {transform_indices = #map}]} {
    %mul3A = arith.constant 2 : i32
    %mul3A_0 = arith.muli %arg1, %mul3A : i32
    %add3A = arith.addi %mul3A_0, %arg0 : i32
    %mul3A_1 = arith.constant 10000 : i32
    %mul3A_2 = arith.muli %add3A, %mul3A_1 : i32
    "tpu.region"() ({
      %run_scoped3A = tpu.sem_alloc : memref<!tpu.dma_semaphore, #tpu.memory_space<semaphore_mem>>
      tpu.enqueue_dma source(%arg4 : memref<40000xf32, #tpu.memory_space<hbm>>) target(%arg8 : memref<40000xf32, #tpu.memory_space<vmem>>) target_semaphore(%run_scoped3A : memref<!tpu.dma_semaphore, #tpu.memory_space<semaphore_mem>>)
      tpu.wait_dma2 semaphore(%run_scoped3A : memref<!tpu.dma_semaphore, #tpu.memory_space<semaphore_mem>>) src(%arg4 : memref<40000xf32, #tpu.memory_space<hbm>>) dst(%arg8 : memref<40000xf32, #tpu.memory_space<vmem>>)
      tpu.yield
    }) : () -> ()
    "tpu.region"() ({
      %run_scoped3A = tpu.sem_alloc : memref<!tpu.dma_semaphore, #tpu.memory_space<semaphore_mem>>
      tpu.enqueue_dma source(%arg5 : memref<40000xf32, #tpu.memory_space<hbm>>) target(%arg9 : memref<40000xf32, #tpu.memory_space<vmem>>) target_semaphore(%run_scoped3A : memref<!tpu.dma_semaphore, #tpu.memory_space<semaphore_mem>>)
      tpu.wait_dma2 semaphore(%run_scoped3A : memref<!tpu.dma_semaphore, #tpu.memory_space<semaphore_mem>>) src(%arg5 : memref<40000xf32, #tpu.memory_space<hbm>>) dst(%arg9 : memref<40000xf32, #tpu.memory_space<vmem>>)
      tpu.yield
    }) : () -> ()
    %scan3A = arith.constant 0 : i32
    %scan3A_3 = arith.constant 0 : i32
    %scan3A_4 = arith.constant 2500 : i32
    %scan3A_5 = arith.addi %scan3A_3, %scan3A_4 : i32
    %scan3A_6 = arith.constant 1 : i32
    %scan3A_7 = scf.for %scan3A_18 = %scan3A_3 to %scan3A_5 step %scan3A_6 iter_args(%scan3A_19 = %scan3A) -> (i32)  : i32 {
      %broadcast_in_dim3A = arith.constant 0.000000e+00 : f32
      %broadcast_in_dim3A_20 = vector.broadcast %broadcast_in_dim3A : f32 to vector<16xf32>
      %mul3A_21 = arith.constant 16 : i32
      %mul3A_22 = arith.muli %scan3A_18, %mul3A_21 : i32
      %swap3A = arith.index_cast %mul3A_22 : i32 to index
      %swap3A_23 = tpu.vector_load %arg10[%swap3A] {strides = array<i32>} : memref<40000xf32, #tpu.memory_space<vmem>>, vector<16xf32>,
      tpu.vector_store %arg10[%swap3A], %broadcast_in_dim3A_20 {strides = array<i32>} : memref<40000xf32, #tpu.memory_space<vmem>>, vector<16xf32>,
      %scan3A_24 = arith.constant 0 : i32
      scf.yield %scan3A_24 : i32
    }
    %scan3A_8 = arith.constant 2500 : i32
    %scan3A_9 = arith.constant 0 : i32
    %scan3A_10 = arith.constant 0 : i32
    %scan3A_11 = arith.constant 25 : i32
    %scan3A_12 = arith.addi %scan3A_10, %scan3A_11 : i32
    %scan3A_13 = arith.constant 1 : i32
    %scan3A_14 = scf.for %scan3A_18 = %scan3A_10 to %scan3A_12 step %scan3A_13 iter_args(%scan3A_19 = %scan3A_9) -> (i32)  : i32 {
      %mul3A_20 = arith.constant 400 : i32
      %mul3A_21 = arith.muli %scan3A_18, %mul3A_20 : i32
      %add3A_22 = arith.addi %mul3A_2, %mul3A_21 : i32
      "tpu.region"() ({
        %run_scoped3A = tpu.sem_alloc : memref<!tpu.dma_semaphore, #tpu.memory_space<semaphore_mem>>
        %dma_start3A = tpu.memref_slice %arg2[%add3A_22] : memref<320000xi32, #tpu.memory_space<hbm>> -> memref<400xi32, #tpu.memory_space<hbm>>
        %dma_start3A_39 = tpu.memref_slice %arg2[%add3A_22] : memref<320000xi32, #tpu.memory_space<hbm>> -> memref<400xi32, #tpu.memory_space<hbm>>
        tpu.enqueue_dma source(%dma_start3A_39 : memref<400xi32, #tpu.memory_space<hbm>>) target(%arg11 : memref<400xi32, #tpu.memory_space<vmem>>) target_semaphore(%run_scoped3A : memref<!tpu.dma_semaphore, #tpu.memory_space<semaphore_mem>>)
        %dma_wait3A = tpu.memref_slice %arg2[%add3A_22] : memref<320000xi32, #tpu.memory_space<hbm>> -> memref<400xi32, #tpu.memory_space<hbm>>
        %dma_wait3A_40 = tpu.memref_slice %arg2[%add3A_22] : memref<320000xi32, #tpu.memory_space<hbm>> -> memref<400xi32, #tpu.memory_space<hbm>>
        tpu.wait_dma2 semaphore(%run_scoped3A : memref<!tpu.dma_semaphore, #tpu.memory_space<semaphore_mem>>) src(%dma_wait3A_40 : memref<400xi32, #tpu.memory_space<hbm>>) dst(%arg11 : memref<400xi32, #tpu.memory_space<vmem>>)
        tpu.yield
      }) : () -> ()
      "tpu.region"() ({
        %run_scoped3A = tpu.sem_alloc : memref<!tpu.dma_semaphore, #tpu.memory_space<semaphore_mem>>
        %dma_start3A = tpu.memref_slice %arg3[%add3A_22] : memref<320000xi32, #tpu.memory_space<hbm>> -> memref<400xi32, #tpu.memory_space<hbm>>
        %dma_start3A_39 = tpu.memref_slice %arg3[%add3A_22] : memref<320000xi32, #tpu.memory_space<hbm>> -> memref<400xi32, #tpu.memory_space<hbm>>
        tpu.enqueue_dma source(%dma_start3A_39 : memref<400xi32, #tpu.memory_space<hbm>>) target(%arg12 : memref<400xi32, #tpu.memory_space<vmem>>) target_semaphore(%run_scoped3A : memref<!tpu.dma_semaphore, #tpu.memory_space<semaphore_mem>>)
        %dma_wait3A = tpu.memref_slice %arg3[%add3A_22] : memref<320000xi32, #tpu.memory_space<hbm>> -> memref<400xi32, #tpu.memory_space<hbm>>
        %dma_wait3A_40 = tpu.memref_slice %arg3[%add3A_22] : memref<320000xi32, #tpu.memory_space<hbm>> -> memref<400xi32, #tpu.memory_space<hbm>>
        tpu.wait_dma2 semaphore(%run_scoped3A : memref<!tpu.dma_semaphore, #tpu.memory_space<semaphore_mem>>) src(%dma_wait3A_40 : memref<400xi32, #tpu.memory_space<hbm>>) dst(%arg12 : memref<400xi32, #tpu.memory_space<vmem>>)
        tpu.yield
      }) : () -> ()
      %scan3A_23 = arith.constant 0 : i32
      %scan3A_24 = arith.constant 0 : i32
      %scan3A_25 = arith.constant 25 : i32
      %scan3A_26 = arith.addi %scan3A_24, %scan3A_25 : i32
      %scan3A_27 = arith.constant 1 : i32
      %scan3A_28 = scf.for %scan3A_39 = %scan3A_24 to %scan3A_26 step %scan3A_27 iter_args(%scan3A_40 = %scan3A_23) -> (i32)  : i32 {
        %mul3A_41 = arith.constant 16 : i32
        %mul3A_42 = arith.muli %scan3A_39, %mul3A_41 : i32
        %get3A = arith.index_cast %mul3A_42 : i32 to index
        %get3A_43 = tpu.vector_load %arg11[%get3A] {strides = array<i32>} : memref<400xi32, #tpu.memory_space<vmem>>, vector<16xi32>,
        %mul3A_44 = arith.constant 16 : i32
        %mul3A_45 = arith.muli %scan3A_39, %mul3A_44 : i32
        %get3A_46 = arith.index_cast %mul3A_45 : i32 to index
        %get3A_47 = tpu.vector_load %arg12[%get3A_46] {strides = array<i32>} : memref<400xi32, #tpu.memory_space<vmem>>, vector<16xi32>,
        %mul3A_48 = arith.constant 4 : i32
        %mul3A_49 = vector.broadcast %mul3A_48 : i32 to vector<16xi32>
        %mul3A_50 = arith.muli %get3A_43, %mul3A_49 : vector<16xi32>
        %add3A_51 = arith.constant 0 : i32
        %add3A_52 = vector.broadcast %add3A_51 : i32 to vector<16xi32>
        %add3A_53 = arith.addi %mul3A_50, %add3A_52 : vector<16xi32>
        %gather3A = tpu.vector_load_idx %arg8[%add3A_53] : memref<40000xf32, #tpu.memory_space<vmem>>[vector<16xi32>], vector<16xf32>,
        %mul3A_54 = arith.constant 4 : i32
        %mul3A_55 = vector.broadcast %mul3A_54 : i32 to vector<16xi32>
        %mul3A_56 = arith.muli %get3A_47, %mul3A_55 : vector<16xi32>
        %add3A_57 = arith.constant 0 : i32
        %add3A_58 = vector.broadcast %add3A_57 : i32 to vector<16xi32>
        %add3A_59 = arith.addi %mul3A_56, %add3A_58 : vector<16xi32>
        %gather3A_60 = tpu.vector_load_idx %arg9[%add3A_59] : memref<40000xf32, #tpu.memory_space<vmem>>[vector<16xi32>], vector<16xf32>,
        %add3A_61 = arith.addf %gather3A, %gather3A_60 : vector<16xf32>
        %ge3A = arith.constant 0.000000e+00 : f32
        %ge3A_62 = vector.broadcast %ge3A : f32 to vector<16xf32>
        %ge3A_63 = arith.cmpf oge, %add3A_61, %ge3A_62 : vector<16xf32>
        %mul3A_64 = arith.constant 2.000000e-01 : f32
        %mul3A_65 = vector.broadcast %mul3A_64 : f32 to vector<16xf32>
        %mul3A_66 = arith.mulf %mul3A_65, %add3A_61 : vector<16xf32>
        %select_n3A = arith.select %ge3A_63, %add3A_61, %mul3A_66 : vector<16xi1>, vector<16xf32>
        %exp3A = math.exp %select_n3A : vector<16xf32>
        %mul3A_67 = arith.constant 16 : i32
        %mul3A_68 = arith.muli %scan3A_39, %mul3A_67 : i32
        %swap3A = arith.index_cast %mul3A_68 : i32 to index
        %swap3A_69 = tpu.vector_load %arg13[%swap3A] {strides = array<i32>} : memref<400xf32, #tpu.memory_space<vmem>>, vector<16xf32>,
        tpu.vector_store %arg13[%swap3A], %exp3A {strides = array<i32>} : memref<400xf32, #tpu.memory_space<vmem>>, vector<16xf32>,
        %mul3A_70 = arith.constant 4 : i32
        %mul3A_71 = vector.broadcast %mul3A_70 : i32 to vector<16xi32>
        %mul3A_72 = arith.muli %get3A_47, %mul3A_71 : vector<16xi32>
        %add3A_73 = arith.constant 0 : i32
        %add3A_74 = vector.broadcast %add3A_73 : i32 to vector<16xi32>
        %add3A_75 = arith.addi %mul3A_72, %add3A_74 : vector<16xi32>
        tpu.vector_store_idx %arg10[%add3A_75], %exp3A {add = true} : memref<40000xf32, #tpu.memory_space<vmem>>[vector<16xi32>], vector<16xf32>,
        %mul3A_76 = arith.constant 4 : i32
        %mul3A_77 = vector.broadcast %mul3A_76 : i32 to vector<16xi32>
        %mul3A_78 = arith.muli %get3A_43, %mul3A_77 : vector<16xi32>
        %add3A_79 = arith.constant 1 : i32
        %add3A_80 = vector.broadcast %add3A_79 : i32 to vector<16xi32>
        %add3A_81 = arith.addi %mul3A_78, %add3A_80 : vector<16xi32>
        %gather3A_82 = tpu.vector_load_idx %arg8[%add3A_81] : memref<40000xf32, #tpu.memory_space<vmem>>[vector<16xi32>], vector<16xf32>,
        %mul3A_83 = arith.constant 4 : i32
        %mul3A_84 = vector.broadcast %mul3A_83 : i32 to vector<16xi32>
        %mul3A_85 = arith.muli %get3A_47, %mul3A_84 : vector<16xi32>
        %add3A_86 = arith.constant 1 : i32
        %add3A_87 = vector.broadcast %add3A_86 : i32 to vector<16xi32>
        %add3A_88 = arith.addi %mul3A_85, %add3A_87 : vector<16xi32>
        %gather3A_89 = tpu.vector_load_idx %arg9[%add3A_88] : memref<40000xf32, #tpu.memory_space<vmem>>[vector<16xi32>], vector<16xf32>,
        %add3A_90 = arith.addf %gather3A_82, %gather3A_89 : vector<16xf32>
        %ge3A_91 = arith.constant 0.000000e+00 : f32
        %ge3A_92 = vector.broadcast %ge3A_91 : f32 to vector<16xf32>
        %ge3A_93 = arith.cmpf oge, %add3A_90, %ge3A_92 : vector<16xf32>
        %mul3A_94 = arith.constant 2.000000e-01 : f32
        %mul3A_95 = vector.broadcast %mul3A_94 : f32 to vector<16xf32>
        %mul3A_96 = arith.mulf %mul3A_95, %add3A_90 : vector<16xf32>
        %select_n3A_97 = arith.select %ge3A_93, %add3A_90, %mul3A_96 : vector<16xi1>, vector<16xf32>
        %exp3A_98 = math.exp %select_n3A_97 : vector<16xf32>
        %mul3A_99 = arith.constant 16 : i32
        %mul3A_100 = arith.muli %scan3A_39, %mul3A_99 : i32
        %swap3A_101 = arith.index_cast %mul3A_100 : i32 to index
        %swap3A_102 = tpu.vector_load %arg14[%swap3A_101] {strides = array<i32>} : memref<400xf32, #tpu.memory_space<vmem>>, vector<16xf32>,
        tpu.vector_store %arg14[%swap3A_101], %exp3A_98 {strides = array<i32>} : memref<400xf32, #tpu.memory_space<vmem>>, vector<16xf32>,
        %mul3A_103 = arith.constant 4 : i32
        %mul3A_104 = vector.broadcast %mul3A_103 : i32 to vector<16xi32>
        %mul3A_105 = arith.muli %get3A_47, %mul3A_104 : vector<16xi32>
        %add3A_106 = arith.constant 1 : i32
        %add3A_107 = vector.broadcast %add3A_106 : i32 to vector<16xi32>
        %add3A_108 = arith.addi %mul3A_105, %add3A_107 : vector<16xi32>
        tpu.vector_store_idx %arg10[%add3A_108], %exp3A_98 {add = true} : memref<40000xf32, #tpu.memory_space<vmem>>[vector<16xi32>], vector<16xf32>,
        %mul3A_109 = arith.constant 4 : i32
        %mul3A_110 = vector.broadcast %mul3A_109 : i32 to vector<16xi32>
        %mul3A_111 = arith.muli %get3A_43, %mul3A_110 : vector<16xi32>
        %add3A_112 = arith.constant 2 : i32
        %add3A_113 = vector.broadcast %add3A_112 : i32 to vector<16xi32>
        %add3A_114 = arith.addi %mul3A_111, %add3A_113 : vector<16xi32>
        %gather3A_115 = tpu.vector_load_idx %arg8[%add3A_114] : memref<40000xf32, #tpu.memory_space<vmem>>[vector<16xi32>], vector<16xf32>,
        %mul3A_116 = arith.constant 4 : i32
        %mul3A_117 = vector.broadcast %mul3A_116 : i32 to vector<16xi32>
        %mul3A_118 = arith.muli %get3A_47, %mul3A_117 : vector<16xi32>
        %add3A_119 = arith.constant 2 : i32
        %add3A_120 = vector.broadcast %add3A_119 : i32 to vector<16xi32>
        %add3A_121 = arith.addi %mul3A_118, %add3A_120 : vector<16xi32>
        %gather3A_122 = tpu.vector_load_idx %arg9[%add3A_121] : memref<40000xf32, #tpu.memory_space<vmem>>[vector<16xi32>], vector<16xf32>,
        %add3A_123 = arith.addf %gather3A_115, %gather3A_122 : vector<16xf32>
        %ge3A_124 = arith.constant 0.000000e+00 : f32
        %ge3A_125 = vector.broadcast %ge3A_124 : f32 to vector<16xf32>
        %ge3A_126 = arith.cmpf oge, %add3A_123, %ge3A_125 : vector<16xf32>
        %mul3A_127 = arith.constant 2.000000e-01 : f32
        %mul3A_128 = vector.broadcast %mul3A_127 : f32 to vector<16xf32>
        %mul3A_129 = arith.mulf %mul3A_128, %add3A_123 : vector<16xf32>
        %select_n3A_130 = arith.select %ge3A_126, %add3A_123, %mul3A_129 : vector<16xi1>, vector<16xf32>
        %exp3A_131 = math.exp %select_n3A_130 : vector<16xf32>
        %mul3A_132 = arith.constant 16 : i32
        %mul3A_133 = arith.muli %scan3A_39, %mul3A_132 : i32
        %swap3A_134 = arith.index_cast %mul3A_133 : i32 to index
        %swap3A_135 = tpu.vector_load %arg15[%swap3A_134] {strides = array<i32>} : memref<400xf32, #tpu.memory_space<vmem>>, vector<16xf32>,
        tpu.vector_store %arg15[%swap3A_134], %exp3A_131 {strides = array<i32>} : memref<400xf32, #tpu.memory_space<vmem>>, vector<16xf32>,
        %mul3A_136 = arith.constant 4 : i32
        %mul3A_137 = vector.broadcast %mul3A_136 : i32 to vector<16xi32>
        %mul3A_138 = arith.muli %get3A_47, %mul3A_137 : vector<16xi32>
        %add3A_139 = arith.constant 2 : i32
        %add3A_140 = vector.broadcast %add3A_139 : i32 to vector<16xi32>
        %add3A_141 = arith.addi %mul3A_138, %add3A_140 : vector<16xi32>
        tpu.vector_store_idx %arg10[%add3A_141], %exp3A_131 {add = true} : memref<40000xf32, #tpu.memory_space<vmem>>[vector<16xi32>], vector<16xf32>,
        %mul3A_142 = arith.constant 4 : i32
        %mul3A_143 = vector.broadcast %mul3A_142 : i32 to vector<16xi32>
        %mul3A_144 = arith.muli %get3A_43, %mul3A_143 : vector<16xi32>
        %add3A_145 = arith.constant 3 : i32
        %add3A_146 = vector.broadcast %add3A_145 : i32 to vector<16xi32>
        %add3A_147 = arith.addi %mul3A_144, %add3A_146 : vector<16xi32>
        %gather3A_148 = tpu.vector_load_idx %arg8[%add3A_147] : memref<40000xf32, #tpu.memory_space<vmem>>[vector<16xi32>], vector<16xf32>,
        %mul3A_149 = arith.constant 4 : i32
        %mul3A_150 = vector.broadcast %mul3A_149 : i32 to vector<16xi32>
        %mul3A_151 = arith.muli %get3A_47, %mul3A_150 : vector<16xi32>
        %add3A_152 = arith.constant 3 : i32
        %add3A_153 = vector.broadcast %add3A_152 : i32 to vector<16xi32>
        %add3A_154 = arith.addi %mul3A_151, %add3A_153 : vector<16xi32>
        %gather3A_155 = tpu.vector_load_idx %arg9[%add3A_154] : memref<40000xf32, #tpu.memory_space<vmem>>[vector<16xi32>], vector<16xf32>,
        %add3A_156 = arith.addf %gather3A_148, %gather3A_155 : vector<16xf32>
        %ge3A_157 = arith.constant 0.000000e+00 : f32
        %ge3A_158 = vector.broadcast %ge3A_157 : f32 to vector<16xf32>
        %ge3A_159 = arith.cmpf oge, %add3A_156, %ge3A_158 : vector<16xf32>
        %mul3A_160 = arith.constant 2.000000e-01 : f32
        %mul3A_161 = vector.broadcast %mul3A_160 : f32 to vector<16xf32>
        %mul3A_162 = arith.mulf %mul3A_161, %add3A_156 : vector<16xf32>
        %select_n3A_163 = arith.select %ge3A_159, %add3A_156, %mul3A_162 : vector<16xi1>, vector<16xf32>
        %exp3A_164 = math.exp %select_n3A_163 : vector<16xf32>
        %mul3A_165 = arith.constant 16 : i32
        %mul3A_166 = arith.muli %scan3A_39, %mul3A_165 : i32
        %swap3A_167 = arith.index_cast %mul3A_166 : i32 to index
        %swap3A_168 = tpu.vector_load %arg16[%swap3A_167] {strides = array<i32>} : memref<400xf32, #tpu.memory_space<vmem>>, vector<16xf32>,
        tpu.vector_store %arg16[%swap3A_167], %exp3A_164 {strides = array<i32>} : memref<400xf32, #tpu.memory_space<vmem>>, vector<16xf32>,
        %mul3A_169 = arith.constant 4 : i32
        %mul3A_170 = vector.broadcast %mul3A_169 : i32 to vector<16xi32>
        %mul3A_171 = arith.muli %get3A_47, %mul3A_170 : vector<16xi32>
        %add3A_172 = arith.constant 3 : i32
        %add3A_173 = vector.broadcast %add3A_172 : i32 to vector<16xi32>
        %add3A_174 = arith.addi %mul3A_171, %add3A_173 : vector<16xi32>
        tpu.vector_store_idx %arg10[%add3A_174], %exp3A_164 {add = true} : memref<40000xf32, #tpu.memory_space<vmem>>[vector<16xi32>], vector<16xf32>,
        %scan3A_175 = arith.constant 0 : i32
        scf.yield %scan3A_175 : i32
      }
      %scan3A_29 = arith.constant 25 : i32
      %add3A_30 = arith.constant 0 : i32
      %add3A_31 = arith.addi %add3A_30, %add3A_22 : i32
      "tpu.region"() ({
        %run_scoped3A = tpu.sem_alloc : memref<!tpu.dma_semaphore, #tpu.memory_space<semaphore_mem>>
        %dma_start3A = tpu.memref_slice %arg6[%add3A_31] : memref<1280000xf32, #tpu.memory_space<hbm>> -> memref<400xf32, #tpu.memory_space<hbm>>
        %dma_start3A_39 = tpu.memref_slice %arg6[%add3A_31] : memref<1280000xf32, #tpu.memory_space<hbm>> -> memref<400xf32, #tpu.memory_space<hbm>>
        tpu.enqueue_dma source(%arg13 : memref<400xf32, #tpu.memory_space<vmem>>) target(%dma_start3A_39 : memref<400xf32, #tpu.memory_space<hbm>>) target_semaphore(%run_scoped3A : memref<!tpu.dma_semaphore, #tpu.memory_space<semaphore_mem>>)
        %dma_wait3A = tpu.memref_slice %arg6[%add3A_31] : memref<1280000xf32, #tpu.memory_space<hbm>> -> memref<400xf32, #tpu.memory_space<hbm>>
        %dma_wait3A_40 = tpu.memref_slice %arg6[%add3A_31] : memref<1280000xf32, #tpu.memory_space<hbm>> -> memref<400xf32, #tpu.memory_space<hbm>>
        tpu.wait_dma2 semaphore(%run_scoped3A : memref<!tpu.dma_semaphore, #tpu.memory_space<semaphore_mem>>) src(%arg13 : memref<400xf32, #tpu.memory_space<vmem>>) dst(%dma_wait3A_40 : memref<400xf32, #tpu.memory_space<hbm>>)
        tpu.yield
      }) : () -> ()
      %add3A_32 = arith.constant 320000 : i32
      %add3A_33 = arith.addi %add3A_32, %add3A_22 : i32
      "tpu.region"() ({
        %run_scoped3A = tpu.sem_alloc : memref<!tpu.dma_semaphore, #tpu.memory_space<semaphore_mem>>
        %dma_start3A = tpu.memref_slice %arg6[%add3A_33] : memref<1280000xf32, #tpu.memory_space<hbm>> -> memref<400xf32, #tpu.memory_space<hbm>>
        %dma_start3A_39 = tpu.memref_slice %arg6[%add3A_33] : memref<1280000xf32, #tpu.memory_space<hbm>> -> memref<400xf32, #tpu.memory_space<hbm>>
        tpu.enqueue_dma source(%arg14 : memref<400xf32, #tpu.memory_space<vmem>>) target(%dma_start3A_39 : memref<400xf32, #tpu.memory_space<hbm>>) target_semaphore(%run_scoped3A : memref<!tpu.dma_semaphore, #tpu.memory_space<semaphore_mem>>)
        %dma_wait3A = tpu.memref_slice %arg6[%add3A_33] : memref<1280000xf32, #tpu.memory_space<hbm>> -> memref<400xf32, #tpu.memory_space<hbm>>
        %dma_wait3A_40 = tpu.memref_slice %arg6[%add3A_33] : memref<1280000xf32, #tpu.memory_space<hbm>> -> memref<400xf32, #tpu.memory_space<hbm>>
        tpu.wait_dma2 semaphore(%run_scoped3A : memref<!tpu.dma_semaphore, #tpu.memory_space<semaphore_mem>>) src(%arg14 : memref<400xf32, #tpu.memory_space<vmem>>) dst(%dma_wait3A_40 : memref<400xf32, #tpu.memory_space<hbm>>)
        tpu.yield
      }) : () -> ()
      %add3A_34 = arith.constant 640000 : i32
      %add3A_35 = arith.addi %add3A_34, %add3A_22 : i32
      "tpu.region"() ({
        %run_scoped3A = tpu.sem_alloc : memref<!tpu.dma_semaphore, #tpu.memory_space<semaphore_mem>>
        %dma_start3A = tpu.memref_slice %arg6[%add3A_35] : memref<1280000xf32, #tpu.memory_space<hbm>> -> memref<400xf32, #tpu.memory_space<hbm>>
        %dma_start3A_39 = tpu.memref_slice %arg6[%add3A_35] : memref<1280000xf32, #tpu.memory_space<hbm>> -> memref<400xf32, #tpu.memory_space<hbm>>
        tpu.enqueue_dma source(%arg15 : memref<400xf32, #tpu.memory_space<vmem>>) target(%dma_start3A_39 : memref<400xf32, #tpu.memory_space<hbm>>) target_semaphore(%run_scoped3A : memref<!tpu.dma_semaphore, #tpu.memory_space<semaphore_mem>>)
        %dma_wait3A = tpu.memref_slice %arg6[%add3A_35] : memref<1280000xf32, #tpu.memory_space<hbm>> -> memref<400xf32, #tpu.memory_space<hbm>>
        %dma_wait3A_40 = tpu.memref_slice %arg6[%add3A_35] : memref<1280000xf32, #tpu.memory_space<hbm>> -> memref<400xf32, #tpu.memory_space<hbm>>
        tpu.wait_dma2 semaphore(%run_scoped3A : memref<!tpu.dma_semaphore, #tpu.memory_space<semaphore_mem>>) src(%arg15 : memref<400xf32, #tpu.memory_space<vmem>>) dst(%dma_wait3A_40 : memref<400xf32, #tpu.memory_space<hbm>>)
        tpu.yield
      }) : () -> ()
      %add3A_36 = arith.constant 960000 : i32
      %add3A_37 = arith.addi %add3A_36, %add3A_22 : i32
      "tpu.region"() ({
        %run_scoped3A = tpu.sem_alloc : memref<!tpu.dma_semaphore, #tpu.memory_space<semaphore_mem>>
        %dma_start3A = tpu.memref_slice %arg6[%add3A_37] : memref<1280000xf32, #tpu.memory_space<hbm>> -> memref<400xf32, #tpu.memory_space<hbm>>
        %dma_start3A_39 = tpu.memref_slice %arg6[%add3A_37] : memref<1280000xf32, #tpu.memory_space<hbm>> -> memref<400xf32, #tpu.memory_space<hbm>>
        tpu.enqueue_dma source(%arg16 : memref<400xf32, #tpu.memory_space<vmem>>) target(%dma_start3A_39 : memref<400xf32, #tpu.memory_space<hbm>>) target_semaphore(%run_scoped3A : memref<!tpu.dma_semaphore, #tpu.memory_space<semaphore_mem>>)
        %dma_wait3A = tpu.memref_slice %arg6[%add3A_37] : memref<1280000xf32, #tpu.memory_space<hbm>> -> memref<400xf32, #tpu.memory_space<hbm>>
        %dma_wait3A_40 = tpu.memref_slice %arg6[%add3A_37] : memref<1280000xf32, #tpu.memory_space<hbm>> -> memref<400xf32, #tpu.memory_space<hbm>>
        tpu.wait_dma2 semaphore(%run_scoped3A : memref<!tpu.dma_semaphore, #tpu.memory_space<semaphore_mem>>) src(%arg16 : memref<400xf32, #tpu.memory_space<vmem>>) dst(%dma_wait3A_40 : memref<400xf32, #tpu.memory_space<hbm>>)
        tpu.yield
      }) : () -> ()
      %scan3A_38 = arith.constant 0 : i32
      scf.yield %scan3A_38 : i32
    }
    %scan3A_15 = arith.constant 25 : i32
    %mul3A_16 = arith.constant 40000 : i32
    %mul3A_17 = arith.muli %add3A, %mul3A_16 : i32
    "tpu.region"() ({
      %run_scoped3A = tpu.sem_alloc : memref<!tpu.dma_semaphore, #tpu.memory_space<semaphore_mem>>
      %dma_start3A = tpu.memref_slice %arg7[%mul3A_17] : memref<1280000xf32, #tpu.memory_space<hbm>> -> memref<40000xf32, #tpu.memory_space<hbm>>
      %dma_start3A_18 = tpu.memref_slice %arg7[%mul3A_17] : memref<1280000xf32, #tpu.memory_space<hbm>> -> memref<40000xf32, #tpu.memory_space<hbm>>
      tpu.enqueue_dma source(%arg10 : memref<40000xf32, #tpu.memory_space<vmem>>) target(%dma_start3A_18 : memref<40000xf32, #tpu.memory_space<hbm>>) target_semaphore(%run_scoped3A : memref<!tpu.dma_semaphore, #tpu.memory_space<semaphore_mem>>)
      %dma_wait3A = tpu.memref_slice %arg7[%mul3A_17] : memref<1280000xf32, #tpu.memory_space<hbm>> -> memref<40000xf32, #tpu.memory_space<hbm>>
      %dma_wait3A_19 = tpu.memref_slice %arg7[%mul3A_17] : memref<1280000xf32, #tpu.memory_space<hbm>> -> memref<40000xf32, #tpu.memory_space<hbm>>
      tpu.wait_dma2 semaphore(%run_scoped3A : memref<!tpu.dma_semaphore, #tpu.memory_space<semaphore_mem>>) src(%arg10 : memref<40000xf32, #tpu.memory_space<vmem>>) dst(%dma_wait3A_19 : memref<40000xf32, #tpu.memory_space<hbm>>)
      tpu.yield
    }) : () -> ()
    return
  }
}

#map = affine_map<(d0, d1) -> (0)>
module attributes {stable_mosaic.version = 14 : i64} {
  func.func @body(%arg0: i32, %arg1: i32, %arg2: memref<320000xi32, #tpu.memory_space<hbm>>, %arg3: memref<320000xi32, #tpu.memory_space<hbm>>, %arg4: memref<10000xf32, #tpu.memory_space<hbm>>, %arg5: memref<10000xf32, #tpu.memory_space<hbm>>, %arg6: memref<320000xf32, #tpu.memory_space<hbm>>, %arg7: memref<320000xf32, #tpu.memory_space<hbm>>, %arg8: memref<10000xf32, #tpu.memory_space<vmem>>, %arg9: memref<10000xf32, #tpu.memory_space<vmem>>, %arg10: memref<10000xf32, #tpu.memory_space<vmem>>, %arg11: memref<2000xi32, #tpu.memory_space<vmem>>, %arg12: memref<2000xi32, #tpu.memory_space<vmem>>, %arg13: memref<2000xf32, #tpu.memory_space<vmem>>) attributes {dimension_semantics = [#tpu.dimension_semantics<core_parallel>, #tpu.dimension_semantics<subcore_parallel>], iteration_bounds = array<i64: 2, 16>, scalar_prefetch = 0 : i64, scratch_operands = 6 : i64, tpu.core_type = #tpu.core_type<sc_vector_subcore>, window_params = [{transform_indices = #map}, {transform_indices = #map}, {transform_indices = #map}, {transform_indices = #map}, {transform_indices = #map}, {transform_indices = #map}]} {
    %mul3A = arith.constant 2 : i32
    %mul3A_0 = arith.muli %arg1, %mul3A : i32
    %add3A = arith.addi %mul3A_0, %arg0 : i32
    %mul3A_1 = arith.constant 10000 : i32
    %mul3A_2 = arith.muli %add3A, %mul3A_1 : i32
    "tpu.region"() ({
      %run_scoped3A = tpu.sem_alloc : memref<!tpu.dma_semaphore, #tpu.memory_space<semaphore_mem>>
      tpu.enqueue_dma source(%arg4 : memref<10000xf32, #tpu.memory_space<hbm>>) target(%arg8 : memref<10000xf32, #tpu.memory_space<vmem>>) target_semaphore(%run_scoped3A : memref<!tpu.dma_semaphore, #tpu.memory_space<semaphore_mem>>)
      tpu.wait_dma2 semaphore(%run_scoped3A : memref<!tpu.dma_semaphore, #tpu.memory_space<semaphore_mem>>) src(%arg4 : memref<10000xf32, #tpu.memory_space<hbm>>) dst(%arg8 : memref<10000xf32, #tpu.memory_space<vmem>>)
      tpu.yield
    }) : () -> ()
    "tpu.region"() ({
      %run_scoped3A = tpu.sem_alloc : memref<!tpu.dma_semaphore, #tpu.memory_space<semaphore_mem>>
      tpu.enqueue_dma source(%arg5 : memref<10000xf32, #tpu.memory_space<hbm>>) target(%arg9 : memref<10000xf32, #tpu.memory_space<vmem>>) target_semaphore(%run_scoped3A : memref<!tpu.dma_semaphore, #tpu.memory_space<semaphore_mem>>)
      tpu.wait_dma2 semaphore(%run_scoped3A : memref<!tpu.dma_semaphore, #tpu.memory_space<semaphore_mem>>) src(%arg5 : memref<10000xf32, #tpu.memory_space<hbm>>) dst(%arg9 : memref<10000xf32, #tpu.memory_space<vmem>>)
      tpu.yield
    }) : () -> ()
    %scan3A = arith.constant 0 : i32
    %scan3A_3 = arith.constant 0 : i32
    %scan3A_4 = arith.constant 625 : i32
    %scan3A_5 = arith.addi %scan3A_3, %scan3A_4 : i32
    %scan3A_6 = arith.constant 1 : i32
    %scan3A_7 = scf.for %scan3A_18 = %scan3A_3 to %scan3A_5 step %scan3A_6 iter_args(%scan3A_19 = %scan3A) -> (i32)  : i32 {
      %broadcast_in_dim3A = arith.constant 0.000000e+00 : f32
      %broadcast_in_dim3A_20 = vector.broadcast %broadcast_in_dim3A : f32 to vector<16xf32>
      %mul3A_21 = arith.constant 16 : i32
      %mul3A_22 = arith.muli %scan3A_18, %mul3A_21 : i32
      %swap3A = arith.index_cast %mul3A_22 : i32 to index
      %swap3A_23 = tpu.vector_load %arg10[%swap3A] {strides = array<i32>} : memref<10000xf32, #tpu.memory_space<vmem>>, vector<16xf32>,
      tpu.vector_store %arg10[%swap3A], %broadcast_in_dim3A_20 {strides = array<i32>} : memref<10000xf32, #tpu.memory_space<vmem>>, vector<16xf32>,
      %scan3A_24 = arith.constant 0 : i32
      scf.yield %scan3A_24 : i32
    }
    %scan3A_8 = arith.constant 625 : i32
    %scan3A_9 = arith.constant 0 : i32
    %scan3A_10 = arith.constant 0 : i32
    %scan3A_11 = arith.constant 5 : i32
    %scan3A_12 = arith.addi %scan3A_10, %scan3A_11 : i32
    %scan3A_13 = arith.constant 1 : i32
    %scan3A_14 = scf.for %scan3A_18 = %scan3A_10 to %scan3A_12 step %scan3A_13 iter_args(%scan3A_19 = %scan3A_9) -> (i32)  : i32 {
      %mul3A_20 = arith.constant 2000 : i32
      %mul3A_21 = arith.muli %scan3A_18, %mul3A_20 : i32
      %add3A_22 = arith.addi %mul3A_2, %mul3A_21 : i32
      "tpu.region"() ({
        %run_scoped3A = tpu.sem_alloc : memref<!tpu.dma_semaphore, #tpu.memory_space<semaphore_mem>>
        %dma_start3A = tpu.memref_slice %arg2[%add3A_22] : memref<320000xi32, #tpu.memory_space<hbm>> -> memref<2000xi32, #tpu.memory_space<hbm>>
        %dma_start3A_33 = tpu.memref_slice %arg2[%add3A_22] : memref<320000xi32, #tpu.memory_space<hbm>> -> memref<2000xi32, #tpu.memory_space<hbm>>
        tpu.enqueue_dma source(%dma_start3A_33 : memref<2000xi32, #tpu.memory_space<hbm>>) target(%arg11 : memref<2000xi32, #tpu.memory_space<vmem>>) target_semaphore(%run_scoped3A : memref<!tpu.dma_semaphore, #tpu.memory_space<semaphore_mem>>)
        %dma_wait3A = tpu.memref_slice %arg2[%add3A_22] : memref<320000xi32, #tpu.memory_space<hbm>> -> memref<2000xi32, #tpu.memory_space<hbm>>
        %dma_wait3A_34 = tpu.memref_slice %arg2[%add3A_22] : memref<320000xi32, #tpu.memory_space<hbm>> -> memref<2000xi32, #tpu.memory_space<hbm>>
        tpu.wait_dma2 semaphore(%run_scoped3A : memref<!tpu.dma_semaphore, #tpu.memory_space<semaphore_mem>>) src(%dma_wait3A_34 : memref<2000xi32, #tpu.memory_space<hbm>>) dst(%arg11 : memref<2000xi32, #tpu.memory_space<vmem>>)
        tpu.yield
      }) : () -> ()
      "tpu.region"() ({
        %run_scoped3A = tpu.sem_alloc : memref<!tpu.dma_semaphore, #tpu.memory_space<semaphore_mem>>
        %dma_start3A = tpu.memref_slice %arg3[%add3A_22] : memref<320000xi32, #tpu.memory_space<hbm>> -> memref<2000xi32, #tpu.memory_space<hbm>>
        %dma_start3A_33 = tpu.memref_slice %arg3[%add3A_22] : memref<320000xi32, #tpu.memory_space<hbm>> -> memref<2000xi32, #tpu.memory_space<hbm>>
        tpu.enqueue_dma source(%dma_start3A_33 : memref<2000xi32, #tpu.memory_space<hbm>>) target(%arg12 : memref<2000xi32, #tpu.memory_space<vmem>>) target_semaphore(%run_scoped3A : memref<!tpu.dma_semaphore, #tpu.memory_space<semaphore_mem>>)
        %dma_wait3A = tpu.memref_slice %arg3[%add3A_22] : memref<320000xi32, #tpu.memory_space<hbm>> -> memref<2000xi32, #tpu.memory_space<hbm>>
        %dma_wait3A_34 = tpu.memref_slice %arg3[%add3A_22] : memref<320000xi32, #tpu.memory_space<hbm>> -> memref<2000xi32, #tpu.memory_space<hbm>>
        tpu.wait_dma2 semaphore(%run_scoped3A : memref<!tpu.dma_semaphore, #tpu.memory_space<semaphore_mem>>) src(%dma_wait3A_34 : memref<2000xi32, #tpu.memory_space<hbm>>) dst(%arg12 : memref<2000xi32, #tpu.memory_space<vmem>>)
        tpu.yield
      }) : () -> ()
      %scan3A_23 = arith.constant 0 : i32
      %scan3A_24 = arith.constant 0 : i32
      %scan3A_25 = arith.constant 125 : i32
      %scan3A_26 = arith.addi %scan3A_24, %scan3A_25 : i32
      %scan3A_27 = arith.constant 1 : i32
      %scan3A_28 = scf.for %scan3A_33 = %scan3A_24 to %scan3A_26 step %scan3A_27 iter_args(%scan3A_34 = %scan3A_23) -> (i32)  : i32 {
        %mul3A_35 = arith.constant 16 : i32
        %mul3A_36 = arith.muli %scan3A_33, %mul3A_35 : i32
        %get3A = arith.index_cast %mul3A_36 : i32 to index
        %get3A_37 = tpu.vector_load %arg11[%get3A] {strides = array<i32>} : memref<2000xi32, #tpu.memory_space<vmem>>, vector<16xi32>,
        %mul3A_38 = arith.constant 16 : i32
        %mul3A_39 = arith.muli %scan3A_33, %mul3A_38 : i32
        %get3A_40 = arith.index_cast %mul3A_39 : i32 to index
        %get3A_41 = tpu.vector_load %arg12[%get3A_40] {strides = array<i32>} : memref<2000xi32, #tpu.memory_space<vmem>>, vector<16xi32>,
        %mul3A_42 = arith.constant 1 : i32
        %mul3A_43 = vector.broadcast %mul3A_42 : i32 to vector<16xi32>
        %mul3A_44 = arith.muli %get3A_37, %mul3A_43 : vector<16xi32>
        %add3A_45 = arith.constant 0 : i32
        %add3A_46 = vector.broadcast %add3A_45 : i32 to vector<16xi32>
        %add3A_47 = arith.addi %mul3A_44, %add3A_46 : vector<16xi32>
        %gather3A = tpu.vector_load_idx %arg8[%add3A_47] : memref<10000xf32, #tpu.memory_space<vmem>>[vector<16xi32>], vector<16xf32>,
        %mul3A_48 = arith.constant 1 : i32
        %mul3A_49 = vector.broadcast %mul3A_48 : i32 to vector<16xi32>
        %mul3A_50 = arith.muli %get3A_41, %mul3A_49 : vector<16xi32>
        %add3A_51 = arith.constant 0 : i32
        %add3A_52 = vector.broadcast %add3A_51 : i32 to vector<16xi32>
        %add3A_53 = arith.addi %mul3A_50, %add3A_52 : vector<16xi32>
        %gather3A_54 = tpu.vector_load_idx %arg9[%add3A_53] : memref<10000xf32, #tpu.memory_space<vmem>>[vector<16xi32>], vector<16xf32>,
        %add3A_55 = arith.addf %gather3A, %gather3A_54 : vector<16xf32>
        %ge3A = arith.constant 0.000000e+00 : f32
        %ge3A_56 = vector.broadcast %ge3A : f32 to vector<16xf32>
        %ge3A_57 = arith.cmpf oge, %add3A_55, %ge3A_56 : vector<16xf32>
        %mul3A_58 = arith.constant 2.000000e-01 : f32
        %mul3A_59 = vector.broadcast %mul3A_58 : f32 to vector<16xf32>
        %mul3A_60 = arith.mulf %mul3A_59, %add3A_55 : vector<16xf32>
        %select_n3A = arith.select %ge3A_57, %add3A_55, %mul3A_60 : vector<16xi1>, vector<16xf32>
        %exp3A = math.exp %select_n3A : vector<16xf32>
        %mul3A_61 = arith.constant 16 : i32
        %mul3A_62 = arith.muli %scan3A_33, %mul3A_61 : i32
        %swap3A = arith.index_cast %mul3A_62 : i32 to index
        %swap3A_63 = tpu.vector_load %arg13[%swap3A] {strides = array<i32>} : memref<2000xf32, #tpu.memory_space<vmem>>, vector<16xf32>,
        tpu.vector_store %arg13[%swap3A], %exp3A {strides = array<i32>} : memref<2000xf32, #tpu.memory_space<vmem>>, vector<16xf32>,
        %mul3A_64 = arith.constant 1 : i32
        %mul3A_65 = vector.broadcast %mul3A_64 : i32 to vector<16xi32>
        %mul3A_66 = arith.muli %get3A_41, %mul3A_65 : vector<16xi32>
        %add3A_67 = arith.constant 0 : i32
        %add3A_68 = vector.broadcast %add3A_67 : i32 to vector<16xi32>
        %add3A_69 = arith.addi %mul3A_66, %add3A_68 : vector<16xi32>
        tpu.vector_store_idx %arg10[%add3A_69], %exp3A {add = true} : memref<10000xf32, #tpu.memory_space<vmem>>[vector<16xi32>], vector<16xf32>,
        %scan3A_70 = arith.constant 0 : i32
        scf.yield %scan3A_70 : i32
      }
      %scan3A_29 = arith.constant 125 : i32
      %add3A_30 = arith.constant 0 : i32
      %add3A_31 = arith.addi %add3A_30, %add3A_22 : i32
      "tpu.region"() ({
        %run_scoped3A = tpu.sem_alloc : memref<!tpu.dma_semaphore, #tpu.memory_space<semaphore_mem>>
        %dma_start3A = tpu.memref_slice %arg6[%add3A_31] : memref<320000xf32, #tpu.memory_space<hbm>> -> memref<2000xf32, #tpu.memory_space<hbm>>
        %dma_start3A_33 = tpu.memref_slice %arg6[%add3A_31] : memref<320000xf32, #tpu.memory_space<hbm>> -> memref<2000xf32, #tpu.memory_space<hbm>>
        tpu.enqueue_dma source(%arg13 : memref<2000xf32, #tpu.memory_space<vmem>>) target(%dma_start3A_33 : memref<2000xf32, #tpu.memory_space<hbm>>) target_semaphore(%run_scoped3A : memref<!tpu.dma_semaphore, #tpu.memory_space<semaphore_mem>>)
        %dma_wait3A = tpu.memref_slice %arg6[%add3A_31] : memref<320000xf32, #tpu.memory_space<hbm>> -> memref<2000xf32, #tpu.memory_space<hbm>>
        %dma_wait3A_34 = tpu.memref_slice %arg6[%add3A_31] : memref<320000xf32, #tpu.memory_space<hbm>> -> memref<2000xf32, #tpu.memory_space<hbm>>
        tpu.wait_dma2 semaphore(%run_scoped3A : memref<!tpu.dma_semaphore, #tpu.memory_space<semaphore_mem>>) src(%arg13 : memref<2000xf32, #tpu.memory_space<vmem>>) dst(%dma_wait3A_34 : memref<2000xf32, #tpu.memory_space<hbm>>)
        tpu.yield
      }) : () -> ()
      %scan3A_32 = arith.constant 0 : i32
      scf.yield %scan3A_32 : i32
    }
    %scan3A_15 = arith.constant 5 : i32
    %mul3A_16 = arith.constant 10000 : i32
    %mul3A_17 = arith.muli %add3A, %mul3A_16 : i32
    "tpu.region"() ({
      %run_scoped3A = tpu.sem_alloc : memref<!tpu.dma_semaphore, #tpu.memory_space<semaphore_mem>>
      %dma_start3A = tpu.memref_slice %arg7[%mul3A_17] : memref<320000xf32, #tpu.memory_space<hbm>> -> memref<10000xf32, #tpu.memory_space<hbm>>
      %dma_start3A_18 = tpu.memref_slice %arg7[%mul3A_17] : memref<320000xf32, #tpu.memory_space<hbm>> -> memref<10000xf32, #tpu.memory_space<hbm>>
      tpu.enqueue_dma source(%arg10 : memref<10000xf32, #tpu.memory_space<vmem>>) target(%dma_start3A_18 : memref<10000xf32, #tpu.memory_space<hbm>>) target_semaphore(%run_scoped3A : memref<!tpu.dma_semaphore, #tpu.memory_space<semaphore_mem>>)
      %dma_wait3A = tpu.memref_slice %arg7[%mul3A_17] : memref<320000xf32, #tpu.memory_space<hbm>> -> memref<10000xf32, #tpu.memory_space<hbm>>
      %dma_wait3A_19 = tpu.memref_slice %arg7[%mul3A_17] : memref<320000xf32, #tpu.memory_space<hbm>> -> memref<10000xf32, #tpu.memory_space<hbm>>
      tpu.wait_dma2 semaphore(%run_scoped3A : memref<!tpu.dma_semaphore, #tpu.memory_space<semaphore_mem>>) src(%arg10 : memref<10000xf32, #tpu.memory_space<vmem>>) dst(%dma_wait3A_19 : memref<10000xf32, #tpu.memory_space<hbm>>)
      tpu.yield
    }) : () -> ()
    return
  }
}

#map = affine_map<(d0, d1) -> (0)>
#map1 = affine_map<(d0, d1) -> (0, 0)>
module attributes {stable_mosaic.version = 14 : i64} {
  func.func @body(%arg0: i32, %arg1: i32, %arg2: memref<320000xi32, #tpu.memory_space<hbm>>, %arg3: memref<320000xi32, #tpu.memory_space<hbm>>, %arg4: memref<1280000xf32, #tpu.memory_space<hbm>>, %arg5: memref<10000x128xf32, #tpu.memory_space<hbm>>, %arg6: memref<20000x128xf32, #tpu.memory_space<hbm>>, %arg7: memref<2000xi32, #tpu.memory_space<vmem>>, %arg8: memref<2000xi32, #tpu.memory_space<vmem>>, %arg9: memref<80xi32, #tpu.memory_space<vmem>>, %arg10: memref<80xi32, #tpu.memory_space<vmem>>, %arg11: memref<80x128xf32, #tpu.memory_space<vmem>>, %arg12: memref<80x128xf32, #tpu.memory_space<vmem>>, %arg13: memref<10000x128xf32, #tpu.memory_space<vmem_shared>>, %arg14: memref<!tpu.dma_semaphore, #tpu.memory_space<semaphore_mem>>, %arg15: memref<2000xf32, #tpu.memory_space<vmem>>, %arg16: memref<2000xf32, #tpu.memory_space<vmem>>, %arg17: memref<2000xf32, #tpu.memory_space<vmem>>, %arg18: memref<2000xf32, #tpu.memory_space<vmem>>) attributes {dimension_semantics = [#tpu.dimension_semantics<core_parallel>, #tpu.dimension_semantics<subcore_parallel>], iteration_bounds = array<i64: 2, 16>, scalar_prefetch = 0 : i64, scratch_operands = 12 : i64, tpu.core_type = #tpu.core_type<sc_vector_subcore>, window_params = [{transform_indices = #map}, {transform_indices = #map}, {transform_indices = #map}, {transform_indices = #map1}, {transform_indices = #map1}]} {
    %mul3A = arith.constant 2 : i32
    %mul3A_0 = arith.muli %arg1, %mul3A : i32
    %add3A = arith.addi %mul3A_0, %arg0 : i32
    %mul3A_1 = arith.constant 10000 : i32
    %mul3A_2 = arith.muli %add3A, %mul3A_1 : i32
    %scan3A = arith.constant 0 : i32
    %scan3A_3 = arith.constant 0 : i32
    %scan3A_4 = arith.constant 80 : i32
    %scan3A_5 = arith.addi %scan3A_3, %scan3A_4 : i32
    %scan3A_6 = arith.constant 1 : i32
    %scan3A_7 = scf.for %scan3A_35 = %scan3A_3 to %scan3A_5 step %scan3A_6 iter_args(%scan3A_36 = %scan3A) -> (i32)  : i32 {
      %broadcast_in_dim3A = arith.constant 0.000000e+00 : f32
      %broadcast_in_dim3A_37 = vector.broadcast %broadcast_in_dim3A : f32 to vector<16xf32>
      %swap3A = arith.index_cast %scan3A_35 : i32 to index
      %swap3A_38 = arith.constant 0 : index
      %swap3A_39 = tpu.vector_load %arg12[%swap3A, %swap3A_38] {strides = array<i32>} : memref<80x128xf32, #tpu.memory_space<vmem>>, vector<16xf32>,
      tpu.vector_store %arg12[%swap3A, %swap3A_38], %broadcast_in_dim3A_37 {strides = array<i32>} : memref<80x128xf32, #tpu.memory_space<vmem>>, vector<16xf32>,
      %broadcast_in_dim3A_40 = arith.constant 0.000000e+00 : f32
      %broadcast_in_dim3A_41 = vector.broadcast %broadcast_in_dim3A_40 : f32 to vector<16xf32>
      %swap3A_42 = arith.index_cast %scan3A_35 : i32 to index
      %swap3A_43 = arith.constant 16 : index
      %swap3A_44 = tpu.vector_load %arg12[%swap3A_42, %swap3A_43] {strides = array<i32>} : memref<80x128xf32, #tpu.memory_space<vmem>>, vector<16xf32>,
      tpu.vector_store %arg12[%swap3A_42, %swap3A_43], %broadcast_in_dim3A_41 {strides = array<i32>} : memref<80x128xf32, #tpu.memory_space<vmem>>, vector<16xf32>,
      %broadcast_in_dim3A_45 = arith.constant 0.000000e+00 : f32
      %broadcast_in_dim3A_46 = vector.broadcast %broadcast_in_dim3A_45 : f32 to vector<16xf32>
      %swap3A_47 = arith.index_cast %scan3A_35 : i32 to index
      %swap3A_48 = arith.constant 32 : index
      %swap3A_49 = tpu.vector_load %arg12[%swap3A_47, %swap3A_48] {strides = array<i32>} : memref<80x128xf32, #tpu.memory_space<vmem>>, vector<16xf32>,
      tpu.vector_store %arg12[%swap3A_47, %swap3A_48], %broadcast_in_dim3A_46 {strides = array<i32>} : memref<80x128xf32, #tpu.memory_space<vmem>>, vector<16xf32>,
      %broadcast_in_dim3A_50 = arith.constant 0.000000e+00 : f32
      %broadcast_in_dim3A_51 = vector.broadcast %broadcast_in_dim3A_50 : f32 to vector<16xf32>
      %swap3A_52 = arith.index_cast %scan3A_35 : i32 to index
      %swap3A_53 = arith.constant 48 : index
      %swap3A_54 = tpu.vector_load %arg12[%swap3A_52, %swap3A_53] {strides = array<i32>} : memref<80x128xf32, #tpu.memory_space<vmem>>, vector<16xf32>,
      tpu.vector_store %arg12[%swap3A_52, %swap3A_53], %broadcast_in_dim3A_51 {strides = array<i32>} : memref<80x128xf32, #tpu.memory_space<vmem>>, vector<16xf32>,
      %broadcast_in_dim3A_55 = arith.constant 0.000000e+00 : f32
      %broadcast_in_dim3A_56 = vector.broadcast %broadcast_in_dim3A_55 : f32 to vector<16xf32>
      %swap3A_57 = arith.index_cast %scan3A_35 : i32 to index
      %swap3A_58 = arith.constant 64 : index
      %swap3A_59 = tpu.vector_load %arg12[%swap3A_57, %swap3A_58] {strides = array<i32>} : memref<80x128xf32, #tpu.memory_space<vmem>>, vector<16xf32>,
      tpu.vector_store %arg12[%swap3A_57, %swap3A_58], %broadcast_in_dim3A_56 {strides = array<i32>} : memref<80x128xf32, #tpu.memory_space<vmem>>, vector<16xf32>,
      %broadcast_in_dim3A_60 = arith.constant 0.000000e+00 : f32
      %broadcast_in_dim3A_61 = vector.broadcast %broadcast_in_dim3A_60 : f32 to vector<16xf32>
      %swap3A_62 = arith.index_cast %scan3A_35 : i32 to index
      %swap3A_63 = arith.constant 80 : index
      %swap3A_64 = tpu.vector_load %arg12[%swap3A_62, %swap3A_63] {strides = array<i32>} : memref<80x128xf32, #tpu.memory_space<vmem>>, vector<16xf32>,
      tpu.vector_store %arg12[%swap3A_62, %swap3A_63], %broadcast_in_dim3A_61 {strides = array<i32>} : memref<80x128xf32, #tpu.memory_space<vmem>>, vector<16xf32>,
      %broadcast_in_dim3A_65 = arith.constant 0.000000e+00 : f32
      %broadcast_in_dim3A_66 = vector.broadcast %broadcast_in_dim3A_65 : f32 to vector<16xf32>
      %swap3A_67 = arith.index_cast %scan3A_35 : i32 to index
      %swap3A_68 = arith.constant 96 : index
      %swap3A_69 = tpu.vector_load %arg12[%swap3A_67, %swap3A_68] {strides = array<i32>} : memref<80x128xf32, #tpu.memory_space<vmem>>, vector<16xf32>,
      tpu.vector_store %arg12[%swap3A_67, %swap3A_68], %broadcast_in_dim3A_66 {strides = array<i32>} : memref<80x128xf32, #tpu.memory_space<vmem>>, vector<16xf32>,
      %broadcast_in_dim3A_70 = arith.constant 0.000000e+00 : f32
      %broadcast_in_dim3A_71 = vector.broadcast %broadcast_in_dim3A_70 : f32 to vector<16xf32>
      %swap3A_72 = arith.index_cast %scan3A_35 : i32 to index
      %swap3A_73 = arith.constant 112 : index
      %swap3A_74 = tpu.vector_load %arg12[%swap3A_72, %swap3A_73] {strides = array<i32>} : memref<80x128xf32, #tpu.memory_space<vmem>>, vector<16xf32>,
      tpu.vector_store %arg12[%swap3A_72, %swap3A_73], %broadcast_in_dim3A_71 {strides = array<i32>} : memref<80x128xf32, #tpu.memory_space<vmem>>, vector<16xf32>,
      %scan3A_75 = arith.constant 0 : i32
      scf.yield %scan3A_75 : i32
    }
    %scan3A_8 = arith.constant 80 : i32
    %mul3A_9 = arith.constant 640 : i32
    %mul3A_10 = arith.muli %arg1, %mul3A_9 : i32
    %lt3A = arith.constant 15 : i32
    %lt3A_11 = arith.cmpi slt, %arg1, %lt3A : i32
    %convert_element_type3A = arith.extui %lt3A_11 : i1 to i32
    %cond3A = arith.constant 0 : i32
    %cond3A_12 = arith.cmpi ne, %convert_element_type3A, %cond3A : i32
    scf.if %cond3A_12 {
      %add3A_35 = arith.constant 0 : i32
      %add3A_36 = arith.addi %mul3A_10, %add3A_35 : i32
      "tpu.region"() ({
        %run_scoped3A = tpu.sem_alloc : memref<!tpu.dma_semaphore, #tpu.memory_space<semaphore_mem>>
        %dma_start3A = arith.constant 0 : i32
        %dma_start3A_51 = tpu.memref_slice %arg13[%add3A_36, %dma_start3A] : memref<10000x128xf32, #tpu.memory_space<vmem_shared>> -> memref<80x128xf32, #tpu.memory_space<vmem_shared>>
        %dma_start3A_52 = arith.constant 0 : i32
        %dma_start3A_53 = tpu.memref_slice %arg13[%add3A_36, %dma_start3A_52] : memref<10000x128xf32, #tpu.memory_space<vmem_shared>> -> memref<80x128xf32, #tpu.memory_space<vmem_shared>>
        tpu.enqueue_dma source(%arg12 : memref<80x128xf32, #tpu.memory_space<vmem>>) target(%dma_start3A_53 : memref<80x128xf32, #tpu.memory_space<vmem_shared>>) target_semaphore(%run_scoped3A : memref<!tpu.dma_semaphore, #tpu.memory_space<semaphore_mem>>)
        %dma_wait3A = arith.constant 0 : i32
        %dma_wait3A_54 = tpu.memref_slice %arg13[%add3A_36, %dma_wait3A] : memref<10000x128xf32, #tpu.memory_space<vmem_shared>> -> memref<80x128xf32, #tpu.memory_space<vmem_shared>>
        %dma_wait3A_55 = arith.constant 0 : i32
        %dma_wait3A_56 = tpu.memref_slice %arg13[%add3A_36, %dma_wait3A_55] : memref<10000x128xf32, #tpu.memory_space<vmem_shared>> -> memref<80x128xf32, #tpu.memory_space<vmem_shared>>
        tpu.wait_dma2 semaphore(%run_scoped3A : memref<!tpu.dma_semaphore, #tpu.memory_space<semaphore_mem>>) src(%arg12 : memref<80x128xf32, #tpu.memory_space<vmem>>) dst(%dma_wait3A_56 : memref<80x128xf32, #tpu.memory_space<vmem_shared>>)
        tpu.yield
      }) : () -> ()
      %add3A_37 = arith.constant 80 : i32
      %add3A_38 = arith.addi %mul3A_10, %add3A_37 : i32
      "tpu.region"() ({
        %run_scoped3A = tpu.sem_alloc : memref<!tpu.dma_semaphore, #tpu.memory_space<semaphore_mem>>
        %dma_start3A = arith.constant 0 : i32
        %dma_start3A_51 = tpu.memref_slice %arg13[%add3A_38, %dma_start3A] : memref<10000x128xf32, #tpu.memory_space<vmem_shared>> -> memref<80x128xf32, #tpu.memory_space<vmem_shared>>
        %dma_start3A_52 = arith.constant 0 : i32
        %dma_start3A_53 = tpu.memref_slice %arg13[%add3A_38, %dma_start3A_52] : memref<10000x128xf32, #tpu.memory_space<vmem_shared>> -> memref<80x128xf32, #tpu.memory_space<vmem_shared>>
        tpu.enqueue_dma source(%arg12 : memref<80x128xf32, #tpu.memory_space<vmem>>) target(%dma_start3A_53 : memref<80x128xf32, #tpu.memory_space<vmem_shared>>) target_semaphore(%run_scoped3A : memref<!tpu.dma_semaphore, #tpu.memory_space<semaphore_mem>>)
        %dma_wait3A = arith.constant 0 : i32
        %dma_wait3A_54 = tpu.memref_slice %arg13[%add3A_38, %dma_wait3A] : memref<10000x128xf32, #tpu.memory_space<vmem_shared>> -> memref<80x128xf32, #tpu.memory_space<vmem_shared>>
        %dma_wait3A_55 = arith.constant 0 : i32
        %dma_wait3A_56 = tpu.memref_slice %arg13[%add3A_38, %dma_wait3A_55] : memref<10000x128xf32, #tpu.memory_space<vmem_shared>> -> memref<80x128xf32, #tpu.memory_space<vmem_shared>>
        tpu.wait_dma2 semaphore(%run_scoped3A : memref<!tpu.dma_semaphore, #tpu.memory_space<semaphore_mem>>) src(%arg12 : memref<80x128xf32, #tpu.memory_space<vmem>>) dst(%dma_wait3A_56 : memref<80x128xf32, #tpu.memory_space<vmem_shared>>)
        tpu.yield
      }) : () -> ()
      %add3A_39 = arith.constant 160 : i32
      %add3A_40 = arith.addi %mul3A_10, %add3A_39 : i32
      "tpu.region"() ({
        %run_scoped3A = tpu.sem_alloc : memref<!tpu.dma_semaphore, #tpu.memory_space<semaphore_mem>>
        %dma_start3A = arith.constant 0 : i32
        %dma_start3A_51 = tpu.memref_slice %arg13[%add3A_40, %dma_start3A] : memref<10000x128xf32, #tpu.memory_space<vmem_shared>> -> memref<80x128xf32, #tpu.memory_space<vmem_shared>>
        %dma_start3A_52 = arith.constant 0 : i32
        %dma_start3A_53 = tpu.memref_slice %arg13[%add3A_40, %dma_start3A_52] : memref<10000x128xf32, #tpu.memory_space<vmem_shared>> -> memref<80x128xf32, #tpu.memory_space<vmem_shared>>
        tpu.enqueue_dma source(%arg12 : memref<80x128xf32, #tpu.memory_space<vmem>>) target(%dma_start3A_53 : memref<80x128xf32, #tpu.memory_space<vmem_shared>>) target_semaphore(%run_scoped3A : memref<!tpu.dma_semaphore, #tpu.memory_space<semaphore_mem>>)
        %dma_wait3A = arith.constant 0 : i32
        %dma_wait3A_54 = tpu.memref_slice %arg13[%add3A_40, %dma_wait3A] : memref<10000x128xf32, #tpu.memory_space<vmem_shared>> -> memref<80x128xf32, #tpu.memory_space<vmem_shared>>
        %dma_wait3A_55 = arith.constant 0 : i32
        %dma_wait3A_56 = tpu.memref_slice %arg13[%add3A_40, %dma_wait3A_55] : memref<10000x128xf32, #tpu.memory_space<vmem_shared>> -> memref<80x128xf32, #tpu.memory_space<vmem_shared>>
        tpu.wait_dma2 semaphore(%run_scoped3A : memref<!tpu.dma_semaphore, #tpu.memory_space<semaphore_mem>>) src(%arg12 : memref<80x128xf32, #tpu.memory_space<vmem>>) dst(%dma_wait3A_56 : memref<80x128xf32, #tpu.memory_space<vmem_shared>>)
        tpu.yield
      }) : () -> ()
      %add3A_41 = arith.constant 240 : i32
      %add3A_42 = arith.addi %mul3A_10, %add3A_41 : i32
      "tpu.region"() ({
        %run_scoped3A = tpu.sem_alloc : memref<!tpu.dma_semaphore, #tpu.memory_space<semaphore_mem>>
        %dma_start3A = arith.constant 0 : i32
        %dma_start3A_51 = tpu.memref_slice %arg13[%add3A_42, %dma_start3A] : memref<10000x128xf32, #tpu.memory_space<vmem_shared>> -> memref<80x128xf32, #tpu.memory_space<vmem_shared>>
        %dma_start3A_52 = arith.constant 0 : i32
        %dma_start3A_53 = tpu.memref_slice %arg13[%add3A_42, %dma_start3A_52] : memref<10000x128xf32, #tpu.memory_space<vmem_shared>> -> memref<80x128xf32, #tpu.memory_space<vmem_shared>>
        tpu.enqueue_dma source(%arg12 : memref<80x128xf32, #tpu.memory_space<vmem>>) target(%dma_start3A_53 : memref<80x128xf32, #tpu.memory_space<vmem_shared>>) target_semaphore(%run_scoped3A : memref<!tpu.dma_semaphore, #tpu.memory_space<semaphore_mem>>)
        %dma_wait3A = arith.constant 0 : i32
        %dma_wait3A_54 = tpu.memref_slice %arg13[%add3A_42, %dma_wait3A] : memref<10000x128xf32, #tpu.memory_space<vmem_shared>> -> memref<80x128xf32, #tpu.memory_space<vmem_shared>>
        %dma_wait3A_55 = arith.constant 0 : i32
        %dma_wait3A_56 = tpu.memref_slice %arg13[%add3A_42, %dma_wait3A_55] : memref<10000x128xf32, #tpu.memory_space<vmem_shared>> -> memref<80x128xf32, #tpu.memory_space<vmem_shared>>
        tpu.wait_dma2 semaphore(%run_scoped3A : memref<!tpu.dma_semaphore, #tpu.memory_space<semaphore_mem>>) src(%arg12 : memref<80x128xf32, #tpu.memory_space<vmem>>) dst(%dma_wait3A_56 : memref<80x128xf32, #tpu.memory_space<vmem_shared>>)
        tpu.yield
      }) : () -> ()
      %add3A_43 = arith.constant 320 : i32
      %add3A_44 = arith.addi %mul3A_10, %add3A_43 : i32
      "tpu.region"() ({
        %run_scoped3A = tpu.sem_alloc : memref<!tpu.dma_semaphore, #tpu.memory_space<semaphore_mem>>
        %dma_start3A = arith.constant 0 : i32
        %dma_start3A_51 = tpu.memref_slice %arg13[%add3A_44, %dma_start3A] : memref<10000x128xf32, #tpu.memory_space<vmem_shared>> -> memref<80x128xf32, #tpu.memory_space<vmem_shared>>
        %dma_start3A_52 = arith.constant 0 : i32
        %dma_start3A_53 = tpu.memref_slice %arg13[%add3A_44, %dma_start3A_52] : memref<10000x128xf32, #tpu.memory_space<vmem_shared>> -> memref<80x128xf32, #tpu.memory_space<vmem_shared>>
        tpu.enqueue_dma source(%arg12 : memref<80x128xf32, #tpu.memory_space<vmem>>) target(%dma_start3A_53 : memref<80x128xf32, #tpu.memory_space<vmem_shared>>) target_semaphore(%run_scoped3A : memref<!tpu.dma_semaphore, #tpu.memory_space<semaphore_mem>>)
        %dma_wait3A = arith.constant 0 : i32
        %dma_wait3A_54 = tpu.memref_slice %arg13[%add3A_44, %dma_wait3A] : memref<10000x128xf32, #tpu.memory_space<vmem_shared>> -> memref<80x128xf32, #tpu.memory_space<vmem_shared>>
        %dma_wait3A_55 = arith.constant 0 : i32
        %dma_wait3A_56 = tpu.memref_slice %arg13[%add3A_44, %dma_wait3A_55] : memref<10000x128xf32, #tpu.memory_space<vmem_shared>> -> memref<80x128xf32, #tpu.memory_space<vmem_shared>>
        tpu.wait_dma2 semaphore(%run_scoped3A : memref<!tpu.dma_semaphore, #tpu.memory_space<semaphore_mem>>) src(%arg12 : memref<80x128xf32, #tpu.memory_space<vmem>>) dst(%dma_wait3A_56 : memref<80x128xf32, #tpu.memory_space<vmem_shared>>)
        tpu.yield
      }) : () -> ()
      %add3A_45 = arith.constant 400 : i32
      %add3A_46 = arith.addi %mul3A_10, %add3A_45 : i32
      "tpu.region"() ({
        %run_scoped3A = tpu.sem_alloc : memref<!tpu.dma_semaphore, #tpu.memory_space<semaphore_mem>>
        %dma_start3A = arith.constant 0 : i32
        %dma_start3A_51 = tpu.memref_slice %arg13[%add3A_46, %dma_start3A] : memref<10000x128xf32, #tpu.memory_space<vmem_shared>> -> memref<80x128xf32, #tpu.memory_space<vmem_shared>>
        %dma_start3A_52 = arith.constant 0 : i32
        %dma_start3A_53 = tpu.memref_slice %arg13[%add3A_46, %dma_start3A_52] : memref<10000x128xf32, #tpu.memory_space<vmem_shared>> -> memref<80x128xf32, #tpu.memory_space<vmem_shared>>
        tpu.enqueue_dma source(%arg12 : memref<80x128xf32, #tpu.memory_space<vmem>>) target(%dma_start3A_53 : memref<80x128xf32, #tpu.memory_space<vmem_shared>>) target_semaphore(%run_scoped3A : memref<!tpu.dma_semaphore, #tpu.memory_space<semaphore_mem>>)
        %dma_wait3A = arith.constant 0 : i32
        %dma_wait3A_54 = tpu.memref_slice %arg13[%add3A_46, %dma_wait3A] : memref<10000x128xf32, #tpu.memory_space<vmem_shared>> -> memref<80x128xf32, #tpu.memory_space<vmem_shared>>
        %dma_wait3A_55 = arith.constant 0 : i32
        %dma_wait3A_56 = tpu.memref_slice %arg13[%add3A_46, %dma_wait3A_55] : memref<10000x128xf32, #tpu.memory_space<vmem_shared>> -> memref<80x128xf32, #tpu.memory_space<vmem_shared>>
        tpu.wait_dma2 semaphore(%run_scoped3A : memref<!tpu.dma_semaphore, #tpu.memory_space<semaphore_mem>>) src(%arg12 : memref<80x128xf32, #tpu.memory_space<vmem>>) dst(%dma_wait3A_56 : memref<80x128xf32, #tpu.memory_space<vmem_shared>>)
        tpu.yield
      }) : () -> ()
      %add3A_47 = arith.constant 480 : i32
      %add3A_48 = arith.addi %mul3A_10, %add3A_47 : i32
      "tpu.region"() ({
        %run_scoped3A = tpu.sem_alloc : memref<!tpu.dma_semaphore, #tpu.memory_space<semaphore_mem>>
        %dma_start3A = arith.constant 0 : i32
        %dma_start3A_51 = tpu.memref_slice %arg13[%add3A_48, %dma_start3A] : memref<10000x128xf32, #tpu.memory_space<vmem_shared>> -> memref<80x128xf32, #tpu.memory_space<vmem_shared>>
        %dma_start3A_52 = arith.constant 0 : i32
        %dma_start3A_53 = tpu.memref_slice %arg13[%add3A_48, %dma_start3A_52] : memref<10000x128xf32, #tpu.memory_space<vmem_shared>> -> memref<80x128xf32, #tpu.memory_space<vmem_shared>>
        tpu.enqueue_dma source(%arg12 : memref<80x128xf32, #tpu.memory_space<vmem>>) target(%dma_start3A_53 : memref<80x128xf32, #tpu.memory_space<vmem_shared>>) target_semaphore(%run_scoped3A : memref<!tpu.dma_semaphore, #tpu.memory_space<semaphore_mem>>)
        %dma_wait3A = arith.constant 0 : i32
        %dma_wait3A_54 = tpu.memref_slice %arg13[%add3A_48, %dma_wait3A] : memref<10000x128xf32, #tpu.memory_space<vmem_shared>> -> memref<80x128xf32, #tpu.memory_space<vmem_shared>>
        %dma_wait3A_55 = arith.constant 0 : i32
        %dma_wait3A_56 = tpu.memref_slice %arg13[%add3A_48, %dma_wait3A_55] : memref<10000x128xf32, #tpu.memory_space<vmem_shared>> -> memref<80x128xf32, #tpu.memory_space<vmem_shared>>
        tpu.wait_dma2 semaphore(%run_scoped3A : memref<!tpu.dma_semaphore, #tpu.memory_space<semaphore_mem>>) src(%arg12 : memref<80x128xf32, #tpu.memory_space<vmem>>) dst(%dma_wait3A_56 : memref<80x128xf32, #tpu.memory_space<vmem_shared>>)
        tpu.yield
      }) : () -> ()
      %add3A_49 = arith.constant 560 : i32
      %add3A_50 = arith.addi %mul3A_10, %add3A_49 : i32
      "tpu.region"() ({
        %run_scoped3A = tpu.sem_alloc : memref<!tpu.dma_semaphore, #tpu.memory_space<semaphore_mem>>
        %dma_start3A = arith.constant 0 : i32
        %dma_start3A_51 = tpu.memref_slice %arg13[%add3A_50, %dma_start3A] : memref<10000x128xf32, #tpu.memory_space<vmem_shared>> -> memref<80x128xf32, #tpu.memory_space<vmem_shared>>
        %dma_start3A_52 = arith.constant 0 : i32
        %dma_start3A_53 = tpu.memref_slice %arg13[%add3A_50, %dma_start3A_52] : memref<10000x128xf32, #tpu.memory_space<vmem_shared>> -> memref<80x128xf32, #tpu.memory_space<vmem_shared>>
        tpu.enqueue_dma source(%arg12 : memref<80x128xf32, #tpu.memory_space<vmem>>) target(%dma_start3A_53 : memref<80x128xf32, #tpu.memory_space<vmem_shared>>) target_semaphore(%run_scoped3A : memref<!tpu.dma_semaphore, #tpu.memory_space<semaphore_mem>>)
        %dma_wait3A = arith.constant 0 : i32
        %dma_wait3A_54 = tpu.memref_slice %arg13[%add3A_50, %dma_wait3A] : memref<10000x128xf32, #tpu.memory_space<vmem_shared>> -> memref<80x128xf32, #tpu.memory_space<vmem_shared>>
        %dma_wait3A_55 = arith.constant 0 : i32
        %dma_wait3A_56 = tpu.memref_slice %arg13[%add3A_50, %dma_wait3A_55] : memref<10000x128xf32, #tpu.memory_space<vmem_shared>> -> memref<80x128xf32, #tpu.memory_space<vmem_shared>>
        tpu.wait_dma2 semaphore(%run_scoped3A : memref<!tpu.dma_semaphore, #tpu.memory_space<semaphore_mem>>) src(%arg12 : memref<80x128xf32, #tpu.memory_space<vmem>>) dst(%dma_wait3A_56 : memref<80x128xf32, #tpu.memory_space<vmem_shared>>)
        tpu.yield
      }) : () -> ()
    } else {
    }
    %eq3A = arith.constant 15 : i32
    %eq3A_13 = arith.cmpi eq, %arg1, %eq3A : i32
    %convert_element_type3A_14 = arith.extui %eq3A_13 : i1 to i32
    %cond3A_15 = arith.constant 0 : i32
    %cond3A_16 = arith.cmpi ne, %convert_element_type3A_14, %cond3A_15 : i32
    scf.if %cond3A_16 {
      %add3A_35 = arith.constant 0 : i32
      %add3A_36 = arith.addi %mul3A_10, %add3A_35 : i32
      "tpu.region"() ({
        %run_scoped3A = tpu.sem_alloc : memref<!tpu.dma_semaphore, #tpu.memory_space<semaphore_mem>>
        %dma_start3A = arith.constant 0 : i32
        %dma_start3A_45 = tpu.memref_slice %arg13[%add3A_36, %dma_start3A] : memref<10000x128xf32, #tpu.memory_space<vmem_shared>> -> memref<80x128xf32, #tpu.memory_space<vmem_shared>>
        %dma_start3A_46 = arith.constant 0 : i32
        %dma_start3A_47 = tpu.memref_slice %arg13[%add3A_36, %dma_start3A_46] : memref<10000x128xf32, #tpu.memory_space<vmem_shared>> -> memref<80x128xf32, #tpu.memory_space<vmem_shared>>
        tpu.enqueue_dma source(%arg12 : memref<80x128xf32, #tpu.memory_space<vmem>>) target(%dma_start3A_47 : memref<80x128xf32, #tpu.memory_space<vmem_shared>>) target_semaphore(%run_scoped3A : memref<!tpu.dma_semaphore, #tpu.memory_space<semaphore_mem>>)
        %dma_wait3A = arith.constant 0 : i32
        %dma_wait3A_48 = tpu.memref_slice %arg13[%add3A_36, %dma_wait3A] : memref<10000x128xf32, #tpu.memory_space<vmem_shared>> -> memref<80x128xf32, #tpu.memory_space<vmem_shared>>
        %dma_wait3A_49 = arith.constant 0 : i32
        %dma_wait3A_50 = tpu.memref_slice %arg13[%add3A_36, %dma_wait3A_49] : memref<10000x128xf32, #tpu.memory_space<vmem_shared>> -> memref<80x128xf32, #tpu.memory_space<vmem_shared>>
        tpu.wait_dma2 semaphore(%run_scoped3A : memref<!tpu.dma_semaphore, #tpu.memory_space<semaphore_mem>>) src(%arg12 : memref<80x128xf32, #tpu.memory_space<vmem>>) dst(%dma_wait3A_50 : memref<80x128xf32, #tpu.memory_space<vmem_shared>>)
        tpu.yield
      }) : () -> ()
      %add3A_37 = arith.constant 80 : i32
      %add3A_38 = arith.addi %mul3A_10, %add3A_37 : i32
      "tpu.region"() ({
        %run_scoped3A = tpu.sem_alloc : memref<!tpu.dma_semaphore, #tpu.memory_space<semaphore_mem>>
        %dma_start3A = arith.constant 0 : i32
        %dma_start3A_45 = tpu.memref_slice %arg13[%add3A_38, %dma_start3A] : memref<10000x128xf32, #tpu.memory_space<vmem_shared>> -> memref<80x128xf32, #tpu.memory_space<vmem_shared>>
        %dma_start3A_46 = arith.constant 0 : i32
        %dma_start3A_47 = tpu.memref_slice %arg13[%add3A_38, %dma_start3A_46] : memref<10000x128xf32, #tpu.memory_space<vmem_shared>> -> memref<80x128xf32, #tpu.memory_space<vmem_shared>>
        tpu.enqueue_dma source(%arg12 : memref<80x128xf32, #tpu.memory_space<vmem>>) target(%dma_start3A_47 : memref<80x128xf32, #tpu.memory_space<vmem_shared>>) target_semaphore(%run_scoped3A : memref<!tpu.dma_semaphore, #tpu.memory_space<semaphore_mem>>)
        %dma_wait3A = arith.constant 0 : i32
        %dma_wait3A_48 = tpu.memref_slice %arg13[%add3A_38, %dma_wait3A] : memref<10000x128xf32, #tpu.memory_space<vmem_shared>> -> memref<80x128xf32, #tpu.memory_space<vmem_shared>>
        %dma_wait3A_49 = arith.constant 0 : i32
        %dma_wait3A_50 = tpu.memref_slice %arg13[%add3A_38, %dma_wait3A_49] : memref<10000x128xf32, #tpu.memory_space<vmem_shared>> -> memref<80x128xf32, #tpu.memory_space<vmem_shared>>
        tpu.wait_dma2 semaphore(%run_scoped3A : memref<!tpu.dma_semaphore, #tpu.memory_space<semaphore_mem>>) src(%arg12 : memref<80x128xf32, #tpu.memory_space<vmem>>) dst(%dma_wait3A_50 : memref<80x128xf32, #tpu.memory_space<vmem_shared>>)
        tpu.yield
      }) : () -> ()
      %add3A_39 = arith.constant 160 : i32
      %add3A_40 = arith.addi %mul3A_10, %add3A_39 : i32
      "tpu.region"() ({
        %run_scoped3A = tpu.sem_alloc : memref<!tpu.dma_semaphore, #tpu.memory_space<semaphore_mem>>
        %dma_start3A = arith.constant 0 : i32
        %dma_start3A_45 = tpu.memref_slice %arg13[%add3A_40, %dma_start3A] : memref<10000x128xf32, #tpu.memory_space<vmem_shared>> -> memref<80x128xf32, #tpu.memory_space<vmem_shared>>
        %dma_start3A_46 = arith.constant 0 : i32
        %dma_start3A_47 = tpu.memref_slice %arg13[%add3A_40, %dma_start3A_46] : memref<10000x128xf32, #tpu.memory_space<vmem_shared>> -> memref<80x128xf32, #tpu.memory_space<vmem_shared>>
        tpu.enqueue_dma source(%arg12 : memref<80x128xf32, #tpu.memory_space<vmem>>) target(%dma_start3A_47 : memref<80x128xf32, #tpu.memory_space<vmem_shared>>) target_semaphore(%run_scoped3A : memref<!tpu.dma_semaphore, #tpu.memory_space<semaphore_mem>>)
        %dma_wait3A = arith.constant 0 : i32
        %dma_wait3A_48 = tpu.memref_slice %arg13[%add3A_40, %dma_wait3A] : memref<10000x128xf32, #tpu.memory_space<vmem_shared>> -> memref<80x128xf32, #tpu.memory_space<vmem_shared>>
        %dma_wait3A_49 = arith.constant 0 : i32
        %dma_wait3A_50 = tpu.memref_slice %arg13[%add3A_40, %dma_wait3A_49] : memref<10000x128xf32, #tpu.memory_space<vmem_shared>> -> memref<80x128xf32, #tpu.memory_space<vmem_shared>>
        tpu.wait_dma2 semaphore(%run_scoped3A : memref<!tpu.dma_semaphore, #tpu.memory_space<semaphore_mem>>) src(%arg12 : memref<80x128xf32, #tpu.memory_space<vmem>>) dst(%dma_wait3A_50 : memref<80x128xf32, #tpu.memory_space<vmem_shared>>)
        tpu.yield
      }) : () -> ()
      %add3A_41 = arith.constant 240 : i32
      %add3A_42 = arith.addi %mul3A_10, %add3A_41 : i32
      "tpu.region"() ({
        %run_scoped3A = tpu.sem_alloc : memref<!tpu.dma_semaphore, #tpu.memory_space<semaphore_mem>>
        %dma_start3A = arith.constant 0 : i32
        %dma_start3A_45 = tpu.memref_slice %arg13[%add3A_42, %dma_start3A] : memref<10000x128xf32, #tpu.memory_space<vmem_shared>> -> memref<80x128xf32, #tpu.memory_space<vmem_shared>>
        %dma_start3A_46 = arith.constant 0 : i32
        %dma_start3A_47 = tpu.memref_slice %arg13[%add3A_42, %dma_start3A_46] : memref<10000x128xf32, #tpu.memory_space<vmem_shared>> -> memref<80x128xf32, #tpu.memory_space<vmem_shared>>
        tpu.enqueue_dma source(%arg12 : memref<80x128xf32, #tpu.memory_space<vmem>>) target(%dma_start3A_47 : memref<80x128xf32, #tpu.memory_space<vmem_shared>>) target_semaphore(%run_scoped3A : memref<!tpu.dma_semaphore, #tpu.memory_space<semaphore_mem>>)
        %dma_wait3A = arith.constant 0 : i32
        %dma_wait3A_48 = tpu.memref_slice %arg13[%add3A_42, %dma_wait3A] : memref<10000x128xf32, #tpu.memory_space<vmem_shared>> -> memref<80x128xf32, #tpu.memory_space<vmem_shared>>
        %dma_wait3A_49 = arith.constant 0 : i32
        %dma_wait3A_50 = tpu.memref_slice %arg13[%add3A_42, %dma_wait3A_49] : memref<10000x128xf32, #tpu.memory_space<vmem_shared>> -> memref<80x128xf32, #tpu.memory_space<vmem_shared>>
        tpu.wait_dma2 semaphore(%run_scoped3A : memref<!tpu.dma_semaphore, #tpu.memory_space<semaphore_mem>>) src(%arg12 : memref<80x128xf32, #tpu.memory_space<vmem>>) dst(%dma_wait3A_50 : memref<80x128xf32, #tpu.memory_space<vmem_shared>>)
        tpu.yield
      }) : () -> ()
      %add3A_43 = arith.constant 320 : i32
      %add3A_44 = arith.addi %mul3A_10, %add3A_43 : i32
      "tpu.region"() ({
        %run_scoped3A = tpu.sem_alloc : memref<!tpu.dma_semaphore, #tpu.memory_space<semaphore_mem>>
        %dma_start3A = arith.constant 0 : i32
        %dma_start3A_45 = tpu.memref_slice %arg13[%add3A_44, %dma_start3A] : memref<10000x128xf32, #tpu.memory_space<vmem_shared>> -> memref<80x128xf32, #tpu.memory_space<vmem_shared>>
        %dma_start3A_46 = arith.constant 0 : i32
        %dma_start3A_47 = tpu.memref_slice %arg13[%add3A_44, %dma_start3A_46] : memref<10000x128xf32, #tpu.memory_space<vmem_shared>> -> memref<80x128xf32, #tpu.memory_space<vmem_shared>>
        tpu.enqueue_dma source(%arg12 : memref<80x128xf32, #tpu.memory_space<vmem>>) target(%dma_start3A_47 : memref<80x128xf32, #tpu.memory_space<vmem_shared>>) target_semaphore(%run_scoped3A : memref<!tpu.dma_semaphore, #tpu.memory_space<semaphore_mem>>)
        %dma_wait3A = arith.constant 0 : i32
        %dma_wait3A_48 = tpu.memref_slice %arg13[%add3A_44, %dma_wait3A] : memref<10000x128xf32, #tpu.memory_space<vmem_shared>> -> memref<80x128xf32, #tpu.memory_space<vmem_shared>>
        %dma_wait3A_49 = arith.constant 0 : i32
        %dma_wait3A_50 = tpu.memref_slice %arg13[%add3A_44, %dma_wait3A_49] : memref<10000x128xf32, #tpu.memory_space<vmem_shared>> -> memref<80x128xf32, #tpu.memory_space<vmem_shared>>
        tpu.wait_dma2 semaphore(%run_scoped3A : memref<!tpu.dma_semaphore, #tpu.memory_space<semaphore_mem>>) src(%arg12 : memref<80x128xf32, #tpu.memory_space<vmem>>) dst(%dma_wait3A_50 : memref<80x128xf32, #tpu.memory_space<vmem_shared>>)
        tpu.yield
      }) : () -> ()
    } else {
    }
    %barrier3A = arith.constant 0 : index
    tpu.barrier barrier_id(%barrier3A)
    %scan3A_17 = arith.constant 0 : i32
    %scan3A_18 = arith.constant 0 : i32
    %scan3A_19 = arith.constant 5 : i32
    %scan3A_20 = arith.addi %scan3A_18, %scan3A_19 : i32
    %scan3A_21 = arith.constant 1 : i32
    %scan3A_22 = scf.for %scan3A_35 = %scan3A_18 to %scan3A_20 step %scan3A_21 iter_args(%scan3A_36 = %scan3A_17) -> (i32)  : i32 {
      %mul3A_37 = arith.constant 2000 : i32
      %mul3A_38 = arith.muli %scan3A_35, %mul3A_37 : i32
      %add3A_39 = arith.addi %mul3A_2, %mul3A_38 : i32
      "tpu.region"() ({
        %run_scoped3A = tpu.sem_alloc : memref<!tpu.dma_semaphore, #tpu.memory_space<semaphore_mem>>
        %dma_start3A = tpu.memref_slice %arg2[%add3A_39] : memref<320000xi32, #tpu.memory_space<hbm>> -> memref<2000xi32, #tpu.memory_space<hbm>>
        %dma_start3A_56 = tpu.memref_slice %arg2[%add3A_39] : memref<320000xi32, #tpu.memory_space<hbm>> -> memref<2000xi32, #tpu.memory_space<hbm>>
        tpu.enqueue_dma source(%dma_start3A_56 : memref<2000xi32, #tpu.memory_space<hbm>>) target(%arg7 : memref<2000xi32, #tpu.memory_space<vmem>>) target_semaphore(%run_scoped3A : memref<!tpu.dma_semaphore, #tpu.memory_space<semaphore_mem>>)
        %dma_wait3A = tpu.memref_slice %arg2[%add3A_39] : memref<320000xi32, #tpu.memory_space<hbm>> -> memref<2000xi32, #tpu.memory_space<hbm>>
        %dma_wait3A_57 = tpu.memref_slice %arg2[%add3A_39] : memref<320000xi32, #tpu.memory_space<hbm>> -> memref<2000xi32, #tpu.memory_space<hbm>>
        tpu.wait_dma2 semaphore(%run_scoped3A : memref<!tpu.dma_semaphore, #tpu.memory_space<semaphore_mem>>) src(%dma_wait3A_57 : memref<2000xi32, #tpu.memory_space<hbm>>) dst(%arg7 : memref<2000xi32, #tpu.memory_space<vmem>>)
        tpu.yield
      }) : () -> ()
      "tpu.region"() ({
        %run_scoped3A = tpu.sem_alloc : memref<!tpu.dma_semaphore, #tpu.memory_space<semaphore_mem>>
        %dma_start3A = tpu.memref_slice %arg3[%add3A_39] : memref<320000xi32, #tpu.memory_space<hbm>> -> memref<2000xi32, #tpu.memory_space<hbm>>
        %dma_start3A_56 = tpu.memref_slice %arg3[%add3A_39] : memref<320000xi32, #tpu.memory_space<hbm>> -> memref<2000xi32, #tpu.memory_space<hbm>>
        tpu.enqueue_dma source(%dma_start3A_56 : memref<2000xi32, #tpu.memory_space<hbm>>) target(%arg8 : memref<2000xi32, #tpu.memory_space<vmem>>) target_semaphore(%run_scoped3A : memref<!tpu.dma_semaphore, #tpu.memory_space<semaphore_mem>>)
        %dma_wait3A = tpu.memref_slice %arg3[%add3A_39] : memref<320000xi32, #tpu.memory_space<hbm>> -> memref<2000xi32, #tpu.memory_space<hbm>>
        %dma_wait3A_57 = tpu.memref_slice %arg3[%add3A_39] : memref<320000xi32, #tpu.memory_space<hbm>> -> memref<2000xi32, #tpu.memory_space<hbm>>
        tpu.wait_dma2 semaphore(%run_scoped3A : memref<!tpu.dma_semaphore, #tpu.memory_space<semaphore_mem>>) src(%dma_wait3A_57 : memref<2000xi32, #tpu.memory_space<hbm>>) dst(%arg8 : memref<2000xi32, #tpu.memory_space<vmem>>)
        tpu.yield
      }) : () -> ()
      %add3A_40 = arith.constant 0 : i32
      %add3A_41 = arith.addi %add3A_40, %add3A_39 : i32
      "tpu.region"() ({
        %run_scoped3A = tpu.sem_alloc : memref<!tpu.dma_semaphore, #tpu.memory_space<semaphore_mem>>
        %dma_start3A = tpu.memref_slice %arg4[%add3A_41] : memref<1280000xf32, #tpu.memory_space<hbm>> -> memref<2000xf32, #tpu.memory_space<hbm>>
        %dma_start3A_56 = tpu.memref_slice %arg4[%add3A_41] : memref<1280000xf32, #tpu.memory_space<hbm>> -> memref<2000xf32, #tpu.memory_space<hbm>>
        tpu.enqueue_dma source(%dma_start3A_56 : memref<2000xf32, #tpu.memory_space<hbm>>) target(%arg15 : memref<2000xf32, #tpu.memory_space<vmem>>) target_semaphore(%run_scoped3A : memref<!tpu.dma_semaphore, #tpu.memory_space<semaphore_mem>>)
        %dma_wait3A = tpu.memref_slice %arg4[%add3A_41] : memref<1280000xf32, #tpu.memory_space<hbm>> -> memref<2000xf32, #tpu.memory_space<hbm>>
        %dma_wait3A_57 = tpu.memref_slice %arg4[%add3A_41] : memref<1280000xf32, #tpu.memory_space<hbm>> -> memref<2000xf32, #tpu.memory_space<hbm>>
        tpu.wait_dma2 semaphore(%run_scoped3A : memref<!tpu.dma_semaphore, #tpu.memory_space<semaphore_mem>>) src(%dma_wait3A_57 : memref<2000xf32, #tpu.memory_space<hbm>>) dst(%arg15 : memref<2000xf32, #tpu.memory_space<vmem>>)
        tpu.yield
      }) : () -> ()
      %add3A_42 = arith.constant 320000 : i32
      %add3A_43 = arith.addi %add3A_42, %add3A_39 : i32
      "tpu.region"() ({
        %run_scoped3A = tpu.sem_alloc : memref<!tpu.dma_semaphore, #tpu.memory_space<semaphore_mem>>
        %dma_start3A = tpu.memref_slice %arg4[%add3A_43] : memref<1280000xf32, #tpu.memory_space<hbm>> -> memref<2000xf32, #tpu.memory_space<hbm>>
        %dma_start3A_56 = tpu.memref_slice %arg4[%add3A_43] : memref<1280000xf32, #tpu.memory_space<hbm>> -> memref<2000xf32, #tpu.memory_space<hbm>>
        tpu.enqueue_dma source(%dma_start3A_56 : memref<2000xf32, #tpu.memory_space<hbm>>) target(%arg16 : memref<2000xf32, #tpu.memory_space<vmem>>) target_semaphore(%run_scoped3A : memref<!tpu.dma_semaphore, #tpu.memory_space<semaphore_mem>>)
        %dma_wait3A = tpu.memref_slice %arg4[%add3A_43] : memref<1280000xf32, #tpu.memory_space<hbm>> -> memref<2000xf32, #tpu.memory_space<hbm>>
        %dma_wait3A_57 = tpu.memref_slice %arg4[%add3A_43] : memref<1280000xf32, #tpu.memory_space<hbm>> -> memref<2000xf32, #tpu.memory_space<hbm>>
        tpu.wait_dma2 semaphore(%run_scoped3A : memref<!tpu.dma_semaphore, #tpu.memory_space<semaphore_mem>>) src(%dma_wait3A_57 : memref<2000xf32, #tpu.memory_space<hbm>>) dst(%arg16 : memref<2000xf32, #tpu.memory_space<vmem>>)
        tpu.yield
      }) : () -> ()
      %add3A_44 = arith.constant 640000 : i32
      %add3A_45 = arith.addi %add3A_44, %add3A_39 : i32
      "tpu.region"() ({
        %run_scoped3A = tpu.sem_alloc : memref<!tpu.dma_semaphore, #tpu.memory_space<semaphore_mem>>
        %dma_start3A = tpu.memref_slice %arg4[%add3A_45] : memref<1280000xf32, #tpu.memory_space<hbm>> -> memref<2000xf32, #tpu.memory_space<hbm>>
        %dma_start3A_56 = tpu.memref_slice %arg4[%add3A_45] : memref<1280000xf32, #tpu.memory_space<hbm>> -> memref<2000xf32, #tpu.memory_space<hbm>>
        tpu.enqueue_dma source(%dma_start3A_56 : memref<2000xf32, #tpu.memory_space<hbm>>) target(%arg17 : memref<2000xf32, #tpu.memory_space<vmem>>) target_semaphore(%run_scoped3A : memref<!tpu.dma_semaphore, #tpu.memory_space<semaphore_mem>>)
        %dma_wait3A = tpu.memref_slice %arg4[%add3A_45] : memref<1280000xf32, #tpu.memory_space<hbm>> -> memref<2000xf32, #tpu.memory_space<hbm>>
        %dma_wait3A_57 = tpu.memref_slice %arg4[%add3A_45] : memref<1280000xf32, #tpu.memory_space<hbm>> -> memref<2000xf32, #tpu.memory_space<hbm>>
        tpu.wait_dma2 semaphore(%run_scoped3A : memref<!tpu.dma_semaphore, #tpu.memory_space<semaphore_mem>>) src(%dma_wait3A_57 : memref<2000xf32, #tpu.memory_space<hbm>>) dst(%arg17 : memref<2000xf32, #tpu.memory_space<vmem>>)
        tpu.yield
      }) : () -> ()
      %add3A_46 = arith.constant 960000 : i32
      %add3A_47 = arith.addi %add3A_46, %add3A_39 : i32
      "tpu.region"() ({
        %run_scoped3A = tpu.sem_alloc : memref<!tpu.dma_semaphore, #tpu.memory_space<semaphore_mem>>
        %dma_start3A = tpu.memref_slice %arg4[%add3A_47] : memref<1280000xf32, #tpu.memory_space<hbm>> -> memref<2000xf32, #tpu.memory_space<hbm>>
        %dma_start3A_56 = tpu.memref_slice %arg4[%add3A_47] : memref<1280000xf32, #tpu.memory_space<hbm>> -> memref<2000xf32, #tpu.memory_space<hbm>>
        tpu.enqueue_dma source(%dma_start3A_56 : memref<2000xf32, #tpu.memory_space<hbm>>) target(%arg18 : memref<2000xf32, #tpu.memory_space<vmem>>) target_semaphore(%run_scoped3A : memref<!tpu.dma_semaphore, #tpu.memory_space<semaphore_mem>>)
        %dma_wait3A = tpu.memref_slice %arg4[%add3A_47] : memref<1280000xf32, #tpu.memory_space<hbm>> -> memref<2000xf32, #tpu.memory_space<hbm>>
        %dma_wait3A_57 = tpu.memref_slice %arg4[%add3A_47] : memref<1280000xf32, #tpu.memory_space<hbm>> -> memref<2000xf32, #tpu.memory_space<hbm>>
        tpu.wait_dma2 semaphore(%run_scoped3A : memref<!tpu.dma_semaphore, #tpu.memory_space<semaphore_mem>>) src(%dma_wait3A_57 : memref<2000xf32, #tpu.memory_space<hbm>>) dst(%arg18 : memref<2000xf32, #tpu.memory_space<vmem>>)
        tpu.yield
      }) : () -> ()
      %scan3A_48 = arith.constant 0 : i32
      %scan3A_49 = arith.constant 0 : i32
      %scan3A_50 = arith.constant 25 : i32
      %scan3A_51 = arith.addi %scan3A_49, %scan3A_50 : i32
      %scan3A_52 = arith.constant 1 : i32
      %scan3A_53 = scf.for %scan3A_56 = %scan3A_49 to %scan3A_51 step %scan3A_52 iter_args(%scan3A_57 = %scan3A_48) -> (i32)  : i32 {
        %mul3A_58 = arith.constant 80 : i32
        %mul3A_59 = arith.muli %scan3A_56, %mul3A_58 : i32
        %scan3A_60 = arith.constant 0 : i32
        %scan3A_61 = arith.constant 0 : i32
        %scan3A_62 = arith.constant 5 : i32
        %scan3A_63 = arith.addi %scan3A_61, %scan3A_62 : i32
        %scan3A_64 = arith.constant 1 : i32
        %scan3A_65 = scf.for %scan3A_79 = %scan3A_61 to %scan3A_63 step %scan3A_64 iter_args(%scan3A_80 = %scan3A_60) -> (i32)  : i32 {
          %mul3A_81 = arith.constant 16 : i32
          %mul3A_82 = arith.muli %scan3A_79, %mul3A_81 : i32
          %add3A_83 = arith.addi %mul3A_59, %mul3A_82 : i32
          %get3A = arith.index_cast %add3A_83 : i32 to index
          %get3A_84 = tpu.vector_load %arg7[%get3A] {strides = array<i32>} : memref<2000xi32, #tpu.memory_space<vmem>>, vector<16xi32>,
          %mul3A_85 = arith.constant 16 : i32
          %mul3A_86 = arith.muli %scan3A_79, %mul3A_85 : i32
          %swap3A = arith.index_cast %mul3A_86 : i32 to index
          %swap3A_87 = tpu.vector_load %arg9[%swap3A] {strides = array<i32>} : memref<80xi32, #tpu.memory_space<vmem>>, vector<16xi32>,
          tpu.vector_store %arg9[%swap3A], %get3A_84 {strides = array<i32>} : memref<80xi32, #tpu.memory_space<vmem>>, vector<16xi32>,
          %mul3A_88 = arith.constant 16 : i32
          %mul3A_89 = arith.muli %scan3A_79, %mul3A_88 : i32
          %add3A_90 = arith.addi %mul3A_59, %mul3A_89 : i32
          %get3A_91 = arith.index_cast %add3A_90 : i32 to index
          %get3A_92 = tpu.vector_load %arg8[%get3A_91] {strides = array<i32>} : memref<2000xi32, #tpu.memory_space<vmem>>, vector<16xi32>,
          %mul3A_93 = arith.constant 16 : i32
          %mul3A_94 = arith.muli %scan3A_79, %mul3A_93 : i32
          %swap3A_95 = arith.index_cast %mul3A_94 : i32 to index
          %swap3A_96 = tpu.vector_load %arg10[%swap3A_95] {strides = array<i32>} : memref<80xi32, #tpu.memory_space<vmem>>, vector<16xi32>,
          tpu.vector_store %arg10[%swap3A_95], %get3A_92 {strides = array<i32>} : memref<80xi32, #tpu.memory_space<vmem>>, vector<16xi32>,
          %scan3A_97 = arith.constant 0 : i32
          scf.yield %scan3A_97 : i32
        }
        %scan3A_66 = arith.constant 5 : i32
        %dma_start3A = arith.constant 0 : i32
        %dma_start3A_67 = arith.constant 0 : i32
        %dma_start3A_68 = tpu.memref_slice %arg5[%dma_start3A, %dma_start3A_67] : memref<10000x128xf32, #tpu.memory_space<hbm>> -> memref<10000x128xf32, #tpu.memory_space<hbm>>
        tpu.enqueue_indirect_dma source(%dma_start3A_68 : memref<10000x128xf32, #tpu.memory_space<hbm>>) target(%arg11 : memref<80x128xf32, #tpu.memory_space<vmem>>) offsets(%arg9 : memref<80xi32, #tpu.memory_space<vmem>>) semaphore(%arg14 : memref<!tpu.dma_semaphore, #tpu.memory_space<semaphore_mem>>)
        %dma_wait3A = arith.constant 0 : i32
        %dma_wait3A_69 = arith.constant 0 : i32
        %dma_wait3A_70 = tpu.memref_slice %arg5[%dma_wait3A, %dma_wait3A_69] : memref<10000x128xf32, #tpu.memory_space<hbm>> -> memref<10000x128xf32, #tpu.memory_space<hbm>>
        tpu.wait_indirect_dma semaphore(%arg14 : memref<!tpu.dma_semaphore, #tpu.memory_space<semaphore_mem>>) src(%dma_wait3A_70 : memref<10000x128xf32, #tpu.memory_space<hbm>>) dst(%arg11 : memref<80x128xf32, #tpu.memory_space<vmem>>)
        %scan3A_71 = arith.constant 0 : i32
        %scan3A_72 = arith.constant 0 : i32
        %scan3A_73 = arith.constant 5 : i32
        %scan3A_74 = arith.addi %scan3A_72, %scan3A_73 : i32
        %scan3A_75 = arith.constant 1 : i32
        %scan3A_76 = scf.for %scan3A_79 = %scan3A_72 to %scan3A_74 step %scan3A_75 iter_args(%scan3A_80 = %scan3A_71) -> (i32)  : i32 {
          %mul3A_81 = arith.constant 16 : i32
          %mul3A_82 = arith.muli %scan3A_79, %mul3A_81 : i32
          %iota3A = tpu.iota {dimensions = array<i32: 0>} : vector<16xi32>
          %add3A_83 = vector.broadcast %mul3A_82 : i32 to vector<16xi32>
          %add3A_84 = arith.addi %add3A_83, %iota3A : vector<16xi32>
          %mul3A_85 = arith.constant 16 : i32
          %mul3A_86 = arith.muli %scan3A_79, %mul3A_85 : i32
          %add3A_87 = arith.addi %mul3A_59, %mul3A_86 : i32
          %get3A = arith.index_cast %add3A_87 : i32 to index
          %get3A_88 = tpu.vector_load %arg15[%get3A] {strides = array<i32>} : memref<2000xf32, #tpu.memory_space<vmem>>, vector<16xf32>,
          %broadcast_in_dim3A = arith.constant 0 : i32
          %broadcast_in_dim3A_89 = vector.broadcast %broadcast_in_dim3A : i32 to vector<16xi32>
          %gather3A = tpu.vector_load_idx %arg11[%add3A_84, %broadcast_in_dim3A_89] : memref<80x128xf32, #tpu.memory_space<vmem>>[vector<16xi32>, vector<16xi32>], vector<16xf32>,
          %mul3A_90 = arith.mulf %gather3A, %get3A_88 : vector<16xf32>
          tpu.vector_store_idx %arg12[%add3A_84, %broadcast_in_dim3A_89], %mul3A_90 : memref<80x128xf32, #tpu.memory_space<vmem>>[vector<16xi32>, vector<16xi32>], vector<16xf32>,
          %broadcast_in_dim3A_91 = arith.constant 1 : i32
          %broadcast_in_dim3A_92 = vector.broadcast %broadcast_in_dim3A_91 : i32 to vector<16xi32>
          %gather3A_93 = tpu.vector_load_idx %arg11[%add3A_84, %broadcast_in_dim3A_92] : memref<80x128xf32, #tpu.memory_space<vmem>>[vector<16xi32>, vector<16xi32>], vector<16xf32>,
          %mul3A_94 = arith.mulf %gather3A_93, %get3A_88 : vector<16xf32>
          tpu.vector_store_idx %arg12[%add3A_84, %broadcast_in_dim3A_92], %mul3A_94 : memref<80x128xf32, #tpu.memory_space<vmem>>[vector<16xi32>, vector<16xi32>], vector<16xf32>,
          %broadcast_in_dim3A_95 = arith.constant 2 : i32
          %broadcast_in_dim3A_96 = vector.broadcast %broadcast_in_dim3A_95 : i32 to vector<16xi32>
          %gather3A_97 = tpu.vector_load_idx %arg11[%add3A_84, %broadcast_in_dim3A_96] : memref<80x128xf32, #tpu.memory_space<vmem>>[vector<16xi32>, vector<16xi32>], vector<16xf32>,
          %mul3A_98 = arith.mulf %gather3A_97, %get3A_88 : vector<16xf32>
          tpu.vector_store_idx %arg12[%add3A_84, %broadcast_in_dim3A_96], %mul3A_98 : memref<80x128xf32, #tpu.memory_space<vmem>>[vector<16xi32>, vector<16xi32>], vector<16xf32>,
          %broadcast_in_dim3A_99 = arith.constant 3 : i32
          %broadcast_in_dim3A_100 = vector.broadcast %broadcast_in_dim3A_99 : i32 to vector<16xi32>
          %gather3A_101 = tpu.vector_load_idx %arg11[%add3A_84, %broadcast_in_dim3A_100] : memref<80x128xf32, #tpu.memory_space<vmem>>[vector<16xi32>, vector<16xi32>], vector<16xf32>,
          %mul3A_102 = arith.mulf %gather3A_101, %get3A_88 : vector<16xf32>
          tpu.vector_store_idx %arg12[%add3A_84, %broadcast_in_dim3A_100], %mul3A_102 : memref<80x128xf32, #tpu.memory_space<vmem>>[vector<16xi32>, vector<16xi32>], vector<16xf32>,
          %broadcast_in_dim3A_103 = arith.constant 4 : i32
          %broadcast_in_dim3A_104 = vector.broadcast %broadcast_in_dim3A_103 : i32 to vector<16xi32>
          %gather3A_105 = tpu.vector_load_idx %arg11[%add3A_84, %broadcast_in_dim3A_104] : memref<80x128xf32, #tpu.memory_space<vmem>>[vector<16xi32>, vector<16xi32>], vector<16xf32>,
          %mul3A_106 = arith.mulf %gather3A_105, %get3A_88 : vector<16xf32>
          tpu.vector_store_idx %arg12[%add3A_84, %broadcast_in_dim3A_104], %mul3A_106 : memref<80x128xf32, #tpu.memory_space<vmem>>[vector<16xi32>, vector<16xi32>], vector<16xf32>,
          %broadcast_in_dim3A_107 = arith.constant 5 : i32
          %broadcast_in_dim3A_108 = vector.broadcast %broadcast_in_dim3A_107 : i32 to vector<16xi32>
          %gather3A_109 = tpu.vector_load_idx %arg11[%add3A_84, %broadcast_in_dim3A_108] : memref<80x128xf32, #tpu.memory_space<vmem>>[vector<16xi32>, vector<16xi32>], vector<16xf32>,
          %mul3A_110 = arith.mulf %gather3A_109, %get3A_88 : vector<16xf32>
          tpu.vector_store_idx %arg12[%add3A_84, %broadcast_in_dim3A_108], %mul3A_110 : memref<80x128xf32, #tpu.memory_space<vmem>>[vector<16xi32>, vector<16xi32>], vector<16xf32>,
          %broadcast_in_dim3A_111 = arith.constant 6 : i32
          %broadcast_in_dim3A_112 = vector.broadcast %broadcast_in_dim3A_111 : i32 to vector<16xi32>
          %gather3A_113 = tpu.vector_load_idx %arg11[%add3A_84, %broadcast_in_dim3A_112] : memref<80x128xf32, #tpu.memory_space<vmem>>[vector<16xi32>, vector<16xi32>], vector<16xf32>,
          %mul3A_114 = arith.mulf %gather3A_113, %get3A_88 : vector<16xf32>
          tpu.vector_store_idx %arg12[%add3A_84, %broadcast_in_dim3A_112], %mul3A_114 : memref<80x128xf32, #tpu.memory_space<vmem>>[vector<16xi32>, vector<16xi32>], vector<16xf32>,
          %broadcast_in_dim3A_115 = arith.constant 7 : i32
          %broadcast_in_dim3A_116 = vector.broadcast %broadcast_in_dim3A_115 : i32 to vector<16xi32>
          %gather3A_117 = tpu.vector_load_idx %arg11[%add3A_84, %broadcast_in_dim3A_116] : memref<80x128xf32, #tpu.memory_space<vmem>>[vector<16xi32>, vector<16xi32>], vector<16xf32>,
          %mul3A_118 = arith.mulf %gather3A_117, %get3A_88 : vector<16xf32>
          tpu.vector_store_idx %arg12[%add3A_84, %broadcast_in_dim3A_116], %mul3A_118 : memref<80x128xf32, #tpu.memory_space<vmem>>[vector<16xi32>, vector<16xi32>], vector<16xf32>,
          %broadcast_in_dim3A_119 = arith.constant 8 : i32
          %broadcast_in_dim3A_120 = vector.broadcast %broadcast_in_dim3A_119 : i32 to vector<16xi32>
          %gather3A_121 = tpu.vector_load_idx %arg11[%add3A_84, %broadcast_in_dim3A_120] : memref<80x128xf32, #tpu.memory_space<vmem>>[vector<16xi32>, vector<16xi32>], vector<16xf32>,
          %mul3A_122 = arith.mulf %gather3A_121, %get3A_88 : vector<16xf32>
          tpu.vector_store_idx %arg12[%add3A_84, %broadcast_in_dim3A_120], %mul3A_122 : memref<80x128xf32, #tpu.memory_space<vmem>>[vector<16xi32>, vector<16xi32>], vector<16xf32>,
          %broadcast_in_dim3A_123 = arith.constant 9 : i32
          %broadcast_in_dim3A_124 = vector.broadcast %broadcast_in_dim3A_123 : i32 to vector<16xi32>
          %gather3A_125 = tpu.vector_load_idx %arg11[%add3A_84, %broadcast_in_dim3A_124] : memref<80x128xf32, #tpu.memory_space<vmem>>[vector<16xi32>, vector<16xi32>], vector<16xf32>,
          %mul3A_126 = arith.mulf %gather3A_125, %get3A_88 : vector<16xf32>
          tpu.vector_store_idx %arg12[%add3A_84, %broadcast_in_dim3A_124], %mul3A_126 : memref<80x128xf32, #tpu.memory_space<vmem>>[vector<16xi32>, vector<16xi32>], vector<16xf32>,
          %broadcast_in_dim3A_127 = arith.constant 10 : i32
          %broadcast_in_dim3A_128 = vector.broadcast %broadcast_in_dim3A_127 : i32 to vector<16xi32>
          %gather3A_129 = tpu.vector_load_idx %arg11[%add3A_84, %broadcast_in_dim3A_128] : memref<80x128xf32, #tpu.memory_space<vmem>>[vector<16xi32>, vector<16xi32>], vector<16xf32>,
          %mul3A_130 = arith.mulf %gather3A_129, %get3A_88 : vector<16xf32>
          tpu.vector_store_idx %arg12[%add3A_84, %broadcast_in_dim3A_128], %mul3A_130 : memref<80x128xf32, #tpu.memory_space<vmem>>[vector<16xi32>, vector<16xi32>], vector<16xf32>,
          %broadcast_in_dim3A_131 = arith.constant 11 : i32
          %broadcast_in_dim3A_132 = vector.broadcast %broadcast_in_dim3A_131 : i32 to vector<16xi32>
          %gather3A_133 = tpu.vector_load_idx %arg11[%add3A_84, %broadcast_in_dim3A_132] : memref<80x128xf32, #tpu.memory_space<vmem>>[vector<16xi32>, vector<16xi32>], vector<16xf32>,
          %mul3A_134 = arith.mulf %gather3A_133, %get3A_88 : vector<16xf32>
          tpu.vector_store_idx %arg12[%add3A_84, %broadcast_in_dim3A_132], %mul3A_134 : memref<80x128xf32, #tpu.memory_space<vmem>>[vector<16xi32>, vector<16xi32>], vector<16xf32>,
          %broadcast_in_dim3A_135 = arith.constant 12 : i32
          %broadcast_in_dim3A_136 = vector.broadcast %broadcast_in_dim3A_135 : i32 to vector<16xi32>
          %gather3A_137 = tpu.vector_load_idx %arg11[%add3A_84, %broadcast_in_dim3A_136] : memref<80x128xf32, #tpu.memory_space<vmem>>[vector<16xi32>, vector<16xi32>], vector<16xf32>,
          %mul3A_138 = arith.mulf %gather3A_137, %get3A_88 : vector<16xf32>
          tpu.vector_store_idx %arg12[%add3A_84, %broadcast_in_dim3A_136], %mul3A_138 : memref<80x128xf32, #tpu.memory_space<vmem>>[vector<16xi32>, vector<16xi32>], vector<16xf32>,
          %broadcast_in_dim3A_139 = arith.constant 13 : i32
          %broadcast_in_dim3A_140 = vector.broadcast %broadcast_in_dim3A_139 : i32 to vector<16xi32>
          %gather3A_141 = tpu.vector_load_idx %arg11[%add3A_84, %broadcast_in_dim3A_140] : memref<80x128xf32, #tpu.memory_space<vmem>>[vector<16xi32>, vector<16xi32>], vector<16xf32>,
          %mul3A_142 = arith.mulf %gather3A_141, %get3A_88 : vector<16xf32>
          tpu.vector_store_idx %arg12[%add3A_84, %broadcast_in_dim3A_140], %mul3A_142 : memref<80x128xf32, #tpu.memory_space<vmem>>[vector<16xi32>, vector<16xi32>], vector<16xf32>,
          %broadcast_in_dim3A_143 = arith.constant 14 : i32
          %broadcast_in_dim3A_144 = vector.broadcast %broadcast_in_dim3A_143 : i32 to vector<16xi32>
          %gather3A_145 = tpu.vector_load_idx %arg11[%add3A_84, %broadcast_in_dim3A_144] : memref<80x128xf32, #tpu.memory_space<vmem>>[vector<16xi32>, vector<16xi32>], vector<16xf32>,
          %mul3A_146 = arith.mulf %gather3A_145, %get3A_88 : vector<16xf32>
          tpu.vector_store_idx %arg12[%add3A_84, %broadcast_in_dim3A_144], %mul3A_146 : memref<80x128xf32, #tpu.memory_space<vmem>>[vector<16xi32>, vector<16xi32>], vector<16xf32>,
          %broadcast_in_dim3A_147 = arith.constant 15 : i32
          %broadcast_in_dim3A_148 = vector.broadcast %broadcast_in_dim3A_147 : i32 to vector<16xi32>
          %gather3A_149 = tpu.vector_load_idx %arg11[%add3A_84, %broadcast_in_dim3A_148] : memref<80x128xf32, #tpu.memory_space<vmem>>[vector<16xi32>, vector<16xi32>], vector<16xf32>,
          %mul3A_150 = arith.mulf %gather3A_149, %get3A_88 : vector<16xf32>
          tpu.vector_store_idx %arg12[%add3A_84, %broadcast_in_dim3A_148], %mul3A_150 : memref<80x128xf32, #tpu.memory_space<vmem>>[vector<16xi32>, vector<16xi32>], vector<16xf32>,
          %broadcast_in_dim3A_151 = arith.constant 16 : i32
          %broadcast_in_dim3A_152 = vector.broadcast %broadcast_in_dim3A_151 : i32 to vector<16xi32>
          %gather3A_153 = tpu.vector_load_idx %arg11[%add3A_84, %broadcast_in_dim3A_152] : memref<80x128xf32, #tpu.memory_space<vmem>>[vector<16xi32>, vector<16xi32>], vector<16xf32>,
          %mul3A_154 = arith.mulf %gather3A_153, %get3A_88 : vector<16xf32>
          tpu.vector_store_idx %arg12[%add3A_84, %broadcast_in_dim3A_152], %mul3A_154 : memref<80x128xf32, #tpu.memory_space<vmem>>[vector<16xi32>, vector<16xi32>], vector<16xf32>,
          %broadcast_in_dim3A_155 = arith.constant 17 : i32
          %broadcast_in_dim3A_156 = vector.broadcast %broadcast_in_dim3A_155 : i32 to vector<16xi32>
          %gather3A_157 = tpu.vector_load_idx %arg11[%add3A_84, %broadcast_in_dim3A_156] : memref<80x128xf32, #tpu.memory_space<vmem>>[vector<16xi32>, vector<16xi32>], vector<16xf32>,
          %mul3A_158 = arith.mulf %gather3A_157, %get3A_88 : vector<16xf32>
          tpu.vector_store_idx %arg12[%add3A_84, %broadcast_in_dim3A_156], %mul3A_158 : memref<80x128xf32, #tpu.memory_space<vmem>>[vector<16xi32>, vector<16xi32>], vector<16xf32>,
          %broadcast_in_dim3A_159 = arith.constant 18 : i32
          %broadcast_in_dim3A_160 = vector.broadcast %broadcast_in_dim3A_159 : i32 to vector<16xi32>
          %gather3A_161 = tpu.vector_load_idx %arg11[%add3A_84, %broadcast_in_dim3A_160] : memref<80x128xf32, #tpu.memory_space<vmem>>[vector<16xi32>, vector<16xi32>], vector<16xf32>,
          %mul3A_162 = arith.mulf %gather3A_161, %get3A_88 : vector<16xf32>
          tpu.vector_store_idx %arg12[%add3A_84, %broadcast_in_dim3A_160], %mul3A_162 : memref<80x128xf32, #tpu.memory_space<vmem>>[vector<16xi32>, vector<16xi32>], vector<16xf32>,
          %broadcast_in_dim3A_163 = arith.constant 19 : i32
          %broadcast_in_dim3A_164 = vector.broadcast %broadcast_in_dim3A_163 : i32 to vector<16xi32>
          %gather3A_165 = tpu.vector_load_idx %arg11[%add3A_84, %broadcast_in_dim3A_164] : memref<80x128xf32, #tpu.memory_space<vmem>>[vector<16xi32>, vector<16xi32>], vector<16xf32>,
          %mul3A_166 = arith.mulf %gather3A_165, %get3A_88 : vector<16xf32>
          tpu.vector_store_idx %arg12[%add3A_84, %broadcast_in_dim3A_164], %mul3A_166 : memref<80x128xf32, #tpu.memory_space<vmem>>[vector<16xi32>, vector<16xi32>], vector<16xf32>,
          %broadcast_in_dim3A_167 = arith.constant 20 : i32
          %broadcast_in_dim3A_168 = vector.broadcast %broadcast_in_dim3A_167 : i32 to vector<16xi32>
          %gather3A_169 = tpu.vector_load_idx %arg11[%add3A_84, %broadcast_in_dim3A_168] : memref<80x128xf32, #tpu.memory_space<vmem>>[vector<16xi32>, vector<16xi32>], vector<16xf32>,
          %mul3A_170 = arith.mulf %gather3A_169, %get3A_88 : vector<16xf32>
          tpu.vector_store_idx %arg12[%add3A_84, %broadcast_in_dim3A_168], %mul3A_170 : memref<80x128xf32, #tpu.memory_space<vmem>>[vector<16xi32>, vector<16xi32>], vector<16xf32>,
          %broadcast_in_dim3A_171 = arith.constant 21 : i32
          %broadcast_in_dim3A_172 = vector.broadcast %broadcast_in_dim3A_171 : i32 to vector<16xi32>
          %gather3A_173 = tpu.vector_load_idx %arg11[%add3A_84, %broadcast_in_dim3A_172] : memref<80x128xf32, #tpu.memory_space<vmem>>[vector<16xi32>, vector<16xi32>], vector<16xf32>,
          %mul3A_174 = arith.mulf %gather3A_173, %get3A_88 : vector<16xf32>
          tpu.vector_store_idx %arg12[%add3A_84, %broadcast_in_dim3A_172], %mul3A_174 : memref<80x128xf32, #tpu.memory_space<vmem>>[vector<16xi32>, vector<16xi32>], vector<16xf32>,
          %broadcast_in_dim3A_175 = arith.constant 22 : i32
          %broadcast_in_dim3A_176 = vector.broadcast %broadcast_in_dim3A_175 : i32 to vector<16xi32>
          %gather3A_177 = tpu.vector_load_idx %arg11[%add3A_84, %broadcast_in_dim3A_176] : memref<80x128xf32, #tpu.memory_space<vmem>>[vector<16xi32>, vector<16xi32>], vector<16xf32>,
          %mul3A_178 = arith.mulf %gather3A_177, %get3A_88 : vector<16xf32>
          tpu.vector_store_idx %arg12[%add3A_84, %broadcast_in_dim3A_176], %mul3A_178 : memref<80x128xf32, #tpu.memory_space<vmem>>[vector<16xi32>, vector<16xi32>], vector<16xf32>,
          %broadcast_in_dim3A_179 = arith.constant 23 : i32
          %broadcast_in_dim3A_180 = vector.broadcast %broadcast_in_dim3A_179 : i32 to vector<16xi32>
          %gather3A_181 = tpu.vector_load_idx %arg11[%add3A_84, %broadcast_in_dim3A_180] : memref<80x128xf32, #tpu.memory_space<vmem>>[vector<16xi32>, vector<16xi32>], vector<16xf32>,
          %mul3A_182 = arith.mulf %gather3A_181, %get3A_88 : vector<16xf32>
          tpu.vector_store_idx %arg12[%add3A_84, %broadcast_in_dim3A_180], %mul3A_182 : memref<80x128xf32, #tpu.memory_space<vmem>>[vector<16xi32>, vector<16xi32>], vector<16xf32>,
          %broadcast_in_dim3A_183 = arith.constant 24 : i32
          %broadcast_in_dim3A_184 = vector.broadcast %broadcast_in_dim3A_183 : i32 to vector<16xi32>
          %gather3A_185 = tpu.vector_load_idx %arg11[%add3A_84, %broadcast_in_dim3A_184] : memref<80x128xf32, #tpu.memory_space<vmem>>[vector<16xi32>, vector<16xi32>], vector<16xf32>,
          %mul3A_186 = arith.mulf %gather3A_185, %get3A_88 : vector<16xf32>
          tpu.vector_store_idx %arg12[%add3A_84, %broadcast_in_dim3A_184], %mul3A_186 : memref<80x128xf32, #tpu.memory_space<vmem>>[vector<16xi32>, vector<16xi32>], vector<16xf32>,
          %broadcast_in_dim3A_187 = arith.constant 25 : i32
          %broadcast_in_dim3A_188 = vector.broadcast %broadcast_in_dim3A_187 : i32 to vector<16xi32>
          %gather3A_189 = tpu.vector_load_idx %arg11[%add3A_84, %broadcast_in_dim3A_188] : memref<80x128xf32, #tpu.memory_space<vmem>>[vector<16xi32>, vector<16xi32>], vector<16xf32>,
          %mul3A_190 = arith.mulf %gather3A_189, %get3A_88 : vector<16xf32>
          tpu.vector_store_idx %arg12[%add3A_84, %broadcast_in_dim3A_188], %mul3A_190 : memref<80x128xf32, #tpu.memory_space<vmem>>[vector<16xi32>, vector<16xi32>], vector<16xf32>,
          %broadcast_in_dim3A_191 = arith.constant 26 : i32
          %broadcast_in_dim3A_192 = vector.broadcast %broadcast_in_dim3A_191 : i32 to vector<16xi32>
          %gather3A_193 = tpu.vector_load_idx %arg11[%add3A_84, %broadcast_in_dim3A_192] : memref<80x128xf32, #tpu.memory_space<vmem>>[vector<16xi32>, vector<16xi32>], vector<16xf32>,
          %mul3A_194 = arith.mulf %gather3A_193, %get3A_88 : vector<16xf32>
          tpu.vector_store_idx %arg12[%add3A_84, %broadcast_in_dim3A_192], %mul3A_194 : memref<80x128xf32, #tpu.memory_space<vmem>>[vector<16xi32>, vector<16xi32>], vector<16xf32>,
          %broadcast_in_dim3A_195 = arith.constant 27 : i32
          %broadcast_in_dim3A_196 = vector.broadcast %broadcast_in_dim3A_195 : i32 to vector<16xi32>
          %gather3A_197 = tpu.vector_load_idx %arg11[%add3A_84, %broadcast_in_dim3A_196] : memref<80x128xf32, #tpu.memory_space<vmem>>[vector<16xi32>, vector<16xi32>], vector<16xf32>,
          %mul3A_198 = arith.mulf %gather3A_197, %get3A_88 : vector<16xf32>
          tpu.vector_store_idx %arg12[%add3A_84, %broadcast_in_dim3A_196], %mul3A_198 : memref<80x128xf32, #tpu.memory_space<vmem>>[vector<16xi32>, vector<16xi32>], vector<16xf32>,
          %broadcast_in_dim3A_199 = arith.constant 28 : i32
          %broadcast_in_dim3A_200 = vector.broadcast %broadcast_in_dim3A_199 : i32 to vector<16xi32>
          %gather3A_201 = tpu.vector_load_idx %arg11[%add3A_84, %broadcast_in_dim3A_200] : memref<80x128xf32, #tpu.memory_space<vmem>>[vector<16xi32>, vector<16xi32>], vector<16xf32>,
          %mul3A_202 = arith.mulf %gather3A_201, %get3A_88 : vector<16xf32>
          tpu.vector_store_idx %arg12[%add3A_84, %broadcast_in_dim3A_200], %mul3A_202 : memref<80x128xf32, #tpu.memory_space<vmem>>[vector<16xi32>, vector<16xi32>], vector<16xf32>,
          %broadcast_in_dim3A_203 = arith.constant 29 : i32
          %broadcast_in_dim3A_204 = vector.broadcast %broadcast_in_dim3A_203 : i32 to vector<16xi32>
          %gather3A_205 = tpu.vector_load_idx %arg11[%add3A_84, %broadcast_in_dim3A_204] : memref<80x128xf32, #tpu.memory_space<vmem>>[vector<16xi32>, vector<16xi32>], vector<16xf32>,
          %mul3A_206 = arith.mulf %gather3A_205, %get3A_88 : vector<16xf32>
          tpu.vector_store_idx %arg12[%add3A_84, %broadcast_in_dim3A_204], %mul3A_206 : memref<80x128xf32, #tpu.memory_space<vmem>>[vector<16xi32>, vector<16xi32>], vector<16xf32>,
          %broadcast_in_dim3A_207 = arith.constant 30 : i32
          %broadcast_in_dim3A_208 = vector.broadcast %broadcast_in_dim3A_207 : i32 to vector<16xi32>
          %gather3A_209 = tpu.vector_load_idx %arg11[%add3A_84, %broadcast_in_dim3A_208] : memref<80x128xf32, #tpu.memory_space<vmem>>[vector<16xi32>, vector<16xi32>], vector<16xf32>,
          %mul3A_210 = arith.mulf %gather3A_209, %get3A_88 : vector<16xf32>
          tpu.vector_store_idx %arg12[%add3A_84, %broadcast_in_dim3A_208], %mul3A_210 : memref<80x128xf32, #tpu.memory_space<vmem>>[vector<16xi32>, vector<16xi32>], vector<16xf32>,
          %broadcast_in_dim3A_211 = arith.constant 31 : i32
          %broadcast_in_dim3A_212 = vector.broadcast %broadcast_in_dim3A_211 : i32 to vector<16xi32>
          %gather3A_213 = tpu.vector_load_idx %arg11[%add3A_84, %broadcast_in_dim3A_212] : memref<80x128xf32, #tpu.memory_space<vmem>>[vector<16xi32>, vector<16xi32>], vector<16xf32>,
          %mul3A_214 = arith.mulf %gather3A_213, %get3A_88 : vector<16xf32>
          tpu.vector_store_idx %arg12[%add3A_84, %broadcast_in_dim3A_212], %mul3A_214 : memref<80x128xf32, #tpu.memory_space<vmem>>[vector<16xi32>, vector<16xi32>], vector<16xf32>,
          %mul3A_215 = arith.constant 16 : i32
          %mul3A_216 = arith.muli %scan3A_79, %mul3A_215 : i32
          %add3A_217 = arith.addi %mul3A_59, %mul3A_216 : i32
          %get3A_218 = arith.index_cast %add3A_217 : i32 to index
          %get3A_219 = tpu.vector_load %arg16[%get3A_218] {strides = array<i32>} : memref<2000xf32, #tpu.memory_space<vmem>>, vector<16xf32>,
          %broadcast_in_dim3A_220 = arith.constant 32 : i32
          %broadcast_in_dim3A_221 = vector.broadcast %broadcast_in_dim3A_220 : i32 to vector<16xi32>
          %gather3A_222 = tpu.vector_load_idx %arg11[%add3A_84, %broadcast_in_dim3A_221] : memref<80x128xf32, #tpu.memory_space<vmem>>[vector<16xi32>, vector<16xi32>], vector<16xf32>,
          %mul3A_223 = arith.mulf %gather3A_222, %get3A_219 : vector<16xf32>
          tpu.vector_store_idx %arg12[%add3A_84, %broadcast_in_dim3A_221], %mul3A_223 : memref<80x128xf32, #tpu.memory_space<vmem>>[vector<16xi32>, vector<16xi32>], vector<16xf32>,
          %broadcast_in_dim3A_224 = arith.constant 33 : i32
          %broadcast_in_dim3A_225 = vector.broadcast %broadcast_in_dim3A_224 : i32 to vector<16xi32>
          %gather3A_226 = tpu.vector_load_idx %arg11[%add3A_84, %broadcast_in_dim3A_225] : memref<80x128xf32, #tpu.memory_space<vmem>>[vector<16xi32>, vector<16xi32>], vector<16xf32>,
          %mul3A_227 = arith.mulf %gather3A_226, %get3A_219 : vector<16xf32>
          tpu.vector_store_idx %arg12[%add3A_84, %broadcast_in_dim3A_225], %mul3A_227 : memref<80x128xf32, #tpu.memory_space<vmem>>[vector<16xi32>, vector<16xi32>], vector<16xf32>,
          %broadcast_in_dim3A_228 = arith.constant 34 : i32
          %broadcast_in_dim3A_229 = vector.broadcast %broadcast_in_dim3A_228 : i32 to vector<16xi32>
          %gather3A_230 = tpu.vector_load_idx %arg11[%add3A_84, %broadcast_in_dim3A_229] : memref<80x128xf32, #tpu.memory_space<vmem>>[vector<16xi32>, vector<16xi32>], vector<16xf32>,
          %mul3A_231 = arith.mulf %gather3A_230, %get3A_219 : vector<16xf32>
          tpu.vector_store_idx %arg12[%add3A_84, %broadcast_in_dim3A_229], %mul3A_231 : memref<80x128xf32, #tpu.memory_space<vmem>>[vector<16xi32>, vector<16xi32>], vector<16xf32>,
          %broadcast_in_dim3A_232 = arith.constant 35 : i32
          %broadcast_in_dim3A_233 = vector.broadcast %broadcast_in_dim3A_232 : i32 to vector<16xi32>
          %gather3A_234 = tpu.vector_load_idx %arg11[%add3A_84, %broadcast_in_dim3A_233] : memref<80x128xf32, #tpu.memory_space<vmem>>[vector<16xi32>, vector<16xi32>], vector<16xf32>,
          %mul3A_235 = arith.mulf %gather3A_234, %get3A_219 : vector<16xf32>
          tpu.vector_store_idx %arg12[%add3A_84, %broadcast_in_dim3A_233], %mul3A_235 : memref<80x128xf32, #tpu.memory_space<vmem>>[vector<16xi32>, vector<16xi32>], vector<16xf32>,
          %broadcast_in_dim3A_236 = arith.constant 36 : i32
          %broadcast_in_dim3A_237 = vector.broadcast %broadcast_in_dim3A_236 : i32 to vector<16xi32>
          %gather3A_238 = tpu.vector_load_idx %arg11[%add3A_84, %broadcast_in_dim3A_237] : memref<80x128xf32, #tpu.memory_space<vmem>>[vector<16xi32>, vector<16xi32>], vector<16xf32>,
          %mul3A_239 = arith.mulf %gather3A_238, %get3A_219 : vector<16xf32>
          tpu.vector_store_idx %arg12[%add3A_84, %broadcast_in_dim3A_237], %mul3A_239 : memref<80x128xf32, #tpu.memory_space<vmem>>[vector<16xi32>, vector<16xi32>], vector<16xf32>,
          %broadcast_in_dim3A_240 = arith.constant 37 : i32
          %broadcast_in_dim3A_241 = vector.broadcast %broadcast_in_dim3A_240 : i32 to vector<16xi32>
          %gather3A_242 = tpu.vector_load_idx %arg11[%add3A_84, %broadcast_in_dim3A_241] : memref<80x128xf32, #tpu.memory_space<vmem>>[vector<16xi32>, vector<16xi32>], vector<16xf32>,
          %mul3A_243 = arith.mulf %gather3A_242, %get3A_219 : vector<16xf32>
          tpu.vector_store_idx %arg12[%add3A_84, %broadcast_in_dim3A_241], %mul3A_243 : memref<80x128xf32, #tpu.memory_space<vmem>>[vector<16xi32>, vector<16xi32>], vector<16xf32>,
          %broadcast_in_dim3A_244 = arith.constant 38 : i32
          %broadcast_in_dim3A_245 = vector.broadcast %broadcast_in_dim3A_244 : i32 to vector<16xi32>
          %gather3A_246 = tpu.vector_load_idx %arg11[%add3A_84, %broadcast_in_dim3A_245] : memref<80x128xf32, #tpu.memory_space<vmem>>[vector<16xi32>, vector<16xi32>], vector<16xf32>,
          %mul3A_247 = arith.mulf %gather3A_246, %get3A_219 : vector<16xf32>
          tpu.vector_store_idx %arg12[%add3A_84, %broadcast_in_dim3A_245], %mul3A_247 : memref<80x128xf32, #tpu.memory_space<vmem>>[vector<16xi32>, vector<16xi32>], vector<16xf32>,
          %broadcast_in_dim3A_248 = arith.constant 39 : i32
          %broadcast_in_dim3A_249 = vector.broadcast %broadcast_in_dim3A_248 : i32 to vector<16xi32>
          %gather3A_250 = tpu.vector_load_idx %arg11[%add3A_84, %broadcast_in_dim3A_249] : memref<80x128xf32, #tpu.memory_space<vmem>>[vector<16xi32>, vector<16xi32>], vector<16xf32>,
          %mul3A_251 = arith.mulf %gather3A_250, %get3A_219 : vector<16xf32>
          tpu.vector_store_idx %arg12[%add3A_84, %broadcast_in_dim3A_249], %mul3A_251 : memref<80x128xf32, #tpu.memory_space<vmem>>[vector<16xi32>, vector<16xi32>], vector<16xf32>,
          %broadcast_in_dim3A_252 = arith.constant 40 : i32
          %broadcast_in_dim3A_253 = vector.broadcast %broadcast_in_dim3A_252 : i32 to vector<16xi32>
          %gather3A_254 = tpu.vector_load_idx %arg11[%add3A_84, %broadcast_in_dim3A_253] : memref<80x128xf32, #tpu.memory_space<vmem>>[vector<16xi32>, vector<16xi32>], vector<16xf32>,
          %mul3A_255 = arith.mulf %gather3A_254, %get3A_219 : vector<16xf32>
          tpu.vector_store_idx %arg12[%add3A_84, %broadcast_in_dim3A_253], %mul3A_255 : memref<80x128xf32, #tpu.memory_space<vmem>>[vector<16xi32>, vector<16xi32>], vector<16xf32>,
          %broadcast_in_dim3A_256 = arith.constant 41 : i32
          %broadcast_in_dim3A_257 = vector.broadcast %broadcast_in_dim3A_256 : i32 to vector<16xi32>
          %gather3A_258 = tpu.vector_load_idx %arg11[%add3A_84, %broadcast_in_dim3A_257] : memref<80x128xf32, #tpu.memory_space<vmem>>[vector<16xi32>, vector<16xi32>], vector<16xf32>,
          %mul3A_259 = arith.mulf %gather3A_258, %get3A_219 : vector<16xf32>
          tpu.vector_store_idx %arg12[%add3A_84, %broadcast_in_dim3A_257], %mul3A_259 : memref<80x128xf32, #tpu.memory_space<vmem>>[vector<16xi32>, vector<16xi32>], vector<16xf32>,
          %broadcast_in_dim3A_260 = arith.constant 42 : i32
          %broadcast_in_dim3A_261 = vector.broadcast %broadcast_in_dim3A_260 : i32 to vector<16xi32>
          %gather3A_262 = tpu.vector_load_idx %arg11[%add3A_84, %broadcast_in_dim3A_261] : memref<80x128xf32, #tpu.memory_space<vmem>>[vector<16xi32>, vector<16xi32>], vector<16xf32>,
          %mul3A_263 = arith.mulf %gather3A_262, %get3A_219 : vector<16xf32>
          tpu.vector_store_idx %arg12[%add3A_84, %broadcast_in_dim3A_261], %mul3A_263 : memref<80x128xf32, #tpu.memory_space<vmem>>[vector<16xi32>, vector<16xi32>], vector<16xf32>,
          %broadcast_in_dim3A_264 = arith.constant 43 : i32
          %broadcast_in_dim3A_265 = vector.broadcast %broadcast_in_dim3A_264 : i32 to vector<16xi32>
          %gather3A_266 = tpu.vector_load_idx %arg11[%add3A_84, %broadcast_in_dim3A_265] : memref<80x128xf32, #tpu.memory_space<vmem>>[vector<16xi32>, vector<16xi32>], vector<16xf32>,
          %mul3A_267 = arith.mulf %gather3A_266, %get3A_219 : vector<16xf32>
          tpu.vector_store_idx %arg12[%add3A_84, %broadcast_in_dim3A_265], %mul3A_267 : memref<80x128xf32, #tpu.memory_space<vmem>>[vector<16xi32>, vector<16xi32>], vector<16xf32>,
          %broadcast_in_dim3A_268 = arith.constant 44 : i32
          %broadcast_in_dim3A_269 = vector.broadcast %broadcast_in_dim3A_268 : i32 to vector<16xi32>
          %gather3A_270 = tpu.vector_load_idx %arg11[%add3A_84, %broadcast_in_dim3A_269] : memref<80x128xf32, #tpu.memory_space<vmem>>[vector<16xi32>, vector<16xi32>], vector<16xf32>,
          %mul3A_271 = arith.mulf %gather3A_270, %get3A_219 : vector<16xf32>
          tpu.vector_store_idx %arg12[%add3A_84, %broadcast_in_dim3A_269], %mul3A_271 : memref<80x128xf32, #tpu.memory_space<vmem>>[vector<16xi32>, vector<16xi32>], vector<16xf32>,
          %broadcast_in_dim3A_272 = arith.constant 45 : i32
          %broadcast_in_dim3A_273 = vector.broadcast %broadcast_in_dim3A_272 : i32 to vector<16xi32>
          %gather3A_274 = tpu.vector_load_idx %arg11[%add3A_84, %broadcast_in_dim3A_273] : memref<80x128xf32, #tpu.memory_space<vmem>>[vector<16xi32>, vector<16xi32>], vector<16xf32>,
          %mul3A_275 = arith.mulf %gather3A_274, %get3A_219 : vector<16xf32>
          tpu.vector_store_idx %arg12[%add3A_84, %broadcast_in_dim3A_273], %mul3A_275 : memref<80x128xf32, #tpu.memory_space<vmem>>[vector<16xi32>, vector<16xi32>], vector<16xf32>,
          %broadcast_in_dim3A_276 = arith.constant 46 : i32
          %broadcast_in_dim3A_277 = vector.broadcast %broadcast_in_dim3A_276 : i32 to vector<16xi32>
          %gather3A_278 = tpu.vector_load_idx %arg11[%add3A_84, %broadcast_in_dim3A_277] : memref<80x128xf32, #tpu.memory_space<vmem>>[vector<16xi32>, vector<16xi32>], vector<16xf32>,
          %mul3A_279 = arith.mulf %gather3A_278, %get3A_219 : vector<16xf32>
          tpu.vector_store_idx %arg12[%add3A_84, %broadcast_in_dim3A_277], %mul3A_279 : memref<80x128xf32, #tpu.memory_space<vmem>>[vector<16xi32>, vector<16xi32>], vector<16xf32>,
          %broadcast_in_dim3A_280 = arith.constant 47 : i32
          %broadcast_in_dim3A_281 = vector.broadcast %broadcast_in_dim3A_280 : i32 to vector<16xi32>
          %gather3A_282 = tpu.vector_load_idx %arg11[%add3A_84, %broadcast_in_dim3A_281] : memref<80x128xf32, #tpu.memory_space<vmem>>[vector<16xi32>, vector<16xi32>], vector<16xf32>,
          %mul3A_283 = arith.mulf %gather3A_282, %get3A_219 : vector<16xf32>
          tpu.vector_store_idx %arg12[%add3A_84, %broadcast_in_dim3A_281], %mul3A_283 : memref<80x128xf32, #tpu.memory_space<vmem>>[vector<16xi32>, vector<16xi32>], vector<16xf32>,
          %broadcast_in_dim3A_284 = arith.constant 48 : i32
          %broadcast_in_dim3A_285 = vector.broadcast %broadcast_in_dim3A_284 : i32 to vector<16xi32>
          %gather3A_286 = tpu.vector_load_idx %arg11[%add3A_84, %broadcast_in_dim3A_285] : memref<80x128xf32, #tpu.memory_space<vmem>>[vector<16xi32>, vector<16xi32>], vector<16xf32>,
          %mul3A_287 = arith.mulf %gather3A_286, %get3A_219 : vector<16xf32>
          tpu.vector_store_idx %arg12[%add3A_84, %broadcast_in_dim3A_285], %mul3A_287 : memref<80x128xf32, #tpu.memory_space<vmem>>[vector<16xi32>, vector<16xi32>], vector<16xf32>,
          %broadcast_in_dim3A_288 = arith.constant 49 : i32
          %broadcast_in_dim3A_289 = vector.broadcast %broadcast_in_dim3A_288 : i32 to vector<16xi32>
          %gather3A_290 = tpu.vector_load_idx %arg11[%add3A_84, %broadcast_in_dim3A_289] : memref<80x128xf32, #tpu.memory_space<vmem>>[vector<16xi32>, vector<16xi32>], vector<16xf32>,
          %mul3A_291 = arith.mulf %gather3A_290, %get3A_219 : vector<16xf32>
          tpu.vector_store_idx %arg12[%add3A_84, %broadcast_in_dim3A_289], %mul3A_291 : memref<80x128xf32, #tpu.memory_space<vmem>>[vector<16xi32>, vector<16xi32>], vector<16xf32>,
          %broadcast_in_dim3A_292 = arith.constant 50 : i32
          %broadcast_in_dim3A_293 = vector.broadcast %broadcast_in_dim3A_292 : i32 to vector<16xi32>
          %gather3A_294 = tpu.vector_load_idx %arg11[%add3A_84, %broadcast_in_dim3A_293] : memref<80x128xf32, #tpu.memory_space<vmem>>[vector<16xi32>, vector<16xi32>], vector<16xf32>,
          %mul3A_295 = arith.mulf %gather3A_294, %get3A_219 : vector<16xf32>
          tpu.vector_store_idx %arg12[%add3A_84, %broadcast_in_dim3A_293], %mul3A_295 : memref<80x128xf32, #tpu.memory_space<vmem>>[vector<16xi32>, vector<16xi32>], vector<16xf32>,
          %broadcast_in_dim3A_296 = arith.constant 51 : i32
          %broadcast_in_dim3A_297 = vector.broadcast %broadcast_in_dim3A_296 : i32 to vector<16xi32>
          %gather3A_298 = tpu.vector_load_idx %arg11[%add3A_84, %broadcast_in_dim3A_297] : memref<80x128xf32, #tpu.memory_space<vmem>>[vector<16xi32>, vector<16xi32>], vector<16xf32>,
          %mul3A_299 = arith.mulf %gather3A_298, %get3A_219 : vector<16xf32>
          tpu.vector_store_idx %arg12[%add3A_84, %broadcast_in_dim3A_297], %mul3A_299 : memref<80x128xf32, #tpu.memory_space<vmem>>[vector<16xi32>, vector<16xi32>], vector<16xf32>,
          %broadcast_in_dim3A_300 = arith.constant 52 : i32
          %broadcast_in_dim3A_301 = vector.broadcast %broadcast_in_dim3A_300 : i32 to vector<16xi32>
          %gather3A_302 = tpu.vector_load_idx %arg11[%add3A_84, %broadcast_in_dim3A_301] : memref<80x128xf32, #tpu.memory_space<vmem>>[vector<16xi32>, vector<16xi32>], vector<16xf32>,
          %mul3A_303 = arith.mulf %gather3A_302, %get3A_219 : vector<16xf32>
          tpu.vector_store_idx %arg12[%add3A_84, %broadcast_in_dim3A_301], %mul3A_303 : memref<80x128xf32, #tpu.memory_space<vmem>>[vector<16xi32>, vector<16xi32>], vector<16xf32>,
          %broadcast_in_dim3A_304 = arith.constant 53 : i32
          %broadcast_in_dim3A_305 = vector.broadcast %broadcast_in_dim3A_304 : i32 to vector<16xi32>
          %gather3A_306 = tpu.vector_load_idx %arg11[%add3A_84, %broadcast_in_dim3A_305] : memref<80x128xf32, #tpu.memory_space<vmem>>[vector<16xi32>, vector<16xi32>], vector<16xf32>,
          %mul3A_307 = arith.mulf %gather3A_306, %get3A_219 : vector<16xf32>
          tpu.vector_store_idx %arg12[%add3A_84, %broadcast_in_dim3A_305], %mul3A_307 : memref<80x128xf32, #tpu.memory_space<vmem>>[vector<16xi32>, vector<16xi32>], vector<16xf32>,
          %broadcast_in_dim3A_308 = arith.constant 54 : i32
          %broadcast_in_dim3A_309 = vector.broadcast %broadcast_in_dim3A_308 : i32 to vector<16xi32>
          %gather3A_310 = tpu.vector_load_idx %arg11[%add3A_84, %broadcast_in_dim3A_309] : memref<80x128xf32, #tpu.memory_space<vmem>>[vector<16xi32>, vector<16xi32>], vector<16xf32>,
          %mul3A_311 = arith.mulf %gather3A_310, %get3A_219 : vector<16xf32>
          tpu.vector_store_idx %arg12[%add3A_84, %broadcast_in_dim3A_309], %mul3A_311 : memref<80x128xf32, #tpu.memory_space<vmem>>[vector<16xi32>, vector<16xi32>], vector<16xf32>,
          %broadcast_in_dim3A_312 = arith.constant 55 : i32
          %broadcast_in_dim3A_313 = vector.broadcast %broadcast_in_dim3A_312 : i32 to vector<16xi32>
          %gather3A_314 = tpu.vector_load_idx %arg11[%add3A_84, %broadcast_in_dim3A_313] : memref<80x128xf32, #tpu.memory_space<vmem>>[vector<16xi32>, vector<16xi32>], vector<16xf32>,
          %mul3A_315 = arith.mulf %gather3A_314, %get3A_219 : vector<16xf32>
          tpu.vector_store_idx %arg12[%add3A_84, %broadcast_in_dim3A_313], %mul3A_315 : memref<80x128xf32, #tpu.memory_space<vmem>>[vector<16xi32>, vector<16xi32>], vector<16xf32>,
          %broadcast_in_dim3A_316 = arith.constant 56 : i32
          %broadcast_in_dim3A_317 = vector.broadcast %broadcast_in_dim3A_316 : i32 to vector<16xi32>
          %gather3A_318 = tpu.vector_load_idx %arg11[%add3A_84, %broadcast_in_dim3A_317] : memref<80x128xf32, #tpu.memory_space<vmem>>[vector<16xi32>, vector<16xi32>], vector<16xf32>,
          %mul3A_319 = arith.mulf %gather3A_318, %get3A_219 : vector<16xf32>
          tpu.vector_store_idx %arg12[%add3A_84, %broadcast_in_dim3A_317], %mul3A_319 : memref<80x128xf32, #tpu.memory_space<vmem>>[vector<16xi32>, vector<16xi32>], vector<16xf32>,
          %broadcast_in_dim3A_320 = arith.constant 57 : i32
          %broadcast_in_dim3A_321 = vector.broadcast %broadcast_in_dim3A_320 : i32 to vector<16xi32>
          %gather3A_322 = tpu.vector_load_idx %arg11[%add3A_84, %broadcast_in_dim3A_321] : memref<80x128xf32, #tpu.memory_space<vmem>>[vector<16xi32>, vector<16xi32>], vector<16xf32>,
          %mul3A_323 = arith.mulf %gather3A_322, %get3A_219 : vector<16xf32>
          tpu.vector_store_idx %arg12[%add3A_84, %broadcast_in_dim3A_321], %mul3A_323 : memref<80x128xf32, #tpu.memory_space<vmem>>[vector<16xi32>, vector<16xi32>], vector<16xf32>,
          %broadcast_in_dim3A_324 = arith.constant 58 : i32
          %broadcast_in_dim3A_325 = vector.broadcast %broadcast_in_dim3A_324 : i32 to vector<16xi32>
          %gather3A_326 = tpu.vector_load_idx %arg11[%add3A_84, %broadcast_in_dim3A_325] : memref<80x128xf32, #tpu.memory_space<vmem>>[vector<16xi32>, vector<16xi32>], vector<16xf32>,
          %mul3A_327 = arith.mulf %gather3A_326, %get3A_219 : vector<16xf32>
          tpu.vector_store_idx %arg12[%add3A_84, %broadcast_in_dim3A_325], %mul3A_327 : memref<80x128xf32, #tpu.memory_space<vmem>>[vector<16xi32>, vector<16xi32>], vector<16xf32>,
          %broadcast_in_dim3A_328 = arith.constant 59 : i32
          %broadcast_in_dim3A_329 = vector.broadcast %broadcast_in_dim3A_328 : i32 to vector<16xi32>
          %gather3A_330 = tpu.vector_load_idx %arg11[%add3A_84, %broadcast_in_dim3A_329] : memref<80x128xf32, #tpu.memory_space<vmem>>[vector<16xi32>, vector<16xi32>], vector<16xf32>,
          %mul3A_331 = arith.mulf %gather3A_330, %get3A_219 : vector<16xf32>
          tpu.vector_store_idx %arg12[%add3A_84, %broadcast_in_dim3A_329], %mul3A_331 : memref<80x128xf32, #tpu.memory_space<vmem>>[vector<16xi32>, vector<16xi32>], vector<16xf32>,
          %broadcast_in_dim3A_332 = arith.constant 60 : i32
          %broadcast_in_dim3A_333 = vector.broadcast %broadcast_in_dim3A_332 : i32 to vector<16xi32>
          %gather3A_334 = tpu.vector_load_idx %arg11[%add3A_84, %broadcast_in_dim3A_333] : memref<80x128xf32, #tpu.memory_space<vmem>>[vector<16xi32>, vector<16xi32>], vector<16xf32>,
          %mul3A_335 = arith.mulf %gather3A_334, %get3A_219 : vector<16xf32>
          tpu.vector_store_idx %arg12[%add3A_84, %broadcast_in_dim3A_333], %mul3A_335 : memref<80x128xf32, #tpu.memory_space<vmem>>[vector<16xi32>, vector<16xi32>], vector<16xf32>,
          %broadcast_in_dim3A_336 = arith.constant 61 : i32
          %broadcast_in_dim3A_337 = vector.broadcast %broadcast_in_dim3A_336 : i32 to vector<16xi32>
          %gather3A_338 = tpu.vector_load_idx %arg11[%add3A_84, %broadcast_in_dim3A_337] : memref<80x128xf32, #tpu.memory_space<vmem>>[vector<16xi32>, vector<16xi32>], vector<16xf32>,
          %mul3A_339 = arith.mulf %gather3A_338, %get3A_219 : vector<16xf32>
          tpu.vector_store_idx %arg12[%add3A_84, %broadcast_in_dim3A_337], %mul3A_339 : memref<80x128xf32, #tpu.memory_space<vmem>>[vector<16xi32>, vector<16xi32>], vector<16xf32>,
          %broadcast_in_dim3A_340 = arith.constant 62 : i32
          %broadcast_in_dim3A_341 = vector.broadcast %broadcast_in_dim3A_340 : i32 to vector<16xi32>
          %gather3A_342 = tpu.vector_load_idx %arg11[%add3A_84, %broadcast_in_dim3A_341] : memref<80x128xf32, #tpu.memory_space<vmem>>[vector<16xi32>, vector<16xi32>], vector<16xf32>,
          %mul3A_343 = arith.mulf %gather3A_342, %get3A_219 : vector<16xf32>
          tpu.vector_store_idx %arg12[%add3A_84, %broadcast_in_dim3A_341], %mul3A_343 : memref<80x128xf32, #tpu.memory_space<vmem>>[vector<16xi32>, vector<16xi32>], vector<16xf32>,
          %broadcast_in_dim3A_344 = arith.constant 63 : i32
          %broadcast_in_dim3A_345 = vector.broadcast %broadcast_in_dim3A_344 : i32 to vector<16xi32>
          %gather3A_346 = tpu.vector_load_idx %arg11[%add3A_84, %broadcast_in_dim3A_345] : memref<80x128xf32, #tpu.memory_space<vmem>>[vector<16xi32>, vector<16xi32>], vector<16xf32>,
          %mul3A_347 = arith.mulf %gather3A_346, %get3A_219 : vector<16xf32>
          tpu.vector_store_idx %arg12[%add3A_84, %broadcast_in_dim3A_345], %mul3A_347 : memref<80x128xf32, #tpu.memory_space<vmem>>[vector<16xi32>, vector<16xi32>], vector<16xf32>,
          %mul3A_348 = arith.constant 16 : i32
          %mul3A_349 = arith.muli %scan3A_79, %mul3A_348 : i32
          %add3A_350 = arith.addi %mul3A_59, %mul3A_349 : i32
          %get3A_351 = arith.index_cast %add3A_350 : i32 to index
          %get3A_352 = tpu.vector_load %arg17[%get3A_351] {strides = array<i32>} : memref<2000xf32, #tpu.memory_space<vmem>>, vector<16xf32>,
          %broadcast_in_dim3A_353 = arith.constant 64 : i32
          %broadcast_in_dim3A_354 = vector.broadcast %broadcast_in_dim3A_353 : i32 to vector<16xi32>
          %gather3A_355 = tpu.vector_load_idx %arg11[%add3A_84, %broadcast_in_dim3A_354] : memref<80x128xf32, #tpu.memory_space<vmem>>[vector<16xi32>, vector<16xi32>], vector<16xf32>,
          %mul3A_356 = arith.mulf %gather3A_355, %get3A_352 : vector<16xf32>
          tpu.vector_store_idx %arg12[%add3A_84, %broadcast_in_dim3A_354], %mul3A_356 : memref<80x128xf32, #tpu.memory_space<vmem>>[vector<16xi32>, vector<16xi32>], vector<16xf32>,
          %broadcast_in_dim3A_357 = arith.constant 65 : i32
          %broadcast_in_dim3A_358 = vector.broadcast %broadcast_in_dim3A_357 : i32 to vector<16xi32>
          %gather3A_359 = tpu.vector_load_idx %arg11[%add3A_84, %broadcast_in_dim3A_358] : memref<80x128xf32, #tpu.memory_space<vmem>>[vector<16xi32>, vector<16xi32>], vector<16xf32>,
          %mul3A_360 = arith.mulf %gather3A_359, %get3A_352 : vector<16xf32>
          tpu.vector_store_idx %arg12[%add3A_84, %broadcast_in_dim3A_358], %mul3A_360 : memref<80x128xf32, #tpu.memory_space<vmem>>[vector<16xi32>, vector<16xi32>], vector<16xf32>,
          %broadcast_in_dim3A_361 = arith.constant 66 : i32
          %broadcast_in_dim3A_362 = vector.broadcast %broadcast_in_dim3A_361 : i32 to vector<16xi32>
          %gather3A_363 = tpu.vector_load_idx %arg11[%add3A_84, %broadcast_in_dim3A_362] : memref<80x128xf32, #tpu.memory_space<vmem>>[vector<16xi32>, vector<16xi32>], vector<16xf32>,
          %mul3A_364 = arith.mulf %gather3A_363, %get3A_352 : vector<16xf32>
          tpu.vector_store_idx %arg12[%add3A_84, %broadcast_in_dim3A_362], %mul3A_364 : memref<80x128xf32, #tpu.memory_space<vmem>>[vector<16xi32>, vector<16xi32>], vector<16xf32>,
          %broadcast_in_dim3A_365 = arith.constant 67 : i32
          %broadcast_in_dim3A_366 = vector.broadcast %broadcast_in_dim3A_365 : i32 to vector<16xi32>
          %gather3A_367 = tpu.vector_load_idx %arg11[%add3A_84, %broadcast_in_dim3A_366] : memref<80x128xf32, #tpu.memory_space<vmem>>[vector<16xi32>, vector<16xi32>], vector<16xf32>,
          %mul3A_368 = arith.mulf %gather3A_367, %get3A_352 : vector<16xf32>
          tpu.vector_store_idx %arg12[%add3A_84, %broadcast_in_dim3A_366], %mul3A_368 : memref<80x128xf32, #tpu.memory_space<vmem>>[vector<16xi32>, vector<16xi32>], vector<16xf32>,
          %broadcast_in_dim3A_369 = arith.constant 68 : i32
          %broadcast_in_dim3A_370 = vector.broadcast %broadcast_in_dim3A_369 : i32 to vector<16xi32>
          %gather3A_371 = tpu.vector_load_idx %arg11[%add3A_84, %broadcast_in_dim3A_370] : memref<80x128xf32, #tpu.memory_space<vmem>>[vector<16xi32>, vector<16xi32>], vector<16xf32>,
          %mul3A_372 = arith.mulf %gather3A_371, %get3A_352 : vector<16xf32>
          tpu.vector_store_idx %arg12[%add3A_84, %broadcast_in_dim3A_370], %mul3A_372 : memref<80x128xf32, #tpu.memory_space<vmem>>[vector<16xi32>, vector<16xi32>], vector<16xf32>,
          %broadcast_in_dim3A_373 = arith.constant 69 : i32
          %broadcast_in_dim3A_374 = vector.broadcast %broadcast_in_dim3A_373 : i32 to vector<16xi32>
          %gather3A_375 = tpu.vector_load_idx %arg11[%add3A_84, %broadcast_in_dim3A_374] : memref<80x128xf32, #tpu.memory_space<vmem>>[vector<16xi32>, vector<16xi32>], vector<16xf32>,
          %mul3A_376 = arith.mulf %gather3A_375, %get3A_352 : vector<16xf32>
          tpu.vector_store_idx %arg12[%add3A_84, %broadcast_in_dim3A_374], %mul3A_376 : memref<80x128xf32, #tpu.memory_space<vmem>>[vector<16xi32>, vector<16xi32>], vector<16xf32>,
          %broadcast_in_dim3A_377 = arith.constant 70 : i32
          %broadcast_in_dim3A_378 = vector.broadcast %broadcast_in_dim3A_377 : i32 to vector<16xi32>
          %gather3A_379 = tpu.vector_load_idx %arg11[%add3A_84, %broadcast_in_dim3A_378] : memref<80x128xf32, #tpu.memory_space<vmem>>[vector<16xi32>, vector<16xi32>], vector<16xf32>,
          %mul3A_380 = arith.mulf %gather3A_379, %get3A_352 : vector<16xf32>
          tpu.vector_store_idx %arg12[%add3A_84, %broadcast_in_dim3A_378], %mul3A_380 : memref<80x128xf32, #tpu.memory_space<vmem>>[vector<16xi32>, vector<16xi32>], vector<16xf32>,
          %broadcast_in_dim3A_381 = arith.constant 71 : i32
          %broadcast_in_dim3A_382 = vector.broadcast %broadcast_in_dim3A_381 : i32 to vector<16xi32>
          %gather3A_383 = tpu.vector_load_idx %arg11[%add3A_84, %broadcast_in_dim3A_382] : memref<80x128xf32, #tpu.memory_space<vmem>>[vector<16xi32>, vector<16xi32>], vector<16xf32>,
          %mul3A_384 = arith.mulf %gather3A_383, %get3A_352 : vector<16xf32>
          tpu.vector_store_idx %arg12[%add3A_84, %broadcast_in_dim3A_382], %mul3A_384 : memref<80x128xf32, #tpu.memory_space<vmem>>[vector<16xi32>, vector<16xi32>], vector<16xf32>,
          %broadcast_in_dim3A_385 = arith.constant 72 : i32
          %broadcast_in_dim3A_386 = vector.broadcast %broadcast_in_dim3A_385 : i32 to vector<16xi32>
          %gather3A_387 = tpu.vector_load_idx %arg11[%add3A_84, %broadcast_in_dim3A_386] : memref<80x128xf32, #tpu.memory_space<vmem>>[vector<16xi32>, vector<16xi32>], vector<16xf32>,
          %mul3A_388 = arith.mulf %gather3A_387, %get3A_352 : vector<16xf32>
          tpu.vector_store_idx %arg12[%add3A_84, %broadcast_in_dim3A_386], %mul3A_388 : memref<80x128xf32, #tpu.memory_space<vmem>>[vector<16xi32>, vector<16xi32>], vector<16xf32>,
          %broadcast_in_dim3A_389 = arith.constant 73 : i32
          %broadcast_in_dim3A_390 = vector.broadcast %broadcast_in_dim3A_389 : i32 to vector<16xi32>
          %gather3A_391 = tpu.vector_load_idx %arg11[%add3A_84, %broadcast_in_dim3A_390] : memref<80x128xf32, #tpu.memory_space<vmem>>[vector<16xi32>, vector<16xi32>], vector<16xf32>,
          %mul3A_392 = arith.mulf %gather3A_391, %get3A_352 : vector<16xf32>
          tpu.vector_store_idx %arg12[%add3A_84, %broadcast_in_dim3A_390], %mul3A_392 : memref<80x128xf32, #tpu.memory_space<vmem>>[vector<16xi32>, vector<16xi32>], vector<16xf32>,
          %broadcast_in_dim3A_393 = arith.constant 74 : i32
          %broadcast_in_dim3A_394 = vector.broadcast %broadcast_in_dim3A_393 : i32 to vector<16xi32>
          %gather3A_395 = tpu.vector_load_idx %arg11[%add3A_84, %broadcast_in_dim3A_394] : memref<80x128xf32, #tpu.memory_space<vmem>>[vector<16xi32>, vector<16xi32>], vector<16xf32>,
          %mul3A_396 = arith.mulf %gather3A_395, %get3A_352 : vector<16xf32>
          tpu.vector_store_idx %arg12[%add3A_84, %broadcast_in_dim3A_394], %mul3A_396 : memref<80x128xf32, #tpu.memory_space<vmem>>[vector<16xi32>, vector<16xi32>], vector<16xf32>,
          %broadcast_in_dim3A_397 = arith.constant 75 : i32
          %broadcast_in_dim3A_398 = vector.broadcast %broadcast_in_dim3A_397 : i32 to vector<16xi32>
          %gather3A_399 = tpu.vector_load_idx %arg11[%add3A_84, %broadcast_in_dim3A_398] : memref<80x128xf32, #tpu.memory_space<vmem>>[vector<16xi32>, vector<16xi32>], vector<16xf32>,
          %mul3A_400 = arith.mulf %gather3A_399, %get3A_352 : vector<16xf32>
          tpu.vector_store_idx %arg12[%add3A_84, %broadcast_in_dim3A_398], %mul3A_400 : memref<80x128xf32, #tpu.memory_space<vmem>>[vector<16xi32>, vector<16xi32>], vector<16xf32>,
          %broadcast_in_dim3A_401 = arith.constant 76 : i32
          %broadcast_in_dim3A_402 = vector.broadcast %broadcast_in_dim3A_401 : i32 to vector<16xi32>
          %gather3A_403 = tpu.vector_load_idx %arg11[%add3A_84, %broadcast_in_dim3A_402] : memref<80x128xf32, #tpu.memory_space<vmem>>[vector<16xi32>, vector<16xi32>], vector<16xf32>,
          %mul3A_404 = arith.mulf %gather3A_403, %get3A_352 : vector<16xf32>
          tpu.vector_store_idx %arg12[%add3A_84, %broadcast_in_dim3A_402], %mul3A_404 : memref<80x128xf32, #tpu.memory_space<vmem>>[vector<16xi32>, vector<16xi32>], vector<16xf32>,
          %broadcast_in_dim3A_405 = arith.constant 77 : i32
          %broadcast_in_dim3A_406 = vector.broadcast %broadcast_in_dim3A_405 : i32 to vector<16xi32>
          %gather3A_407 = tpu.vector_load_idx %arg11[%add3A_84, %broadcast_in_dim3A_406] : memref<80x128xf32, #tpu.memory_space<vmem>>[vector<16xi32>, vector<16xi32>], vector<16xf32>,
          %mul3A_408 = arith.mulf %gather3A_407, %get3A_352 : vector<16xf32>
          tpu.vector_store_idx %arg12[%add3A_84, %broadcast_in_dim3A_406], %mul3A_408 : memref<80x128xf32, #tpu.memory_space<vmem>>[vector<16xi32>, vector<16xi32>], vector<16xf32>,
          %broadcast_in_dim3A_409 = arith.constant 78 : i32
          %broadcast_in_dim3A_410 = vector.broadcast %broadcast_in_dim3A_409 : i32 to vector<16xi32>
          %gather3A_411 = tpu.vector_load_idx %arg11[%add3A_84, %broadcast_in_dim3A_410] : memref<80x128xf32, #tpu.memory_space<vmem>>[vector<16xi32>, vector<16xi32>], vector<16xf32>,
          %mul3A_412 = arith.mulf %gather3A_411, %get3A_352 : vector<16xf32>
          tpu.vector_store_idx %arg12[%add3A_84, %broadcast_in_dim3A_410], %mul3A_412 : memref<80x128xf32, #tpu.memory_space<vmem>>[vector<16xi32>, vector<16xi32>], vector<16xf32>,
          %broadcast_in_dim3A_413 = arith.constant 79 : i32
          %broadcast_in_dim3A_414 = vector.broadcast %broadcast_in_dim3A_413 : i32 to vector<16xi32>
          %gather3A_415 = tpu.vector_load_idx %arg11[%add3A_84, %broadcast_in_dim3A_414] : memref<80x128xf32, #tpu.memory_space<vmem>>[vector<16xi32>, vector<16xi32>], vector<16xf32>,
          %mul3A_416 = arith.mulf %gather3A_415, %get3A_352 : vector<16xf32>
          tpu.vector_store_idx %arg12[%add3A_84, %broadcast_in_dim3A_414], %mul3A_416 : memref<80x128xf32, #tpu.memory_space<vmem>>[vector<16xi32>, vector<16xi32>], vector<16xf32>,
          %broadcast_in_dim3A_417 = arith.constant 80 : i32
          %broadcast_in_dim3A_418 = vector.broadcast %broadcast_in_dim3A_417 : i32 to vector<16xi32>
          %gather3A_419 = tpu.vector_load_idx %arg11[%add3A_84, %broadcast_in_dim3A_418] : memref<80x128xf32, #tpu.memory_space<vmem>>[vector<16xi32>, vector<16xi32>], vector<16xf32>,
          %mul3A_420 = arith.mulf %gather3A_419, %get3A_352 : vector<16xf32>
          tpu.vector_store_idx %arg12[%add3A_84, %broadcast_in_dim3A_418], %mul3A_420 : memref<80x128xf32, #tpu.memory_space<vmem>>[vector<16xi32>, vector<16xi32>], vector<16xf32>,
          %broadcast_in_dim3A_421 = arith.constant 81 : i32
          %broadcast_in_dim3A_422 = vector.broadcast %broadcast_in_dim3A_421 : i32 to vector<16xi32>
          %gather3A_423 = tpu.vector_load_idx %arg11[%add3A_84, %broadcast_in_dim3A_422] : memref<80x128xf32, #tpu.memory_space<vmem>>[vector<16xi32>, vector<16xi32>], vector<16xf32>,
          %mul3A_424 = arith.mulf %gather3A_423, %get3A_352 : vector<16xf32>
          tpu.vector_store_idx %arg12[%add3A_84, %broadcast_in_dim3A_422], %mul3A_424 : memref<80x128xf32, #tpu.memory_space<vmem>>[vector<16xi32>, vector<16xi32>], vector<16xf32>,
          %broadcast_in_dim3A_425 = arith.constant 82 : i32
          %broadcast_in_dim3A_426 = vector.broadcast %broadcast_in_dim3A_425 : i32 to vector<16xi32>
          %gather3A_427 = tpu.vector_load_idx %arg11[%add3A_84, %broadcast_in_dim3A_426] : memref<80x128xf32, #tpu.memory_space<vmem>>[vector<16xi32>, vector<16xi32>], vector<16xf32>,
          %mul3A_428 = arith.mulf %gather3A_427, %get3A_352 : vector<16xf32>
          tpu.vector_store_idx %arg12[%add3A_84, %broadcast_in_dim3A_426], %mul3A_428 : memref<80x128xf32, #tpu.memory_space<vmem>>[vector<16xi32>, vector<16xi32>], vector<16xf32>,
          %broadcast_in_dim3A_429 = arith.constant 83 : i32
          %broadcast_in_dim3A_430 = vector.broadcast %broadcast_in_dim3A_429 : i32 to vector<16xi32>
          %gather3A_431 = tpu.vector_load_idx %arg11[%add3A_84, %broadcast_in_dim3A_430] : memref<80x128xf32, #tpu.memory_space<vmem>>[vector<16xi32>, vector<16xi32>], vector<16xf32>,
          %mul3A_432 = arith.mulf %gather3A_431, %get3A_352 : vector<16xf32>
          tpu.vector_store_idx %arg12[%add3A_84, %broadcast_in_dim3A_430], %mul3A_432 : memref<80x128xf32, #tpu.memory_space<vmem>>[vector<16xi32>, vector<16xi32>], vector<16xf32>,
          %broadcast_in_dim3A_433 = arith.constant 84 : i32
          %broadcast_in_dim3A_434 = vector.broadcast %broadcast_in_dim3A_433 : i32 to vector<16xi32>
          %gather3A_435 = tpu.vector_load_idx %arg11[%add3A_84, %broadcast_in_dim3A_434] : memref<80x128xf32, #tpu.memory_space<vmem>>[vector<16xi32>, vector<16xi32>], vector<16xf32>,
          %mul3A_436 = arith.mulf %gather3A_435, %get3A_352 : vector<16xf32>
          tpu.vector_store_idx %arg12[%add3A_84, %broadcast_in_dim3A_434], %mul3A_436 : memref<80x128xf32, #tpu.memory_space<vmem>>[vector<16xi32>, vector<16xi32>], vector<16xf32>,
          %broadcast_in_dim3A_437 = arith.constant 85 : i32
          %broadcast_in_dim3A_438 = vector.broadcast %broadcast_in_dim3A_437 : i32 to vector<16xi32>
          %gather3A_439 = tpu.vector_load_idx %arg11[%add3A_84, %broadcast_in_dim3A_438] : memref<80x128xf32, #tpu.memory_space<vmem>>[vector<16xi32>, vector<16xi32>], vector<16xf32>,
          %mul3A_440 = arith.mulf %gather3A_439, %get3A_352 : vector<16xf32>
          tpu.vector_store_idx %arg12[%add3A_84, %broadcast_in_dim3A_438], %mul3A_440 : memref<80x128xf32, #tpu.memory_space<vmem>>[vector<16xi32>, vector<16xi32>], vector<16xf32>,
          %broadcast_in_dim3A_441 = arith.constant 86 : i32
          %broadcast_in_dim3A_442 = vector.broadcast %broadcast_in_dim3A_441 : i32 to vector<16xi32>
          %gather3A_443 = tpu.vector_load_idx %arg11[%add3A_84, %broadcast_in_dim3A_442] : memref<80x128xf32, #tpu.memory_space<vmem>>[vector<16xi32>, vector<16xi32>], vector<16xf32>,
          %mul3A_444 = arith.mulf %gather3A_443, %get3A_352 : vector<16xf32>
          tpu.vector_store_idx %arg12[%add3A_84, %broadcast_in_dim3A_442], %mul3A_444 : memref<80x128xf32, #tpu.memory_space<vmem>>[vector<16xi32>, vector<16xi32>], vector<16xf32>,
          %broadcast_in_dim3A_445 = arith.constant 87 : i32
          %broadcast_in_dim3A_446 = vector.broadcast %broadcast_in_dim3A_445 : i32 to vector<16xi32>
          %gather3A_447 = tpu.vector_load_idx %arg11[%add3A_84, %broadcast_in_dim3A_446] : memref<80x128xf32, #tpu.memory_space<vmem>>[vector<16xi32>, vector<16xi32>], vector<16xf32>,
          %mul3A_448 = arith.mulf %gather3A_447, %get3A_352 : vector<16xf32>
          tpu.vector_store_idx %arg12[%add3A_84, %broadcast_in_dim3A_446], %mul3A_448 : memref<80x128xf32, #tpu.memory_space<vmem>>[vector<16xi32>, vector<16xi32>], vector<16xf32>,
          %broadcast_in_dim3A_449 = arith.constant 88 : i32
          %broadcast_in_dim3A_450 = vector.broadcast %broadcast_in_dim3A_449 : i32 to vector<16xi32>
          %gather3A_451 = tpu.vector_load_idx %arg11[%add3A_84, %broadcast_in_dim3A_450] : memref<80x128xf32, #tpu.memory_space<vmem>>[vector<16xi32>, vector<16xi32>], vector<16xf32>,
          %mul3A_452 = arith.mulf %gather3A_451, %get3A_352 : vector<16xf32>
          tpu.vector_store_idx %arg12[%add3A_84, %broadcast_in_dim3A_450], %mul3A_452 : memref<80x128xf32, #tpu.memory_space<vmem>>[vector<16xi32>, vector<16xi32>], vector<16xf32>,
          %broadcast_in_dim3A_453 = arith.constant 89 : i32
          %broadcast_in_dim3A_454 = vector.broadcast %broadcast_in_dim3A_453 : i32 to vector<16xi32>
          %gather3A_455 = tpu.vector_load_idx %arg11[%add3A_84, %broadcast_in_dim3A_454] : memref<80x128xf32, #tpu.memory_space<vmem>>[vector<16xi32>, vector<16xi32>], vector<16xf32>,
          %mul3A_456 = arith.mulf %gather3A_455, %get3A_352 : vector<16xf32>
          tpu.vector_store_idx %arg12[%add3A_84, %broadcast_in_dim3A_454], %mul3A_456 : memref<80x128xf32, #tpu.memory_space<vmem>>[vector<16xi32>, vector<16xi32>], vector<16xf32>,
          %broadcast_in_dim3A_457 = arith.constant 90 : i32
          %broadcast_in_dim3A_458 = vector.broadcast %broadcast_in_dim3A_457 : i32 to vector<16xi32>
          %gather3A_459 = tpu.vector_load_idx %arg11[%add3A_84, %broadcast_in_dim3A_458] : memref<80x128xf32, #tpu.memory_space<vmem>>[vector<16xi32>, vector<16xi32>], vector<16xf32>,
          %mul3A_460 = arith.mulf %gather3A_459, %get3A_352 : vector<16xf32>
          tpu.vector_store_idx %arg12[%add3A_84, %broadcast_in_dim3A_458], %mul3A_460 : memref<80x128xf32, #tpu.memory_space<vmem>>[vector<16xi32>, vector<16xi32>], vector<16xf32>,
          %broadcast_in_dim3A_461 = arith.constant 91 : i32
          %broadcast_in_dim3A_462 = vector.broadcast %broadcast_in_dim3A_461 : i32 to vector<16xi32>
          %gather3A_463 = tpu.vector_load_idx %arg11[%add3A_84, %broadcast_in_dim3A_462] : memref<80x128xf32, #tpu.memory_space<vmem>>[vector<16xi32>, vector<16xi32>], vector<16xf32>,
          %mul3A_464 = arith.mulf %gather3A_463, %get3A_352 : vector<16xf32>
          tpu.vector_store_idx %arg12[%add3A_84, %broadcast_in_dim3A_462], %mul3A_464 : memref<80x128xf32, #tpu.memory_space<vmem>>[vector<16xi32>, vector<16xi32>], vector<16xf32>,
          %broadcast_in_dim3A_465 = arith.constant 92 : i32
          %broadcast_in_dim3A_466 = vector.broadcast %broadcast_in_dim3A_465 : i32 to vector<16xi32>
          %gather3A_467 = tpu.vector_load_idx %arg11[%add3A_84, %broadcast_in_dim3A_466] : memref<80x128xf32, #tpu.memory_space<vmem>>[vector<16xi32>, vector<16xi32>], vector<16xf32>,
          %mul3A_468 = arith.mulf %gather3A_467, %get3A_352 : vector<16xf32>
          tpu.vector_store_idx %arg12[%add3A_84, %broadcast_in_dim3A_466], %mul3A_468 : memref<80x128xf32, #tpu.memory_space<vmem>>[vector<16xi32>, vector<16xi32>], vector<16xf32>,
          %broadcast_in_dim3A_469 = arith.constant 93 : i32
          %broadcast_in_dim3A_470 = vector.broadcast %broadcast_in_dim3A_469 : i32 to vector<16xi32>
          %gather3A_471 = tpu.vector_load_idx %arg11[%add3A_84, %broadcast_in_dim3A_470] : memref<80x128xf32, #tpu.memory_space<vmem>>[vector<16xi32>, vector<16xi32>], vector<16xf32>,
          %mul3A_472 = arith.mulf %gather3A_471, %get3A_352 : vector<16xf32>
          tpu.vector_store_idx %arg12[%add3A_84, %broadcast_in_dim3A_470], %mul3A_472 : memref<80x128xf32, #tpu.memory_space<vmem>>[vector<16xi32>, vector<16xi32>], vector<16xf32>,
          %broadcast_in_dim3A_473 = arith.constant 94 : i32
          %broadcast_in_dim3A_474 = vector.broadcast %broadcast_in_dim3A_473 : i32 to vector<16xi32>
          %gather3A_475 = tpu.vector_load_idx %arg11[%add3A_84, %broadcast_in_dim3A_474] : memref<80x128xf32, #tpu.memory_space<vmem>>[vector<16xi32>, vector<16xi32>], vector<16xf32>,
          %mul3A_476 = arith.mulf %gather3A_475, %get3A_352 : vector<16xf32>
          tpu.vector_store_idx %arg12[%add3A_84, %broadcast_in_dim3A_474], %mul3A_476 : memref<80x128xf32, #tpu.memory_space<vmem>>[vector<16xi32>, vector<16xi32>], vector<16xf32>,
          %broadcast_in_dim3A_477 = arith.constant 95 : i32
          %broadcast_in_dim3A_478 = vector.broadcast %broadcast_in_dim3A_477 : i32 to vector<16xi32>
          %gather3A_479 = tpu.vector_load_idx %arg11[%add3A_84, %broadcast_in_dim3A_478] : memref<80x128xf32, #tpu.memory_space<vmem>>[vector<16xi32>, vector<16xi32>], vector<16xf32>,
          %mul3A_480 = arith.mulf %gather3A_479, %get3A_352 : vector<16xf32>
          tpu.vector_store_idx %arg12[%add3A_84, %broadcast_in_dim3A_478], %mul3A_480 : memref<80x128xf32, #tpu.memory_space<vmem>>[vector<16xi32>, vector<16xi32>], vector<16xf32>,
          %mul3A_481 = arith.constant 16 : i32
          %mul3A_482 = arith.muli %scan3A_79, %mul3A_481 : i32
          %add3A_483 = arith.addi %mul3A_59, %mul3A_482 : i32
          %get3A_484 = arith.index_cast %add3A_483 : i32 to index
          %get3A_485 = tpu.vector_load %arg18[%get3A_484] {strides = array<i32>} : memref<2000xf32, #tpu.memory_space<vmem>>, vector<16xf32>,
          %broadcast_in_dim3A_486 = arith.constant 96 : i32
          %broadcast_in_dim3A_487 = vector.broadcast %broadcast_in_dim3A_486 : i32 to vector<16xi32>
          %gather3A_488 = tpu.vector_load_idx %arg11[%add3A_84, %broadcast_in_dim3A_487] : memref<80x128xf32, #tpu.memory_space<vmem>>[vector<16xi32>, vector<16xi32>], vector<16xf32>,
          %mul3A_489 = arith.mulf %gather3A_488, %get3A_485 : vector<16xf32>
          tpu.vector_store_idx %arg12[%add3A_84, %broadcast_in_dim3A_487], %mul3A_489 : memref<80x128xf32, #tpu.memory_space<vmem>>[vector<16xi32>, vector<16xi32>], vector<16xf32>,
          %broadcast_in_dim3A_490 = arith.constant 97 : i32
          %broadcast_in_dim3A_491 = vector.broadcast %broadcast_in_dim3A_490 : i32 to vector<16xi32>
          %gather3A_492 = tpu.vector_load_idx %arg11[%add3A_84, %broadcast_in_dim3A_491] : memref<80x128xf32, #tpu.memory_space<vmem>>[vector<16xi32>, vector<16xi32>], vector<16xf32>,
          %mul3A_493 = arith.mulf %gather3A_492, %get3A_485 : vector<16xf32>
          tpu.vector_store_idx %arg12[%add3A_84, %broadcast_in_dim3A_491], %mul3A_493 : memref<80x128xf32, #tpu.memory_space<vmem>>[vector<16xi32>, vector<16xi32>], vector<16xf32>,
          %broadcast_in_dim3A_494 = arith.constant 98 : i32
          %broadcast_in_dim3A_495 = vector.broadcast %broadcast_in_dim3A_494 : i32 to vector<16xi32>
          %gather3A_496 = tpu.vector_load_idx %arg11[%add3A_84, %broadcast_in_dim3A_495] : memref<80x128xf32, #tpu.memory_space<vmem>>[vector<16xi32>, vector<16xi32>], vector<16xf32>,
          %mul3A_497 = arith.mulf %gather3A_496, %get3A_485 : vector<16xf32>
          tpu.vector_store_idx %arg12[%add3A_84, %broadcast_in_dim3A_495], %mul3A_497 : memref<80x128xf32, #tpu.memory_space<vmem>>[vector<16xi32>, vector<16xi32>], vector<16xf32>,
          %broadcast_in_dim3A_498 = arith.constant 99 : i32
          %broadcast_in_dim3A_499 = vector.broadcast %broadcast_in_dim3A_498 : i32 to vector<16xi32>
          %gather3A_500 = tpu.vector_load_idx %arg11[%add3A_84, %broadcast_in_dim3A_499] : memref<80x128xf32, #tpu.memory_space<vmem>>[vector<16xi32>, vector<16xi32>], vector<16xf32>,
          %mul3A_501 = arith.mulf %gather3A_500, %get3A_485 : vector<16xf32>
          tpu.vector_store_idx %arg12[%add3A_84, %broadcast_in_dim3A_499], %mul3A_501 : memref<80x128xf32, #tpu.memory_space<vmem>>[vector<16xi32>, vector<16xi32>], vector<16xf32>,
          %broadcast_in_dim3A_502 = arith.constant 100 : i32
          %broadcast_in_dim3A_503 = vector.broadcast %broadcast_in_dim3A_502 : i32 to vector<16xi32>
          %gather3A_504 = tpu.vector_load_idx %arg11[%add3A_84, %broadcast_in_dim3A_503] : memref<80x128xf32, #tpu.memory_space<vmem>>[vector<16xi32>, vector<16xi32>], vector<16xf32>,
          %mul3A_505 = arith.mulf %gather3A_504, %get3A_485 : vector<16xf32>
          tpu.vector_store_idx %arg12[%add3A_84, %broadcast_in_dim3A_503], %mul3A_505 : memref<80x128xf32, #tpu.memory_space<vmem>>[vector<16xi32>, vector<16xi32>], vector<16xf32>,
          %broadcast_in_dim3A_506 = arith.constant 101 : i32
          %broadcast_in_dim3A_507 = vector.broadcast %broadcast_in_dim3A_506 : i32 to vector<16xi32>
          %gather3A_508 = tpu.vector_load_idx %arg11[%add3A_84, %broadcast_in_dim3A_507] : memref<80x128xf32, #tpu.memory_space<vmem>>[vector<16xi32>, vector<16xi32>], vector<16xf32>,
          %mul3A_509 = arith.mulf %gather3A_508, %get3A_485 : vector<16xf32>
          tpu.vector_store_idx %arg12[%add3A_84, %broadcast_in_dim3A_507], %mul3A_509 : memref<80x128xf32, #tpu.memory_space<vmem>>[vector<16xi32>, vector<16xi32>], vector<16xf32>,
          %broadcast_in_dim3A_510 = arith.constant 102 : i32
          %broadcast_in_dim3A_511 = vector.broadcast %broadcast_in_dim3A_510 : i32 to vector<16xi32>
          %gather3A_512 = tpu.vector_load_idx %arg11[%add3A_84, %broadcast_in_dim3A_511] : memref<80x128xf32, #tpu.memory_space<vmem>>[vector<16xi32>, vector<16xi32>], vector<16xf32>,
          %mul3A_513 = arith.mulf %gather3A_512, %get3A_485 : vector<16xf32>
          tpu.vector_store_idx %arg12[%add3A_84, %broadcast_in_dim3A_511], %mul3A_513 : memref<80x128xf32, #tpu.memory_space<vmem>>[vector<16xi32>, vector<16xi32>], vector<16xf32>,
          %broadcast_in_dim3A_514 = arith.constant 103 : i32
          %broadcast_in_dim3A_515 = vector.broadcast %broadcast_in_dim3A_514 : i32 to vector<16xi32>
          %gather3A_516 = tpu.vector_load_idx %arg11[%add3A_84, %broadcast_in_dim3A_515] : memref<80x128xf32, #tpu.memory_space<vmem>>[vector<16xi32>, vector<16xi32>], vector<16xf32>,
          %mul3A_517 = arith.mulf %gather3A_516, %get3A_485 : vector<16xf32>
          tpu.vector_store_idx %arg12[%add3A_84, %broadcast_in_dim3A_515], %mul3A_517 : memref<80x128xf32, #tpu.memory_space<vmem>>[vector<16xi32>, vector<16xi32>], vector<16xf32>,
          %broadcast_in_dim3A_518 = arith.constant 104 : i32
          %broadcast_in_dim3A_519 = vector.broadcast %broadcast_in_dim3A_518 : i32 to vector<16xi32>
          %gather3A_520 = tpu.vector_load_idx %arg11[%add3A_84, %broadcast_in_dim3A_519] : memref<80x128xf32, #tpu.memory_space<vmem>>[vector<16xi32>, vector<16xi32>], vector<16xf32>,
          %mul3A_521 = arith.mulf %gather3A_520, %get3A_485 : vector<16xf32>
          tpu.vector_store_idx %arg12[%add3A_84, %broadcast_in_dim3A_519], %mul3A_521 : memref<80x128xf32, #tpu.memory_space<vmem>>[vector<16xi32>, vector<16xi32>], vector<16xf32>,
          %broadcast_in_dim3A_522 = arith.constant 105 : i32
          %broadcast_in_dim3A_523 = vector.broadcast %broadcast_in_dim3A_522 : i32 to vector<16xi32>
          %gather3A_524 = tpu.vector_load_idx %arg11[%add3A_84, %broadcast_in_dim3A_523] : memref<80x128xf32, #tpu.memory_space<vmem>>[vector<16xi32>, vector<16xi32>], vector<16xf32>,
          %mul3A_525 = arith.mulf %gather3A_524, %get3A_485 : vector<16xf32>
          tpu.vector_store_idx %arg12[%add3A_84, %broadcast_in_dim3A_523], %mul3A_525 : memref<80x128xf32, #tpu.memory_space<vmem>>[vector<16xi32>, vector<16xi32>], vector<16xf32>,
          %broadcast_in_dim3A_526 = arith.constant 106 : i32
          %broadcast_in_dim3A_527 = vector.broadcast %broadcast_in_dim3A_526 : i32 to vector<16xi32>
          %gather3A_528 = tpu.vector_load_idx %arg11[%add3A_84, %broadcast_in_dim3A_527] : memref<80x128xf32, #tpu.memory_space<vmem>>[vector<16xi32>, vector<16xi32>], vector<16xf32>,
          %mul3A_529 = arith.mulf %gather3A_528, %get3A_485 : vector<16xf32>
          tpu.vector_store_idx %arg12[%add3A_84, %broadcast_in_dim3A_527], %mul3A_529 : memref<80x128xf32, #tpu.memory_space<vmem>>[vector<16xi32>, vector<16xi32>], vector<16xf32>,
          %broadcast_in_dim3A_530 = arith.constant 107 : i32
          %broadcast_in_dim3A_531 = vector.broadcast %broadcast_in_dim3A_530 : i32 to vector<16xi32>
          %gather3A_532 = tpu.vector_load_idx %arg11[%add3A_84, %broadcast_in_dim3A_531] : memref<80x128xf32, #tpu.memory_space<vmem>>[vector<16xi32>, vector<16xi32>], vector<16xf32>,
          %mul3A_533 = arith.mulf %gather3A_532, %get3A_485 : vector<16xf32>
          tpu.vector_store_idx %arg12[%add3A_84, %broadcast_in_dim3A_531], %mul3A_533 : memref<80x128xf32, #tpu.memory_space<vmem>>[vector<16xi32>, vector<16xi32>], vector<16xf32>,
          %broadcast_in_dim3A_534 = arith.constant 108 : i32
          %broadcast_in_dim3A_535 = vector.broadcast %broadcast_in_dim3A_534 : i32 to vector<16xi32>
          %gather3A_536 = tpu.vector_load_idx %arg11[%add3A_84, %broadcast_in_dim3A_535] : memref<80x128xf32, #tpu.memory_space<vmem>>[vector<16xi32>, vector<16xi32>], vector<16xf32>,
          %mul3A_537 = arith.mulf %gather3A_536, %get3A_485 : vector<16xf32>
          tpu.vector_store_idx %arg12[%add3A_84, %broadcast_in_dim3A_535], %mul3A_537 : memref<80x128xf32, #tpu.memory_space<vmem>>[vector<16xi32>, vector<16xi32>], vector<16xf32>,
          %broadcast_in_dim3A_538 = arith.constant 109 : i32
          %broadcast_in_dim3A_539 = vector.broadcast %broadcast_in_dim3A_538 : i32 to vector<16xi32>
          %gather3A_540 = tpu.vector_load_idx %arg11[%add3A_84, %broadcast_in_dim3A_539] : memref<80x128xf32, #tpu.memory_space<vmem>>[vector<16xi32>, vector<16xi32>], vector<16xf32>,
          %mul3A_541 = arith.mulf %gather3A_540, %get3A_485 : vector<16xf32>
          tpu.vector_store_idx %arg12[%add3A_84, %broadcast_in_dim3A_539], %mul3A_541 : memref<80x128xf32, #tpu.memory_space<vmem>>[vector<16xi32>, vector<16xi32>], vector<16xf32>,
          %broadcast_in_dim3A_542 = arith.constant 110 : i32
          %broadcast_in_dim3A_543 = vector.broadcast %broadcast_in_dim3A_542 : i32 to vector<16xi32>
          %gather3A_544 = tpu.vector_load_idx %arg11[%add3A_84, %broadcast_in_dim3A_543] : memref<80x128xf32, #tpu.memory_space<vmem>>[vector<16xi32>, vector<16xi32>], vector<16xf32>,
          %mul3A_545 = arith.mulf %gather3A_544, %get3A_485 : vector<16xf32>
          tpu.vector_store_idx %arg12[%add3A_84, %broadcast_in_dim3A_543], %mul3A_545 : memref<80x128xf32, #tpu.memory_space<vmem>>[vector<16xi32>, vector<16xi32>], vector<16xf32>,
          %broadcast_in_dim3A_546 = arith.constant 111 : i32
          %broadcast_in_dim3A_547 = vector.broadcast %broadcast_in_dim3A_546 : i32 to vector<16xi32>
          %gather3A_548 = tpu.vector_load_idx %arg11[%add3A_84, %broadcast_in_dim3A_547] : memref<80x128xf32, #tpu.memory_space<vmem>>[vector<16xi32>, vector<16xi32>], vector<16xf32>,
          %mul3A_549 = arith.mulf %gather3A_548, %get3A_485 : vector<16xf32>
          tpu.vector_store_idx %arg12[%add3A_84, %broadcast_in_dim3A_547], %mul3A_549 : memref<80x128xf32, #tpu.memory_space<vmem>>[vector<16xi32>, vector<16xi32>], vector<16xf32>,
          %broadcast_in_dim3A_550 = arith.constant 112 : i32
          %broadcast_in_dim3A_551 = vector.broadcast %broadcast_in_dim3A_550 : i32 to vector<16xi32>
          %gather3A_552 = tpu.vector_load_idx %arg11[%add3A_84, %broadcast_in_dim3A_551] : memref<80x128xf32, #tpu.memory_space<vmem>>[vector<16xi32>, vector<16xi32>], vector<16xf32>,
          %mul3A_553 = arith.mulf %gather3A_552, %get3A_485 : vector<16xf32>
          tpu.vector_store_idx %arg12[%add3A_84, %broadcast_in_dim3A_551], %mul3A_553 : memref<80x128xf32, #tpu.memory_space<vmem>>[vector<16xi32>, vector<16xi32>], vector<16xf32>,
          %broadcast_in_dim3A_554 = arith.constant 113 : i32
          %broadcast_in_dim3A_555 = vector.broadcast %broadcast_in_dim3A_554 : i32 to vector<16xi32>
          %gather3A_556 = tpu.vector_load_idx %arg11[%add3A_84, %broadcast_in_dim3A_555] : memref<80x128xf32, #tpu.memory_space<vmem>>[vector<16xi32>, vector<16xi32>], vector<16xf32>,
          %mul3A_557 = arith.mulf %gather3A_556, %get3A_485 : vector<16xf32>
          tpu.vector_store_idx %arg12[%add3A_84, %broadcast_in_dim3A_555], %mul3A_557 : memref<80x128xf32, #tpu.memory_space<vmem>>[vector<16xi32>, vector<16xi32>], vector<16xf32>,
          %broadcast_in_dim3A_558 = arith.constant 114 : i32
          %broadcast_in_dim3A_559 = vector.broadcast %broadcast_in_dim3A_558 : i32 to vector<16xi32>
          %gather3A_560 = tpu.vector_load_idx %arg11[%add3A_84, %broadcast_in_dim3A_559] : memref<80x128xf32, #tpu.memory_space<vmem>>[vector<16xi32>, vector<16xi32>], vector<16xf32>,
          %mul3A_561 = arith.mulf %gather3A_560, %get3A_485 : vector<16xf32>
          tpu.vector_store_idx %arg12[%add3A_84, %broadcast_in_dim3A_559], %mul3A_561 : memref<80x128xf32, #tpu.memory_space<vmem>>[vector<16xi32>, vector<16xi32>], vector<16xf32>,
          %broadcast_in_dim3A_562 = arith.constant 115 : i32
          %broadcast_in_dim3A_563 = vector.broadcast %broadcast_in_dim3A_562 : i32 to vector<16xi32>
          %gather3A_564 = tpu.vector_load_idx %arg11[%add3A_84, %broadcast_in_dim3A_563] : memref<80x128xf32, #tpu.memory_space<vmem>>[vector<16xi32>, vector<16xi32>], vector<16xf32>,
          %mul3A_565 = arith.mulf %gather3A_564, %get3A_485 : vector<16xf32>
          tpu.vector_store_idx %arg12[%add3A_84, %broadcast_in_dim3A_563], %mul3A_565 : memref<80x128xf32, #tpu.memory_space<vmem>>[vector<16xi32>, vector<16xi32>], vector<16xf32>,
          %broadcast_in_dim3A_566 = arith.constant 116 : i32
          %broadcast_in_dim3A_567 = vector.broadcast %broadcast_in_dim3A_566 : i32 to vector<16xi32>
          %gather3A_568 = tpu.vector_load_idx %arg11[%add3A_84, %broadcast_in_dim3A_567] : memref<80x128xf32, #tpu.memory_space<vmem>>[vector<16xi32>, vector<16xi32>], vector<16xf32>,
          %mul3A_569 = arith.mulf %gather3A_568, %get3A_485 : vector<16xf32>
          tpu.vector_store_idx %arg12[%add3A_84, %broadcast_in_dim3A_567], %mul3A_569 : memref<80x128xf32, #tpu.memory_space<vmem>>[vector<16xi32>, vector<16xi32>], vector<16xf32>,
          %broadcast_in_dim3A_570 = arith.constant 117 : i32
          %broadcast_in_dim3A_571 = vector.broadcast %broadcast_in_dim3A_570 : i32 to vector<16xi32>
          %gather3A_572 = tpu.vector_load_idx %arg11[%add3A_84, %broadcast_in_dim3A_571] : memref<80x128xf32, #tpu.memory_space<vmem>>[vector<16xi32>, vector<16xi32>], vector<16xf32>,
          %mul3A_573 = arith.mulf %gather3A_572, %get3A_485 : vector<16xf32>
          tpu.vector_store_idx %arg12[%add3A_84, %broadcast_in_dim3A_571], %mul3A_573 : memref<80x128xf32, #tpu.memory_space<vmem>>[vector<16xi32>, vector<16xi32>], vector<16xf32>,
          %broadcast_in_dim3A_574 = arith.constant 118 : i32
          %broadcast_in_dim3A_575 = vector.broadcast %broadcast_in_dim3A_574 : i32 to vector<16xi32>
          %gather3A_576 = tpu.vector_load_idx %arg11[%add3A_84, %broadcast_in_dim3A_575] : memref<80x128xf32, #tpu.memory_space<vmem>>[vector<16xi32>, vector<16xi32>], vector<16xf32>,
          %mul3A_577 = arith.mulf %gather3A_576, %get3A_485 : vector<16xf32>
          tpu.vector_store_idx %arg12[%add3A_84, %broadcast_in_dim3A_575], %mul3A_577 : memref<80x128xf32, #tpu.memory_space<vmem>>[vector<16xi32>, vector<16xi32>], vector<16xf32>,
          %broadcast_in_dim3A_578 = arith.constant 119 : i32
          %broadcast_in_dim3A_579 = vector.broadcast %broadcast_in_dim3A_578 : i32 to vector<16xi32>
          %gather3A_580 = tpu.vector_load_idx %arg11[%add3A_84, %broadcast_in_dim3A_579] : memref<80x128xf32, #tpu.memory_space<vmem>>[vector<16xi32>, vector<16xi32>], vector<16xf32>,
          %mul3A_581 = arith.mulf %gather3A_580, %get3A_485 : vector<16xf32>
          tpu.vector_store_idx %arg12[%add3A_84, %broadcast_in_dim3A_579], %mul3A_581 : memref<80x128xf32, #tpu.memory_space<vmem>>[vector<16xi32>, vector<16xi32>], vector<16xf32>,
          %broadcast_in_dim3A_582 = arith.constant 120 : i32
          %broadcast_in_dim3A_583 = vector.broadcast %broadcast_in_dim3A_582 : i32 to vector<16xi32>
          %gather3A_584 = tpu.vector_load_idx %arg11[%add3A_84, %broadcast_in_dim3A_583] : memref<80x128xf32, #tpu.memory_space<vmem>>[vector<16xi32>, vector<16xi32>], vector<16xf32>,
          %mul3A_585 = arith.mulf %gather3A_584, %get3A_485 : vector<16xf32>
          tpu.vector_store_idx %arg12[%add3A_84, %broadcast_in_dim3A_583], %mul3A_585 : memref<80x128xf32, #tpu.memory_space<vmem>>[vector<16xi32>, vector<16xi32>], vector<16xf32>,
          %broadcast_in_dim3A_586 = arith.constant 121 : i32
          %broadcast_in_dim3A_587 = vector.broadcast %broadcast_in_dim3A_586 : i32 to vector<16xi32>
          %gather3A_588 = tpu.vector_load_idx %arg11[%add3A_84, %broadcast_in_dim3A_587] : memref<80x128xf32, #tpu.memory_space<vmem>>[vector<16xi32>, vector<16xi32>], vector<16xf32>,
          %mul3A_589 = arith.mulf %gather3A_588, %get3A_485 : vector<16xf32>
          tpu.vector_store_idx %arg12[%add3A_84, %broadcast_in_dim3A_587], %mul3A_589 : memref<80x128xf32, #tpu.memory_space<vmem>>[vector<16xi32>, vector<16xi32>], vector<16xf32>,
          %broadcast_in_dim3A_590 = arith.constant 122 : i32
          %broadcast_in_dim3A_591 = vector.broadcast %broadcast_in_dim3A_590 : i32 to vector<16xi32>
          %gather3A_592 = tpu.vector_load_idx %arg11[%add3A_84, %broadcast_in_dim3A_591] : memref<80x128xf32, #tpu.memory_space<vmem>>[vector<16xi32>, vector<16xi32>], vector<16xf32>,
          %mul3A_593 = arith.mulf %gather3A_592, %get3A_485 : vector<16xf32>
          tpu.vector_store_idx %arg12[%add3A_84, %broadcast_in_dim3A_591], %mul3A_593 : memref<80x128xf32, #tpu.memory_space<vmem>>[vector<16xi32>, vector<16xi32>], vector<16xf32>,
          %broadcast_in_dim3A_594 = arith.constant 123 : i32
          %broadcast_in_dim3A_595 = vector.broadcast %broadcast_in_dim3A_594 : i32 to vector<16xi32>
          %gather3A_596 = tpu.vector_load_idx %arg11[%add3A_84, %broadcast_in_dim3A_595] : memref<80x128xf32, #tpu.memory_space<vmem>>[vector<16xi32>, vector<16xi32>], vector<16xf32>,
          %mul3A_597 = arith.mulf %gather3A_596, %get3A_485 : vector<16xf32>
          tpu.vector_store_idx %arg12[%add3A_84, %broadcast_in_dim3A_595], %mul3A_597 : memref<80x128xf32, #tpu.memory_space<vmem>>[vector<16xi32>, vector<16xi32>], vector<16xf32>,
          %broadcast_in_dim3A_598 = arith.constant 124 : i32
          %broadcast_in_dim3A_599 = vector.broadcast %broadcast_in_dim3A_598 : i32 to vector<16xi32>
          %gather3A_600 = tpu.vector_load_idx %arg11[%add3A_84, %broadcast_in_dim3A_599] : memref<80x128xf32, #tpu.memory_space<vmem>>[vector<16xi32>, vector<16xi32>], vector<16xf32>,
          %mul3A_601 = arith.mulf %gather3A_600, %get3A_485 : vector<16xf32>
          tpu.vector_store_idx %arg12[%add3A_84, %broadcast_in_dim3A_599], %mul3A_601 : memref<80x128xf32, #tpu.memory_space<vmem>>[vector<16xi32>, vector<16xi32>], vector<16xf32>,
          %broadcast_in_dim3A_602 = arith.constant 125 : i32
          %broadcast_in_dim3A_603 = vector.broadcast %broadcast_in_dim3A_602 : i32 to vector<16xi32>
          %gather3A_604 = tpu.vector_load_idx %arg11[%add3A_84, %broadcast_in_dim3A_603] : memref<80x128xf32, #tpu.memory_space<vmem>>[vector<16xi32>, vector<16xi32>], vector<16xf32>,
          %mul3A_605 = arith.mulf %gather3A_604, %get3A_485 : vector<16xf32>
          tpu.vector_store_idx %arg12[%add3A_84, %broadcast_in_dim3A_603], %mul3A_605 : memref<80x128xf32, #tpu.memory_space<vmem>>[vector<16xi32>, vector<16xi32>], vector<16xf32>,
          %broadcast_in_dim3A_606 = arith.constant 126 : i32
          %broadcast_in_dim3A_607 = vector.broadcast %broadcast_in_dim3A_606 : i32 to vector<16xi32>
          %gather3A_608 = tpu.vector_load_idx %arg11[%add3A_84, %broadcast_in_dim3A_607] : memref<80x128xf32, #tpu.memory_space<vmem>>[vector<16xi32>, vector<16xi32>], vector<16xf32>,
          %mul3A_609 = arith.mulf %gather3A_608, %get3A_485 : vector<16xf32>
          tpu.vector_store_idx %arg12[%add3A_84, %broadcast_in_dim3A_607], %mul3A_609 : memref<80x128xf32, #tpu.memory_space<vmem>>[vector<16xi32>, vector<16xi32>], vector<16xf32>,
          %broadcast_in_dim3A_610 = arith.constant 127 : i32
          %broadcast_in_dim3A_611 = vector.broadcast %broadcast_in_dim3A_610 : i32 to vector<16xi32>
          %gather3A_612 = tpu.vector_load_idx %arg11[%add3A_84, %broadcast_in_dim3A_611] : memref<80x128xf32, #tpu.memory_space<vmem>>[vector<16xi32>, vector<16xi32>], vector<16xf32>,
          %mul3A_613 = arith.mulf %gather3A_612, %get3A_485 : vector<16xf32>
          tpu.vector_store_idx %arg12[%add3A_84, %broadcast_in_dim3A_611], %mul3A_613 : memref<80x128xf32, #tpu.memory_space<vmem>>[vector<16xi32>, vector<16xi32>], vector<16xf32>,
          %scan3A_614 = arith.constant 0 : i32
          scf.yield %scan3A_614 : i32
        }
        %scan3A_77 = arith.constant 5 : i32
        "tpu.region"() ({
          %run_scoped3A = tpu.sem_alloc : memref<!tpu.dma_semaphore, #tpu.memory_space<semaphore_mem>>
          %dma_start3A_79 = arith.constant 0 : i32
          %dma_start3A_80 = arith.constant 0 : i32
          %dma_start3A_81 = tpu.memref_slice %arg13[%dma_start3A_79, %dma_start3A_80] : memref<10000x128xf32, #tpu.memory_space<vmem_shared>> -> memref<10000x128xf32, #tpu.memory_space<vmem_shared>>
          tpu.enqueue_indirect_dma source(%arg12 : memref<80x128xf32, #tpu.memory_space<vmem>>) target(%dma_start3A_81 : memref<10000x128xf32, #tpu.memory_space<vmem_shared>>) offsets(%arg10 : memref<80xi32, #tpu.memory_space<vmem>>) semaphore(%run_scoped3A : memref<!tpu.dma_semaphore, #tpu.memory_space<semaphore_mem>>) {add = true}
          %dma_wait3A_82 = arith.constant 0 : i32
          %dma_wait3A_83 = arith.constant 0 : i32
          %dma_wait3A_84 = tpu.memref_slice %arg13[%dma_wait3A_82, %dma_wait3A_83] : memref<10000x128xf32, #tpu.memory_space<vmem_shared>> -> memref<10000x128xf32, #tpu.memory_space<vmem_shared>>
          tpu.wait_indirect_dma semaphore(%run_scoped3A : memref<!tpu.dma_semaphore, #tpu.memory_space<semaphore_mem>>) src(%arg12 : memref<80x128xf32, #tpu.memory_space<vmem>>) dst(%dma_wait3A_84 : memref<10000x128xf32, #tpu.memory_space<vmem_shared>>)
          tpu.yield
        }) : () -> ()
        %scan3A_78 = arith.constant 0 : i32
        scf.yield %scan3A_78 : i32
      }
      %scan3A_54 = arith.constant 25 : i32
      %scan3A_55 = arith.constant 0 : i32
      scf.yield %scan3A_55 : i32
    }
    %scan3A_23 = arith.constant 5 : i32
    %barrier3A_24 = arith.constant 0 : index
    tpu.barrier barrier_id(%barrier3A_24)
    %lt3A_25 = arith.constant 15 : i32
    %lt3A_26 = arith.cmpi slt, %arg1, %lt3A_25 : i32
    %convert_element_type3A_27 = arith.extui %lt3A_26 : i1 to i32
    %cond3A_28 = arith.constant 0 : i32
    %cond3A_29 = arith.cmpi ne, %convert_element_type3A_27, %cond3A_28 : i32
    scf.if %cond3A_29 {
      %mul3A_35 = arith.constant 10000 : i32
      %mul3A_36 = arith.muli %arg0, %mul3A_35 : i32
      %add3A_37 = arith.addi %mul3A_36, %mul3A_10 : i32
      "tpu.region"() ({
        %run_scoped3A = tpu.sem_alloc : memref<!tpu.dma_semaphore, #tpu.memory_space<semaphore_mem>>
        %dma_start3A = arith.constant 0 : i32
        %dma_start3A_38 = tpu.memref_slice %arg6[%add3A_37, %dma_start3A] : memref<20000x128xf32, #tpu.memory_space<hbm>> -> memref<640x128xf32, #tpu.memory_space<hbm>>
        %dma_start3A_39 = arith.constant 0 : i32
        %dma_start3A_40 = tpu.memref_slice %arg13[%mul3A_10, %dma_start3A_39] : memref<10000x128xf32, #tpu.memory_space<vmem_shared>> -> memref<640x128xf32, #tpu.memory_space<vmem_shared>>
        tpu.enqueue_dma source(%dma_start3A_40 : memref<640x128xf32, #tpu.memory_space<vmem_shared>>) target(%dma_start3A_38 : memref<640x128xf32, #tpu.memory_space<hbm>>) target_semaphore(%run_scoped3A : memref<!tpu.dma_semaphore, #tpu.memory_space<semaphore_mem>>)
        %dma_wait3A = arith.constant 0 : i32
        %dma_wait3A_41 = tpu.memref_slice %arg6[%add3A_37, %dma_wait3A] : memref<20000x128xf32, #tpu.memory_space<hbm>> -> memref<640x128xf32, #tpu.memory_space<hbm>>
        %dma_wait3A_42 = arith.constant 0 : i32
        %dma_wait3A_43 = tpu.memref_slice %arg13[%mul3A_10, %dma_wait3A_42] : memref<10000x128xf32, #tpu.memory_space<vmem_shared>> -> memref<640x128xf32, #tpu.memory_space<vmem_shared>>
        tpu.wait_dma2 semaphore(%run_scoped3A : memref<!tpu.dma_semaphore, #tpu.memory_space<semaphore_mem>>) src(%dma_wait3A_43 : memref<640x128xf32, #tpu.memory_space<vmem_shared>>) dst(%dma_wait3A_41 : memref<640x128xf32, #tpu.memory_space<hbm>>)
        tpu.yield
      }) : () -> ()
    } else {
    }
    %eq3A_30 = arith.constant 15 : i32
    %eq3A_31 = arith.cmpi eq, %arg1, %eq3A_30 : i32
    %convert_element_type3A_32 = arith.extui %eq3A_31 : i1 to i32
    %cond3A_33 = arith.constant 0 : i32
    %cond3A_34 = arith.cmpi ne, %convert_element_type3A_32, %cond3A_33 : i32
    scf.if %cond3A_34 {
      %mul3A_35 = arith.constant 10000 : i32
      %mul3A_36 = arith.muli %arg0, %mul3A_35 : i32
      %add3A_37 = arith.addi %mul3A_36, %mul3A_10 : i32
      "tpu.region"() ({
        %run_scoped3A = tpu.sem_alloc : memref<!tpu.dma_semaphore, #tpu.memory_space<semaphore_mem>>
        %dma_start3A = arith.constant 0 : i32
        %dma_start3A_38 = tpu.memref_slice %arg6[%add3A_37, %dma_start3A] : memref<20000x128xf32, #tpu.memory_space<hbm>> -> memref<400x128xf32, #tpu.memory_space<hbm>>
        %dma_start3A_39 = arith.constant 0 : i32
        %dma_start3A_40 = tpu.memref_slice %arg13[%mul3A_10, %dma_start3A_39] : memref<10000x128xf32, #tpu.memory_space<vmem_shared>> -> memref<400x128xf32, #tpu.memory_space<vmem_shared>>
        tpu.enqueue_dma source(%dma_start3A_40 : memref<400x128xf32, #tpu.memory_space<vmem_shared>>) target(%dma_start3A_38 : memref<400x128xf32, #tpu.memory_space<hbm>>) target_semaphore(%run_scoped3A : memref<!tpu.dma_semaphore, #tpu.memory_space<semaphore_mem>>)
        %dma_wait3A = arith.constant 0 : i32
        %dma_wait3A_41 = tpu.memref_slice %arg6[%add3A_37, %dma_wait3A] : memref<20000x128xf32, #tpu.memory_space<hbm>> -> memref<400x128xf32, #tpu.memory_space<hbm>>
        %dma_wait3A_42 = arith.constant 0 : i32
        %dma_wait3A_43 = tpu.memref_slice %arg13[%mul3A_10, %dma_wait3A_42] : memref<10000x128xf32, #tpu.memory_space<vmem_shared>> -> memref<400x128xf32, #tpu.memory_space<vmem_shared>>
        tpu.wait_dma2 semaphore(%run_scoped3A : memref<!tpu.dma_semaphore, #tpu.memory_space<semaphore_mem>>) src(%dma_wait3A_43 : memref<400x128xf32, #tpu.memory_space<vmem_shared>>) dst(%dma_wait3A_41 : memref<400x128xf32, #tpu.memory_space<hbm>>)
        tpu.yield
      }) : () -> ()
    } else {
    }
    return
  }
}

#map = affine_map<(d0, d1) -> (0)>
module attributes {stable_mosaic.version = 14 : i64} {
  func.func @body(%arg0: i32, %arg1: i32, %arg2: memref<320000xi32, #tpu.memory_space<hbm>>, %arg3: memref<1280000xf32, #tpu.memory_space<hbm>>, %arg4: memref<40000xf32, #tpu.memory_space<hbm>>, %arg5: memref<1280000xf32, #tpu.memory_space<hbm>>, %arg6: memref<40000xf32, #tpu.memory_space<vmem>>, %arg7: memref<2000xi32, #tpu.memory_space<vmem>>, %arg8: memref<2000xf32, #tpu.memory_space<vmem>>, %arg9: memref<2000xf32, #tpu.memory_space<vmem>>, %arg10: memref<2000xf32, #tpu.memory_space<vmem>>, %arg11: memref<2000xf32, #tpu.memory_space<vmem>>) attributes {dimension_semantics = [#tpu.dimension_semantics<core_parallel>, #tpu.dimension_semantics<subcore_parallel>], iteration_bounds = array<i64: 2, 16>, scalar_prefetch = 0 : i64, scratch_operands = 6 : i64, tpu.core_type = #tpu.core_type<sc_vector_subcore>, window_params = [{transform_indices = #map}, {transform_indices = #map}, {transform_indices = #map}, {transform_indices = #map}]} {
    %mul3A = arith.constant 2 : i32
    %mul3A_0 = arith.muli %arg1, %mul3A : i32
    %add3A = arith.addi %mul3A_0, %arg0 : i32
    %mul3A_1 = arith.constant 10000 : i32
    %mul3A_2 = arith.muli %add3A, %mul3A_1 : i32
    "tpu.region"() ({
      %run_scoped3A = tpu.sem_alloc : memref<!tpu.dma_semaphore, #tpu.memory_space<semaphore_mem>>
      tpu.enqueue_dma source(%arg4 : memref<40000xf32, #tpu.memory_space<hbm>>) target(%arg6 : memref<40000xf32, #tpu.memory_space<vmem>>) target_semaphore(%run_scoped3A : memref<!tpu.dma_semaphore, #tpu.memory_space<semaphore_mem>>)
      tpu.wait_dma2 semaphore(%run_scoped3A : memref<!tpu.dma_semaphore, #tpu.memory_space<semaphore_mem>>) src(%arg4 : memref<40000xf32, #tpu.memory_space<hbm>>) dst(%arg6 : memref<40000xf32, #tpu.memory_space<vmem>>)
      tpu.yield
    }) : () -> ()
    %scan3A = arith.constant 0 : i32
    %scan3A_3 = arith.constant 0 : i32
    %scan3A_4 = arith.constant 5 : i32
    %scan3A_5 = arith.addi %scan3A_3, %scan3A_4 : i32
    %scan3A_6 = arith.constant 1 : i32
    %scan3A_7 = scf.for %scan3A_9 = %scan3A_3 to %scan3A_5 step %scan3A_6 iter_args(%scan3A_10 = %scan3A) -> (i32)  : i32 {
      %mul3A_11 = arith.constant 2000 : i32
      %mul3A_12 = arith.muli %scan3A_9, %mul3A_11 : i32
      %add3A_13 = arith.addi %mul3A_2, %mul3A_12 : i32
      "tpu.region"() ({
        %run_scoped3A = tpu.sem_alloc : memref<!tpu.dma_semaphore, #tpu.memory_space<semaphore_mem>>
        %dma_start3A = tpu.memref_slice %arg2[%add3A_13] : memref<320000xi32, #tpu.memory_space<hbm>> -> memref<2000xi32, #tpu.memory_space<hbm>>
        %dma_start3A_38 = tpu.memref_slice %arg2[%add3A_13] : memref<320000xi32, #tpu.memory_space<hbm>> -> memref<2000xi32, #tpu.memory_space<hbm>>
        tpu.enqueue_dma source(%dma_start3A_38 : memref<2000xi32, #tpu.memory_space<hbm>>) target(%arg7 : memref<2000xi32, #tpu.memory_space<vmem>>) target_semaphore(%run_scoped3A : memref<!tpu.dma_semaphore, #tpu.memory_space<semaphore_mem>>)
        %dma_wait3A = tpu.memref_slice %arg2[%add3A_13] : memref<320000xi32, #tpu.memory_space<hbm>> -> memref<2000xi32, #tpu.memory_space<hbm>>
        %dma_wait3A_39 = tpu.memref_slice %arg2[%add3A_13] : memref<320000xi32, #tpu.memory_space<hbm>> -> memref<2000xi32, #tpu.memory_space<hbm>>
        tpu.wait_dma2 semaphore(%run_scoped3A : memref<!tpu.dma_semaphore, #tpu.memory_space<semaphore_mem>>) src(%dma_wait3A_39 : memref<2000xi32, #tpu.memory_space<hbm>>) dst(%arg7 : memref<2000xi32, #tpu.memory_space<vmem>>)
        tpu.yield
      }) : () -> ()
      %add3A_14 = arith.constant 0 : i32
      %add3A_15 = arith.addi %add3A_14, %add3A_13 : i32
      "tpu.region"() ({
        %run_scoped3A = tpu.sem_alloc : memref<!tpu.dma_semaphore, #tpu.memory_space<semaphore_mem>>
        %dma_start3A = tpu.memref_slice %arg3[%add3A_15] : memref<1280000xf32, #tpu.memory_space<hbm>> -> memref<2000xf32, #tpu.memory_space<hbm>>
        %dma_start3A_38 = tpu.memref_slice %arg3[%add3A_15] : memref<1280000xf32, #tpu.memory_space<hbm>> -> memref<2000xf32, #tpu.memory_space<hbm>>
        tpu.enqueue_dma source(%dma_start3A_38 : memref<2000xf32, #tpu.memory_space<hbm>>) target(%arg8 : memref<2000xf32, #tpu.memory_space<vmem>>) target_semaphore(%run_scoped3A : memref<!tpu.dma_semaphore, #tpu.memory_space<semaphore_mem>>)
        %dma_wait3A = tpu.memref_slice %arg3[%add3A_15] : memref<1280000xf32, #tpu.memory_space<hbm>> -> memref<2000xf32, #tpu.memory_space<hbm>>
        %dma_wait3A_39 = tpu.memref_slice %arg3[%add3A_15] : memref<1280000xf32, #tpu.memory_space<hbm>> -> memref<2000xf32, #tpu.memory_space<hbm>>
        tpu.wait_dma2 semaphore(%run_scoped3A : memref<!tpu.dma_semaphore, #tpu.memory_space<semaphore_mem>>) src(%dma_wait3A_39 : memref<2000xf32, #tpu.memory_space<hbm>>) dst(%arg8 : memref<2000xf32, #tpu.memory_space<vmem>>)
        tpu.yield
      }) : () -> ()
      %add3A_16 = arith.constant 320000 : i32
      %add3A_17 = arith.addi %add3A_16, %add3A_13 : i32
      "tpu.region"() ({
        %run_scoped3A = tpu.sem_alloc : memref<!tpu.dma_semaphore, #tpu.memory_space<semaphore_mem>>
        %dma_start3A = tpu.memref_slice %arg3[%add3A_17] : memref<1280000xf32, #tpu.memory_space<hbm>> -> memref<2000xf32, #tpu.memory_space<hbm>>
        %dma_start3A_38 = tpu.memref_slice %arg3[%add3A_17] : memref<1280000xf32, #tpu.memory_space<hbm>> -> memref<2000xf32, #tpu.memory_space<hbm>>
        tpu.enqueue_dma source(%dma_start3A_38 : memref<2000xf32, #tpu.memory_space<hbm>>) target(%arg9 : memref<2000xf32, #tpu.memory_space<vmem>>) target_semaphore(%run_scoped3A : memref<!tpu.dma_semaphore, #tpu.memory_space<semaphore_mem>>)
        %dma_wait3A = tpu.memref_slice %arg3[%add3A_17] : memref<1280000xf32, #tpu.memory_space<hbm>> -> memref<2000xf32, #tpu.memory_space<hbm>>
        %dma_wait3A_39 = tpu.memref_slice %arg3[%add3A_17] : memref<1280000xf32, #tpu.memory_space<hbm>> -> memref<2000xf32, #tpu.memory_space<hbm>>
        tpu.wait_dma2 semaphore(%run_scoped3A : memref<!tpu.dma_semaphore, #tpu.memory_space<semaphore_mem>>) src(%dma_wait3A_39 : memref<2000xf32, #tpu.memory_space<hbm>>) dst(%arg9 : memref<2000xf32, #tpu.memory_space<vmem>>)
        tpu.yield
      }) : () -> ()
      %add3A_18 = arith.constant 640000 : i32
      %add3A_19 = arith.addi %add3A_18, %add3A_13 : i32
      "tpu.region"() ({
        %run_scoped3A = tpu.sem_alloc : memref<!tpu.dma_semaphore, #tpu.memory_space<semaphore_mem>>
        %dma_start3A = tpu.memref_slice %arg3[%add3A_19] : memref<1280000xf32, #tpu.memory_space<hbm>> -> memref<2000xf32, #tpu.memory_space<hbm>>
        %dma_start3A_38 = tpu.memref_slice %arg3[%add3A_19] : memref<1280000xf32, #tpu.memory_space<hbm>> -> memref<2000xf32, #tpu.memory_space<hbm>>
        tpu.enqueue_dma source(%dma_start3A_38 : memref<2000xf32, #tpu.memory_space<hbm>>) target(%arg10 : memref<2000xf32, #tpu.memory_space<vmem>>) target_semaphore(%run_scoped3A : memref<!tpu.dma_semaphore, #tpu.memory_space<semaphore_mem>>)
        %dma_wait3A = tpu.memref_slice %arg3[%add3A_19] : memref<1280000xf32, #tpu.memory_space<hbm>> -> memref<2000xf32, #tpu.memory_space<hbm>>
        %dma_wait3A_39 = tpu.memref_slice %arg3[%add3A_19] : memref<1280000xf32, #tpu.memory_space<hbm>> -> memref<2000xf32, #tpu.memory_space<hbm>>
        tpu.wait_dma2 semaphore(%run_scoped3A : memref<!tpu.dma_semaphore, #tpu.memory_space<semaphore_mem>>) src(%dma_wait3A_39 : memref<2000xf32, #tpu.memory_space<hbm>>) dst(%arg10 : memref<2000xf32, #tpu.memory_space<vmem>>)
        tpu.yield
      }) : () -> ()
      %add3A_20 = arith.constant 960000 : i32
      %add3A_21 = arith.addi %add3A_20, %add3A_13 : i32
      "tpu.region"() ({
        %run_scoped3A = tpu.sem_alloc : memref<!tpu.dma_semaphore, #tpu.memory_space<semaphore_mem>>
        %dma_start3A = tpu.memref_slice %arg3[%add3A_21] : memref<1280000xf32, #tpu.memory_space<hbm>> -> memref<2000xf32, #tpu.memory_space<hbm>>
        %dma_start3A_38 = tpu.memref_slice %arg3[%add3A_21] : memref<1280000xf32, #tpu.memory_space<hbm>> -> memref<2000xf32, #tpu.memory_space<hbm>>
        tpu.enqueue_dma source(%dma_start3A_38 : memref<2000xf32, #tpu.memory_space<hbm>>) target(%arg11 : memref<2000xf32, #tpu.memory_space<vmem>>) target_semaphore(%run_scoped3A : memref<!tpu.dma_semaphore, #tpu.memory_space<semaphore_mem>>)
        %dma_wait3A = tpu.memref_slice %arg3[%add3A_21] : memref<1280000xf32, #tpu.memory_space<hbm>> -> memref<2000xf32, #tpu.memory_space<hbm>>
        %dma_wait3A_39 = tpu.memref_slice %arg3[%add3A_21] : memref<1280000xf32, #tpu.memory_space<hbm>> -> memref<2000xf32, #tpu.memory_space<hbm>>
        tpu.wait_dma2 semaphore(%run_scoped3A : memref<!tpu.dma_semaphore, #tpu.memory_space<semaphore_mem>>) src(%dma_wait3A_39 : memref<2000xf32, #tpu.memory_space<hbm>>) dst(%arg11 : memref<2000xf32, #tpu.memory_space<vmem>>)
        tpu.yield
      }) : () -> ()
      %scan3A_22 = arith.constant 0 : i32
      %scan3A_23 = arith.constant 0 : i32
      %scan3A_24 = arith.constant 125 : i32
      %scan3A_25 = arith.addi %scan3A_23, %scan3A_24 : i32
      %scan3A_26 = arith.constant 1 : i32
      %scan3A_27 = scf.for %scan3A_38 = %scan3A_23 to %scan3A_25 step %scan3A_26 iter_args(%scan3A_39 = %scan3A_22) -> (i32)  : i32 {
        %mul3A_40 = arith.constant 16 : i32
        %mul3A_41 = arith.muli %scan3A_38, %mul3A_40 : i32
        %get3A = arith.index_cast %mul3A_41 : i32 to index
        %get3A_42 = tpu.vector_load %arg7[%get3A] {strides = array<i32>} : memref<2000xi32, #tpu.memory_space<vmem>>, vector<16xi32>,
        %mul3A_43 = arith.constant 4 : i32
        %mul3A_44 = vector.broadcast %mul3A_43 : i32 to vector<16xi32>
        %mul3A_45 = arith.muli %get3A_42, %mul3A_44 : vector<16xi32>
        %add3A_46 = arith.constant 0 : i32
        %add3A_47 = vector.broadcast %add3A_46 : i32 to vector<16xi32>
        %add3A_48 = arith.addi %mul3A_45, %add3A_47 : vector<16xi32>
        %gather3A = tpu.vector_load_idx %arg6[%add3A_48] : memref<40000xf32, #tpu.memory_space<vmem>>[vector<16xi32>], vector<16xf32>,
        %mul3A_49 = arith.constant 16 : i32
        %mul3A_50 = arith.muli %scan3A_38, %mul3A_49 : i32
        %get3A_51 = arith.index_cast %mul3A_50 : i32 to index
        %get3A_52 = tpu.vector_load %arg8[%get3A_51] {strides = array<i32>} : memref<2000xf32, #tpu.memory_space<vmem>>, vector<16xf32>,
        %mul3A_53 = arith.mulf %get3A_52, %gather3A : vector<16xf32>
        %mul3A_54 = arith.constant 16 : i32
        %mul3A_55 = arith.muli %scan3A_38, %mul3A_54 : i32
        %swap3A = arith.index_cast %mul3A_55 : i32 to index
        %swap3A_56 = tpu.vector_load %arg8[%swap3A] {strides = array<i32>} : memref<2000xf32, #tpu.memory_space<vmem>>, vector<16xf32>,
        tpu.vector_store %arg8[%swap3A], %mul3A_53 {strides = array<i32>} : memref<2000xf32, #tpu.memory_space<vmem>>, vector<16xf32>,
        %mul3A_57 = arith.constant 4 : i32
        %mul3A_58 = vector.broadcast %mul3A_57 : i32 to vector<16xi32>
        %mul3A_59 = arith.muli %get3A_42, %mul3A_58 : vector<16xi32>
        %add3A_60 = arith.constant 1 : i32
        %add3A_61 = vector.broadcast %add3A_60 : i32 to vector<16xi32>
        %add3A_62 = arith.addi %mul3A_59, %add3A_61 : vector<16xi32>
        %gather3A_63 = tpu.vector_load_idx %arg6[%add3A_62] : memref<40000xf32, #tpu.memory_space<vmem>>[vector<16xi32>], vector<16xf32>,
        %mul3A_64 = arith.constant 16 : i32
        %mul3A_65 = arith.muli %scan3A_38, %mul3A_64 : i32
        %get3A_66 = arith.index_cast %mul3A_65 : i32 to index
        %get3A_67 = tpu.vector_load %arg9[%get3A_66] {strides = array<i32>} : memref<2000xf32, #tpu.memory_space<vmem>>, vector<16xf32>,
        %mul3A_68 = arith.mulf %get3A_67, %gather3A_63 : vector<16xf32>
        %mul3A_69 = arith.constant 16 : i32
        %mul3A_70 = arith.muli %scan3A_38, %mul3A_69 : i32
        %swap3A_71 = arith.index_cast %mul3A_70 : i32 to index
        %swap3A_72 = tpu.vector_load %arg9[%swap3A_71] {strides = array<i32>} : memref<2000xf32, #tpu.memory_space<vmem>>, vector<16xf32>,
        tpu.vector_store %arg9[%swap3A_71], %mul3A_68 {strides = array<i32>} : memref<2000xf32, #tpu.memory_space<vmem>>, vector<16xf32>,
        %mul3A_73 = arith.constant 4 : i32
        %mul3A_74 = vector.broadcast %mul3A_73 : i32 to vector<16xi32>
        %mul3A_75 = arith.muli %get3A_42, %mul3A_74 : vector<16xi32>
        %add3A_76 = arith.constant 2 : i32
        %add3A_77 = vector.broadcast %add3A_76 : i32 to vector<16xi32>
        %add3A_78 = arith.addi %mul3A_75, %add3A_77 : vector<16xi32>
        %gather3A_79 = tpu.vector_load_idx %arg6[%add3A_78] : memref<40000xf32, #tpu.memory_space<vmem>>[vector<16xi32>], vector<16xf32>,
        %mul3A_80 = arith.constant 16 : i32
        %mul3A_81 = arith.muli %scan3A_38, %mul3A_80 : i32
        %get3A_82 = arith.index_cast %mul3A_81 : i32 to index
        %get3A_83 = tpu.vector_load %arg10[%get3A_82] {strides = array<i32>} : memref<2000xf32, #tpu.memory_space<vmem>>, vector<16xf32>,
        %mul3A_84 = arith.mulf %get3A_83, %gather3A_79 : vector<16xf32>
        %mul3A_85 = arith.constant 16 : i32
        %mul3A_86 = arith.muli %scan3A_38, %mul3A_85 : i32
        %swap3A_87 = arith.index_cast %mul3A_86 : i32 to index
        %swap3A_88 = tpu.vector_load %arg10[%swap3A_87] {strides = array<i32>} : memref<2000xf32, #tpu.memory_space<vmem>>, vector<16xf32>,
        tpu.vector_store %arg10[%swap3A_87], %mul3A_84 {strides = array<i32>} : memref<2000xf32, #tpu.memory_space<vmem>>, vector<16xf32>,
        %mul3A_89 = arith.constant 4 : i32
        %mul3A_90 = vector.broadcast %mul3A_89 : i32 to vector<16xi32>
        %mul3A_91 = arith.muli %get3A_42, %mul3A_90 : vector<16xi32>
        %add3A_92 = arith.constant 3 : i32
        %add3A_93 = vector.broadcast %add3A_92 : i32 to vector<16xi32>
        %add3A_94 = arith.addi %mul3A_91, %add3A_93 : vector<16xi32>
        %gather3A_95 = tpu.vector_load_idx %arg6[%add3A_94] : memref<40000xf32, #tpu.memory_space<vmem>>[vector<16xi32>], vector<16xf32>,
        %mul3A_96 = arith.constant 16 : i32
        %mul3A_97 = arith.muli %scan3A_38, %mul3A_96 : i32
        %get3A_98 = arith.index_cast %mul3A_97 : i32 to index
        %get3A_99 = tpu.vector_load %arg11[%get3A_98] {strides = array<i32>} : memref<2000xf32, #tpu.memory_space<vmem>>, vector<16xf32>,
        %mul3A_100 = arith.mulf %get3A_99, %gather3A_95 : vector<16xf32>
        %mul3A_101 = arith.constant 16 : i32
        %mul3A_102 = arith.muli %scan3A_38, %mul3A_101 : i32
        %swap3A_103 = arith.index_cast %mul3A_102 : i32 to index
        %swap3A_104 = tpu.vector_load %arg11[%swap3A_103] {strides = array<i32>} : memref<2000xf32, #tpu.memory_space<vmem>>, vector<16xf32>,
        tpu.vector_store %arg11[%swap3A_103], %mul3A_100 {strides = array<i32>} : memref<2000xf32, #tpu.memory_space<vmem>>, vector<16xf32>,
        %scan3A_105 = arith.constant 0 : i32
        scf.yield %scan3A_105 : i32
      }
      %scan3A_28 = arith.constant 125 : i32
      %add3A_29 = arith.constant 0 : i32
      %add3A_30 = arith.addi %add3A_29, %add3A_13 : i32
      "tpu.region"() ({
        %run_scoped3A = tpu.sem_alloc : memref<!tpu.dma_semaphore, #tpu.memory_space<semaphore_mem>>
        %dma_start3A = tpu.memref_slice %arg5[%add3A_30] : memref<1280000xf32, #tpu.memory_space<hbm>> -> memref<2000xf32, #tpu.memory_space<hbm>>
        %dma_start3A_38 = tpu.memref_slice %arg5[%add3A_30] : memref<1280000xf32, #tpu.memory_space<hbm>> -> memref<2000xf32, #tpu.memory_space<hbm>>
        tpu.enqueue_dma source(%arg8 : memref<2000xf32, #tpu.memory_space<vmem>>) target(%dma_start3A_38 : memref<2000xf32, #tpu.memory_space<hbm>>) target_semaphore(%run_scoped3A : memref<!tpu.dma_semaphore, #tpu.memory_space<semaphore_mem>>)
        %dma_wait3A = tpu.memref_slice %arg5[%add3A_30] : memref<1280000xf32, #tpu.memory_space<hbm>> -> memref<2000xf32, #tpu.memory_space<hbm>>
        %dma_wait3A_39 = tpu.memref_slice %arg5[%add3A_30] : memref<1280000xf32, #tpu.memory_space<hbm>> -> memref<2000xf32, #tpu.memory_space<hbm>>
        tpu.wait_dma2 semaphore(%run_scoped3A : memref<!tpu.dma_semaphore, #tpu.memory_space<semaphore_mem>>) src(%arg8 : memref<2000xf32, #tpu.memory_space<vmem>>) dst(%dma_wait3A_39 : memref<2000xf32, #tpu.memory_space<hbm>>)
        tpu.yield
      }) : () -> ()
      %add3A_31 = arith.constant 320000 : i32
      %add3A_32 = arith.addi %add3A_31, %add3A_13 : i32
      "tpu.region"() ({
        %run_scoped3A = tpu.sem_alloc : memref<!tpu.dma_semaphore, #tpu.memory_space<semaphore_mem>>
        %dma_start3A = tpu.memref_slice %arg5[%add3A_32] : memref<1280000xf32, #tpu.memory_space<hbm>> -> memref<2000xf32, #tpu.memory_space<hbm>>
        %dma_start3A_38 = tpu.memref_slice %arg5[%add3A_32] : memref<1280000xf32, #tpu.memory_space<hbm>> -> memref<2000xf32, #tpu.memory_space<hbm>>
        tpu.enqueue_dma source(%arg9 : memref<2000xf32, #tpu.memory_space<vmem>>) target(%dma_start3A_38 : memref<2000xf32, #tpu.memory_space<hbm>>) target_semaphore(%run_scoped3A : memref<!tpu.dma_semaphore, #tpu.memory_space<semaphore_mem>>)
        %dma_wait3A = tpu.memref_slice %arg5[%add3A_32] : memref<1280000xf32, #tpu.memory_space<hbm>> -> memref<2000xf32, #tpu.memory_space<hbm>>
        %dma_wait3A_39 = tpu.memref_slice %arg5[%add3A_32] : memref<1280000xf32, #tpu.memory_space<hbm>> -> memref<2000xf32, #tpu.memory_space<hbm>>
        tpu.wait_dma2 semaphore(%run_scoped3A : memref<!tpu.dma_semaphore, #tpu.memory_space<semaphore_mem>>) src(%arg9 : memref<2000xf32, #tpu.memory_space<vmem>>) dst(%dma_wait3A_39 : memref<2000xf32, #tpu.memory_space<hbm>>)
        tpu.yield
      }) : () -> ()
      %add3A_33 = arith.constant 640000 : i32
      %add3A_34 = arith.addi %add3A_33, %add3A_13 : i32
      "tpu.region"() ({
        %run_scoped3A = tpu.sem_alloc : memref<!tpu.dma_semaphore, #tpu.memory_space<semaphore_mem>>
        %dma_start3A = tpu.memref_slice %arg5[%add3A_34] : memref<1280000xf32, #tpu.memory_space<hbm>> -> memref<2000xf32, #tpu.memory_space<hbm>>
        %dma_start3A_38 = tpu.memref_slice %arg5[%add3A_34] : memref<1280000xf32, #tpu.memory_space<hbm>> -> memref<2000xf32, #tpu.memory_space<hbm>>
        tpu.enqueue_dma source(%arg10 : memref<2000xf32, #tpu.memory_space<vmem>>) target(%dma_start3A_38 : memref<2000xf32, #tpu.memory_space<hbm>>) target_semaphore(%run_scoped3A : memref<!tpu.dma_semaphore, #tpu.memory_space<semaphore_mem>>)
        %dma_wait3A = tpu.memref_slice %arg5[%add3A_34] : memref<1280000xf32, #tpu.memory_space<hbm>> -> memref<2000xf32, #tpu.memory_space<hbm>>
        %dma_wait3A_39 = tpu.memref_slice %arg5[%add3A_34] : memref<1280000xf32, #tpu.memory_space<hbm>> -> memref<2000xf32, #tpu.memory_space<hbm>>
        tpu.wait_dma2 semaphore(%run_scoped3A : memref<!tpu.dma_semaphore, #tpu.memory_space<semaphore_mem>>) src(%arg10 : memref<2000xf32, #tpu.memory_space<vmem>>) dst(%dma_wait3A_39 : memref<2000xf32, #tpu.memory_space<hbm>>)
        tpu.yield
      }) : () -> ()
      %add3A_35 = arith.constant 960000 : i32
      %add3A_36 = arith.addi %add3A_35, %add3A_13 : i32
      "tpu.region"() ({
        %run_scoped3A = tpu.sem_alloc : memref<!tpu.dma_semaphore, #tpu.memory_space<semaphore_mem>>
        %dma_start3A = tpu.memref_slice %arg5[%add3A_36] : memref<1280000xf32, #tpu.memory_space<hbm>> -> memref<2000xf32, #tpu.memory_space<hbm>>
        %dma_start3A_38 = tpu.memref_slice %arg5[%add3A_36] : memref<1280000xf32, #tpu.memory_space<hbm>> -> memref<2000xf32, #tpu.memory_space<hbm>>
        tpu.enqueue_dma source(%arg11 : memref<2000xf32, #tpu.memory_space<vmem>>) target(%dma_start3A_38 : memref<2000xf32, #tpu.memory_space<hbm>>) target_semaphore(%run_scoped3A : memref<!tpu.dma_semaphore, #tpu.memory_space<semaphore_mem>>)
        %dma_wait3A = tpu.memref_slice %arg5[%add3A_36] : memref<1280000xf32, #tpu.memory_space<hbm>> -> memref<2000xf32, #tpu.memory_space<hbm>>
        %dma_wait3A_39 = tpu.memref_slice %arg5[%add3A_36] : memref<1280000xf32, #tpu.memory_space<hbm>> -> memref<2000xf32, #tpu.memory_space<hbm>>
        tpu.wait_dma2 semaphore(%run_scoped3A : memref<!tpu.dma_semaphore, #tpu.memory_space<semaphore_mem>>) src(%arg11 : memref<2000xf32, #tpu.memory_space<vmem>>) dst(%dma_wait3A_39 : memref<2000xf32, #tpu.memory_space<hbm>>)
        tpu.yield
      }) : () -> ()
      %scan3A_37 = arith.constant 0 : i32
      scf.yield %scan3A_37 : i32
    }
    %scan3A_8 = arith.constant 5 : i32
    return
  }
}

#map = affine_map<(d0, d1) -> (0)>
module attributes {stable_mosaic.version = 14 : i64} {
  func.func @body(%arg0: i32, %arg1: i32, %arg2: memref<320000xi32, #tpu.memory_space<hbm>>, %arg3: memref<320000xf32, #tpu.memory_space<hbm>>, %arg4: memref<10000xf32, #tpu.memory_space<hbm>>, %arg5: memref<320000xf32, #tpu.memory_space<hbm>>, %arg6: memref<10000xf32, #tpu.memory_space<vmem>>, %arg7: memref<2000xi32, #tpu.memory_space<vmem>>, %arg8: memref<2000xf32, #tpu.memory_space<vmem>>) attributes {dimension_semantics = [#tpu.dimension_semantics<core_parallel>, #tpu.dimension_semantics<subcore_parallel>], iteration_bounds = array<i64: 2, 16>, scalar_prefetch = 0 : i64, scratch_operands = 3 : i64, tpu.core_type = #tpu.core_type<sc_vector_subcore>, window_params = [{transform_indices = #map}, {transform_indices = #map}, {transform_indices = #map}, {transform_indices = #map}]} {
    %mul3A = arith.constant 2 : i32
    %mul3A_0 = arith.muli %arg1, %mul3A : i32
    %add3A = arith.addi %mul3A_0, %arg0 : i32
    %mul3A_1 = arith.constant 10000 : i32
    %mul3A_2 = arith.muli %add3A, %mul3A_1 : i32
    "tpu.region"() ({
      %run_scoped3A = tpu.sem_alloc : memref<!tpu.dma_semaphore, #tpu.memory_space<semaphore_mem>>
      tpu.enqueue_dma source(%arg4 : memref<10000xf32, #tpu.memory_space<hbm>>) target(%arg6 : memref<10000xf32, #tpu.memory_space<vmem>>) target_semaphore(%run_scoped3A : memref<!tpu.dma_semaphore, #tpu.memory_space<semaphore_mem>>)
      tpu.wait_dma2 semaphore(%run_scoped3A : memref<!tpu.dma_semaphore, #tpu.memory_space<semaphore_mem>>) src(%arg4 : memref<10000xf32, #tpu.memory_space<hbm>>) dst(%arg6 : memref<10000xf32, #tpu.memory_space<vmem>>)
      tpu.yield
    }) : () -> ()
    %scan3A = arith.constant 0 : i32
    %scan3A_3 = arith.constant 0 : i32
    %scan3A_4 = arith.constant 5 : i32
    %scan3A_5 = arith.addi %scan3A_3, %scan3A_4 : i32
    %scan3A_6 = arith.constant 1 : i32
    %scan3A_7 = scf.for %scan3A_9 = %scan3A_3 to %scan3A_5 step %scan3A_6 iter_args(%scan3A_10 = %scan3A) -> (i32)  : i32 {
      %mul3A_11 = arith.constant 2000 : i32
      %mul3A_12 = arith.muli %scan3A_9, %mul3A_11 : i32
      %add3A_13 = arith.addi %mul3A_2, %mul3A_12 : i32
      "tpu.region"() ({
        %run_scoped3A = tpu.sem_alloc : memref<!tpu.dma_semaphore, #tpu.memory_space<semaphore_mem>>
        %dma_start3A = tpu.memref_slice %arg2[%add3A_13] : memref<320000xi32, #tpu.memory_space<hbm>> -> memref<2000xi32, #tpu.memory_space<hbm>>
        %dma_start3A_26 = tpu.memref_slice %arg2[%add3A_13] : memref<320000xi32, #tpu.memory_space<hbm>> -> memref<2000xi32, #tpu.memory_space<hbm>>
        tpu.enqueue_dma source(%dma_start3A_26 : memref<2000xi32, #tpu.memory_space<hbm>>) target(%arg7 : memref<2000xi32, #tpu.memory_space<vmem>>) target_semaphore(%run_scoped3A : memref<!tpu.dma_semaphore, #tpu.memory_space<semaphore_mem>>)
        %dma_wait3A = tpu.memref_slice %arg2[%add3A_13] : memref<320000xi32, #tpu.memory_space<hbm>> -> memref<2000xi32, #tpu.memory_space<hbm>>
        %dma_wait3A_27 = tpu.memref_slice %arg2[%add3A_13] : memref<320000xi32, #tpu.memory_space<hbm>> -> memref<2000xi32, #tpu.memory_space<hbm>>
        tpu.wait_dma2 semaphore(%run_scoped3A : memref<!tpu.dma_semaphore, #tpu.memory_space<semaphore_mem>>) src(%dma_wait3A_27 : memref<2000xi32, #tpu.memory_space<hbm>>) dst(%arg7 : memref<2000xi32, #tpu.memory_space<vmem>>)
        tpu.yield
      }) : () -> ()
      %add3A_14 = arith.constant 0 : i32
      %add3A_15 = arith.addi %add3A_14, %add3A_13 : i32
      "tpu.region"() ({
        %run_scoped3A = tpu.sem_alloc : memref<!tpu.dma_semaphore, #tpu.memory_space<semaphore_mem>>
        %dma_start3A = tpu.memref_slice %arg3[%add3A_15] : memref<320000xf32, #tpu.memory_space<hbm>> -> memref<2000xf32, #tpu.memory_space<hbm>>
        %dma_start3A_26 = tpu.memref_slice %arg3[%add3A_15] : memref<320000xf32, #tpu.memory_space<hbm>> -> memref<2000xf32, #tpu.memory_space<hbm>>
        tpu.enqueue_dma source(%dma_start3A_26 : memref<2000xf32, #tpu.memory_space<hbm>>) target(%arg8 : memref<2000xf32, #tpu.memory_space<vmem>>) target_semaphore(%run_scoped3A : memref<!tpu.dma_semaphore, #tpu.memory_space<semaphore_mem>>)
        %dma_wait3A = tpu.memref_slice %arg3[%add3A_15] : memref<320000xf32, #tpu.memory_space<hbm>> -> memref<2000xf32, #tpu.memory_space<hbm>>
        %dma_wait3A_27 = tpu.memref_slice %arg3[%add3A_15] : memref<320000xf32, #tpu.memory_space<hbm>> -> memref<2000xf32, #tpu.memory_space<hbm>>
        tpu.wait_dma2 semaphore(%run_scoped3A : memref<!tpu.dma_semaphore, #tpu.memory_space<semaphore_mem>>) src(%dma_wait3A_27 : memref<2000xf32, #tpu.memory_space<hbm>>) dst(%arg8 : memref<2000xf32, #tpu.memory_space<vmem>>)
        tpu.yield
      }) : () -> ()
      %scan3A_16 = arith.constant 0 : i32
      %scan3A_17 = arith.constant 0 : i32
      %scan3A_18 = arith.constant 125 : i32
      %scan3A_19 = arith.addi %scan3A_17, %scan3A_18 : i32
      %scan3A_20 = arith.constant 1 : i32
      %scan3A_21 = scf.for %scan3A_26 = %scan3A_17 to %scan3A_19 step %scan3A_20 iter_args(%scan3A_27 = %scan3A_16) -> (i32)  : i32 {
        %mul3A_28 = arith.constant 16 : i32
        %mul3A_29 = arith.muli %scan3A_26, %mul3A_28 : i32
        %get3A = arith.index_cast %mul3A_29 : i32 to index
        %get3A_30 = tpu.vector_load %arg7[%get3A] {strides = array<i32>} : memref<2000xi32, #tpu.memory_space<vmem>>, vector<16xi32>,
        %mul3A_31 = arith.constant 1 : i32
        %mul3A_32 = vector.broadcast %mul3A_31 : i32 to vector<16xi32>
        %mul3A_33 = arith.muli %get3A_30, %mul3A_32 : vector<16xi32>
        %add3A_34 = arith.constant 0 : i32
        %add3A_35 = vector.broadcast %add3A_34 : i32 to vector<16xi32>
        %add3A_36 = arith.addi %mul3A_33, %add3A_35 : vector<16xi32>
        %gather3A = tpu.vector_load_idx %arg6[%add3A_36] : memref<10000xf32, #tpu.memory_space<vmem>>[vector<16xi32>], vector<16xf32>,
        %mul3A_37 = arith.constant 16 : i32
        %mul3A_38 = arith.muli %scan3A_26, %mul3A_37 : i32
        %get3A_39 = arith.index_cast %mul3A_38 : i32 to index
        %get3A_40 = tpu.vector_load %arg8[%get3A_39] {strides = array<i32>} : memref<2000xf32, #tpu.memory_space<vmem>>, vector<16xf32>,
        %mul3A_41 = arith.mulf %get3A_40, %gather3A : vector<16xf32>
        %mul3A_42 = arith.constant 16 : i32
        %mul3A_43 = arith.muli %scan3A_26, %mul3A_42 : i32
        %swap3A = arith.index_cast %mul3A_43 : i32 to index
        %swap3A_44 = tpu.vector_load %arg8[%swap3A] {strides = array<i32>} : memref<2000xf32, #tpu.memory_space<vmem>>, vector<16xf32>,
        tpu.vector_store %arg8[%swap3A], %mul3A_41 {strides = array<i32>} : memref<2000xf32, #tpu.memory_space<vmem>>, vector<16xf32>,
        %scan3A_45 = arith.constant 0 : i32
        scf.yield %scan3A_45 : i32
      }
      %scan3A_22 = arith.constant 125 : i32
      %add3A_23 = arith.constant 0 : i32
      %add3A_24 = arith.addi %add3A_23, %add3A_13 : i32
      "tpu.region"() ({
        %run_scoped3A = tpu.sem_alloc : memref<!tpu.dma_semaphore, #tpu.memory_space<semaphore_mem>>
        %dma_start3A = tpu.memref_slice %arg5[%add3A_24] : memref<320000xf32, #tpu.memory_space<hbm>> -> memref<2000xf32, #tpu.memory_space<hbm>>
        %dma_start3A_26 = tpu.memref_slice %arg5[%add3A_24] : memref<320000xf32, #tpu.memory_space<hbm>> -> memref<2000xf32, #tpu.memory_space<hbm>>
        tpu.enqueue_dma source(%arg8 : memref<2000xf32, #tpu.memory_space<vmem>>) target(%dma_start3A_26 : memref<2000xf32, #tpu.memory_space<hbm>>) target_semaphore(%run_scoped3A : memref<!tpu.dma_semaphore, #tpu.memory_space<semaphore_mem>>)
        %dma_wait3A = tpu.memref_slice %arg5[%add3A_24] : memref<320000xf32, #tpu.memory_space<hbm>> -> memref<2000xf32, #tpu.memory_space<hbm>>
        %dma_wait3A_27 = tpu.memref_slice %arg5[%add3A_24] : memref<320000xf32, #tpu.memory_space<hbm>> -> memref<2000xf32, #tpu.memory_space<hbm>>
        tpu.wait_dma2 semaphore(%run_scoped3A : memref<!tpu.dma_semaphore, #tpu.memory_space<semaphore_mem>>) src(%arg8 : memref<2000xf32, #tpu.memory_space<vmem>>) dst(%dma_wait3A_27 : memref<2000xf32, #tpu.memory_space<hbm>>)
        tpu.yield
      }) : () -> ()
      %scan3A_25 = arith.constant 0 : i32
      scf.yield %scan3A_25 : i32
    }
    %scan3A_8 = arith.constant 5 : i32
    return
  }
}

#map = affine_map<(d0, d1) -> (0)>
#map1 = affine_map<(d0, d1) -> (0, 0)>
module attributes {stable_mosaic.version = 14 : i64} {
  func.func @body(%arg0: i32, %arg1: i32, %arg2: memref<320000xi32, #tpu.memory_space<hbm>>, %arg3: memref<320000xi32, #tpu.memory_space<hbm>>, %arg4: memref<320000xf32, #tpu.memory_space<hbm>>, %arg5: memref<10000x128xf32, #tpu.memory_space<hbm>>, %arg6: memref<20000x128xf32, #tpu.memory_space<hbm>>, %arg7: memref<2000xi32, #tpu.memory_space<vmem>>, %arg8: memref<2000xi32, #tpu.memory_space<vmem>>, %arg9: memref<80xi32, #tpu.memory_space<vmem>>, %arg10: memref<80xi32, #tpu.memory_space<vmem>>, %arg11: memref<80x128xf32, #tpu.memory_space<vmem>>, %arg12: memref<80x128xf32, #tpu.memory_space<vmem>>, %arg13: memref<10000x128xf32, #tpu.memory_space<vmem_shared>>, %arg14: memref<!tpu.dma_semaphore, #tpu.memory_space<semaphore_mem>>, %arg15: memref<2000xf32, #tpu.memory_space<vmem>>) attributes {dimension_semantics = [#tpu.dimension_semantics<core_parallel>, #tpu.dimension_semantics<subcore_parallel>], iteration_bounds = array<i64: 2, 16>, scalar_prefetch = 0 : i64, scratch_operands = 9 : i64, tpu.core_type = #tpu.core_type<sc_vector_subcore>, window_params = [{transform_indices = #map}, {transform_indices = #map}, {transform_indices = #map}, {transform_indices = #map1}, {transform_indices = #map1}]} {
    %mul3A = arith.constant 2 : i32
    %mul3A_0 = arith.muli %arg1, %mul3A : i32
    %add3A = arith.addi %mul3A_0, %arg0 : i32
    %mul3A_1 = arith.constant 10000 : i32
    %mul3A_2 = arith.muli %add3A, %mul3A_1 : i32
    %scan3A = arith.constant 0 : i32
    %scan3A_3 = arith.constant 0 : i32
    %scan3A_4 = arith.constant 80 : i32
    %scan3A_5 = arith.addi %scan3A_3, %scan3A_4 : i32
    %scan3A_6 = arith.constant 1 : i32
    %scan3A_7 = scf.for %scan3A_35 = %scan3A_3 to %scan3A_5 step %scan3A_6 iter_args(%scan3A_36 = %scan3A) -> (i32)  : i32 {
      %broadcast_in_dim3A = arith.constant 0.000000e+00 : f32
      %broadcast_in_dim3A_37 = vector.broadcast %broadcast_in_dim3A : f32 to vector<16xf32>
      %swap3A = arith.index_cast %scan3A_35 : i32 to index
      %swap3A_38 = arith.constant 0 : index
      %swap3A_39 = tpu.vector_load %arg12[%swap3A, %swap3A_38] {strides = array<i32>} : memref<80x128xf32, #tpu.memory_space<vmem>>, vector<16xf32>,
      tpu.vector_store %arg12[%swap3A, %swap3A_38], %broadcast_in_dim3A_37 {strides = array<i32>} : memref<80x128xf32, #tpu.memory_space<vmem>>, vector<16xf32>,
      %broadcast_in_dim3A_40 = arith.constant 0.000000e+00 : f32
      %broadcast_in_dim3A_41 = vector.broadcast %broadcast_in_dim3A_40 : f32 to vector<16xf32>
      %swap3A_42 = arith.index_cast %scan3A_35 : i32 to index
      %swap3A_43 = arith.constant 16 : index
      %swap3A_44 = tpu.vector_load %arg12[%swap3A_42, %swap3A_43] {strides = array<i32>} : memref<80x128xf32, #tpu.memory_space<vmem>>, vector<16xf32>,
      tpu.vector_store %arg12[%swap3A_42, %swap3A_43], %broadcast_in_dim3A_41 {strides = array<i32>} : memref<80x128xf32, #tpu.memory_space<vmem>>, vector<16xf32>,
      %broadcast_in_dim3A_45 = arith.constant 0.000000e+00 : f32
      %broadcast_in_dim3A_46 = vector.broadcast %broadcast_in_dim3A_45 : f32 to vector<16xf32>
      %swap3A_47 = arith.index_cast %scan3A_35 : i32 to index
      %swap3A_48 = arith.constant 32 : index
      %swap3A_49 = tpu.vector_load %arg12[%swap3A_47, %swap3A_48] {strides = array<i32>} : memref<80x128xf32, #tpu.memory_space<vmem>>, vector<16xf32>,
      tpu.vector_store %arg12[%swap3A_47, %swap3A_48], %broadcast_in_dim3A_46 {strides = array<i32>} : memref<80x128xf32, #tpu.memory_space<vmem>>, vector<16xf32>,
      %broadcast_in_dim3A_50 = arith.constant 0.000000e+00 : f32
      %broadcast_in_dim3A_51 = vector.broadcast %broadcast_in_dim3A_50 : f32 to vector<16xf32>
      %swap3A_52 = arith.index_cast %scan3A_35 : i32 to index
      %swap3A_53 = arith.constant 48 : index
      %swap3A_54 = tpu.vector_load %arg12[%swap3A_52, %swap3A_53] {strides = array<i32>} : memref<80x128xf32, #tpu.memory_space<vmem>>, vector<16xf32>,
      tpu.vector_store %arg12[%swap3A_52, %swap3A_53], %broadcast_in_dim3A_51 {strides = array<i32>} : memref<80x128xf32, #tpu.memory_space<vmem>>, vector<16xf32>,
      %broadcast_in_dim3A_55 = arith.constant 0.000000e+00 : f32
      %broadcast_in_dim3A_56 = vector.broadcast %broadcast_in_dim3A_55 : f32 to vector<16xf32>
      %swap3A_57 = arith.index_cast %scan3A_35 : i32 to index
      %swap3A_58 = arith.constant 64 : index
      %swap3A_59 = tpu.vector_load %arg12[%swap3A_57, %swap3A_58] {strides = array<i32>} : memref<80x128xf32, #tpu.memory_space<vmem>>, vector<16xf32>,
      tpu.vector_store %arg12[%swap3A_57, %swap3A_58], %broadcast_in_dim3A_56 {strides = array<i32>} : memref<80x128xf32, #tpu.memory_space<vmem>>, vector<16xf32>,
      %broadcast_in_dim3A_60 = arith.constant 0.000000e+00 : f32
      %broadcast_in_dim3A_61 = vector.broadcast %broadcast_in_dim3A_60 : f32 to vector<16xf32>
      %swap3A_62 = arith.index_cast %scan3A_35 : i32 to index
      %swap3A_63 = arith.constant 80 : index
      %swap3A_64 = tpu.vector_load %arg12[%swap3A_62, %swap3A_63] {strides = array<i32>} : memref<80x128xf32, #tpu.memory_space<vmem>>, vector<16xf32>,
      tpu.vector_store %arg12[%swap3A_62, %swap3A_63], %broadcast_in_dim3A_61 {strides = array<i32>} : memref<80x128xf32, #tpu.memory_space<vmem>>, vector<16xf32>,
      %broadcast_in_dim3A_65 = arith.constant 0.000000e+00 : f32
      %broadcast_in_dim3A_66 = vector.broadcast %broadcast_in_dim3A_65 : f32 to vector<16xf32>
      %swap3A_67 = arith.index_cast %scan3A_35 : i32 to index
      %swap3A_68 = arith.constant 96 : index
      %swap3A_69 = tpu.vector_load %arg12[%swap3A_67, %swap3A_68] {strides = array<i32>} : memref<80x128xf32, #tpu.memory_space<vmem>>, vector<16xf32>,
      tpu.vector_store %arg12[%swap3A_67, %swap3A_68], %broadcast_in_dim3A_66 {strides = array<i32>} : memref<80x128xf32, #tpu.memory_space<vmem>>, vector<16xf32>,
      %broadcast_in_dim3A_70 = arith.constant 0.000000e+00 : f32
      %broadcast_in_dim3A_71 = vector.broadcast %broadcast_in_dim3A_70 : f32 to vector<16xf32>
      %swap3A_72 = arith.index_cast %scan3A_35 : i32 to index
      %swap3A_73 = arith.constant 112 : index
      %swap3A_74 = tpu.vector_load %arg12[%swap3A_72, %swap3A_73] {strides = array<i32>} : memref<80x128xf32, #tpu.memory_space<vmem>>, vector<16xf32>,
      tpu.vector_store %arg12[%swap3A_72, %swap3A_73], %broadcast_in_dim3A_71 {strides = array<i32>} : memref<80x128xf32, #tpu.memory_space<vmem>>, vector<16xf32>,
      %scan3A_75 = arith.constant 0 : i32
      scf.yield %scan3A_75 : i32
    }
    %scan3A_8 = arith.constant 80 : i32
    %mul3A_9 = arith.constant 640 : i32
    %mul3A_10 = arith.muli %arg1, %mul3A_9 : i32
    %lt3A = arith.constant 15 : i32
    %lt3A_11 = arith.cmpi slt, %arg1, %lt3A : i32
    %convert_element_type3A = arith.extui %lt3A_11 : i1 to i32
    %cond3A = arith.constant 0 : i32
    %cond3A_12 = arith.cmpi ne, %convert_element_type3A, %cond3A : i32
    scf.if %cond3A_12 {
      %add3A_35 = arith.constant 0 : i32
      %add3A_36 = arith.addi %mul3A_10, %add3A_35 : i32
      "tpu.region"() ({
        %run_scoped3A = tpu.sem_alloc : memref<!tpu.dma_semaphore, #tpu.memory_space<semaphore_mem>>
        %dma_start3A = arith.constant 0 : i32
        %dma_start3A_51 = tpu.memref_slice %arg13[%add3A_36, %dma_start3A] : memref<10000x128xf32, #tpu.memory_space<vmem_shared>> -> memref<80x128xf32, #tpu.memory_space<vmem_shared>>
        %dma_start3A_52 = arith.constant 0 : i32
        %dma_start3A_53 = tpu.memref_slice %arg13[%add3A_36, %dma_start3A_52] : memref<10000x128xf32, #tpu.memory_space<vmem_shared>> -> memref<80x128xf32, #tpu.memory_space<vmem_shared>>
        tpu.enqueue_dma source(%arg12 : memref<80x128xf32, #tpu.memory_space<vmem>>) target(%dma_start3A_53 : memref<80x128xf32, #tpu.memory_space<vmem_shared>>) target_semaphore(%run_scoped3A : memref<!tpu.dma_semaphore, #tpu.memory_space<semaphore_mem>>)
        %dma_wait3A = arith.constant 0 : i32
        %dma_wait3A_54 = tpu.memref_slice %arg13[%add3A_36, %dma_wait3A] : memref<10000x128xf32, #tpu.memory_space<vmem_shared>> -> memref<80x128xf32, #tpu.memory_space<vmem_shared>>
        %dma_wait3A_55 = arith.constant 0 : i32
        %dma_wait3A_56 = tpu.memref_slice %arg13[%add3A_36, %dma_wait3A_55] : memref<10000x128xf32, #tpu.memory_space<vmem_shared>> -> memref<80x128xf32, #tpu.memory_space<vmem_shared>>
        tpu.wait_dma2 semaphore(%run_scoped3A : memref<!tpu.dma_semaphore, #tpu.memory_space<semaphore_mem>>) src(%arg12 : memref<80x128xf32, #tpu.memory_space<vmem>>) dst(%dma_wait3A_56 : memref<80x128xf32, #tpu.memory_space<vmem_shared>>)
        tpu.yield
      }) : () -> ()
      %add3A_37 = arith.constant 80 : i32
      %add3A_38 = arith.addi %mul3A_10, %add3A_37 : i32
      "tpu.region"() ({
        %run_scoped3A = tpu.sem_alloc : memref<!tpu.dma_semaphore, #tpu.memory_space<semaphore_mem>>
        %dma_start3A = arith.constant 0 : i32
        %dma_start3A_51 = tpu.memref_slice %arg13[%add3A_38, %dma_start3A] : memref<10000x128xf32, #tpu.memory_space<vmem_shared>> -> memref<80x128xf32, #tpu.memory_space<vmem_shared>>
        %dma_start3A_52 = arith.constant 0 : i32
        %dma_start3A_53 = tpu.memref_slice %arg13[%add3A_38, %dma_start3A_52] : memref<10000x128xf32, #tpu.memory_space<vmem_shared>> -> memref<80x128xf32, #tpu.memory_space<vmem_shared>>
        tpu.enqueue_dma source(%arg12 : memref<80x128xf32, #tpu.memory_space<vmem>>) target(%dma_start3A_53 : memref<80x128xf32, #tpu.memory_space<vmem_shared>>) target_semaphore(%run_scoped3A : memref<!tpu.dma_semaphore, #tpu.memory_space<semaphore_mem>>)
        %dma_wait3A = arith.constant 0 : i32
        %dma_wait3A_54 = tpu.memref_slice %arg13[%add3A_38, %dma_wait3A] : memref<10000x128xf32, #tpu.memory_space<vmem_shared>> -> memref<80x128xf32, #tpu.memory_space<vmem_shared>>
        %dma_wait3A_55 = arith.constant 0 : i32
        %dma_wait3A_56 = tpu.memref_slice %arg13[%add3A_38, %dma_wait3A_55] : memref<10000x128xf32, #tpu.memory_space<vmem_shared>> -> memref<80x128xf32, #tpu.memory_space<vmem_shared>>
        tpu.wait_dma2 semaphore(%run_scoped3A : memref<!tpu.dma_semaphore, #tpu.memory_space<semaphore_mem>>) src(%arg12 : memref<80x128xf32, #tpu.memory_space<vmem>>) dst(%dma_wait3A_56 : memref<80x128xf32, #tpu.memory_space<vmem_shared>>)
        tpu.yield
      }) : () -> ()
      %add3A_39 = arith.constant 160 : i32
      %add3A_40 = arith.addi %mul3A_10, %add3A_39 : i32
      "tpu.region"() ({
        %run_scoped3A = tpu.sem_alloc : memref<!tpu.dma_semaphore, #tpu.memory_space<semaphore_mem>>
        %dma_start3A = arith.constant 0 : i32
        %dma_start3A_51 = tpu.memref_slice %arg13[%add3A_40, %dma_start3A] : memref<10000x128xf32, #tpu.memory_space<vmem_shared>> -> memref<80x128xf32, #tpu.memory_space<vmem_shared>>
        %dma_start3A_52 = arith.constant 0 : i32
        %dma_start3A_53 = tpu.memref_slice %arg13[%add3A_40, %dma_start3A_52] : memref<10000x128xf32, #tpu.memory_space<vmem_shared>> -> memref<80x128xf32, #tpu.memory_space<vmem_shared>>
        tpu.enqueue_dma source(%arg12 : memref<80x128xf32, #tpu.memory_space<vmem>>) target(%dma_start3A_53 : memref<80x128xf32, #tpu.memory_space<vmem_shared>>) target_semaphore(%run_scoped3A : memref<!tpu.dma_semaphore, #tpu.memory_space<semaphore_mem>>)
        %dma_wait3A = arith.constant 0 : i32
        %dma_wait3A_54 = tpu.memref_slice %arg13[%add3A_40, %dma_wait3A] : memref<10000x128xf32, #tpu.memory_space<vmem_shared>> -> memref<80x128xf32, #tpu.memory_space<vmem_shared>>
        %dma_wait3A_55 = arith.constant 0 : i32
        %dma_wait3A_56 = tpu.memref_slice %arg13[%add3A_40, %dma_wait3A_55] : memref<10000x128xf32, #tpu.memory_space<vmem_shared>> -> memref<80x128xf32, #tpu.memory_space<vmem_shared>>
        tpu.wait_dma2 semaphore(%run_scoped3A : memref<!tpu.dma_semaphore, #tpu.memory_space<semaphore_mem>>) src(%arg12 : memref<80x128xf32, #tpu.memory_space<vmem>>) dst(%dma_wait3A_56 : memref<80x128xf32, #tpu.memory_space<vmem_shared>>)
        tpu.yield
      }) : () -> ()
      %add3A_41 = arith.constant 240 : i32
      %add3A_42 = arith.addi %mul3A_10, %add3A_41 : i32
      "tpu.region"() ({
        %run_scoped3A = tpu.sem_alloc : memref<!tpu.dma_semaphore, #tpu.memory_space<semaphore_mem>>
        %dma_start3A = arith.constant 0 : i32
        %dma_start3A_51 = tpu.memref_slice %arg13[%add3A_42, %dma_start3A] : memref<10000x128xf32, #tpu.memory_space<vmem_shared>> -> memref<80x128xf32, #tpu.memory_space<vmem_shared>>
        %dma_start3A_52 = arith.constant 0 : i32
        %dma_start3A_53 = tpu.memref_slice %arg13[%add3A_42, %dma_start3A_52] : memref<10000x128xf32, #tpu.memory_space<vmem_shared>> -> memref<80x128xf32, #tpu.memory_space<vmem_shared>>
        tpu.enqueue_dma source(%arg12 : memref<80x128xf32, #tpu.memory_space<vmem>>) target(%dma_start3A_53 : memref<80x128xf32, #tpu.memory_space<vmem_shared>>) target_semaphore(%run_scoped3A : memref<!tpu.dma_semaphore, #tpu.memory_space<semaphore_mem>>)
        %dma_wait3A = arith.constant 0 : i32
        %dma_wait3A_54 = tpu.memref_slice %arg13[%add3A_42, %dma_wait3A] : memref<10000x128xf32, #tpu.memory_space<vmem_shared>> -> memref<80x128xf32, #tpu.memory_space<vmem_shared>>
        %dma_wait3A_55 = arith.constant 0 : i32
        %dma_wait3A_56 = tpu.memref_slice %arg13[%add3A_42, %dma_wait3A_55] : memref<10000x128xf32, #tpu.memory_space<vmem_shared>> -> memref<80x128xf32, #tpu.memory_space<vmem_shared>>
        tpu.wait_dma2 semaphore(%run_scoped3A : memref<!tpu.dma_semaphore, #tpu.memory_space<semaphore_mem>>) src(%arg12 : memref<80x128xf32, #tpu.memory_space<vmem>>) dst(%dma_wait3A_56 : memref<80x128xf32, #tpu.memory_space<vmem_shared>>)
        tpu.yield
      }) : () -> ()
      %add3A_43 = arith.constant 320 : i32
      %add3A_44 = arith.addi %mul3A_10, %add3A_43 : i32
      "tpu.region"() ({
        %run_scoped3A = tpu.sem_alloc : memref<!tpu.dma_semaphore, #tpu.memory_space<semaphore_mem>>
        %dma_start3A = arith.constant 0 : i32
        %dma_start3A_51 = tpu.memref_slice %arg13[%add3A_44, %dma_start3A] : memref<10000x128xf32, #tpu.memory_space<vmem_shared>> -> memref<80x128xf32, #tpu.memory_space<vmem_shared>>
        %dma_start3A_52 = arith.constant 0 : i32
        %dma_start3A_53 = tpu.memref_slice %arg13[%add3A_44, %dma_start3A_52] : memref<10000x128xf32, #tpu.memory_space<vmem_shared>> -> memref<80x128xf32, #tpu.memory_space<vmem_shared>>
        tpu.enqueue_dma source(%arg12 : memref<80x128xf32, #tpu.memory_space<vmem>>) target(%dma_start3A_53 : memref<80x128xf32, #tpu.memory_space<vmem_shared>>) target_semaphore(%run_scoped3A : memref<!tpu.dma_semaphore, #tpu.memory_space<semaphore_mem>>)
        %dma_wait3A = arith.constant 0 : i32
        %dma_wait3A_54 = tpu.memref_slice %arg13[%add3A_44, %dma_wait3A] : memref<10000x128xf32, #tpu.memory_space<vmem_shared>> -> memref<80x128xf32, #tpu.memory_space<vmem_shared>>
        %dma_wait3A_55 = arith.constant 0 : i32
        %dma_wait3A_56 = tpu.memref_slice %arg13[%add3A_44, %dma_wait3A_55] : memref<10000x128xf32, #tpu.memory_space<vmem_shared>> -> memref<80x128xf32, #tpu.memory_space<vmem_shared>>
        tpu.wait_dma2 semaphore(%run_scoped3A : memref<!tpu.dma_semaphore, #tpu.memory_space<semaphore_mem>>) src(%arg12 : memref<80x128xf32, #tpu.memory_space<vmem>>) dst(%dma_wait3A_56 : memref<80x128xf32, #tpu.memory_space<vmem_shared>>)
        tpu.yield
      }) : () -> ()
      %add3A_45 = arith.constant 400 : i32
      %add3A_46 = arith.addi %mul3A_10, %add3A_45 : i32
      "tpu.region"() ({
        %run_scoped3A = tpu.sem_alloc : memref<!tpu.dma_semaphore, #tpu.memory_space<semaphore_mem>>
        %dma_start3A = arith.constant 0 : i32
        %dma_start3A_51 = tpu.memref_slice %arg13[%add3A_46, %dma_start3A] : memref<10000x128xf32, #tpu.memory_space<vmem_shared>> -> memref<80x128xf32, #tpu.memory_space<vmem_shared>>
        %dma_start3A_52 = arith.constant 0 : i32
        %dma_start3A_53 = tpu.memref_slice %arg13[%add3A_46, %dma_start3A_52] : memref<10000x128xf32, #tpu.memory_space<vmem_shared>> -> memref<80x128xf32, #tpu.memory_space<vmem_shared>>
        tpu.enqueue_dma source(%arg12 : memref<80x128xf32, #tpu.memory_space<vmem>>) target(%dma_start3A_53 : memref<80x128xf32, #tpu.memory_space<vmem_shared>>) target_semaphore(%run_scoped3A : memref<!tpu.dma_semaphore, #tpu.memory_space<semaphore_mem>>)
        %dma_wait3A = arith.constant 0 : i32
        %dma_wait3A_54 = tpu.memref_slice %arg13[%add3A_46, %dma_wait3A] : memref<10000x128xf32, #tpu.memory_space<vmem_shared>> -> memref<80x128xf32, #tpu.memory_space<vmem_shared>>
        %dma_wait3A_55 = arith.constant 0 : i32
        %dma_wait3A_56 = tpu.memref_slice %arg13[%add3A_46, %dma_wait3A_55] : memref<10000x128xf32, #tpu.memory_space<vmem_shared>> -> memref<80x128xf32, #tpu.memory_space<vmem_shared>>
        tpu.wait_dma2 semaphore(%run_scoped3A : memref<!tpu.dma_semaphore, #tpu.memory_space<semaphore_mem>>) src(%arg12 : memref<80x128xf32, #tpu.memory_space<vmem>>) dst(%dma_wait3A_56 : memref<80x128xf32, #tpu.memory_space<vmem_shared>>)
        tpu.yield
      }) : () -> ()
      %add3A_47 = arith.constant 480 : i32
      %add3A_48 = arith.addi %mul3A_10, %add3A_47 : i32
      "tpu.region"() ({
        %run_scoped3A = tpu.sem_alloc : memref<!tpu.dma_semaphore, #tpu.memory_space<semaphore_mem>>
        %dma_start3A = arith.constant 0 : i32
        %dma_start3A_51 = tpu.memref_slice %arg13[%add3A_48, %dma_start3A] : memref<10000x128xf32, #tpu.memory_space<vmem_shared>> -> memref<80x128xf32, #tpu.memory_space<vmem_shared>>
        %dma_start3A_52 = arith.constant 0 : i32
        %dma_start3A_53 = tpu.memref_slice %arg13[%add3A_48, %dma_start3A_52] : memref<10000x128xf32, #tpu.memory_space<vmem_shared>> -> memref<80x128xf32, #tpu.memory_space<vmem_shared>>
        tpu.enqueue_dma source(%arg12 : memref<80x128xf32, #tpu.memory_space<vmem>>) target(%dma_start3A_53 : memref<80x128xf32, #tpu.memory_space<vmem_shared>>) target_semaphore(%run_scoped3A : memref<!tpu.dma_semaphore, #tpu.memory_space<semaphore_mem>>)
        %dma_wait3A = arith.constant 0 : i32
        %dma_wait3A_54 = tpu.memref_slice %arg13[%add3A_48, %dma_wait3A] : memref<10000x128xf32, #tpu.memory_space<vmem_shared>> -> memref<80x128xf32, #tpu.memory_space<vmem_shared>>
        %dma_wait3A_55 = arith.constant 0 : i32
        %dma_wait3A_56 = tpu.memref_slice %arg13[%add3A_48, %dma_wait3A_55] : memref<10000x128xf32, #tpu.memory_space<vmem_shared>> -> memref<80x128xf32, #tpu.memory_space<vmem_shared>>
        tpu.wait_dma2 semaphore(%run_scoped3A : memref<!tpu.dma_semaphore, #tpu.memory_space<semaphore_mem>>) src(%arg12 : memref<80x128xf32, #tpu.memory_space<vmem>>) dst(%dma_wait3A_56 : memref<80x128xf32, #tpu.memory_space<vmem_shared>>)
        tpu.yield
      }) : () -> ()
      %add3A_49 = arith.constant 560 : i32
      %add3A_50 = arith.addi %mul3A_10, %add3A_49 : i32
      "tpu.region"() ({
        %run_scoped3A = tpu.sem_alloc : memref<!tpu.dma_semaphore, #tpu.memory_space<semaphore_mem>>
        %dma_start3A = arith.constant 0 : i32
        %dma_start3A_51 = tpu.memref_slice %arg13[%add3A_50, %dma_start3A] : memref<10000x128xf32, #tpu.memory_space<vmem_shared>> -> memref<80x128xf32, #tpu.memory_space<vmem_shared>>
        %dma_start3A_52 = arith.constant 0 : i32
        %dma_start3A_53 = tpu.memref_slice %arg13[%add3A_50, %dma_start3A_52] : memref<10000x128xf32, #tpu.memory_space<vmem_shared>> -> memref<80x128xf32, #tpu.memory_space<vmem_shared>>
        tpu.enqueue_dma source(%arg12 : memref<80x128xf32, #tpu.memory_space<vmem>>) target(%dma_start3A_53 : memref<80x128xf32, #tpu.memory_space<vmem_shared>>) target_semaphore(%run_scoped3A : memref<!tpu.dma_semaphore, #tpu.memory_space<semaphore_mem>>)
        %dma_wait3A = arith.constant 0 : i32
        %dma_wait3A_54 = tpu.memref_slice %arg13[%add3A_50, %dma_wait3A] : memref<10000x128xf32, #tpu.memory_space<vmem_shared>> -> memref<80x128xf32, #tpu.memory_space<vmem_shared>>
        %dma_wait3A_55 = arith.constant 0 : i32
        %dma_wait3A_56 = tpu.memref_slice %arg13[%add3A_50, %dma_wait3A_55] : memref<10000x128xf32, #tpu.memory_space<vmem_shared>> -> memref<80x128xf32, #tpu.memory_space<vmem_shared>>
        tpu.wait_dma2 semaphore(%run_scoped3A : memref<!tpu.dma_semaphore, #tpu.memory_space<semaphore_mem>>) src(%arg12 : memref<80x128xf32, #tpu.memory_space<vmem>>) dst(%dma_wait3A_56 : memref<80x128xf32, #tpu.memory_space<vmem_shared>>)
        tpu.yield
      }) : () -> ()
    } else {
    }
    %eq3A = arith.constant 15 : i32
    %eq3A_13 = arith.cmpi eq, %arg1, %eq3A : i32
    %convert_element_type3A_14 = arith.extui %eq3A_13 : i1 to i32
    %cond3A_15 = arith.constant 0 : i32
    %cond3A_16 = arith.cmpi ne, %convert_element_type3A_14, %cond3A_15 : i32
    scf.if %cond3A_16 {
      %add3A_35 = arith.constant 0 : i32
      %add3A_36 = arith.addi %mul3A_10, %add3A_35 : i32
      "tpu.region"() ({
        %run_scoped3A = tpu.sem_alloc : memref<!tpu.dma_semaphore, #tpu.memory_space<semaphore_mem>>
        %dma_start3A = arith.constant 0 : i32
        %dma_start3A_45 = tpu.memref_slice %arg13[%add3A_36, %dma_start3A] : memref<10000x128xf32, #tpu.memory_space<vmem_shared>> -> memref<80x128xf32, #tpu.memory_space<vmem_shared>>
        %dma_start3A_46 = arith.constant 0 : i32
        %dma_start3A_47 = tpu.memref_slice %arg13[%add3A_36, %dma_start3A_46] : memref<10000x128xf32, #tpu.memory_space<vmem_shared>> -> memref<80x128xf32, #tpu.memory_space<vmem_shared>>
        tpu.enqueue_dma source(%arg12 : memref<80x128xf32, #tpu.memory_space<vmem>>) target(%dma_start3A_47 : memref<80x128xf32, #tpu.memory_space<vmem_shared>>) target_semaphore(%run_scoped3A : memref<!tpu.dma_semaphore, #tpu.memory_space<semaphore_mem>>)
        %dma_wait3A = arith.constant 0 : i32
        %dma_wait3A_48 = tpu.memref_slice %arg13[%add3A_36, %dma_wait3A] : memref<10000x128xf32, #tpu.memory_space<vmem_shared>> -> memref<80x128xf32, #tpu.memory_space<vmem_shared>>
        %dma_wait3A_49 = arith.constant 0 : i32
        %dma_wait3A_50 = tpu.memref_slice %arg13[%add3A_36, %dma_wait3A_49] : memref<10000x128xf32, #tpu.memory_space<vmem_shared>> -> memref<80x128xf32, #tpu.memory_space<vmem_shared>>
        tpu.wait_dma2 semaphore(%run_scoped3A : memref<!tpu.dma_semaphore, #tpu.memory_space<semaphore_mem>>) src(%arg12 : memref<80x128xf32, #tpu.memory_space<vmem>>) dst(%dma_wait3A_50 : memref<80x128xf32, #tpu.memory_space<vmem_shared>>)
        tpu.yield
      }) : () -> ()
      %add3A_37 = arith.constant 80 : i32
      %add3A_38 = arith.addi %mul3A_10, %add3A_37 : i32
      "tpu.region"() ({
        %run_scoped3A = tpu.sem_alloc : memref<!tpu.dma_semaphore, #tpu.memory_space<semaphore_mem>>
        %dma_start3A = arith.constant 0 : i32
        %dma_start3A_45 = tpu.memref_slice %arg13[%add3A_38, %dma_start3A] : memref<10000x128xf32, #tpu.memory_space<vmem_shared>> -> memref<80x128xf32, #tpu.memory_space<vmem_shared>>
        %dma_start3A_46 = arith.constant 0 : i32
        %dma_start3A_47 = tpu.memref_slice %arg13[%add3A_38, %dma_start3A_46] : memref<10000x128xf32, #tpu.memory_space<vmem_shared>> -> memref<80x128xf32, #tpu.memory_space<vmem_shared>>
        tpu.enqueue_dma source(%arg12 : memref<80x128xf32, #tpu.memory_space<vmem>>) target(%dma_start3A_47 : memref<80x128xf32, #tpu.memory_space<vmem_shared>>) target_semaphore(%run_scoped3A : memref<!tpu.dma_semaphore, #tpu.memory_space<semaphore_mem>>)
        %dma_wait3A = arith.constant 0 : i32
        %dma_wait3A_48 = tpu.memref_slice %arg13[%add3A_38, %dma_wait3A] : memref<10000x128xf32, #tpu.memory_space<vmem_shared>> -> memref<80x128xf32, #tpu.memory_space<vmem_shared>>
        %dma_wait3A_49 = arith.constant 0 : i32
        %dma_wait3A_50 = tpu.memref_slice %arg13[%add3A_38, %dma_wait3A_49] : memref<10000x128xf32, #tpu.memory_space<vmem_shared>> -> memref<80x128xf32, #tpu.memory_space<vmem_shared>>
        tpu.wait_dma2 semaphore(%run_scoped3A : memref<!tpu.dma_semaphore, #tpu.memory_space<semaphore_mem>>) src(%arg12 : memref<80x128xf32, #tpu.memory_space<vmem>>) dst(%dma_wait3A_50 : memref<80x128xf32, #tpu.memory_space<vmem_shared>>)
        tpu.yield
      }) : () -> ()
      %add3A_39 = arith.constant 160 : i32
      %add3A_40 = arith.addi %mul3A_10, %add3A_39 : i32
      "tpu.region"() ({
        %run_scoped3A = tpu.sem_alloc : memref<!tpu.dma_semaphore, #tpu.memory_space<semaphore_mem>>
        %dma_start3A = arith.constant 0 : i32
        %dma_start3A_45 = tpu.memref_slice %arg13[%add3A_40, %dma_start3A] : memref<10000x128xf32, #tpu.memory_space<vmem_shared>> -> memref<80x128xf32, #tpu.memory_space<vmem_shared>>
        %dma_start3A_46 = arith.constant 0 : i32
        %dma_start3A_47 = tpu.memref_slice %arg13[%add3A_40, %dma_start3A_46] : memref<10000x128xf32, #tpu.memory_space<vmem_shared>> -> memref<80x128xf32, #tpu.memory_space<vmem_shared>>
        tpu.enqueue_dma source(%arg12 : memref<80x128xf32, #tpu.memory_space<vmem>>) target(%dma_start3A_47 : memref<80x128xf32, #tpu.memory_space<vmem_shared>>) target_semaphore(%run_scoped3A : memref<!tpu.dma_semaphore, #tpu.memory_space<semaphore_mem>>)
        %dma_wait3A = arith.constant 0 : i32
        %dma_wait3A_48 = tpu.memref_slice %arg13[%add3A_40, %dma_wait3A] : memref<10000x128xf32, #tpu.memory_space<vmem_shared>> -> memref<80x128xf32, #tpu.memory_space<vmem_shared>>
        %dma_wait3A_49 = arith.constant 0 : i32
        %dma_wait3A_50 = tpu.memref_slice %arg13[%add3A_40, %dma_wait3A_49] : memref<10000x128xf32, #tpu.memory_space<vmem_shared>> -> memref<80x128xf32, #tpu.memory_space<vmem_shared>>
        tpu.wait_dma2 semaphore(%run_scoped3A : memref<!tpu.dma_semaphore, #tpu.memory_space<semaphore_mem>>) src(%arg12 : memref<80x128xf32, #tpu.memory_space<vmem>>) dst(%dma_wait3A_50 : memref<80x128xf32, #tpu.memory_space<vmem_shared>>)
        tpu.yield
      }) : () -> ()
      %add3A_41 = arith.constant 240 : i32
      %add3A_42 = arith.addi %mul3A_10, %add3A_41 : i32
      "tpu.region"() ({
        %run_scoped3A = tpu.sem_alloc : memref<!tpu.dma_semaphore, #tpu.memory_space<semaphore_mem>>
        %dma_start3A = arith.constant 0 : i32
        %dma_start3A_45 = tpu.memref_slice %arg13[%add3A_42, %dma_start3A] : memref<10000x128xf32, #tpu.memory_space<vmem_shared>> -> memref<80x128xf32, #tpu.memory_space<vmem_shared>>
        %dma_start3A_46 = arith.constant 0 : i32
        %dma_start3A_47 = tpu.memref_slice %arg13[%add3A_42, %dma_start3A_46] : memref<10000x128xf32, #tpu.memory_space<vmem_shared>> -> memref<80x128xf32, #tpu.memory_space<vmem_shared>>
        tpu.enqueue_dma source(%arg12 : memref<80x128xf32, #tpu.memory_space<vmem>>) target(%dma_start3A_47 : memref<80x128xf32, #tpu.memory_space<vmem_shared>>) target_semaphore(%run_scoped3A : memref<!tpu.dma_semaphore, #tpu.memory_space<semaphore_mem>>)
        %dma_wait3A = arith.constant 0 : i32
        %dma_wait3A_48 = tpu.memref_slice %arg13[%add3A_42, %dma_wait3A] : memref<10000x128xf32, #tpu.memory_space<vmem_shared>> -> memref<80x128xf32, #tpu.memory_space<vmem_shared>>
        %dma_wait3A_49 = arith.constant 0 : i32
        %dma_wait3A_50 = tpu.memref_slice %arg13[%add3A_42, %dma_wait3A_49] : memref<10000x128xf32, #tpu.memory_space<vmem_shared>> -> memref<80x128xf32, #tpu.memory_space<vmem_shared>>
        tpu.wait_dma2 semaphore(%run_scoped3A : memref<!tpu.dma_semaphore, #tpu.memory_space<semaphore_mem>>) src(%arg12 : memref<80x128xf32, #tpu.memory_space<vmem>>) dst(%dma_wait3A_50 : memref<80x128xf32, #tpu.memory_space<vmem_shared>>)
        tpu.yield
      }) : () -> ()
      %add3A_43 = arith.constant 320 : i32
      %add3A_44 = arith.addi %mul3A_10, %add3A_43 : i32
      "tpu.region"() ({
        %run_scoped3A = tpu.sem_alloc : memref<!tpu.dma_semaphore, #tpu.memory_space<semaphore_mem>>
        %dma_start3A = arith.constant 0 : i32
        %dma_start3A_45 = tpu.memref_slice %arg13[%add3A_44, %dma_start3A] : memref<10000x128xf32, #tpu.memory_space<vmem_shared>> -> memref<80x128xf32, #tpu.memory_space<vmem_shared>>
        %dma_start3A_46 = arith.constant 0 : i32
        %dma_start3A_47 = tpu.memref_slice %arg13[%add3A_44, %dma_start3A_46] : memref<10000x128xf32, #tpu.memory_space<vmem_shared>> -> memref<80x128xf32, #tpu.memory_space<vmem_shared>>
        tpu.enqueue_dma source(%arg12 : memref<80x128xf32, #tpu.memory_space<vmem>>) target(%dma_start3A_47 : memref<80x128xf32, #tpu.memory_space<vmem_shared>>) target_semaphore(%run_scoped3A : memref<!tpu.dma_semaphore, #tpu.memory_space<semaphore_mem>>)
        %dma_wait3A = arith.constant 0 : i32
        %dma_wait3A_48 = tpu.memref_slice %arg13[%add3A_44, %dma_wait3A] : memref<10000x128xf32, #tpu.memory_space<vmem_shared>> -> memref<80x128xf32, #tpu.memory_space<vmem_shared>>
        %dma_wait3A_49 = arith.constant 0 : i32
        %dma_wait3A_50 = tpu.memref_slice %arg13[%add3A_44, %dma_wait3A_49] : memref<10000x128xf32, #tpu.memory_space<vmem_shared>> -> memref<80x128xf32, #tpu.memory_space<vmem_shared>>
        tpu.wait_dma2 semaphore(%run_scoped3A : memref<!tpu.dma_semaphore, #tpu.memory_space<semaphore_mem>>) src(%arg12 : memref<80x128xf32, #tpu.memory_space<vmem>>) dst(%dma_wait3A_50 : memref<80x128xf32, #tpu.memory_space<vmem_shared>>)
        tpu.yield
      }) : () -> ()
    } else {
    }
    %barrier3A = arith.constant 0 : index
    tpu.barrier barrier_id(%barrier3A)
    %scan3A_17 = arith.constant 0 : i32
    %scan3A_18 = arith.constant 0 : i32
    %scan3A_19 = arith.constant 5 : i32
    %scan3A_20 = arith.addi %scan3A_18, %scan3A_19 : i32
    %scan3A_21 = arith.constant 1 : i32
    %scan3A_22 = scf.for %scan3A_35 = %scan3A_18 to %scan3A_20 step %scan3A_21 iter_args(%scan3A_36 = %scan3A_17) -> (i32)  : i32 {
      %mul3A_37 = arith.constant 2000 : i32
      %mul3A_38 = arith.muli %scan3A_35, %mul3A_37 : i32
      %add3A_39 = arith.addi %mul3A_2, %mul3A_38 : i32
      "tpu.region"() ({
        %run_scoped3A = tpu.sem_alloc : memref<!tpu.dma_semaphore, #tpu.memory_space<semaphore_mem>>
        %dma_start3A = tpu.memref_slice %arg2[%add3A_39] : memref<320000xi32, #tpu.memory_space<hbm>> -> memref<2000xi32, #tpu.memory_space<hbm>>
        %dma_start3A_50 = tpu.memref_slice %arg2[%add3A_39] : memref<320000xi32, #tpu.memory_space<hbm>> -> memref<2000xi32, #tpu.memory_space<hbm>>
        tpu.enqueue_dma source(%dma_start3A_50 : memref<2000xi32, #tpu.memory_space<hbm>>) target(%arg7 : memref<2000xi32, #tpu.memory_space<vmem>>) target_semaphore(%run_scoped3A : memref<!tpu.dma_semaphore, #tpu.memory_space<semaphore_mem>>)
        %dma_wait3A = tpu.memref_slice %arg2[%add3A_39] : memref<320000xi32, #tpu.memory_space<hbm>> -> memref<2000xi32, #tpu.memory_space<hbm>>
        %dma_wait3A_51 = tpu.memref_slice %arg2[%add3A_39] : memref<320000xi32, #tpu.memory_space<hbm>> -> memref<2000xi32, #tpu.memory_space<hbm>>
        tpu.wait_dma2 semaphore(%run_scoped3A : memref<!tpu.dma_semaphore, #tpu.memory_space<semaphore_mem>>) src(%dma_wait3A_51 : memref<2000xi32, #tpu.memory_space<hbm>>) dst(%arg7 : memref<2000xi32, #tpu.memory_space<vmem>>)
        tpu.yield
      }) : () -> ()
      "tpu.region"() ({
        %run_scoped3A = tpu.sem_alloc : memref<!tpu.dma_semaphore, #tpu.memory_space<semaphore_mem>>
        %dma_start3A = tpu.memref_slice %arg3[%add3A_39] : memref<320000xi32, #tpu.memory_space<hbm>> -> memref<2000xi32, #tpu.memory_space<hbm>>
        %dma_start3A_50 = tpu.memref_slice %arg3[%add3A_39] : memref<320000xi32, #tpu.memory_space<hbm>> -> memref<2000xi32, #tpu.memory_space<hbm>>
        tpu.enqueue_dma source(%dma_start3A_50 : memref<2000xi32, #tpu.memory_space<hbm>>) target(%arg8 : memref<2000xi32, #tpu.memory_space<vmem>>) target_semaphore(%run_scoped3A : memref<!tpu.dma_semaphore, #tpu.memory_space<semaphore_mem>>)
        %dma_wait3A = tpu.memref_slice %arg3[%add3A_39] : memref<320000xi32, #tpu.memory_space<hbm>> -> memref<2000xi32, #tpu.memory_space<hbm>>
        %dma_wait3A_51 = tpu.memref_slice %arg3[%add3A_39] : memref<320000xi32, #tpu.memory_space<hbm>> -> memref<2000xi32, #tpu.memory_space<hbm>>
        tpu.wait_dma2 semaphore(%run_scoped3A : memref<!tpu.dma_semaphore, #tpu.memory_space<semaphore_mem>>) src(%dma_wait3A_51 : memref<2000xi32, #tpu.memory_space<hbm>>) dst(%arg8 : memref<2000xi32, #tpu.memory_space<vmem>>)
        tpu.yield
      }) : () -> ()
      %add3A_40 = arith.constant 0 : i32
      %add3A_41 = arith.addi %add3A_40, %add3A_39 : i32
      "tpu.region"() ({
        %run_scoped3A = tpu.sem_alloc : memref<!tpu.dma_semaphore, #tpu.memory_space<semaphore_mem>>
        %dma_start3A = tpu.memref_slice %arg4[%add3A_41] : memref<320000xf32, #tpu.memory_space<hbm>> -> memref<2000xf32, #tpu.memory_space<hbm>>
        %dma_start3A_50 = tpu.memref_slice %arg4[%add3A_41] : memref<320000xf32, #tpu.memory_space<hbm>> -> memref<2000xf32, #tpu.memory_space<hbm>>
        tpu.enqueue_dma source(%dma_start3A_50 : memref<2000xf32, #tpu.memory_space<hbm>>) target(%arg15 : memref<2000xf32, #tpu.memory_space<vmem>>) target_semaphore(%run_scoped3A : memref<!tpu.dma_semaphore, #tpu.memory_space<semaphore_mem>>)
        %dma_wait3A = tpu.memref_slice %arg4[%add3A_41] : memref<320000xf32, #tpu.memory_space<hbm>> -> memref<2000xf32, #tpu.memory_space<hbm>>
        %dma_wait3A_51 = tpu.memref_slice %arg4[%add3A_41] : memref<320000xf32, #tpu.memory_space<hbm>> -> memref<2000xf32, #tpu.memory_space<hbm>>
        tpu.wait_dma2 semaphore(%run_scoped3A : memref<!tpu.dma_semaphore, #tpu.memory_space<semaphore_mem>>) src(%dma_wait3A_51 : memref<2000xf32, #tpu.memory_space<hbm>>) dst(%arg15 : memref<2000xf32, #tpu.memory_space<vmem>>)
        tpu.yield
      }) : () -> ()
      %scan3A_42 = arith.constant 0 : i32
      %scan3A_43 = arith.constant 0 : i32
      %scan3A_44 = arith.constant 25 : i32
      %scan3A_45 = arith.addi %scan3A_43, %scan3A_44 : i32
      %scan3A_46 = arith.constant 1 : i32
      %scan3A_47 = scf.for %scan3A_50 = %scan3A_43 to %scan3A_45 step %scan3A_46 iter_args(%scan3A_51 = %scan3A_42) -> (i32)  : i32 {
        %mul3A_52 = arith.constant 80 : i32
        %mul3A_53 = arith.muli %scan3A_50, %mul3A_52 : i32
        %scan3A_54 = arith.constant 0 : i32
        %scan3A_55 = arith.constant 0 : i32
        %scan3A_56 = arith.constant 5 : i32
        %scan3A_57 = arith.addi %scan3A_55, %scan3A_56 : i32
        %scan3A_58 = arith.constant 1 : i32
        %scan3A_59 = scf.for %scan3A_73 = %scan3A_55 to %scan3A_57 step %scan3A_58 iter_args(%scan3A_74 = %scan3A_54) -> (i32)  : i32 {
          %mul3A_75 = arith.constant 16 : i32
          %mul3A_76 = arith.muli %scan3A_73, %mul3A_75 : i32
          %add3A_77 = arith.addi %mul3A_53, %mul3A_76 : i32
          %get3A = arith.index_cast %add3A_77 : i32 to index
          %get3A_78 = tpu.vector_load %arg7[%get3A] {strides = array<i32>} : memref<2000xi32, #tpu.memory_space<vmem>>, vector<16xi32>,
          %mul3A_79 = arith.constant 16 : i32
          %mul3A_80 = arith.muli %scan3A_73, %mul3A_79 : i32
          %swap3A = arith.index_cast %mul3A_80 : i32 to index
          %swap3A_81 = tpu.vector_load %arg9[%swap3A] {strides = array<i32>} : memref<80xi32, #tpu.memory_space<vmem>>, vector<16xi32>,
          tpu.vector_store %arg9[%swap3A], %get3A_78 {strides = array<i32>} : memref<80xi32, #tpu.memory_space<vmem>>, vector<16xi32>,
          %mul3A_82 = arith.constant 16 : i32
          %mul3A_83 = arith.muli %scan3A_73, %mul3A_82 : i32
          %add3A_84 = arith.addi %mul3A_53, %mul3A_83 : i32
          %get3A_85 = arith.index_cast %add3A_84 : i32 to index
          %get3A_86 = tpu.vector_load %arg8[%get3A_85] {strides = array<i32>} : memref<2000xi32, #tpu.memory_space<vmem>>, vector<16xi32>,
          %mul3A_87 = arith.constant 16 : i32
          %mul3A_88 = arith.muli %scan3A_73, %mul3A_87 : i32
          %swap3A_89 = arith.index_cast %mul3A_88 : i32 to index
          %swap3A_90 = tpu.vector_load %arg10[%swap3A_89] {strides = array<i32>} : memref<80xi32, #tpu.memory_space<vmem>>, vector<16xi32>,
          tpu.vector_store %arg10[%swap3A_89], %get3A_86 {strides = array<i32>} : memref<80xi32, #tpu.memory_space<vmem>>, vector<16xi32>,
          %scan3A_91 = arith.constant 0 : i32
          scf.yield %scan3A_91 : i32
        }
        %scan3A_60 = arith.constant 5 : i32
        %dma_start3A = arith.constant 0 : i32
        %dma_start3A_61 = arith.constant 0 : i32
        %dma_start3A_62 = tpu.memref_slice %arg5[%dma_start3A, %dma_start3A_61] : memref<10000x128xf32, #tpu.memory_space<hbm>> -> memref<10000x128xf32, #tpu.memory_space<hbm>>
        tpu.enqueue_indirect_dma source(%dma_start3A_62 : memref<10000x128xf32, #tpu.memory_space<hbm>>) target(%arg11 : memref<80x128xf32, #tpu.memory_space<vmem>>) offsets(%arg9 : memref<80xi32, #tpu.memory_space<vmem>>) semaphore(%arg14 : memref<!tpu.dma_semaphore, #tpu.memory_space<semaphore_mem>>)
        %dma_wait3A = arith.constant 0 : i32
        %dma_wait3A_63 = arith.constant 0 : i32
        %dma_wait3A_64 = tpu.memref_slice %arg5[%dma_wait3A, %dma_wait3A_63] : memref<10000x128xf32, #tpu.memory_space<hbm>> -> memref<10000x128xf32, #tpu.memory_space<hbm>>
        tpu.wait_indirect_dma semaphore(%arg14 : memref<!tpu.dma_semaphore, #tpu.memory_space<semaphore_mem>>) src(%dma_wait3A_64 : memref<10000x128xf32, #tpu.memory_space<hbm>>) dst(%arg11 : memref<80x128xf32, #tpu.memory_space<vmem>>)
        %scan3A_65 = arith.constant 0 : i32
        %scan3A_66 = arith.constant 0 : i32
        %scan3A_67 = arith.constant 5 : i32
        %scan3A_68 = arith.addi %scan3A_66, %scan3A_67 : i32
        %scan3A_69 = arith.constant 1 : i32
        %scan3A_70 = scf.for %scan3A_73 = %scan3A_66 to %scan3A_68 step %scan3A_69 iter_args(%scan3A_74 = %scan3A_65) -> (i32)  : i32 {
          %mul3A_75 = arith.constant 16 : i32
          %mul3A_76 = arith.muli %scan3A_73, %mul3A_75 : i32
          %iota3A = tpu.iota {dimensions = array<i32: 0>} : vector<16xi32>
          %add3A_77 = vector.broadcast %mul3A_76 : i32 to vector<16xi32>
          %add3A_78 = arith.addi %add3A_77, %iota3A : vector<16xi32>
          %mul3A_79 = arith.constant 16 : i32
          %mul3A_80 = arith.muli %scan3A_73, %mul3A_79 : i32
          %add3A_81 = arith.addi %mul3A_53, %mul3A_80 : i32
          %get3A = arith.index_cast %add3A_81 : i32 to index
          %get3A_82 = tpu.vector_load %arg15[%get3A] {strides = array<i32>} : memref<2000xf32, #tpu.memory_space<vmem>>, vector<16xf32>,
          %broadcast_in_dim3A = arith.constant 0 : i32
          %broadcast_in_dim3A_83 = vector.broadcast %broadcast_in_dim3A : i32 to vector<16xi32>
          %gather3A = tpu.vector_load_idx %arg11[%add3A_78, %broadcast_in_dim3A_83] : memref<80x128xf32, #tpu.memory_space<vmem>>[vector<16xi32>, vector<16xi32>], vector<16xf32>,
          %mul3A_84 = arith.mulf %gather3A, %get3A_82 : vector<16xf32>
          tpu.vector_store_idx %arg12[%add3A_78, %broadcast_in_dim3A_83], %mul3A_84 : memref<80x128xf32, #tpu.memory_space<vmem>>[vector<16xi32>, vector<16xi32>], vector<16xf32>,
          %broadcast_in_dim3A_85 = arith.constant 1 : i32
          %broadcast_in_dim3A_86 = vector.broadcast %broadcast_in_dim3A_85 : i32 to vector<16xi32>
          %gather3A_87 = tpu.vector_load_idx %arg11[%add3A_78, %broadcast_in_dim3A_86] : memref<80x128xf32, #tpu.memory_space<vmem>>[vector<16xi32>, vector<16xi32>], vector<16xf32>,
          %mul3A_88 = arith.mulf %gather3A_87, %get3A_82 : vector<16xf32>
          tpu.vector_store_idx %arg12[%add3A_78, %broadcast_in_dim3A_86], %mul3A_88 : memref<80x128xf32, #tpu.memory_space<vmem>>[vector<16xi32>, vector<16xi32>], vector<16xf32>,
          %broadcast_in_dim3A_89 = arith.constant 2 : i32
          %broadcast_in_dim3A_90 = vector.broadcast %broadcast_in_dim3A_89 : i32 to vector<16xi32>
          %gather3A_91 = tpu.vector_load_idx %arg11[%add3A_78, %broadcast_in_dim3A_90] : memref<80x128xf32, #tpu.memory_space<vmem>>[vector<16xi32>, vector<16xi32>], vector<16xf32>,
          %mul3A_92 = arith.mulf %gather3A_91, %get3A_82 : vector<16xf32>
          tpu.vector_store_idx %arg12[%add3A_78, %broadcast_in_dim3A_90], %mul3A_92 : memref<80x128xf32, #tpu.memory_space<vmem>>[vector<16xi32>, vector<16xi32>], vector<16xf32>,
          %broadcast_in_dim3A_93 = arith.constant 3 : i32
          %broadcast_in_dim3A_94 = vector.broadcast %broadcast_in_dim3A_93 : i32 to vector<16xi32>
          %gather3A_95 = tpu.vector_load_idx %arg11[%add3A_78, %broadcast_in_dim3A_94] : memref<80x128xf32, #tpu.memory_space<vmem>>[vector<16xi32>, vector<16xi32>], vector<16xf32>,
          %mul3A_96 = arith.mulf %gather3A_95, %get3A_82 : vector<16xf32>
          tpu.vector_store_idx %arg12[%add3A_78, %broadcast_in_dim3A_94], %mul3A_96 : memref<80x128xf32, #tpu.memory_space<vmem>>[vector<16xi32>, vector<16xi32>], vector<16xf32>,
          %broadcast_in_dim3A_97 = arith.constant 4 : i32
          %broadcast_in_dim3A_98 = vector.broadcast %broadcast_in_dim3A_97 : i32 to vector<16xi32>
          %gather3A_99 = tpu.vector_load_idx %arg11[%add3A_78, %broadcast_in_dim3A_98] : memref<80x128xf32, #tpu.memory_space<vmem>>[vector<16xi32>, vector<16xi32>], vector<16xf32>,
          %mul3A_100 = arith.mulf %gather3A_99, %get3A_82 : vector<16xf32>
          tpu.vector_store_idx %arg12[%add3A_78, %broadcast_in_dim3A_98], %mul3A_100 : memref<80x128xf32, #tpu.memory_space<vmem>>[vector<16xi32>, vector<16xi32>], vector<16xf32>,
          %broadcast_in_dim3A_101 = arith.constant 5 : i32
          %broadcast_in_dim3A_102 = vector.broadcast %broadcast_in_dim3A_101 : i32 to vector<16xi32>
          %gather3A_103 = tpu.vector_load_idx %arg11[%add3A_78, %broadcast_in_dim3A_102] : memref<80x128xf32, #tpu.memory_space<vmem>>[vector<16xi32>, vector<16xi32>], vector<16xf32>,
          %mul3A_104 = arith.mulf %gather3A_103, %get3A_82 : vector<16xf32>
          tpu.vector_store_idx %arg12[%add3A_78, %broadcast_in_dim3A_102], %mul3A_104 : memref<80x128xf32, #tpu.memory_space<vmem>>[vector<16xi32>, vector<16xi32>], vector<16xf32>,
          %broadcast_in_dim3A_105 = arith.constant 6 : i32
          %broadcast_in_dim3A_106 = vector.broadcast %broadcast_in_dim3A_105 : i32 to vector<16xi32>
          %gather3A_107 = tpu.vector_load_idx %arg11[%add3A_78, %broadcast_in_dim3A_106] : memref<80x128xf32, #tpu.memory_space<vmem>>[vector<16xi32>, vector<16xi32>], vector<16xf32>,
          %mul3A_108 = arith.mulf %gather3A_107, %get3A_82 : vector<16xf32>
          tpu.vector_store_idx %arg12[%add3A_78, %broadcast_in_dim3A_106], %mul3A_108 : memref<80x128xf32, #tpu.memory_space<vmem>>[vector<16xi32>, vector<16xi32>], vector<16xf32>,
          %broadcast_in_dim3A_109 = arith.constant 7 : i32
          %broadcast_in_dim3A_110 = vector.broadcast %broadcast_in_dim3A_109 : i32 to vector<16xi32>
          %gather3A_111 = tpu.vector_load_idx %arg11[%add3A_78, %broadcast_in_dim3A_110] : memref<80x128xf32, #tpu.memory_space<vmem>>[vector<16xi32>, vector<16xi32>], vector<16xf32>,
          %mul3A_112 = arith.mulf %gather3A_111, %get3A_82 : vector<16xf32>
          tpu.vector_store_idx %arg12[%add3A_78, %broadcast_in_dim3A_110], %mul3A_112 : memref<80x128xf32, #tpu.memory_space<vmem>>[vector<16xi32>, vector<16xi32>], vector<16xf32>,
          %broadcast_in_dim3A_113 = arith.constant 8 : i32
          %broadcast_in_dim3A_114 = vector.broadcast %broadcast_in_dim3A_113 : i32 to vector<16xi32>
          %gather3A_115 = tpu.vector_load_idx %arg11[%add3A_78, %broadcast_in_dim3A_114] : memref<80x128xf32, #tpu.memory_space<vmem>>[vector<16xi32>, vector<16xi32>], vector<16xf32>,
          %mul3A_116 = arith.mulf %gather3A_115, %get3A_82 : vector<16xf32>
          tpu.vector_store_idx %arg12[%add3A_78, %broadcast_in_dim3A_114], %mul3A_116 : memref<80x128xf32, #tpu.memory_space<vmem>>[vector<16xi32>, vector<16xi32>], vector<16xf32>,
          %broadcast_in_dim3A_117 = arith.constant 9 : i32
          %broadcast_in_dim3A_118 = vector.broadcast %broadcast_in_dim3A_117 : i32 to vector<16xi32>
          %gather3A_119 = tpu.vector_load_idx %arg11[%add3A_78, %broadcast_in_dim3A_118] : memref<80x128xf32, #tpu.memory_space<vmem>>[vector<16xi32>, vector<16xi32>], vector<16xf32>,
          %mul3A_120 = arith.mulf %gather3A_119, %get3A_82 : vector<16xf32>
          tpu.vector_store_idx %arg12[%add3A_78, %broadcast_in_dim3A_118], %mul3A_120 : memref<80x128xf32, #tpu.memory_space<vmem>>[vector<16xi32>, vector<16xi32>], vector<16xf32>,
          %broadcast_in_dim3A_121 = arith.constant 10 : i32
          %broadcast_in_dim3A_122 = vector.broadcast %broadcast_in_dim3A_121 : i32 to vector<16xi32>
          %gather3A_123 = tpu.vector_load_idx %arg11[%add3A_78, %broadcast_in_dim3A_122] : memref<80x128xf32, #tpu.memory_space<vmem>>[vector<16xi32>, vector<16xi32>], vector<16xf32>,
          %mul3A_124 = arith.mulf %gather3A_123, %get3A_82 : vector<16xf32>
          tpu.vector_store_idx %arg12[%add3A_78, %broadcast_in_dim3A_122], %mul3A_124 : memref<80x128xf32, #tpu.memory_space<vmem>>[vector<16xi32>, vector<16xi32>], vector<16xf32>,
          %broadcast_in_dim3A_125 = arith.constant 11 : i32
          %broadcast_in_dim3A_126 = vector.broadcast %broadcast_in_dim3A_125 : i32 to vector<16xi32>
          %gather3A_127 = tpu.vector_load_idx %arg11[%add3A_78, %broadcast_in_dim3A_126] : memref<80x128xf32, #tpu.memory_space<vmem>>[vector<16xi32>, vector<16xi32>], vector<16xf32>,
          %mul3A_128 = arith.mulf %gather3A_127, %get3A_82 : vector<16xf32>
          tpu.vector_store_idx %arg12[%add3A_78, %broadcast_in_dim3A_126], %mul3A_128 : memref<80x128xf32, #tpu.memory_space<vmem>>[vector<16xi32>, vector<16xi32>], vector<16xf32>,
          %broadcast_in_dim3A_129 = arith.constant 12 : i32
          %broadcast_in_dim3A_130 = vector.broadcast %broadcast_in_dim3A_129 : i32 to vector<16xi32>
          %gather3A_131 = tpu.vector_load_idx %arg11[%add3A_78, %broadcast_in_dim3A_130] : memref<80x128xf32, #tpu.memory_space<vmem>>[vector<16xi32>, vector<16xi32>], vector<16xf32>,
          %mul3A_132 = arith.mulf %gather3A_131, %get3A_82 : vector<16xf32>
          tpu.vector_store_idx %arg12[%add3A_78, %broadcast_in_dim3A_130], %mul3A_132 : memref<80x128xf32, #tpu.memory_space<vmem>>[vector<16xi32>, vector<16xi32>], vector<16xf32>,
          %broadcast_in_dim3A_133 = arith.constant 13 : i32
          %broadcast_in_dim3A_134 = vector.broadcast %broadcast_in_dim3A_133 : i32 to vector<16xi32>
          %gather3A_135 = tpu.vector_load_idx %arg11[%add3A_78, %broadcast_in_dim3A_134] : memref<80x128xf32, #tpu.memory_space<vmem>>[vector<16xi32>, vector<16xi32>], vector<16xf32>,
          %mul3A_136 = arith.mulf %gather3A_135, %get3A_82 : vector<16xf32>
          tpu.vector_store_idx %arg12[%add3A_78, %broadcast_in_dim3A_134], %mul3A_136 : memref<80x128xf32, #tpu.memory_space<vmem>>[vector<16xi32>, vector<16xi32>], vector<16xf32>,
          %broadcast_in_dim3A_137 = arith.constant 14 : i32
          %broadcast_in_dim3A_138 = vector.broadcast %broadcast_in_dim3A_137 : i32 to vector<16xi32>
          %gather3A_139 = tpu.vector_load_idx %arg11[%add3A_78, %broadcast_in_dim3A_138] : memref<80x128xf32, #tpu.memory_space<vmem>>[vector<16xi32>, vector<16xi32>], vector<16xf32>,
          %mul3A_140 = arith.mulf %gather3A_139, %get3A_82 : vector<16xf32>
          tpu.vector_store_idx %arg12[%add3A_78, %broadcast_in_dim3A_138], %mul3A_140 : memref<80x128xf32, #tpu.memory_space<vmem>>[vector<16xi32>, vector<16xi32>], vector<16xf32>,
          %broadcast_in_dim3A_141 = arith.constant 15 : i32
          %broadcast_in_dim3A_142 = vector.broadcast %broadcast_in_dim3A_141 : i32 to vector<16xi32>
          %gather3A_143 = tpu.vector_load_idx %arg11[%add3A_78, %broadcast_in_dim3A_142] : memref<80x128xf32, #tpu.memory_space<vmem>>[vector<16xi32>, vector<16xi32>], vector<16xf32>,
          %mul3A_144 = arith.mulf %gather3A_143, %get3A_82 : vector<16xf32>
          tpu.vector_store_idx %arg12[%add3A_78, %broadcast_in_dim3A_142], %mul3A_144 : memref<80x128xf32, #tpu.memory_space<vmem>>[vector<16xi32>, vector<16xi32>], vector<16xf32>,
          %broadcast_in_dim3A_145 = arith.constant 16 : i32
          %broadcast_in_dim3A_146 = vector.broadcast %broadcast_in_dim3A_145 : i32 to vector<16xi32>
          %gather3A_147 = tpu.vector_load_idx %arg11[%add3A_78, %broadcast_in_dim3A_146] : memref<80x128xf32, #tpu.memory_space<vmem>>[vector<16xi32>, vector<16xi32>], vector<16xf32>,
          %mul3A_148 = arith.mulf %gather3A_147, %get3A_82 : vector<16xf32>
          tpu.vector_store_idx %arg12[%add3A_78, %broadcast_in_dim3A_146], %mul3A_148 : memref<80x128xf32, #tpu.memory_space<vmem>>[vector<16xi32>, vector<16xi32>], vector<16xf32>,
          %broadcast_in_dim3A_149 = arith.constant 17 : i32
          %broadcast_in_dim3A_150 = vector.broadcast %broadcast_in_dim3A_149 : i32 to vector<16xi32>
          %gather3A_151 = tpu.vector_load_idx %arg11[%add3A_78, %broadcast_in_dim3A_150] : memref<80x128xf32, #tpu.memory_space<vmem>>[vector<16xi32>, vector<16xi32>], vector<16xf32>,
          %mul3A_152 = arith.mulf %gather3A_151, %get3A_82 : vector<16xf32>
          tpu.vector_store_idx %arg12[%add3A_78, %broadcast_in_dim3A_150], %mul3A_152 : memref<80x128xf32, #tpu.memory_space<vmem>>[vector<16xi32>, vector<16xi32>], vector<16xf32>,
          %broadcast_in_dim3A_153 = arith.constant 18 : i32
          %broadcast_in_dim3A_154 = vector.broadcast %broadcast_in_dim3A_153 : i32 to vector<16xi32>
          %gather3A_155 = tpu.vector_load_idx %arg11[%add3A_78, %broadcast_in_dim3A_154] : memref<80x128xf32, #tpu.memory_space<vmem>>[vector<16xi32>, vector<16xi32>], vector<16xf32>,
          %mul3A_156 = arith.mulf %gather3A_155, %get3A_82 : vector<16xf32>
          tpu.vector_store_idx %arg12[%add3A_78, %broadcast_in_dim3A_154], %mul3A_156 : memref<80x128xf32, #tpu.memory_space<vmem>>[vector<16xi32>, vector<16xi32>], vector<16xf32>,
          %broadcast_in_dim3A_157 = arith.constant 19 : i32
          %broadcast_in_dim3A_158 = vector.broadcast %broadcast_in_dim3A_157 : i32 to vector<16xi32>
          %gather3A_159 = tpu.vector_load_idx %arg11[%add3A_78, %broadcast_in_dim3A_158] : memref<80x128xf32, #tpu.memory_space<vmem>>[vector<16xi32>, vector<16xi32>], vector<16xf32>,
          %mul3A_160 = arith.mulf %gather3A_159, %get3A_82 : vector<16xf32>
          tpu.vector_store_idx %arg12[%add3A_78, %broadcast_in_dim3A_158], %mul3A_160 : memref<80x128xf32, #tpu.memory_space<vmem>>[vector<16xi32>, vector<16xi32>], vector<16xf32>,
          %broadcast_in_dim3A_161 = arith.constant 20 : i32
          %broadcast_in_dim3A_162 = vector.broadcast %broadcast_in_dim3A_161 : i32 to vector<16xi32>
          %gather3A_163 = tpu.vector_load_idx %arg11[%add3A_78, %broadcast_in_dim3A_162] : memref<80x128xf32, #tpu.memory_space<vmem>>[vector<16xi32>, vector<16xi32>], vector<16xf32>,
          %mul3A_164 = arith.mulf %gather3A_163, %get3A_82 : vector<16xf32>
          tpu.vector_store_idx %arg12[%add3A_78, %broadcast_in_dim3A_162], %mul3A_164 : memref<80x128xf32, #tpu.memory_space<vmem>>[vector<16xi32>, vector<16xi32>], vector<16xf32>,
          %broadcast_in_dim3A_165 = arith.constant 21 : i32
          %broadcast_in_dim3A_166 = vector.broadcast %broadcast_in_dim3A_165 : i32 to vector<16xi32>
          %gather3A_167 = tpu.vector_load_idx %arg11[%add3A_78, %broadcast_in_dim3A_166] : memref<80x128xf32, #tpu.memory_space<vmem>>[vector<16xi32>, vector<16xi32>], vector<16xf32>,
          %mul3A_168 = arith.mulf %gather3A_167, %get3A_82 : vector<16xf32>
          tpu.vector_store_idx %arg12[%add3A_78, %broadcast_in_dim3A_166], %mul3A_168 : memref<80x128xf32, #tpu.memory_space<vmem>>[vector<16xi32>, vector<16xi32>], vector<16xf32>,
          %broadcast_in_dim3A_169 = arith.constant 22 : i32
          %broadcast_in_dim3A_170 = vector.broadcast %broadcast_in_dim3A_169 : i32 to vector<16xi32>
          %gather3A_171 = tpu.vector_load_idx %arg11[%add3A_78, %broadcast_in_dim3A_170] : memref<80x128xf32, #tpu.memory_space<vmem>>[vector<16xi32>, vector<16xi32>], vector<16xf32>,
          %mul3A_172 = arith.mulf %gather3A_171, %get3A_82 : vector<16xf32>
          tpu.vector_store_idx %arg12[%add3A_78, %broadcast_in_dim3A_170], %mul3A_172 : memref<80x128xf32, #tpu.memory_space<vmem>>[vector<16xi32>, vector<16xi32>], vector<16xf32>,
          %broadcast_in_dim3A_173 = arith.constant 23 : i32
          %broadcast_in_dim3A_174 = vector.broadcast %broadcast_in_dim3A_173 : i32 to vector<16xi32>
          %gather3A_175 = tpu.vector_load_idx %arg11[%add3A_78, %broadcast_in_dim3A_174] : memref<80x128xf32, #tpu.memory_space<vmem>>[vector<16xi32>, vector<16xi32>], vector<16xf32>,
          %mul3A_176 = arith.mulf %gather3A_175, %get3A_82 : vector<16xf32>
          tpu.vector_store_idx %arg12[%add3A_78, %broadcast_in_dim3A_174], %mul3A_176 : memref<80x128xf32, #tpu.memory_space<vmem>>[vector<16xi32>, vector<16xi32>], vector<16xf32>,
          %broadcast_in_dim3A_177 = arith.constant 24 : i32
          %broadcast_in_dim3A_178 = vector.broadcast %broadcast_in_dim3A_177 : i32 to vector<16xi32>
          %gather3A_179 = tpu.vector_load_idx %arg11[%add3A_78, %broadcast_in_dim3A_178] : memref<80x128xf32, #tpu.memory_space<vmem>>[vector<16xi32>, vector<16xi32>], vector<16xf32>,
          %mul3A_180 = arith.mulf %gather3A_179, %get3A_82 : vector<16xf32>
          tpu.vector_store_idx %arg12[%add3A_78, %broadcast_in_dim3A_178], %mul3A_180 : memref<80x128xf32, #tpu.memory_space<vmem>>[vector<16xi32>, vector<16xi32>], vector<16xf32>,
          %broadcast_in_dim3A_181 = arith.constant 25 : i32
          %broadcast_in_dim3A_182 = vector.broadcast %broadcast_in_dim3A_181 : i32 to vector<16xi32>
          %gather3A_183 = tpu.vector_load_idx %arg11[%add3A_78, %broadcast_in_dim3A_182] : memref<80x128xf32, #tpu.memory_space<vmem>>[vector<16xi32>, vector<16xi32>], vector<16xf32>,
          %mul3A_184 = arith.mulf %gather3A_183, %get3A_82 : vector<16xf32>
          tpu.vector_store_idx %arg12[%add3A_78, %broadcast_in_dim3A_182], %mul3A_184 : memref<80x128xf32, #tpu.memory_space<vmem>>[vector<16xi32>, vector<16xi32>], vector<16xf32>,
          %broadcast_in_dim3A_185 = arith.constant 26 : i32
          %broadcast_in_dim3A_186 = vector.broadcast %broadcast_in_dim3A_185 : i32 to vector<16xi32>
          %gather3A_187 = tpu.vector_load_idx %arg11[%add3A_78, %broadcast_in_dim3A_186] : memref<80x128xf32, #tpu.memory_space<vmem>>[vector<16xi32>, vector<16xi32>], vector<16xf32>,
          %mul3A_188 = arith.mulf %gather3A_187, %get3A_82 : vector<16xf32>
          tpu.vector_store_idx %arg12[%add3A_78, %broadcast_in_dim3A_186], %mul3A_188 : memref<80x128xf32, #tpu.memory_space<vmem>>[vector<16xi32>, vector<16xi32>], vector<16xf32>,
          %broadcast_in_dim3A_189 = arith.constant 27 : i32
          %broadcast_in_dim3A_190 = vector.broadcast %broadcast_in_dim3A_189 : i32 to vector<16xi32>
          %gather3A_191 = tpu.vector_load_idx %arg11[%add3A_78, %broadcast_in_dim3A_190] : memref<80x128xf32, #tpu.memory_space<vmem>>[vector<16xi32>, vector<16xi32>], vector<16xf32>,
          %mul3A_192 = arith.mulf %gather3A_191, %get3A_82 : vector<16xf32>
          tpu.vector_store_idx %arg12[%add3A_78, %broadcast_in_dim3A_190], %mul3A_192 : memref<80x128xf32, #tpu.memory_space<vmem>>[vector<16xi32>, vector<16xi32>], vector<16xf32>,
          %broadcast_in_dim3A_193 = arith.constant 28 : i32
          %broadcast_in_dim3A_194 = vector.broadcast %broadcast_in_dim3A_193 : i32 to vector<16xi32>
          %gather3A_195 = tpu.vector_load_idx %arg11[%add3A_78, %broadcast_in_dim3A_194] : memref<80x128xf32, #tpu.memory_space<vmem>>[vector<16xi32>, vector<16xi32>], vector<16xf32>,
          %mul3A_196 = arith.mulf %gather3A_195, %get3A_82 : vector<16xf32>
          tpu.vector_store_idx %arg12[%add3A_78, %broadcast_in_dim3A_194], %mul3A_196 : memref<80x128xf32, #tpu.memory_space<vmem>>[vector<16xi32>, vector<16xi32>], vector<16xf32>,
          %broadcast_in_dim3A_197 = arith.constant 29 : i32
          %broadcast_in_dim3A_198 = vector.broadcast %broadcast_in_dim3A_197 : i32 to vector<16xi32>
          %gather3A_199 = tpu.vector_load_idx %arg11[%add3A_78, %broadcast_in_dim3A_198] : memref<80x128xf32, #tpu.memory_space<vmem>>[vector<16xi32>, vector<16xi32>], vector<16xf32>,
          %mul3A_200 = arith.mulf %gather3A_199, %get3A_82 : vector<16xf32>
          tpu.vector_store_idx %arg12[%add3A_78, %broadcast_in_dim3A_198], %mul3A_200 : memref<80x128xf32, #tpu.memory_space<vmem>>[vector<16xi32>, vector<16xi32>], vector<16xf32>,
          %broadcast_in_dim3A_201 = arith.constant 30 : i32
          %broadcast_in_dim3A_202 = vector.broadcast %broadcast_in_dim3A_201 : i32 to vector<16xi32>
          %gather3A_203 = tpu.vector_load_idx %arg11[%add3A_78, %broadcast_in_dim3A_202] : memref<80x128xf32, #tpu.memory_space<vmem>>[vector<16xi32>, vector<16xi32>], vector<16xf32>,
          %mul3A_204 = arith.mulf %gather3A_203, %get3A_82 : vector<16xf32>
          tpu.vector_store_idx %arg12[%add3A_78, %broadcast_in_dim3A_202], %mul3A_204 : memref<80x128xf32, #tpu.memory_space<vmem>>[vector<16xi32>, vector<16xi32>], vector<16xf32>,
          %broadcast_in_dim3A_205 = arith.constant 31 : i32
          %broadcast_in_dim3A_206 = vector.broadcast %broadcast_in_dim3A_205 : i32 to vector<16xi32>
          %gather3A_207 = tpu.vector_load_idx %arg11[%add3A_78, %broadcast_in_dim3A_206] : memref<80x128xf32, #tpu.memory_space<vmem>>[vector<16xi32>, vector<16xi32>], vector<16xf32>,
          %mul3A_208 = arith.mulf %gather3A_207, %get3A_82 : vector<16xf32>
          tpu.vector_store_idx %arg12[%add3A_78, %broadcast_in_dim3A_206], %mul3A_208 : memref<80x128xf32, #tpu.memory_space<vmem>>[vector<16xi32>, vector<16xi32>], vector<16xf32>,
          %scan3A_209 = arith.constant 0 : i32
          scf.yield %scan3A_209 : i32
        }
        %scan3A_71 = arith.constant 5 : i32
        "tpu.region"() ({
          %run_scoped3A = tpu.sem_alloc : memref<!tpu.dma_semaphore, #tpu.memory_space<semaphore_mem>>
          %dma_start3A_73 = arith.constant 0 : i32
          %dma_start3A_74 = arith.constant 0 : i32
          %dma_start3A_75 = tpu.memref_slice %arg13[%dma_start3A_73, %dma_start3A_74] : memref<10000x128xf32, #tpu.memory_space<vmem_shared>> -> memref<10000x128xf32, #tpu.memory_space<vmem_shared>>
          tpu.enqueue_indirect_dma source(%arg12 : memref<80x128xf32, #tpu.memory_space<vmem>>) target(%dma_start3A_75 : memref<10000x128xf32, #tpu.memory_space<vmem_shared>>) offsets(%arg10 : memref<80xi32, #tpu.memory_space<vmem>>) semaphore(%run_scoped3A : memref<!tpu.dma_semaphore, #tpu.memory_space<semaphore_mem>>) {add = true}
          %dma_wait3A_76 = arith.constant 0 : i32
          %dma_wait3A_77 = arith.constant 0 : i32
          %dma_wait3A_78 = tpu.memref_slice %arg13[%dma_wait3A_76, %dma_wait3A_77] : memref<10000x128xf32, #tpu.memory_space<vmem_shared>> -> memref<10000x128xf32, #tpu.memory_space<vmem_shared>>
          tpu.wait_indirect_dma semaphore(%run_scoped3A : memref<!tpu.dma_semaphore, #tpu.memory_space<semaphore_mem>>) src(%arg12 : memref<80x128xf32, #tpu.memory_space<vmem>>) dst(%dma_wait3A_78 : memref<10000x128xf32, #tpu.memory_space<vmem_shared>>)
          tpu.yield
        }) : () -> ()
        %scan3A_72 = arith.constant 0 : i32
        scf.yield %scan3A_72 : i32
      }
      %scan3A_48 = arith.constant 25 : i32
      %scan3A_49 = arith.constant 0 : i32
      scf.yield %scan3A_49 : i32
    }
    %scan3A_23 = arith.constant 5 : i32
    %barrier3A_24 = arith.constant 0 : index
    tpu.barrier barrier_id(%barrier3A_24)
    %lt3A_25 = arith.constant 15 : i32
    %lt3A_26 = arith.cmpi slt, %arg1, %lt3A_25 : i32
    %convert_element_type3A_27 = arith.extui %lt3A_26 : i1 to i32
    %cond3A_28 = arith.constant 0 : i32
    %cond3A_29 = arith.cmpi ne, %convert_element_type3A_27, %cond3A_28 : i32
    scf.if %cond3A_29 {
      %mul3A_35 = arith.constant 10000 : i32
      %mul3A_36 = arith.muli %arg0, %mul3A_35 : i32
      %add3A_37 = arith.addi %mul3A_36, %mul3A_10 : i32
      "tpu.region"() ({
        %run_scoped3A = tpu.sem_alloc : memref<!tpu.dma_semaphore, #tpu.memory_space<semaphore_mem>>
        %dma_start3A = arith.constant 0 : i32
        %dma_start3A_38 = tpu.memref_slice %arg6[%add3A_37, %dma_start3A] : memref<20000x128xf32, #tpu.memory_space<hbm>> -> memref<640x128xf32, #tpu.memory_space<hbm>>
        %dma_start3A_39 = arith.constant 0 : i32
        %dma_start3A_40 = tpu.memref_slice %arg13[%mul3A_10, %dma_start3A_39] : memref<10000x128xf32, #tpu.memory_space<vmem_shared>> -> memref<640x128xf32, #tpu.memory_space<vmem_shared>>
        tpu.enqueue_dma source(%dma_start3A_40 : memref<640x128xf32, #tpu.memory_space<vmem_shared>>) target(%dma_start3A_38 : memref<640x128xf32, #tpu.memory_space<hbm>>) target_semaphore(%run_scoped3A : memref<!tpu.dma_semaphore, #tpu.memory_space<semaphore_mem>>)
        %dma_wait3A = arith.constant 0 : i32
        %dma_wait3A_41 = tpu.memref_slice %arg6[%add3A_37, %dma_wait3A] : memref<20000x128xf32, #tpu.memory_space<hbm>> -> memref<640x128xf32, #tpu.memory_space<hbm>>
        %dma_wait3A_42 = arith.constant 0 : i32
        %dma_wait3A_43 = tpu.memref_slice %arg13[%mul3A_10, %dma_wait3A_42] : memref<10000x128xf32, #tpu.memory_space<vmem_shared>> -> memref<640x128xf32, #tpu.memory_space<vmem_shared>>
        tpu.wait_dma2 semaphore(%run_scoped3A : memref<!tpu.dma_semaphore, #tpu.memory_space<semaphore_mem>>) src(%dma_wait3A_43 : memref<640x128xf32, #tpu.memory_space<vmem_shared>>) dst(%dma_wait3A_41 : memref<640x128xf32, #tpu.memory_space<hbm>>)
        tpu.yield
      }) : () -> ()
    } else {
    }
    %eq3A_30 = arith.constant 15 : i32
    %eq3A_31 = arith.cmpi eq, %arg1, %eq3A_30 : i32
    %convert_element_type3A_32 = arith.extui %eq3A_31 : i1 to i32
    %cond3A_33 = arith.constant 0 : i32
    %cond3A_34 = arith.cmpi ne, %convert_element_type3A_32, %cond3A_33 : i32
    scf.if %cond3A_34 {
      %mul3A_35 = arith.constant 10000 : i32
      %mul3A_36 = arith.muli %arg0, %mul3A_35 : i32
      %add3A_37 = arith.addi %mul3A_36, %mul3A_10 : i32
      "tpu.region"() ({
        %run_scoped3A = tpu.sem_alloc : memref<!tpu.dma_semaphore, #tpu.memory_space<semaphore_mem>>
        %dma_start3A = arith.constant 0 : i32
        %dma_start3A_38 = tpu.memref_slice %arg6[%add3A_37, %dma_start3A] : memref<20000x128xf32, #tpu.memory_space<hbm>> -> memref<400x128xf32, #tpu.memory_space<hbm>>
        %dma_start3A_39 = arith.constant 0 : i32
        %dma_start3A_40 = tpu.memref_slice %arg13[%mul3A_10, %dma_start3A_39] : memref<10000x128xf32, #tpu.memory_space<vmem_shared>> -> memref<400x128xf32, #tpu.memory_space<vmem_shared>>
        tpu.enqueue_dma source(%dma_start3A_40 : memref<400x128xf32, #tpu.memory_space<vmem_shared>>) target(%dma_start3A_38 : memref<400x128xf32, #tpu.memory_space<hbm>>) target_semaphore(%run_scoped3A : memref<!tpu.dma_semaphore, #tpu.memory_space<semaphore_mem>>)
        %dma_wait3A = arith.constant 0 : i32
        %dma_wait3A_41 = tpu.memref_slice %arg6[%add3A_37, %dma_wait3A] : memref<20000x128xf32, #tpu.memory_space<hbm>> -> memref<400x128xf32, #tpu.memory_space<hbm>>
        %dma_wait3A_42 = arith.constant 0 : i32
        %dma_wait3A_43 = tpu.memref_slice %arg13[%mul3A_10, %dma_wait3A_42] : memref<10000x128xf32, #tpu.memory_space<vmem_shared>> -> memref<400x128xf32, #tpu.memory_space<vmem_shared>>
        tpu.wait_dma2 semaphore(%run_scoped3A : memref<!tpu.dma_semaphore, #tpu.memory_space<semaphore_mem>>) src(%dma_wait3A_43 : memref<400x128xf32, #tpu.memory_space<vmem_shared>>) dst(%dma_wait3A_41 : memref<400x128xf32, #tpu.memory_space<hbm>>)
        tpu.yield
      }) : () -> ()
    } else {
    }
    return
  }
}

module attributes {stable_mosaic.version = 14 : i64} {
  func.func @_prep1_body(%arg0: i32, %arg1: memref<1000x128xf32, #tpu.memory_space<vmem>>, %arg2: memref<128x128xf32, #tpu.memory_space<vmem>>, %arg3: memref<128x4xf32, #tpu.memory_space<vmem>>, %arg4: memref<128x4xf32, #tpu.memory_space<vmem>>, %arg5: memref<1000x128xf32, #tpu.memory_space<vmem>>, %arg6: memref<1000x4xf32, #tpu.memory_space<vmem>>, %arg7: memref<1000x4xf32, #tpu.memory_space<vmem>>) attributes {dimension_semantics = [#tpu.dimension_semantics<arbitrary>], iteration_bounds = array<i64: 10>, scalar_prefetch = 0 : i64, scratch_operands = 0 : i64, tpu.core_type = #tpu.core_type<tc>, window_params = [{transform_indices = @transform_0, window_bounds = array<i64: 1000, 128>}, {pipeline_mode = #tpu.pipeline_mode<synchronous>, transform_indices = @transform_1, window_bounds = array<i64: 128, 128>}, {pipeline_mode = #tpu.pipeline_mode<synchronous>, transform_indices = @transform_2, window_bounds = array<i64: 128, 4>}, {pipeline_mode = #tpu.pipeline_mode<synchronous>, transform_indices = @transform_3, window_bounds = array<i64: 128, 4>}, {transform_indices = @transform_4, window_bounds = array<i64: 1000, 128>}, {transform_indices = @transform_5, window_bounds = array<i64: 1000, 4>}, {transform_indices = @transform_6, window_bounds = array<i64: 1000, 4>}]} {
    %get3A = arith.constant 0 : index
    %get3A_0 = arith.constant 0 : index
    %get3A_1 = vector.load %arg1[%get3A, %get3A_0] : memref<1000x128xf32, #tpu.memory_space<vmem>>, vector<1000x128xf32>
    %get3A_2 = arith.constant 0 : index
    %get3A_3 = arith.constant 0 : index
    %get3A_4 = vector.load %arg2[%get3A_2, %get3A_3] : memref<128x128xf32, #tpu.memory_space<vmem>>, vector<128x128xf32>
    %dot_general3A = arith.constant dense<0.000000e+00> : vector<1000x128xf32>
    %dot_general3A_5 = tpu.matmul %get3A_1, %get3A_4, %dot_general3A {dimension_numbers = #tpu.dot_dimension_numbers<[1], [0], [0], [1], [0, 0, 1, 1], [], []>, transpose_lhs_hint = false} : vector<1000x128xf32>, vector<128x128xf32>, vector<1000x128xf32> -> vector<1000x128xf32>
    %swap3A = arith.constant 0 : index
    %swap3A_6 = arith.constant 0 : index
    %swap3A_7 = vector.load %arg5[%swap3A, %swap3A_6] : memref<1000x128xf32, #tpu.memory_space<vmem>>, vector<1000x128xf32>
    tpu.vector_store %arg5[%swap3A, %swap3A_6], %dot_general3A_5 {strides = array<i32>} : memref<1000x128xf32, #tpu.memory_space<vmem>>, vector<1000x128xf32>,
    %get3A_8 = arith.constant 0 : index
    %get3A_9 = arith.constant 0 : index
    %get3A_10 = vector.load %arg3[%get3A_8, %get3A_9] : memref<128x4xf32, #tpu.memory_space<vmem>>, vector<128x4xf32>
    %dot_general3A_11 = arith.constant dense<0.000000e+00> : vector<1000x4xf32>
    %dot_general3A_12 = tpu.matmul %dot_general3A_5, %get3A_10, %dot_general3A_11 {dimension_numbers = #tpu.dot_dimension_numbers<[1], [0], [0], [1], [0, 0, 1, 1], [], []>, transpose_lhs_hint = false} : vector<1000x128xf32>, vector<128x4xf32>, vector<1000x4xf32> -> vector<1000x4xf32>
    %swap3A_13 = arith.constant 0 : index
    %swap3A_14 = arith.constant 0 : index
    %swap3A_15 = vector.load %arg6[%swap3A_13, %swap3A_14] : memref<1000x4xf32, #tpu.memory_space<vmem>>, vector<1000x4xf32>
    tpu.vector_store %arg6[%swap3A_13, %swap3A_14], %dot_general3A_12 {strides = array<i32>} : memref<1000x4xf32, #tpu.memory_space<vmem>>, vector<1000x4xf32>,
    %get3A_16 = arith.constant 0 : index
    %get3A_17 = arith.constant 0 : index
    %get3A_18 = vector.load %arg4[%get3A_16, %get3A_17] : memref<128x4xf32, #tpu.memory_space<vmem>>, vector<128x4xf32>
    %dot_general3A_19 = arith.constant dense<0.000000e+00> : vector<1000x4xf32>
    %dot_general3A_20 = tpu.matmul %dot_general3A_5, %get3A_18, %dot_general3A_19 {dimension_numbers = #tpu.dot_dimension_numbers<[1], [0], [0], [1], [0, 0, 1, 1], [], []>, transpose_lhs_hint = false} : vector<1000x128xf32>, vector<128x4xf32>, vector<1000x4xf32> -> vector<1000x4xf32>
    %swap3A_21 = arith.constant 0 : index
    %swap3A_22 = arith.constant 0 : index
    %swap3A_23 = vector.load %arg7[%swap3A_21, %swap3A_22] : memref<1000x4xf32, #tpu.memory_space<vmem>>, vector<1000x4xf32>
    tpu.vector_store %arg7[%swap3A_21, %swap3A_22], %dot_general3A_20 {strides = array<i32>} : memref<1000x4xf32, #tpu.memory_space<vmem>>, vector<1000x4xf32>,
    return
  }
  func.func @transform_0(%arg0: i32) -> (i32, i32) {
    %c0_i32 = arith.constant 0 : i32
    %c0_i32_0 = arith.constant 0 : i32
    return %arg0, %c0_i32 : i32, i32
  }
  func.func @transform_1(%arg0: i32) -> (i32, i32) {
    %c0_i32 = arith.constant 0 : i32
    %c0_i32_0 = arith.constant 0 : i32
    %c0_i32_1 = arith.constant 0 : i32
    return %c0_i32, %c0_i32_0 : i32, i32
  }
  func.func @transform_2(%arg0: i32) -> (i32, i32) {
    %c0_i32 = arith.constant 0 : i32
    %c0_i32_0 = arith.constant 0 : i32
    %c0_i32_1 = arith.constant 0 : i32
    return %c0_i32, %c0_i32_0 : i32, i32
  }
  func.func @transform_3(%arg0: i32) -> (i32, i32) {
    %c0_i32 = arith.constant 0 : i32
    %c0_i32_0 = arith.constant 0 : i32
    %c0_i32_1 = arith.constant 0 : i32
    return %c0_i32, %c0_i32_0 : i32, i32
  }
  func.func @transform_4(%arg0: i32) -> (i32, i32) {
    %c0_i32 = arith.constant 0 : i32
    %c0_i32_0 = arith.constant 0 : i32
    return %arg0, %c0_i32 : i32, i32
  }
  func.func @transform_5(%arg0: i32) -> (i32, i32) {
    %c0_i32 = arith.constant 0 : i32
    %c0_i32_0 = arith.constant 0 : i32
    return %arg0, %c0_i32 : i32, i32
  }
  func.func @transform_6(%arg0: i32) -> (i32, i32) {
    %c0_i32 = arith.constant 0 : i32
    %c0_i32_0 = arith.constant 0 : i32
    return %arg0, %c0_i32 : i32, i32
  }
}

module attributes {stable_mosaic.version = 14 : i64} {
  func.func @_mid_body(%arg0: i32, %arg1: memref<32x40000xf32, #tpu.memory_space<vmem>>, %arg2: memref<1x40000xf32, #tpu.memory_space<vmem>>) attributes {dimension_semantics = [#tpu.dimension_semantics<arbitrary>], iteration_bounds = array<i64: 1>, scalar_prefetch = 0 : i64, scratch_operands = 0 : i64, tpu.core_type = #tpu.core_type<tc>, window_params = [{pipeline_mode = #tpu.pipeline_mode<synchronous>, transform_indices = @transform_0, window_bounds = array<i64: 32, 40000>}, {pipeline_mode = #tpu.pipeline_mode<synchronous>, transform_indices = @transform_1, window_bounds = array<i64: 1, 40000>}]} {
    %get3A = arith.constant 0 : index
    %get3A_0 = arith.constant 0 : index
    %get3A_1 = vector.load %arg1[%get3A, %get3A_0] : memref<32x40000xf32, #tpu.memory_space<vmem>>, vector<32x40000xf32>
    %reduce_sum3A = arith.constant dense<0.000000e+00> : vector<40000xf32>
    %reduce_sum3A_2 = vector.multi_reduction <add>, %get3A_1, %reduce_sum3A [0] : vector<32x40000xf32> to vector<40000xf32>
    %broadcast_in_dim3A = vector.shape_cast %reduce_sum3A_2 : vector<40000xf32> to vector<1x40000xf32>
    %add3A = arith.constant 1.000000e-30 : f32
    %add3A_3 = vector.broadcast %add3A : f32 to vector<1x40000xf32>
    %add3A_4 = arith.addf %broadcast_in_dim3A, %add3A_3 : vector<1x40000xf32>
    %div3A = arith.constant 1.000000e+00 : f32
    %div3A_5 = vector.broadcast %div3A : f32 to vector<1x40000xf32>
    %div3A_6 = arith.divf %div3A_5, %add3A_4 : vector<1x40000xf32>
    %swap3A = arith.constant 0 : index
    %swap3A_7 = arith.constant 0 : index
    %swap3A_8 = vector.load %arg2[%swap3A, %swap3A_7] : memref<1x40000xf32, #tpu.memory_space<vmem>>, vector<1x40000xf32>
    tpu.vector_store %arg2[%swap3A, %swap3A_7], %div3A_6 {strides = array<i32>} : memref<1x40000xf32, #tpu.memory_space<vmem>>, vector<1x40000xf32>,
    return
  }
  func.func @transform_0(%arg0: i32) -> (i32, i32) {
    %c0_i32 = arith.constant 0 : i32
    %c0_i32_0 = arith.constant 0 : i32
    %c0_i32_1 = arith.constant 0 : i32
    return %c0_i32, %c0_i32_0 : i32, i32
  }
  func.func @transform_1(%arg0: i32) -> (i32, i32) {
    %c0_i32 = arith.constant 0 : i32
    %c0_i32_0 = arith.constant 0 : i32
    %c0_i32_1 = arith.constant 0 : i32
    return %c0_i32, %c0_i32_0 : i32, i32
  }
}

module attributes {stable_mosaic.version = 14 : i64} {
  func.func @_prep2_body(%arg0: i32, %arg1: memref<2x1000x128xf32, #tpu.memory_space<vmem>>, %arg2: memref<1x128xf32, #tpu.memory_space<vmem>>, %arg3: memref<128x32xf32, #tpu.memory_space<vmem>>, %arg4: memref<32x1xf32, #tpu.memory_space<vmem>>, %arg5: memref<32x1xf32, #tpu.memory_space<vmem>>, %arg6: memref<1000x128xf32, #tpu.memory_space<vmem>>, %arg7: memref<1000x1xf32, #tpu.memory_space<vmem>>, %arg8: memref<1000x1xf32, #tpu.memory_space<vmem>>) attributes {dimension_semantics = [#tpu.dimension_semantics<arbitrary>], iteration_bounds = array<i64: 10>, scalar_prefetch = 0 : i64, scratch_operands = 0 : i64, tpu.core_type = #tpu.core_type<tc>, window_params = [{transform_indices = @transform_0, window_bounds = array<i64: 2, 1000, 128>}, {pipeline_mode = #tpu.pipeline_mode<synchronous>, transform_indices = @transform_1, window_bounds = array<i64: 1, 128>}, {pipeline_mode = #tpu.pipeline_mode<synchronous>, transform_indices = @transform_2, window_bounds = array<i64: 128, 32>}, {pipeline_mode = #tpu.pipeline_mode<synchronous>, transform_indices = @transform_3, window_bounds = array<i64: 32, 1>}, {pipeline_mode = #tpu.pipeline_mode<synchronous>, transform_indices = @transform_4, window_bounds = array<i64: 32, 1>}, {transform_indices = @transform_5, window_bounds = array<i64: 1000, 128>}, {transform_indices = @transform_6, window_bounds = array<i64: 1000, 1>}, {transform_indices = @transform_7, window_bounds = array<i64: 1000, 1>}]} {
    %get3A = arith.constant 0 : index
    %get3A_0 = arith.constant 0 : index
    %get3A_1 = arith.constant 0 : index
    %get3A_2 = vector.load %arg1[%get3A, %get3A_0, %get3A_1] : memref<2x1000x128xf32, #tpu.memory_space<vmem>>, vector<2x1000x128xf32>
    %slice3A = vector.extract_strided_slice %get3A_2 {offsets = [0, 0, 0], sizes = [1, 1000, 128], strides = [1, 1, 1]} : vector<2x1000x128xf32> to vector<1x1000x128xf32>
    %squeeze3A = vector.shape_cast %slice3A : vector<1x1000x128xf32> to vector<1000x128xf32>
    %slice3A_3 = vector.extract_strided_slice %get3A_2 {offsets = [1, 0, 0], sizes = [1, 1000, 128], strides = [1, 1, 1]} : vector<2x1000x128xf32> to vector<1x1000x128xf32>
    %squeeze3A_4 = vector.shape_cast %slice3A_3 : vector<1x1000x128xf32> to vector<1000x128xf32>
    %add3A = arith.addf %squeeze3A, %squeeze3A_4 : vector<1000x128xf32>
    %get3A_5 = arith.constant 0 : index
    %get3A_6 = arith.constant 0 : index
    %get3A_7 = vector.load %arg2[%get3A_5, %get3A_6] : memref<1x128xf32, #tpu.memory_space<vmem>>, vector<1x128xf32>
    %add3A_8 = vector.broadcast %get3A_7 : vector<1x128xf32> to vector<1000x128xf32>
    %add3A_9 = arith.addf %add3A, %add3A_8 : vector<1000x128xf32>
    %gt3A = arith.constant 0.000000e+00 : f32
    %gt3A_10 = vector.broadcast %gt3A : f32 to vector<1000x128xf32>
    %gt3A_11 = arith.cmpf ogt, %add3A_9, %gt3A_10 : vector<1000x128xf32>
    %min3A = arith.constant 0.000000e+00 : f32
    %min3A_12 = vector.broadcast %min3A : f32 to vector<1000x128xf32>
    %min3A_13 = arith.minimumf %add3A_9, %min3A_12 : vector<1000x128xf32>
    %exp3A = math.exp %min3A_13 : vector<1000x128xf32>
    %sub3A = arith.constant 1.000000e+00 : f32
    %sub3A_14 = vector.broadcast %sub3A : f32 to vector<1000x128xf32>
    %sub3A_15 = arith.subf %exp3A, %sub3A_14 : vector<1000x128xf32>
    %select_n3A = arith.select %gt3A_11, %add3A_9, %sub3A_15 : vector<1000x128xi1>, vector<1000x128xf32>
    %get3A_16 = arith.constant 0 : index
    %get3A_17 = arith.constant 0 : index
    %get3A_18 = vector.load %arg3[%get3A_16, %get3A_17] : memref<128x32xf32, #tpu.memory_space<vmem>>, vector<128x32xf32>
    %dot_general3A = arith.constant dense<0.000000e+00> : vector<1000x32xf32>
    %dot_general3A_19 = tpu.matmul %select_n3A, %get3A_18, %dot_general3A {dimension_numbers = #tpu.dot_dimension_numbers<[1], [0], [0], [1], [0, 0, 1, 1], [], []>, transpose_lhs_hint = false} : vector<1000x128xf32>, vector<128x32xf32>, vector<1000x32xf32> -> vector<1000x32xf32>
    %broadcast_in_dim3A = arith.constant 0.000000e+00 : f32
    %broadcast_in_dim3A_20 = vector.broadcast %broadcast_in_dim3A : f32 to vector<1000x96xf32>
    %concatenate3A = tpu.concatenate %dot_general3A_19, %broadcast_in_dim3A_20 in 1 : vector<1000x32xf32>, vector<1000x96xf32> -> vector<1000x128xf32>
    %swap3A = arith.constant 0 : index
    %swap3A_21 = arith.constant 0 : index
    %swap3A_22 = vector.load %arg6[%swap3A, %swap3A_21] : memref<1000x128xf32, #tpu.memory_space<vmem>>, vector<1000x128xf32>
    tpu.vector_store %arg6[%swap3A, %swap3A_21], %concatenate3A {strides = array<i32>} : memref<1000x128xf32, #tpu.memory_space<vmem>>, vector<1000x128xf32>,
    %get3A_23 = arith.constant 0 : index
    %get3A_24 = arith.constant 0 : index
    %get3A_25 = vector.load %arg4[%get3A_23, %get3A_24] : memref<32x1xf32, #tpu.memory_space<vmem>>, vector<32x1xf32>
    %dot_general3A_26 = arith.constant dense<0.000000e+00> : vector<1000x1xf32>
    %dot_general3A_27 = tpu.matmul %dot_general3A_19, %get3A_25, %dot_general3A_26 {dimension_numbers = #tpu.dot_dimension_numbers<[1], [0], [0], [1], [0, 0, 1, 1], [], []>, transpose_lhs_hint = false} : vector<1000x32xf32>, vector<32x1xf32>, vector<1000x1xf32> -> vector<1000x1xf32>
    %swap3A_28 = arith.constant 0 : index
    %swap3A_29 = arith.constant 0 : index
    %swap3A_30 = vector.load %arg7[%swap3A_28, %swap3A_29] : memref<1000x1xf32, #tpu.memory_space<vmem>>, vector<1000x1xf32>
    tpu.vector_store %arg7[%swap3A_28, %swap3A_29], %dot_general3A_27 {strides = array<i32>} : memref<1000x1xf32, #tpu.memory_space<vmem>>, vector<1000x1xf32>,
    %get3A_31 = arith.constant 0 : index
    %get3A_32 = arith.constant 0 : index
    %get3A_33 = vector.load %arg5[%get3A_31, %get3A_32] : memref<32x1xf32, #tpu.memory_space<vmem>>, vector<32x1xf32>
    %dot_general3A_34 = arith.constant dense<0.000000e+00> : vector<1000x1xf32>
    %dot_general3A_35 = tpu.matmul %dot_general3A_19, %get3A_33, %dot_general3A_34 {dimension_numbers = #tpu.dot_dimension_numbers<[1], [0], [0], [1], [0, 0, 1, 1], [], []>, transpose_lhs_hint = false} : vector<1000x32xf32>, vector<32x1xf32>, vector<1000x1xf32> -> vector<1000x1xf32>
    %swap3A_36 = arith.constant 0 : index
    %swap3A_37 = arith.constant 0 : index
    %swap3A_38 = vector.load %arg8[%swap3A_36, %swap3A_37] : memref<1000x1xf32, #tpu.memory_space<vmem>>, vector<1000x1xf32>
    tpu.vector_store %arg8[%swap3A_36, %swap3A_37], %dot_general3A_35 {strides = array<i32>} : memref<1000x1xf32, #tpu.memory_space<vmem>>, vector<1000x1xf32>,
    return
  }
  func.func @transform_0(%arg0: i32) -> (i32, i32, i32) {
    %c0_i32 = arith.constant 0 : i32
    %c0_i32_0 = arith.constant 0 : i32
    %c0_i32_1 = arith.constant 0 : i32
    return %c0_i32, %arg0, %c0_i32_0 : i32, i32, i32
  }
  func.func @transform_1(%arg0: i32) -> (i32, i32) {
    %c0_i32 = arith.constant 0 : i32
    %c0_i32_0 = arith.constant 0 : i32
    %c0_i32_1 = arith.constant 0 : i32
    return %c0_i32, %c0_i32_0 : i32, i32
  }
  func.func @transform_2(%arg0: i32) -> (i32, i32) {
    %c0_i32 = arith.constant 0 : i32
    %c0_i32_0 = arith.constant 0 : i32
    %c0_i32_1 = arith.constant 0 : i32
    return %c0_i32, %c0_i32_0 : i32, i32
  }
  func.func @transform_3(%arg0: i32) -> (i32, i32) {
    %c0_i32 = arith.constant 0 : i32
    %c0_i32_0 = arith.constant 0 : i32
    %c0_i32_1 = arith.constant 0 : i32
    return %c0_i32, %c0_i32_0 : i32, i32
  }
  func.func @transform_4(%arg0: i32) -> (i32, i32) {
    %c0_i32 = arith.constant 0 : i32
    %c0_i32_0 = arith.constant 0 : i32
    %c0_i32_1 = arith.constant 0 : i32
    return %c0_i32, %c0_i32_0 : i32, i32
  }
  func.func @transform_5(%arg0: i32) -> (i32, i32) {
    %c0_i32 = arith.constant 0 : i32
    %c0_i32_0 = arith.constant 0 : i32
    return %arg0, %c0_i32 : i32, i32
  }
  func.func @transform_6(%arg0: i32) -> (i32, i32) {
    %c0_i32 = arith.constant 0 : i32
    %c0_i32_0 = arith.constant 0 : i32
    return %arg0, %c0_i32 : i32, i32
  }
  func.func @transform_7(%arg0: i32) -> (i32, i32) {
    %c0_i32 = arith.constant 0 : i32
    %c0_i32_0 = arith.constant 0 : i32
    return %arg0, %c0_i32 : i32, i32
  }
}

module attributes {stable_mosaic.version = 14 : i64} {
  func.func @_mid_body(%arg0: i32, %arg1: memref<32x10000xf32, #tpu.memory_space<vmem>>, %arg2: memref<1x10000xf32, #tpu.memory_space<vmem>>) attributes {dimension_semantics = [#tpu.dimension_semantics<arbitrary>], iteration_bounds = array<i64: 1>, scalar_prefetch = 0 : i64, scratch_operands = 0 : i64, tpu.core_type = #tpu.core_type<tc>, window_params = [{pipeline_mode = #tpu.pipeline_mode<synchronous>, transform_indices = @transform_0, window_bounds = array<i64: 32, 10000>}, {pipeline_mode = #tpu.pipeline_mode<synchronous>, transform_indices = @transform_1, window_bounds = array<i64: 1, 10000>}]} {
    %get3A = arith.constant 0 : index
    %get3A_0 = arith.constant 0 : index
    %get3A_1 = vector.load %arg1[%get3A, %get3A_0] : memref<32x10000xf32, #tpu.memory_space<vmem>>, vector<32x10000xf32>
    %reduce_sum3A = arith.constant dense<0.000000e+00> : vector<10000xf32>
    %reduce_sum3A_2 = vector.multi_reduction <add>, %get3A_1, %reduce_sum3A [0] : vector<32x10000xf32> to vector<10000xf32>
    %broadcast_in_dim3A = vector.shape_cast %reduce_sum3A_2 : vector<10000xf32> to vector<1x10000xf32>
    %add3A = arith.constant 1.000000e-30 : f32
    %add3A_3 = vector.broadcast %add3A : f32 to vector<1x10000xf32>
    %add3A_4 = arith.addf %broadcast_in_dim3A, %add3A_3 : vector<1x10000xf32>
    %div3A = arith.constant 1.000000e+00 : f32
    %div3A_5 = vector.broadcast %div3A : f32 to vector<1x10000xf32>
    %div3A_6 = arith.divf %div3A_5, %add3A_4 : vector<1x10000xf32>
    %swap3A = arith.constant 0 : index
    %swap3A_7 = arith.constant 0 : index
    %swap3A_8 = vector.load %arg2[%swap3A, %swap3A_7] : memref<1x10000xf32, #tpu.memory_space<vmem>>, vector<1x10000xf32>
    tpu.vector_store %arg2[%swap3A, %swap3A_7], %div3A_6 {strides = array<i32>} : memref<1x10000xf32, #tpu.memory_space<vmem>>, vector<1x10000xf32>,
    return
  }
  func.func @transform_0(%arg0: i32) -> (i32, i32) {
    %c0_i32 = arith.constant 0 : i32
    %c0_i32_0 = arith.constant 0 : i32
    %c0_i32_1 = arith.constant 0 : i32
    return %c0_i32, %c0_i32_0 : i32, i32
  }
  func.func @transform_1(%arg0: i32) -> (i32, i32) {
    %c0_i32 = arith.constant 0 : i32
    %c0_i32_0 = arith.constant 0 : i32
    %c0_i32_1 = arith.constant 0 : i32
    return %c0_i32, %c0_i32_0 : i32, i32
  }
}

module attributes {stable_mosaic.version = 14 : i64} {
  func.func @_final_body(%arg0: i32, %arg1: memref<2x10000x128xf32, #tpu.memory_space<vmem>>, %arg2: memref<1x32xf32, #tpu.memory_space<vmem>>, %arg3: memref<10000x32xf32, #tpu.memory_space<vmem>>) attributes {dimension_semantics = [#tpu.dimension_semantics<arbitrary>], iteration_bounds = array<i64: 1>, scalar_prefetch = 0 : i64, scratch_operands = 0 : i64, tpu.core_type = #tpu.core_type<tc>, window_params = [{pipeline_mode = #tpu.pipeline_mode<synchronous>, transform_indices = @transform_0, window_bounds = array<i64: 2, 10000, 128>}, {pipeline_mode = #tpu.pipeline_mode<synchronous>, transform_indices = @transform_1, window_bounds = array<i64: 1, 32>}, {pipeline_mode = #tpu.pipeline_mode<synchronous>, transform_indices = @transform_2, window_bounds = array<i64: 10000, 32>}]} {
    %get3A = arith.constant 0 : index
    %get3A_0 = arith.constant 0 : index
    %get3A_1 = arith.constant 0 : index
    %get3A_2 = vector.load %arg1[%get3A, %get3A_0, %get3A_1] : memref<2x10000x128xf32, #tpu.memory_space<vmem>>, vector<2x10000x128xf32>
    %slice3A = vector.extract_strided_slice %get3A_2 {offsets = [0, 0, 0], sizes = [1, 10000, 128], strides = [1, 1, 1]} : vector<2x10000x128xf32> to vector<1x10000x128xf32>
    %squeeze3A = vector.shape_cast %slice3A : vector<1x10000x128xf32> to vector<10000x128xf32>
    %slice3A_3 = vector.extract_strided_slice %squeeze3A {offsets = [0, 0], sizes = [10000, 32], strides = [1, 1]} : vector<10000x128xf32> to vector<10000x32xf32>
    %slice3A_4 = vector.extract_strided_slice %get3A_2 {offsets = [1, 0, 0], sizes = [1, 10000, 128], strides = [1, 1, 1]} : vector<2x10000x128xf32> to vector<1x10000x128xf32>
    %squeeze3A_5 = vector.shape_cast %slice3A_4 : vector<1x10000x128xf32> to vector<10000x128xf32>
    %slice3A_6 = vector.extract_strided_slice %squeeze3A_5 {offsets = [0, 0], sizes = [10000, 32], strides = [1, 1]} : vector<10000x128xf32> to vector<10000x32xf32>
    %add3A = arith.addf %slice3A_3, %slice3A_6 : vector<10000x32xf32>
    %get3A_7 = arith.constant 0 : index
    %get3A_8 = arith.constant 0 : index
    %get3A_9 = vector.load %arg2[%get3A_7, %get3A_8] : memref<1x32xf32, #tpu.memory_space<vmem>>, vector<1x32xf32>
    %add3A_10 = vector.broadcast %get3A_9 : vector<1x32xf32> to vector<10000x32xf32>
    %add3A_11 = arith.addf %add3A, %add3A_10 : vector<10000x32xf32>
    %swap3A = arith.constant 0 : index
    %swap3A_12 = arith.constant 0 : index
    %swap3A_13 = vector.load %arg3[%swap3A, %swap3A_12] : memref<10000x32xf32, #tpu.memory_space<vmem>>, vector<10000x32xf32>
    tpu.vector_store %arg3[%swap3A, %swap3A_12], %add3A_11 {strides = array<i32>} : memref<10000x32xf32, #tpu.memory_space<vmem>>, vector<10000x32xf32>,
    return
  }
  func.func @transform_0(%arg0: i32) -> (i32, i32, i32) {
    %c0_i32 = arith.constant 0 : i32
    %c0_i32_0 = arith.constant 0 : i32
    %c0_i32_1 = arith.constant 0 : i32
    %c0_i32_2 = arith.constant 0 : i32
    return %c0_i32, %c0_i32_0, %c0_i32_1 : i32, i32, i32
  }
  func.func @transform_1(%arg0: i32) -> (i32, i32) {
    %c0_i32 = arith.constant 0 : i32
    %c0_i32_0 = arith.constant 0 : i32
    %c0_i32_1 = arith.constant 0 : i32
    return %c0_i32, %c0_i32_0 : i32, i32
  }
  func.func @transform_2(%arg0: i32) -> (i32, i32) {
    %c0_i32 = arith.constant 0 : i32
    %c0_i32_0 = arith.constant 0 : i32
    %c0_i32_1 = arith.constant 0 : i32
    return %c0_i32, %c0_i32_0 : i32, i32
  }
}

</mosaic_0001>

<sc_bundles>
// kernel: kernel.13.cloned.1.call-start
scs
__scs_entry_jumppad:
0x0: {  	(pc) =	sbr.rel $0x88, $3  }
0x1: {  	(tag) =	ssettag $0x0;
	lr =	simm.s32 $0x1  }
0x2: {  	[smem:$0x3F97] =	sst lr;
	_ =	strace $0xD0000000  }
0x3: {  	_ = 	snop  }
0x4: {  	_ = 	snop  }
0x5: {  	_ = 	snop  }
0x6: {  	_ = 	snop  }
0x7: {  	_ = 	snop  }
__scs_overlays_trampoline_lowered:
0x8: {  	[smem:$0x3FA6] =	sst s0  }
0x9: {  	[smem:$0x3FA7] =	sst s1  }
0xa: {  	[smem:$0x3FA8] =	sst s2  }
0xb: {  	[smem:$0x3FA9] =	sst s3  }
0xc: {  	[smem:$0x3FAA] =	sst s4  }
0xd: {  	[smem:$0x3FAB] =	sst s5  }
0xe: {  	[smem:$0x3FAC] =	sst s6  }
0xf: {  	[smem:$0x3FAD] =	sst s7  }
0x10: {  	[smem:$0x3FAE] =	sst s8  }
0x11: {  	[smem:$0x3FAF] =	sst s9;
	s0 =	simm.s32 @!p0 $0x0  }
0x12: {  	s1 =	sld [smem:$0x3F95];
	s0 =	simm.s32 @p0 $0x1  }
0x13: {  	[smem:$0x3FB0] =	sst s0;
	s0 =	simm.s32 @!p1 $0x0  }
0x14: {  	s2 =	sld [smem:$0x3F94];
	s0 =	simm.s32 @p1 $0x1  }
0x15: {  	[smem:$0x3FB1] =	sst s0;
	s0 =	simm.s32 @!p2 $0x0  }
0x16: {  	s3 =	sld [smem:$0x3FDB];
	s0 =	simm.s32 @p2 $0x1  }
0x17: {  	s4 =	simm.s32 $0x1BF5;
	[smem:$0x3FB3] =	sst s0  }
0x18: {  	s0 =	sld [smem:$0x3F96];
	_ =	swait.ge [sflag:s4], $0x0  }
0x19: {  	s7 =	sld [smem:$0x3F97]  }
0x1a: {  	s8 =	sadd.s32 $0xFFFFE003, lr  }
0x1b: {  	s9 =	sadd.s32 $0xFFFFFEF7, lr;
	s5 =	simm.s32 $0xFFFFFFFF;
	p2 =	slt.u32 s8, $0xFFFFF086  }
0x1c: {  	p1 =	slt.u32 s9, $0xF7A;
	s5 =	simm.s32 @!p2 $0x0  }
0x1d: {  	s5 =	simm.s32 @p1 $0x1;
	p0 =	seq.s32 s7, s2  }
0x1e: {  	s7 =	smul.u32 @!p0 $0xF7A, s2;
	p2 =	seq.s32 @!p0 s5, $0x0  }
0x1f: {  	s9 =	smul.u32 $0xF7A, s1;
	s8 =	simm.s32 @!p0 $0x1BF5;
	p2 =	por !p2, p0  }
0x20: {  	[sflag:s8] =	ssyncset.s32 @!p0 $0xFFFFF086;
	s6 =	sadd.s32 @!p0 s3, s7;
	s7 =	simm.s32 @!p0 $0x108  }
0x21: {  	s3 =	sadd.s32 s3, s9;
	s6 =	sadd.s32 @!p0 $0x88, s6;
	s7 =	simm.s32 @p2 $0x1082  }
0x22: {  	[simem:s7], [sflag:s8] =	dma.local @!p0 [hbm:s6], $0xF7A  }
0x23: {  	s9 =	sor.u32 $0xD0000000, s2;
	s6 =	simm.s32 $0x108;
	_ =	swait.ge @!p0 [sflag:s8], $0x0  }
0x24: {  	s3 =	sadd.s32 $0x88, s3;
	s6 =	simm.s32 @!p1 $0x1082;
	[sflag:s4] =	ssyncset.s32 $0xFFFFF086  }
0x25: {  	[simem:s6], [sflag:s4] =	dma.local [hbm:s3], $0xF7A  }
0x26: {  	[smem:$0x3F97] =	sst s1;
	(tag) =	ssettag s2;
	_ =	strace s9  }
0x27: {  	s1 =	sld [smem:$0x3FA7]  }
0x28: {  	s2 =	sld [smem:$0x3FA8]  }
0x29: {  	s4 =	sld [smem:$0x3FAA]  }
0x2a: {  	p0 =	seq.s32 s5, $0x0;
	s5 =	sld [smem:$0x3FAB]  }
0x2b: {  	s6 =	sld [smem:$0x3FAC]  }
0x2c: {  	s7 =	sld [smem:$0x3FAD]  }
0x2d: {  	s3 =	simm.s32 $0x108;
	s8 =	sld [smem:$0x3FAE]  }
0x2e: {  	s3 =	simm.s32 @!p0 $0x1082;
	s9 =	sld [smem:$0x3FAF]  }
0x2f: {  	lr =	sadd.s32 s0, s3;
	s0 =	sld [smem:$0x3FA6]  }
0x30: {  	s3 =	sld [smem:$0x3FA9]  }
0x31: {  	[smem:$0x3FB2] =	sst s10  }
0x32: {  	s10 =	sld [smem:$0x3FB0];
	_ =	sdelay $0x3  }
0x33: {  	p0 =	seq.s32 s10, $0x1;
	s10 =	sld [smem:$0x3FB2];
	_ =	sdelay $0x3  }
0x34: {  	[smem:$0x3FB2] =	sst s10  }
0x35: {  	s10 =	sld [smem:$0x3FB1];
	_ =	sdelay $0x3  }
0x36: {  	p1 =	seq.s32 s10, $0x1;
	s10 =	sld [smem:$0x3FB2];
	_ =	sdelay $0x3  }
0x37: {  	[smem:$0x3FB2] =	sst s10  }
0x38: {  	s10 =	sld [smem:$0x3FB3]  }
0x39: {  	_ = 	snop;
	(pc) =	sbr.ind lr, $3  }
0x3a: {  	_ = 	snop  }
0x3b: {  	_ = 	snop  }
0x3c: {  	p2 =	seq.s32 s10, $0x1;
	s10 =	sld [smem:$0x3FB2]  }
0x3d: {  	_ =	shalt  }
0x3e: {  	_ =	shalt  }
0x3f: {  	_ =	shalt  }
0x40: {  	_ =	shalt  }
0x41: {  	_ =	shalt  }
0x42: {  	_ =	shalt  }
0x43: {  	_ =	shalt  }
0x44: {  	_ =	shalt  }
0x45: {  	_ =	shalt  }
0x46: {  	_ =	shalt  }
0x47: {  	_ =	shalt  }
0x48: {  	_ =	shalt  }
0x49: {  	_ =	shalt  }
0x4a: {  	_ =	shalt  }
0x4b: {  	_ =	shalt  }
0x4c: {  	_ =	shalt  }
0x4d: {  	_ =	shalt  }
0x4e: {  	_ =	shalt  }
0x4f: {  	_ =	shalt  }
0x50: {  	_ =	shalt  }
0x51: {  	_ =	shalt  }
0x52: {  	_ =	shalt  }
0x53: {  	_ =	shalt  }
0x54: {  	_ =	shalt  }
0x55: {  	_ =	shalt  }
0x56: {  	_ =	shalt  }
0x57: {  	_ =	shalt  }
0x58: {  	_ =	shalt  }
0x59: {  	_ =	shalt  }
0x5a: {  	_ =	shalt  }
0x5b: {  	_ =	shalt  }
0x5c: {  	_ =	shalt  }
0x5d: {  	_ =	shalt  }
0x5e: {  	_ =	shalt  }
0x5f: {  	_ =	shalt  }
0x60: {  	_ =	shalt  }
0x61: {  	_ =	shalt  }
0x62: {  	_ =	shalt  }
0x63: {  	_ =	shalt  }
0x64: {  	_ =	shalt  }
0x65: {  	_ =	shalt  }
0x66: {  	_ =	shalt  }
0x67: {  	_ =	shalt  }
0x68: {  	_ =	shalt  }
0x69: {  	_ =	shalt  }
0x6a: {  	_ =	shalt  }
0x6b: {  	_ =	shalt  }
0x6c: {  	_ =	shalt  }
0x6d: {  	_ =	shalt  }
0x6e: {  	_ =	shalt  }
0x6f: {  	_ =	shalt  }
0x70: {  	_ =	shalt  }
0x71: {  	_ =	shalt  }
0x72: {  	_ =	shalt  }
0x73: {  	_ =	shalt  }
0x74: {  	_ =	shalt  }
0x75: {  	_ =	shalt  }
0x76: {  	_ =	shalt  }
0x77: {  	_ =	shalt  }
0x78: {  	_ =	shalt  }
0x79: {  	_ =	shalt  }
0x7a: {  	_ =	shalt  }
0x7b: {  	_ =	shalt  }
0x7c: {  	_ =	shalt  }
0x7d: {  	_ =	shalt  }
0x7e: {  	_ =	shalt  }
0x7f: {  	_ =	shalt  }
0x80: {  	_ =	shalt  }
0x81: {  	_ =	shalt  }
0x82: {  	_ =	shalt  }
0x83: {  	_ =	shalt  }
0x84: {  	_ =	shalt  }
0x85: {  	_ =	shalt  }
0x86: {  	_ =	shalt  }
0x87: {  	_ =	shalt  }
.Lfunc_end0:
.L_simem_size_0:
called_computation_lowered:
.L_overlay_start_0:
0x88: {  	s2 =	sld [smem:$0x3FD9]  }
0x89: {  	s3 =	sld [smem:$0x3FFE];
	_ =	sdelay $0x1  }
0x8a: {  	s1 =	srdreg.scid  }
0x8b: {  	s0 =	sand.u32 $0x1, s1  }
0x8c: {  	s17 =	sshll.u32 s0, $0xA;
	s2 =	sadd.s32 s3, s2  }
0x8d: {  	s2 =	sadd.s32 s2, s17  }
0x8e: {  	[smem:$0x3FBE] =	sst s2  }
0x8f: {  	_ = 	snop  }
0x90: {  	s2 =	sld [smem:$0x3FD0];
	(tm) =	ssettm $0x1  }
0x91: {  	s18 =	sld [smem:$0x3FFB];
	_ =	sdelay $0x3  }
0x92: {  	_ =	strace s18  }
0x93: {  	s3 =	sld [smem:$0x3FFC];
	_ =	sdelay $0x3  }
0x94: {  	_ =	strace s3  }
0x95: {  	s3 =	sld [smem:$0x3FFD];
	_ =	sdelay $0x3  }
0x96: {  	_ =	strace s3  }
0x97: {  	_ =	strace $0x8FFFFFFF  }
0x98: {  	s19 =	sld [smem:$0x3FDB];
	_ =	sdelay $0x1  }
0x99: {  	s4 =	simm.s32 $_scs_section_size  }
0x9a: {  	s5 =	simm.s32 $_size__tile_overlayer_lowered;
	s6 =	simm.s32 $_tile_overlayer_lowered  }
0x9b: {  	s22 =	simm.s32 $0x1BFF;
	s21 =	sshll.u32 s6, $0x1;
	s3 =	sadd.s32 s4, s19  }
0x9c: {  	s7 =	simm.s32 $0x0;
	s20 =	sshll.u32 s5, $0x1;
	s5 =	sadd.s32 s21, s3  }
0x9d: {  	[timem:s7], [sflag:s22] =	dma.local [hbm:s5], s20  }
0x9e: {  	_ =	swait.ge [sflag:s22], s20  }
0x9f: {  	s4 =	ssub.s32 $0x0, s20;
	[sflag:s22] =	ssyncset.done $0x0  }
0xa0: {  	[sflag:s22] =	ssyncadd.s32 s4;
	_ =	sdelay $0x1  }
0xa1: {  	s23 =	simm.s32 $0x1B8B  }
0xa2: {  	_ =	swait.ge [sflag:s23], $0x1  }
0xa3: {  	[sflag:s23] =	ssyncset.done $0x0  }
0xa4: {  	s25 =	simm.s32 $0x1B8E;
	s24 =	sld [smem:$0x3FFE];
	[sflag:s23] =	ssyncadd.s32 $0xFFFFFFFF  }
0xa5: {  	s26 =	simm.s32 $execute0_lowered;
	[smem:$0x3FD2] =	sst s25  }
0xa6: {  	s5 =	sshll.u32 s26, $0x1;
	_ =	strace $0x80000046;
	[dreg:$0x1] =	wrdreg $0xFFFFFFFF  }
0xa7: {  	s28 =	simm.s32 $_size_execute0_lowered;
	s3 =	sadd.s32 s3, s5;
	[dreg:$0x0] =	wrdreg $0x0  }
0xa8: {  	s5 =	sshll.u32 s28, $0x1;
	[dreg:$0x2] =	wrdreg s3  }
0xa9: {  	[dreg:$0x3] =	wrdreg s5  }
0xaa: {  	[dreg:$0x4] =	wrdreg $0xC0  }
0xab: {  	_ =	task [dreg:s7], $0x5FFFF  }
0xac: {  	[dreg:$0x1] =	wrdreg $0xFFFFFFFF  }
0xad: {  	[dreg:$0x0] =	wrdreg $0x60  }
0xae: {  	[dreg:$0x2] =	wrdreg s24  }
0xaf: {  	[dreg:$0x3] =	wrdreg s2  }
0xb0: {  	[dreg:$0x4] =	wrdreg $0x9  }
0xb1: {  	_ =	task.clear_ibuf [dreg:s7], $0x5FFFF;
	_ =	strace $0x90000046  }
0xb2: {  	s29 =	simm.s32 $0x9;
	_ =	strace $0x80000048  }
0xb3: {  	_ =	swait.ge [sflag:s29], $0x1  }
0xb4: {  	[sflag:s29] =	ssyncadd.s32 $0xFFFFFFFF  }
0xb5: {  	_ =	strace $0x90000048  }
0xb6: {  	_ =	sfence  }
0xb7: {  	s30 =	sld [smem:$0x0];
	_ =	sdelay $0x2  }
0xb8: {  	s31 =	sshll.u32 s1, $0xD;
	s1 =	sshrl.u32 s1, $0x2  }
0xb9: {  	s3 =	sand.u32 $0x4000, s31;
	s1 =	sadd.s32 s1, s30  }
0xba: {  	s0 =	sor.u32 s3, s0;
	s1 =	sshll.u32 s1, $0x11  }
0xbb: {  	s0 =	sor.u32 s1, s0  }
0xbc: {  	s0 =	sadd.s32 $0x8F2B, s0  }
0xbd: {  	[sflag:s0] =	ssyncadd.remote.s32 $0x1  }
0xbe: {  	_ =	sfence.sel $0xFFFF  }
0xbf: {  	[dreg:$0x0] =	wrdreg $0xFFFFFFFF;
	(pc) =	sbr.abs _section_cstart, $3  }
0xc0: {  	[dreg:$0x1] =	wrdreg $0xFFFFFFFF  }
0xc1: {  	_ =	task.clear_ibuf [dreg:s7], $0x2FFFF;
	_ =	strace $0x9FFFFFFF  }
0xc2: {  	(tm) =	ssettm $0x7FFFFFFF  }
0xc3: {  	_ =	shalt  }
tec
execute0_lowered:
.L_overlay_start_1:
0x0: {  	(tag) =	ssettag $0x1  }
0x1: {  	s8 =	rddreg [dreg:$0x0]  }
0x2: {  	s2 =	rddreg [dreg:$0x1]  }
0x3: {  	s0 =	rddreg [dreg:$0x2]  }
0x4: {  	s3 =	simm.s32 $0x0;
	s4 =	srdreg.scid;
	s1 =	stileid.u32  }
0x5: {  	s13 =	simm.s32 $0x1D580;
	s14 =	simm.s32 $0x1D780;
	s15 =	simm.s32 $0x13900  }
0x6: {  	s16 =	simm.s32 $0x1D980;
	s17 =	simm.s32 $0x1DB80;
	s18 =	simm.s32 $0x1DD80  }
0x7: {  	s19 =	simm.s32 $0x1DF80;
	s20 =	simm.s32 $0x0;
	[smem:$0x7FF] =	sst s3  }
0x8: {  	s6 =	sand.u32 $0x1, s4;
	s5 =	sshll.u32 s1, $0x1;
	s4 =	sadd.s32 $0x1000, s8  }
0x9: {  	s7 =	sadd.s32 $0x5BA00, s8;
	s9 =	sor.u32 s6, s5;
	s11 =	ssub.s32 $0x2, s6  }
0xa: {  	_ =	strace $0x80000047;
	s10 =	smul.u32 $0x1388, s9;
	s12 =	sshrl.u32 s11, $0x1  }
0xb: {  	s5 =	sadd.s32 $0x32000, s8;
	s6 =	sadd.s32 $0x33400, s8;
	s11 =	ssub.s32 s11, s12  }
0xc: {  	s12 =	simm.s32 $0x9C80;
	s10 =	sadd.s32 s10, s8;
	s8 =	smul.u32 $0x2710, s9  }
0xd: {  	v0 =	vimm.f32 $0.0e+00;
	s9 =	sadd.s32 $0x34800, s10;
	s10 =	smax.u32 s11, $0x1;
	s11 =	simm.s32 $0x1  }
.LBB2_1:
0xe: {  	[tilespmem:s3], [sflag:$0x1] =	stream.linear.gather [hbm4b:s5+s3], $0x9C80, $0x38;
	[tilespmem:$0x1E180] =	vst v63  }
0xf: {  	_ =	swait.ge [sflag:s11], $0x9C80  }
0x10: {  	[sflag:s11] =	ssyncset.done $0x0  }
0x11: {  	[sflag:s11] =	ssyncadd.s32 $0xFFFF6380  }
0x12: {  	[tilespmem:s12], [sflag:$0x1] =	stream.linear.gather [hbm4b:s6+s3], $0x9C80, $0x38;
	[tilespmem:$0x1E180] =	vst v63  }
0x13: {  	_ =	swait.ge [sflag:s11], $0x9C80  }
0x14: {  	[sflag:s11] =	ssyncset.done $0x0  }
0x15: {  	s21 =	simm.s32 $0x40;
	s22 =	simm.s32 $0x0;
	[sflag:s11] =	ssyncadd.s32 $0xFFFF6380  }
.LBB2_2:
0x16: {  	p0 =	sne.s32 s21, $0x270C0;
	[tilespmem:s22+$0x13900] =	vst v0;
	s22 =	smov.u32 s21;
	s21 =	sadd.s32 $0x40, s21  }
.Ltmp0:
0x17: {  	(pc) =	sbr.rel @p0 .LBB2_2-.Ltmp0, $2  }
0x18: {  	_ =	sdelay $0x2  }
0x19: {  	s22 =	sshra.s32 s22, $0x2  }
0x1a: {  	[tilespmem:s22+$0x13900] =	vst v0;
	s21 =	simm.s32 $0x0;
	s22 =	simm.s32 $0x0  }
.LBB2_4:
0x1b: {  	s23 =	smul.u32 $0x190, s22;
	_ =	sdelay $0x1  }
0x1c: {  	s23 =	sadd.s32 s8, s23  }
0x1d: {  	s23 =	sshrl.u32 s23, $0x3  }
0x1e: {  	s24 =	sadd.s32 s4, s23  }
0x1f: {  	[tilespmem:s13], [sflag:$0x1] =	stream.linear.gather [hbm4b:s24+s21], $0x190, $0x38;
	[tilespmem:$0x1E180] =	vst v63  }
0x20: {  	_ =	swait.ge [sflag:s11], $0x190  }
0x21: {  	[sflag:s11] =	ssyncset.done $0x0  }
0x22: {  	s31 =	sadd.s32 s2, s23;
	[sflag:s11] =	ssyncadd.s32 $0xFFFFFE70  }
0x23: {  	[tilespmem:s14], [sflag:$0x1] =	stream.linear.gather [hbm4b:s31+s21], $0x190, $0x38;
	[tilespmem:$0x1E180] =	vst v63  }
0x24: {  	_ =	swait.ge [sflag:s11], $0x190  }
0x25: {  	[sflag:s11] =	ssyncset.done $0x0  }
0x26: {  	s24 =	simm.s32 $0x0;
	[sflag:s11] =	ssyncadd.s32 $0xFFFFFE70  }
0x27: {  	v1 =	vld [tilespmem:s24+$0x1D580]  }
0x28: {  	v2 =	vld [tilespmem:s24+$0x1D780];
	_ =	sdelay $0x3  }
0x29: {  	v1 =	vshll.u32 v1, $0x2  }
0x2a: {  	v2 =	vshll.u32 v2, $0x2;
	_ =	sdelay $0x3  }
0x2b: {  	v3 =	vld.idx.msk [tilespmem:v1+s3+$0x0], $0xffff  }
0x2c: {  	v4 =	vld.idx.msk [tilespmem:v2+s12+$0x0], $0xffff;
	_ =	sdelay $0x4  }
0x2d: {  	v3 =	vadd.f32 v4, v3;
	_ =	sdelay $0x1  }
0x2e: {  	v4 =	vmul.f32 $2.000000030e-01, v3  }
0x2f: {  	vm0 =	vge.f32 v3, $0.0e+00  }
0x30: {  	v3 =	vsel vm0, v3, v4  }
0x31: {  	v3 =	vmul.f32 $1.442695020e+00, v3;
	_ =	sdelay $0x1  }
0x32: {  	(erf) = vpow2.f32 v3;
	_ =	sdelay $0x6  }
0x33: {  	v3 =	vor.u32 $0x1, v1  }
0x34: {  	v62 =	vor.u32 $0x1, v2  }
0x35: {  	v5 =	vpop (erf)  }
0x36: {  	[tilespmem:s24+$0x1D980] =	vst v5  }
0x37: {  	[tilespmem:v2+s15+$0x0] =	vst.idx.add.f32.msk $0xffff, v5  }
0x38: {  	v3 =	vld.idx.msk [tilespmem:v3+s3+$0x0], $0xffff  }
0x39: {  	v5 =	vld.idx.msk [tilespmem:v62+s12+$0x0], $0xffff;
	_ =	sdelay $0x4  }
0x3a: {  	v3 =	vadd.f32 v5, v3;
	_ =	sdelay $0x1  }
0x3b: {  	v5 =	vmul.f32 $2.000000030e-01, v3  }
0x3c: {  	vm13 =	vge.f32 v3, $0.0e+00  }
0x3d: {  	v3 =	vsel vm13, v3, v5  }
0x3e: {  	v3 =	vmul.f32 $1.442695020e+00, v3;
	_ =	sdelay $0x1  }
0x3f: {  	(erf) = vpow2.f32 v3;
	_ =	sdelay $0x6  }
0x40: {  	v3 =	vor.u32 $0x2, v1  }
0x41: {  	v63 =	vor.u32 $0x2, v2  }
0x42: {  	v6 =	vpop (erf)  }
0x43: {  	[tilespmem:s24+$0x1DB80] =	vst v6  }
0x44: {  	[tilespmem:v62+s15+$0x0] =	vst.idx.add.f32.msk $0xffff, v6  }
0x45: {  	v3 =	vld.idx.msk [tilespmem:v3+s3+$0x0], $0xffff  }
0x46: {  	v4 =	vld.idx.msk [tilespmem:v63+s12+$0x0], $0xffff;
	_ =	sdelay $0x4  }
0x47: {  	v3 =	vadd.f32 v4, v3;
	_ =	sdelay $0x1  }
0x48: {  	v4 =	vmul.f32 $2.000000030e-01, v3  }
0x49: {  	vm14 =	vge.f32 v3, $0.0e+00  }
0x4a: {  	v3 =	vsel vm14, v3, v4  }
0x4b: {  	v3 =	vmul.f32 $1.442695020e+00, v3;
	_ =	sdelay $0x1  }
0x4c: {  	(erf) = vpow2.f32 v3;
	_ =	sdelay $0x6  }
0x4d: {  	v3 =	vor.u32 $0x3, v1  }
0x4e: {  	v1 =	vor.u32 $0x3, v2  }
0x4f: {  	v2 =	vpop (erf)  }
0x50: {  	[tilespmem:s24+$0x1DD80] =	vst v2  }
0x51: {  	[tilespmem:v63+s15+$0x0] =	vst.idx.add.f32.msk $0xffff, v2  }
0x52: {  	v2 =	vld.idx.msk [tilespmem:v3+s3+$0x0], $0xffff  }
0x53: {  	v3 =	vld.idx.msk [tilespmem:v1+s12+$0x0], $0xffff;
	_ =	sdelay $0x4  }
0x54: {  	v2 =	vadd.f32 v3, v2;
	_ =	sdelay $0x1  }
0x55: {  	v3 =	vmul.f32 $2.000000030e-01, v2  }
0x56: {  	vm15 =	vge.f32 v2, $0.0e+00  }
0x57: {  	v2 =	vsel vm15, v2, v3  }
0x58: {  	v2 =	vmul.f32 $1.442695020e+00, v2;
	_ =	sdelay $0x1  }
0x59: {  	s25 =	simm.s32 $0x40;
	(erf) = vpow2.f32 v2  }
.LBB2_5:
0x5a: {  	_ =	sdelay $0x5  }
0x5b: {  	p0 =	sne.s32 s25, $0x600;
	s26 =	smov.u32 s25;
	s25 =	sadd.s32 $0x40, s25  }
0x5c: {  	_ = 	snop  }
0x5d: {  	v2 =	vpop (erf)  }
0x5e: {  	[tilespmem:s24+$0x1DF80] =	vst v2  }
0x5f: {  	s24 =	sshra.s32 s26, $0x2;
	[tilespmem:v1+s15+$0x0] =	vst.idx.add.f32.msk $0xffff, v2  }
0x60: {  	v1 =	vld [tilespmem:s24+$0x1D580]  }
0x61: {  	v2 =	vld [tilespmem:s24+$0x1D780];
	_ =	sdelay $0x3  }
0x62: {  	v1 =	vshll.u32 v1, $0x2  }
0x63: {  	v2 =	vshll.u32 v2, $0x2;
	_ =	sdelay $0x3  }
0x64: {  	v3 =	vld.idx.msk [tilespmem:v1+s3+$0x0], $0xffff  }
0x65: {  	v4 =	vld.idx.msk [tilespmem:v2+s12+$0x0], $0xffff;
	_ =	sdelay $0x5  }
0x66: {  	v3 =	vadd.f32 v4, v3;
	_ =	sdelay $0x1  }
0x67: {  	vm0 =	vge.f32 v3, $0.0e+00;
	v4 =	vmul.f32 $2.000000030e-01, v3;
	_ =	sdelay $0x1  }
0x68: {  	v3 =	vsel vm0, v3, v4  }
0x69: {  	v3 =	vmul.f32 $1.442695020e+00, v3;
	_ =	sdelay $0x1  }
0x6a: {  	(erf) = vpow2.f32 v3;
	_ =	sdelay $0x6  }
0x6b: {  	v4 =	vor.u32 $0x1, v2;
	v3 =	vor.u32 $0x1, v1;
	_ =	sdelay $0x1  }
0x6c: {  	v5 =	vpop (erf)  }
0x6d: {  	[tilespmem:s24+$0x1D980] =	vst v5  }
0x6e: {  	[tilespmem:v2+s15+$0x0] =	vst.idx.add.f32.msk $0xffff, v5  }
0x6f: {  	v3 =	vld.idx.msk [tilespmem:v3+s3+$0x0], $0xffff  }
0x70: {  	v5 =	vld.idx.msk [tilespmem:v4+s12+$0x0], $0xffff;
	_ =	sdelay $0x5  }
0x71: {  	v3 =	vadd.f32 v5, v3;
	_ =	sdelay $0x1  }
0x72: {  	vm0 =	vge.f32 v3, $0.0e+00;
	v5 =	vmul.f32 $2.000000030e-01, v3;
	_ =	sdelay $0x1  }
0x73: {  	v3 =	vsel vm0, v3, v5  }
0x74: {  	v3 =	vmul.f32 $1.442695020e+00, v3;
	_ =	sdelay $0x1  }
0x75: {  	(erf) = vpow2.f32 v3;
	_ =	sdelay $0x6  }
0x76: {  	v5 =	vor.u32 $0x2, v2;
	v3 =	vor.u32 $0x2, v1;
	_ =	sdelay $0x1  }
0x77: {  	v6 =	vpop (erf)  }
0x78: {  	[tilespmem:s24+$0x1DB80] =	vst v6  }
0x79: {  	[tilespmem:v4+s15+$0x0] =	vst.idx.add.f32.msk $0xffff, v6  }
0x7a: {  	v3 =	vld.idx.msk [tilespmem:v3+s3+$0x0], $0xffff  }
0x7b: {  	v4 =	vld.idx.msk [tilespmem:v5+s12+$0x0], $0xffff;
	_ =	sdelay $0x5  }
0x7c: {  	v3 =	vadd.f32 v4, v3;
	_ =	sdelay $0x1  }
0x7d: {  	vm0 =	vge.f32 v3, $0.0e+00;
	v4 =	vmul.f32 $2.000000030e-01, v3;
	_ =	sdelay $0x1  }
0x7e: {  	v3 =	vsel vm0, v3, v4  }
0x7f: {  	v3 =	vmul.f32 $1.442695020e+00, v3;
	_ =	sdelay $0x1  }
0x80: {  	(erf) = vpow2.f32 v3;
	_ =	sdelay $0x6  }
0x81: {  	v3 =	vor.u32 $0x3, v1;
	v1 =	vor.u32 $0x3, v2;
	_ =	sdelay $0x1  }
0x82: {  	v2 =	vpop (erf)  }
0x83: {  	[tilespmem:s24+$0x1DD80] =	vst v2  }
0x84: {  	[tilespmem:v5+s15+$0x0] =	vst.idx.add.f32.msk $0xffff, v2  }
0x85: {  	v2 =	vld.idx.msk [tilespmem:v3+s3+$0x0], $0xffff  }
0x86: {  	v3 =	vld.idx.msk [tilespmem:v1+s12+$0x0], $0xffff;
	_ =	sdelay $0x5  }
0x87: {  	v2 =	vadd.f32 v3, v2;
	_ =	sdelay $0x1  }
0x88: {  	vm0 =	vge.f32 v2, $0.0e+00;
	v3 =	vmul.f32 $2.000000030e-01, v2  }
.Ltmp1:
0x89: {  	(pc) =	sbr.rel @p0 .LBB2_5-.Ltmp1, $3  }
0x8a: {  	v2 =	vsel vm0, v2, v3  }
0x8b: {  	v2 =	vmul.f32 $1.442695020e+00, v2;
	_ =	sdelay $0x1  }
0x8c: {  	(erf) = vpow2.f32 v2  }
0x8d: {  	_ =	sdelay $0x7  }
0x8e: {  	v2 =	vpop (erf)  }
0x8f: {  	[tilespmem:s24+$0x1DF80] =	vst v2  }
0x90: {  	s23 =	sadd.s32 s7, s23;
	[tilespmem:v1+s15+$0x0] =	vst.idx.add.f32.msk $0xffff, v2  }
0x91: {  	[hbm4b:s23+s3] =	stream.linear.scatter [tilespmem:s16], [sflag:$0x1], $0x190, $0x38;
	[tilespmem:$0x1E180] =	vst v63  }
0x92: {  	_ =	swait.ge [sflag:s11], $0x190  }
0x93: {  	[sflag:s11] =	ssyncset.done $0x0  }
0x94: {  	s30 =	sadd.s32 $0x9C40, s23;
	[sflag:s11] =	ssyncadd.s32 $0xFFFFFE70  }
0x95: {  	[hbm4b:s30+s3] =	stream.linear.scatter [tilespmem:s17], [sflag:$0x1], $0x190, $0x38;
	[tilespmem:$0x1E180] =	vst v63  }
0x96: {  	_ =	swait.ge [sflag:s11], $0x190  }
0x97: {  	[sflag:s11] =	ssyncset.done $0x0  }
0x98: {  	s31 =	sadd.s32 $0x13880, s23;
	[sflag:s11] =	ssyncadd.s32 $0xFFFFFE70  }
0x99: {  	[hbm4b:s31+s3] =	stream.linear.scatter [tilespmem:s18], [sflag:$0x1], $0x190, $0x38;
	[tilespmem:$0x1E180] =	vst v63  }
0x9a: {  	s22 =	sadd.s32 $0x1, s22;
	_ =	swait.ge [sflag:s11], $0x190  }
0x9b: {  	p0 =	sne.s32 s22, $0x19;
	[sflag:s11] =	ssyncset.done $0x0  }
.Ltmp2:
0x9c: {  	s23 =	sadd.s32 $0x1D4C0, s23;
	[sflag:s11] =	ssyncadd.s32 $0xFFFFFE70;
	(pc) =	sbr.rel @p0 .LBB2_4-.Ltmp2, $4  }
0x9d: {  	[hbm4b:s23+s3] =	stream.linear.scatter [tilespmem:s19], [sflag:$0x1], $0x190, $0x38;
	[tilespmem:$0x1E180] =	vst v63  }
0x9e: {  	_ =	swait.ge [sflag:s11], $0x190  }
0x9f: {  	[sflag:s11] =	ssyncset.done $0x0  }
0xa0: {  	[sflag:s11] =	ssyncadd.s32 $0xFFFFFE70  }
0xa1: {  	s20 =	sadd.s32 $0x1, s20  }
0xa2: {  	p0 =	sne.s32 s20, s10  }
.Ltmp3:
0xa3: {  	_ = 	snop;
	(pc) =	sbr.rel @p0 .LBB2_1-.Ltmp3, $4  }
0xa4: {  	[hbm4b:s9+s3] =	stream.linear.scatter [tilespmem:s15], [sflag:$0x1], $0x9C40, $0x38;
	[tilespmem:$0x1E180] =	vst v63  }
0xa5: {  	_ =	swait.ge [sflag:s11], $0x9C40  }
0xa6: {  	[sflag:s11] =	ssyncset.done $0x0  }
0xa7: {  	[sflag:s11] =	ssyncadd.s32 $0xFFFF63C0  }
0xa8: {  	_ =	sfence.sel $0x180000  }
0xa9: {  	[bflag:$0x0] =	sbarrier.arrive $0xFFFF  }
0xaa: {  	p0 =	sne.s32 s1, $0x0;
	_ =	strace $0x90000047  }
0xab: {  	s0 =	sadd.s32 @!p0 $0x100000, s0;
	[bflag:$0x2] =	sbarrier.arrive $0xFFFF  }
0xac: {  	[sflag:s0] =	ssyncadd.tile.s32 @!p0 $0x1;
	_ =	shalt  }
.Lfunc_end2:
_tile_overlayer_lowered:
.L_overlay_start_2:
0xad: {  	(tag) =	ssettag $0x2  }
0xae: {  	s0 =	rddreg [dreg:$0x0];
	s2 =	stileid.u32  }
0xaf: {  	s1 =	rddreg [dreg:$0x1];
	p0 =	sne.s32 s2, $0x0  }
0xb0: {  	s3 =	rddreg [dreg:$0x2];
	[bflag:$0x3] =	sbarrier.arrive $0xFFFF;
	s2 =	simm.s32 @!p0 $0x1C01  }
0xb1: {  	[timem:s3], [sflag:s2] =	dma.local @!p0 [hbm:s0], s1  }
0xb2: {  	s0 =	simm.s32 @!p0 $0x1  }
0xb3: {  	_ =	swait.ge @!p0 [sflag:s0], s1  }
0xb4: {  	s1 =	ssub.s32 @!p0 $0x0, s1;
	[sflag:s0] =	ssyncset.done @!p0 $0x0  }
0xb5: {  	[sflag:s0] =	ssyncadd.s32 @!p0 s1  }
0xb6: {  	[bflag:$0x3] =	sbarrier.arrive $0xFFFF  }
0xb7: {  	_ =	shalt  }

// kernel: kernel.16.cloned.1.call-start
scs
__scs_entry_jumppad:
0x0: {  	(pc) =	sbr.rel $0x88, $3  }
0x1: {  	(tag) =	ssettag $0x0;
	lr =	simm.s32 $0x1  }
0x2: {  	[smem:$0x3F97] =	sst lr;
	_ =	strace $0xD0000000  }
0x3: {  	_ = 	snop  }
0x4: {  	_ = 	snop  }
0x5: {  	_ = 	snop  }
0x6: {  	_ = 	snop  }
0x7: {  	_ = 	snop  }
__scs_overlays_trampoline_lowered:
0x8: {  	[smem:$0x3FA6] =	sst s0  }
0x9: {  	[smem:$0x3FA7] =	sst s1  }
0xa: {  	[smem:$0x3FA8] =	sst s2  }
0xb: {  	[smem:$0x3FA9] =	sst s3  }
0xc: {  	[smem:$0x3FAA] =	sst s4  }
0xd: {  	[smem:$0x3FAB] =	sst s5  }
0xe: {  	[smem:$0x3FAC] =	sst s6  }
0xf: {  	[smem:$0x3FAD] =	sst s7  }
0x10: {  	[smem:$0x3FAE] =	sst s8  }
0x11: {  	[smem:$0x3FAF] =	sst s9;
	s0 =	simm.s32 @!p0 $0x0  }
0x12: {  	s1 =	sld [smem:$0x3F95];
	s0 =	simm.s32 @p0 $0x1  }
0x13: {  	[smem:$0x3FB0] =	sst s0;
	s0 =	simm.s32 @!p1 $0x0  }
0x14: {  	s2 =	sld [smem:$0x3F94];
	s0 =	simm.s32 @p1 $0x1  }
0x15: {  	[smem:$0x3FB1] =	sst s0;
	s0 =	simm.s32 @!p2 $0x0  }
0x16: {  	s3 =	sld [smem:$0x3FDB];
	s0 =	simm.s32 @p2 $0x1  }
0x17: {  	s4 =	simm.s32 $0x1BF5;
	[smem:$0x3FB3] =	sst s0  }
0x18: {  	s0 =	sld [smem:$0x3F96];
	_ =	swait.ge [sflag:s4], $0x0  }
0x19: {  	s7 =	sld [smem:$0x3F97]  }
0x1a: {  	s8 =	sadd.s32 $0xFFFFE003, lr  }
0x1b: {  	s9 =	sadd.s32 $0xFFFFFEF7, lr;
	s5 =	simm.s32 $0xFFFFFFFF;
	p2 =	slt.u32 s8, $0xFFFFF086  }
0x1c: {  	p1 =	slt.u32 s9, $0xF7A;
	s5 =	simm.s32 @!p2 $0x0  }
0x1d: {  	s5 =	simm.s32 @p1 $0x1;
	p0 =	seq.s32 s7, s2  }
0x1e: {  	s7 =	smul.u32 @!p0 $0xF7A, s2;
	p2 =	seq.s32 @!p0 s5, $0x0  }
0x1f: {  	s9 =	smul.u32 $0xF7A, s1;
	s8 =	simm.s32 @!p0 $0x1BF5;
	p2 =	por !p2, p0  }
0x20: {  	[sflag:s8] =	ssyncset.s32 @!p0 $0xFFFFF086;
	s6 =	sadd.s32 @!p0 s3, s7;
	s7 =	simm.s32 @!p0 $0x108  }
0x21: {  	s3 =	sadd.s32 s3, s9;
	s6 =	sadd.s32 @!p0 $0x88, s6;
	s7 =	simm.s32 @p2 $0x1082  }
0x22: {  	[simem:s7], [sflag:s8] =	dma.local @!p0 [hbm:s6], $0xF7A  }
0x23: {  	s9 =	sor.u32 $0xD0000000, s2;
	s6 =	simm.s32 $0x108;
	_ =	swait.ge @!p0 [sflag:s8], $0x0  }
0x24: {  	s3 =	sadd.s32 $0x88, s3;
	s6 =	simm.s32 @!p1 $0x1082;
	[sflag:s4] =	ssyncset.s32 $0xFFFFF086  }
0x25: {  	[simem:s6], [sflag:s4] =	dma.local [hbm:s3], $0xF7A  }
0x26: {  	[smem:$0x3F97] =	sst s1;
	(tag) =	ssettag s2;
	_ =	strace s9  }
0x27: {  	s1 =	sld [smem:$0x3FA7]  }
0x28: {  	s2 =	sld [smem:$0x3FA8]  }
0x29: {  	s4 =	sld [smem:$0x3FAA]  }
0x2a: {  	p0 =	seq.s32 s5, $0x0;
	s5 =	sld [smem:$0x3FAB]  }
0x2b: {  	s6 =	sld [smem:$0x3FAC]  }
0x2c: {  	s7 =	sld [smem:$0x3FAD]  }
0x2d: {  	s3 =	simm.s32 $0x108;
	s8 =	sld [smem:$0x3FAE]  }
0x2e: {  	s3 =	simm.s32 @!p0 $0x1082;
	s9 =	sld [smem:$0x3FAF]  }
0x2f: {  	lr =	sadd.s32 s0, s3;
	s0 =	sld [smem:$0x3FA6]  }
0x30: {  	s3 =	sld [smem:$0x3FA9]  }
0x31: {  	[smem:$0x3FB2] =	sst s10  }
0x32: {  	s10 =	sld [smem:$0x3FB0];
	_ =	sdelay $0x3  }
0x33: {  	p0 =	seq.s32 s10, $0x1;
	s10 =	sld [smem:$0x3FB2];
	_ =	sdelay $0x3  }
0x34: {  	[smem:$0x3FB2] =	sst s10  }
0x35: {  	s10 =	sld [smem:$0x3FB1];
	_ =	sdelay $0x3  }
0x36: {  	p1 =	seq.s32 s10, $0x1;
	s10 =	sld [smem:$0x3FB2];
	_ =	sdelay $0x3  }
0x37: {  	[smem:$0x3FB2] =	sst s10  }
0x38: {  	s10 =	sld [smem:$0x3FB3]  }
0x39: {  	_ = 	snop;
	(pc) =	sbr.ind lr, $3  }
0x3a: {  	_ = 	snop  }
0x3b: {  	_ = 	snop  }
0x3c: {  	p2 =	seq.s32 s10, $0x1;
	s10 =	sld [smem:$0x3FB2]  }
0x3d: {  	_ =	shalt  }
0x3e: {  	_ =	shalt  }
0x3f: {  	_ =	shalt  }
0x40: {  	_ =	shalt  }
0x41: {  	_ =	shalt  }
0x42: {  	_ =	shalt  }
0x43: {  	_ =	shalt  }
0x44: {  	_ =	shalt  }
0x45: {  	_ =	shalt  }
0x46: {  	_ =	shalt  }
0x47: {  	_ =	shalt  }
0x48: {  	_ =	shalt  }
0x49: {  	_ =	shalt  }
0x4a: {  	_ =	shalt  }
0x4b: {  	_ =	shalt  }
0x4c: {  	_ =	shalt  }
0x4d: {  	_ =	shalt  }
0x4e: {  	_ =	shalt  }
0x4f: {  	_ =	shalt  }
0x50: {  	_ =	shalt  }
0x51: {  	_ =	shalt  }
0x52: {  	_ =	shalt  }
0x53: {  	_ =	shalt  }
0x54: {  	_ =	shalt  }
0x55: {  	_ =	shalt  }
0x56: {  	_ =	shalt  }
0x57: {  	_ =	shalt  }
0x58: {  	_ =	shalt  }
0x59: {  	_ =	shalt  }
0x5a: {  	_ =	shalt  }
0x5b: {  	_ =	shalt  }
0x5c: {  	_ =	shalt  }
0x5d: {  	_ =	shalt  }
0x5e: {  	_ =	shalt  }
0x5f: {  	_ =	shalt  }
0x60: {  	_ =	shalt  }
0x61: {  	_ =	shalt  }
0x62: {  	_ =	shalt  }
0x63: {  	_ =	shalt  }
0x64: {  	_ =	shalt  }
0x65: {  	_ =	shalt  }
0x66: {  	_ =	shalt  }
0x67: {  	_ =	shalt  }
0x68: {  	_ =	shalt  }
0x69: {  	_ =	shalt  }
0x6a: {  	_ =	shalt  }
0x6b: {  	_ =	shalt  }
0x6c: {  	_ =	shalt  }
0x6d: {  	_ =	shalt  }
0x6e: {  	_ =	shalt  }
0x6f: {  	_ =	shalt  }
0x70: {  	_ =	shalt  }
0x71: {  	_ =	shalt  }
0x72: {  	_ =	shalt  }
0x73: {  	_ =	shalt  }
0x74: {  	_ =	shalt  }
0x75: {  	_ =	shalt  }
0x76: {  	_ =	shalt  }
0x77: {  	_ =	shalt  }
0x78: {  	_ =	shalt  }
0x79: {  	_ =	shalt  }
0x7a: {  	_ =	shalt  }
0x7b: {  	_ =	shalt  }
0x7c: {  	_ =	shalt  }
0x7d: {  	_ =	shalt  }
0x7e: {  	_ =	shalt  }
0x7f: {  	_ =	shalt  }
0x80: {  	_ =	shalt  }
0x81: {  	_ =	shalt  }
0x82: {  	_ =	shalt  }
0x83: {  	_ =	shalt  }
0x84: {  	_ =	shalt  }
0x85: {  	_ =	shalt  }
0x86: {  	_ =	shalt  }
0x87: {  	_ =	shalt  }
.Lfunc_end0:
.L_simem_size_0:
called_computation.1_lowered:
.L_overlay_start_0:
0x88: {  	s2 =	sld [smem:$0x3FD9]  }
0x89: {  	s3 =	sld [smem:$0x3FFE];
	_ =	sdelay $0x1  }
0x8a: {  	s1 =	srdreg.scid  }
0x8b: {  	s0 =	sand.u32 $0x1, s1  }
0x8c: {  	s17 =	sshll.u32 s0, $0xA;
	s2 =	sadd.s32 s3, s2  }
0x8d: {  	s2 =	sadd.s32 s2, s17  }
0x8e: {  	[smem:$0x3FBE] =	sst s2  }
0x8f: {  	_ = 	snop  }
0x90: {  	s2 =	sld [smem:$0x3FD0];
	(tm) =	ssettm $0x1  }
0x91: {  	s18 =	sld [smem:$0x3FFB];
	_ =	sdelay $0x3  }
0x92: {  	_ =	strace s18  }
0x93: {  	s3 =	sld [smem:$0x3FFC];
	_ =	sdelay $0x3  }
0x94: {  	_ =	strace s3  }
0x95: {  	s3 =	sld [smem:$0x3FFD];
	_ =	sdelay $0x3  }
0x96: {  	_ =	strace s3  }
0x97: {  	_ =	strace $0x8FFFFFFF  }
0x98: {  	s19 =	sld [smem:$0x3FDB];
	_ =	sdelay $0x1  }
0x99: {  	s4 =	simm.s32 $_scs_section_size  }
0x9a: {  	s5 =	simm.s32 $_size__tile_overlayer_lowered;
	s6 =	simm.s32 $_tile_overlayer_lowered  }
0x9b: {  	s22 =	simm.s32 $0x1BFF;
	s21 =	sshll.u32 s6, $0x1;
	s3 =	sadd.s32 s4, s19  }
0x9c: {  	s7 =	simm.s32 $0x0;
	s20 =	sshll.u32 s5, $0x1;
	s5 =	sadd.s32 s21, s3  }
0x9d: {  	[timem:s7], [sflag:s22] =	dma.local [hbm:s5], s20  }
0x9e: {  	_ =	swait.ge [sflag:s22], s20  }
0x9f: {  	s4 =	ssub.s32 $0x0, s20;
	[sflag:s22] =	ssyncset.done $0x0  }
0xa0: {  	[sflag:s22] =	ssyncadd.s32 s4;
	_ =	sdelay $0x1  }
0xa1: {  	s23 =	simm.s32 $0x1B8B  }
0xa2: {  	_ =	swait.ge [sflag:s23], $0x1  }
0xa3: {  	[sflag:s23] =	ssyncset.done $0x0  }
0xa4: {  	s25 =	simm.s32 $0x1B8E;
	s24 =	sld [smem:$0x3FFE];
	[sflag:s23] =	ssyncadd.s32 $0xFFFFFFFF  }
0xa5: {  	s26 =	simm.s32 $execute0_lowered;
	[smem:$0x3FD2] =	sst s25  }
0xa6: {  	s5 =	sshll.u32 s26, $0x1;
	_ =	strace $0x80000049;
	[dreg:$0x1] =	wrdreg $0xFFFFFFFF  }
0xa7: {  	s28 =	simm.s32 $_size_execute0_lowered;
	s3 =	sadd.s32 s3, s5;
	[dreg:$0x0] =	wrdreg $0x0  }
0xa8: {  	s5 =	sshll.u32 s28, $0x1;
	[dreg:$0x2] =	wrdreg s3  }
0xa9: {  	[dreg:$0x3] =	wrdreg s5  }
0xaa: {  	[dreg:$0x4] =	wrdreg $0xC0  }
0xab: {  	_ =	task [dreg:s7], $0x5FFFF  }
0xac: {  	[dreg:$0x1] =	wrdreg $0xFFFFFFFF  }
0xad: {  	[dreg:$0x0] =	wrdreg $0x60  }
0xae: {  	[dreg:$0x2] =	wrdreg s2  }
0xaf: {  	[dreg:$0x3] =	wrdreg s24  }
0xb0: {  	[dreg:$0x4] =	wrdreg $0x9  }
0xb1: {  	_ =	task.clear_ibuf [dreg:s7], $0x5FFFF;
	_ =	strace $0x90000049  }
0xb2: {  	s29 =	simm.s32 $0x9;
	_ =	strace $0x8000004B  }
0xb3: {  	_ =	swait.ge [sflag:s29], $0x1  }
0xb4: {  	[sflag:s29] =	ssyncadd.s32 $0xFFFFFFFF  }
0xb5: {  	_ =	strace $0x9000004B  }
0xb6: {  	_ =	sfence  }
0xb7: {  	s30 =	sld [smem:$0x0];
	_ =	sdelay $0x2  }
0xb8: {  	s31 =	sshll.u32 s1, $0xD;
	s1 =	sshrl.u32 s1, $0x2  }
0xb9: {  	s3 =	sand.u32 $0x4000, s31;
	s1 =	sadd.s32 s1, s30  }
0xba: {  	s0 =	sor.u32 s3, s0;
	s1 =	sshll.u32 s1, $0x11  }
0xbb: {  	s0 =	sor.u32 s1, s0  }
0xbc: {  	s0 =	sadd.s32 $0x8F2B, s0  }
0xbd: {  	[sflag:s0] =	ssyncadd.remote.s32 $0x1  }
0xbe: {  	_ =	sfence.sel $0xFFFF  }
0xbf: {  	[dreg:$0x0] =	wrdreg $0xFFFFFFFF;
	(pc) =	sbr.abs _section_cstart, $3  }
0xc0: {  	[dreg:$0x1] =	wrdreg $0xFFFFFFFF  }
0xc1: {  	_ =	task.clear_ibuf [dreg:s7], $0x2FFFF;
	_ =	strace $0x9FFFFFFF  }
0xc2: {  	(tm) =	ssettm $0x7FFFFFFF  }
0xc3: {  	_ =	shalt  }
tec
execute0_lowered:
.L_overlay_start_1:
0x0: {  	(tag) =	ssettag $0x1  }
0x1: {  	s1 =	rddreg [dreg:$0x0]  }
0x2: {  	s6 =	rddreg [dreg:$0x1]  }
0x3: {  	s0 =	rddreg [dreg:$0x2];
	s2 =	simm.s32 $0x0;
	s3 =	srdreg.scid  }
0x4: {  	s11 =	simm.s32 $0xA480;
	s12 =	simm.s32 $0xAC80;
	s13 =	simm.s32 $0xB480  }
0x5: {  	s14 =	simm.s32 $0xBC80;
	s15 =	simm.s32 $0x0;
	[smem:$0x7FF] =	sst s2  }
0x6: {  	s7 =	sand.u32 $0x1, s3;
	s4 =	sadd.s32 $0x5BA00, s6;
	s3 =	stileid.u32  }
0x7: {  	s5 =	sadd.s32 $0x32000, s6;
	s6 =	sadd.s32 $0x33400, s6;
	s8 =	ssub.s32 $0x2, s7  }
0x8: {  	_ =	strace $0x8000004A;
	s10 =	sshll.u32 s3, $0x1;
	s9 =	sshrl.u32 s8, $0x1  }
0x9: {  	s7 =	sor.u32 s7, s10;
	s10 =	simm.s32 $0x9C80;
	s8 =	ssub.s32 s8, s9  }
0xa: {  	s7 =	smul.u32 $0x2710, s7;
	s9 =	simm.s32 $0x1;
	s8 =	smax.u32 s8, $0x1  }
.LBB2_1:
0xb: {  	[tilespmem:s2], [sflag:$0x1] =	stream.linear.gather [hbm4b:s5+s2], $0x9C80, $0x38;
	[tilespmem:$0xC480] =	vst v63  }
0xc: {  	_ =	swait.ge [sflag:s9], $0x9C80  }
0xd: {  	[sflag:s9] =	ssyncset.done $0x0  }
0xe: {  	s16 =	simm.s32 $0x0;
	[sflag:s9] =	ssyncadd.s32 $0xFFFF6380  }
.LBB2_2:
0xf: {  	s17 =	smul.u32 $0x7D0, s16;
	_ =	sdelay $0x1  }
0x10: {  	s17 =	sadd.s32 s7, s17  }
0x11: {  	s17 =	sshrl.u32 s17, $0x3  }
0x12: {  	s21 =	simm.s32 $0x0;
	s18 =	sadd.s32 s1, s17  }
0x13: {  	[tilespmem:s10], [sflag:$0x1] =	stream.linear.gather [hbm4b:s18+s21], $0x7D0, $0x38;
	[tilespmem:$0xC480] =	vst v63  }
0x14: {  	_ =	swait.ge [sflag:s9], $0x7D0  }
0x15: {  	[sflag:s9] =	ssyncset.done $0x0  }
0x16: {  	s31 =	sadd.s32 s4, s17;
	[sflag:s9] =	ssyncadd.s32 $0xFFFFF830  }
0x17: {  	[tilespmem:s11], [sflag:$0x1] =	stream.linear.gather [hbm4b:s31+s21], $0x7D0, $0x38;
	[tilespmem:$0xC480] =	vst v63  }
0x18: {  	_ =	swait.ge [sflag:s9], $0x7D0  }
0x19: {  	s18 =	sadd.s32 $0x9C40, s17;
	[sflag:s9] =	ssyncset.done $0x0  }
0x1a: {  	s19 =	sadd.s32 s4, s18;
	[sflag:s9] =	ssyncadd.s32 $0xFFFFF830  }
0x1b: {  	[tilespmem:s12], [sflag:$0x1] =	stream.linear.gather [hbm4b:s19+s21], $0x7D0, $0x38;
	[tilespmem:$0xC480] =	vst v63  }
0x1c: {  	_ =	swait.ge [sflag:s9], $0x7D0  }
0x1d: {  	s19 =	sadd.s32 $0x13880, s17;
	[sflag:s9] =	ssyncset.done $0x0  }
0x1e: {  	s20 =	sadd.s32 s4, s19;
	[sflag:s9] =	ssyncadd.s32 $0xFFFFF830  }
0x1f: {  	[tilespmem:s13], [sflag:$0x1] =	stream.linear.gather [hbm4b:s20+s21], $0x7D0, $0x38;
	[tilespmem:$0xC480] =	vst v63  }
0x20: {  	_ =	swait.ge [sflag:s9], $0x7D0  }
0x21: {  	s20 =	sadd.s32 $0x1D4C0, s17;
	[sflag:s9] =	ssyncset.done $0x0  }
0x22: {  	s22 =	sadd.s32 s4, s20;
	[sflag:s9] =	ssyncadd.s32 $0xFFFFF830  }
0x23: {  	[tilespmem:s14], [sflag:$0x1] =	stream.linear.gather [hbm4b:s22+s21], $0x7D0, $0x38;
	[tilespmem:$0xC480] =	vst v63  }
0x24: {  	_ =	swait.ge [sflag:s9], $0x7D0  }
0x25: {  	[sflag:s9] =	ssyncset.done $0x0  }
0x26: {  	s21 =	simm.s32 $0x0;
	[sflag:s9] =	ssyncadd.s32 $0xFFFFF830  }
0x27: {  	v0 =	vld [tilespmem:s21+$0x9C80];
	_ =	sdelay $0x4  }
0x28: {  	v0 =	vshll.u32 v0, $0x2;
	_ =	sdelay $0x3  }
0x29: {  	v2 =	vld [tilespmem:s21+$0xA480]  }
0x2a: {  	v1 =	vld.idx.msk [tilespmem:v0+s2+$0x0], $0xffff;
	_ =	sdelay $0x2  }
0x2b: {  	v3 =	vor.u32 $0x1, v0;
	_ =	sdelay $0x1  }
0x2c: {  	v1 =	vmul.f32 v2, v1;
	_ =	sdelay $0x1  }
0x2d: {  	v2 =	vld [tilespmem:s21+$0xAC80];
	[tilespmem:s21+$0xA480] =	vst v1  }
0x2e: {  	v1 =	vld.idx.msk [tilespmem:v3+s2+$0x0], $0xffff;
	_ =	sdelay $0x2  }
0x2f: {  	v3 =	vor.u32 $0x2, v0;
	_ =	sdelay $0x1  }
0x30: {  	v1 =	vmul.f32 v2, v1;
	_ =	sdelay $0x1  }
0x31: {  	v2 =	vld [tilespmem:s21+$0xB480];
	[tilespmem:s21+$0xAC80] =	vst v1  }
0x32: {  	v1 =	vld.idx.msk [tilespmem:v3+s2+$0x0], $0xffff;
	_ =	sdelay $0x2  }
0x33: {  	v0 =	vor.u32 $0x3, v0;
	_ =	sdelay $0x1  }
0x34: {  	v1 =	vmul.f32 v2, v1  }
0x35: {  	s23 =	simm.s32 $0x10;
	s22 =	simm.s32 $0x80  }
.LBB2_3:
0x36: {  	p0 =	sne.s32 s22, $0x1F00;
	v2 =	vld [tilespmem:s23+$0x9C80];
	[tilespmem:s21+$0xB480] =	vst v1  }
0x37: {  	v0 =	vld.idx.msk [tilespmem:v0+s2+$0x0], $0xffff  }
0x38: {  	v1 =	vld [tilespmem:s21+$0xBC80];
	_ =	sdelay $0x2  }
0x39: {  	v2 =	vshll.u32 v2, $0x2;
	_ =	sdelay $0x1  }
0x3a: {  	v0 =	vmul.f32 v1, v0;
	_ =	sdelay $0x1  }
0x3b: {  	[tilespmem:s21+$0xBC80] =	vst v0;
	s21 =	smov.u32 s23  }
0x3c: {  	v0 =	vld.idx.msk [tilespmem:v2+s2+$0x0], $0xffff  }
0x3d: {  	v1 =	vld [tilespmem:s21+$0xA480];
	_ =	sdelay $0x2  }
0x3e: {  	v3 =	vor.u32 $0x1, v2;
	_ =	sdelay $0x1  }
0x3f: {  	v0 =	vmul.f32 v1, v0;
	_ =	sdelay $0x1  }
0x40: {  	[tilespmem:s21+$0xA480] =	vst v0  }
0x41: {  	v0 =	vld.idx.msk [tilespmem:v3+s2+$0x0], $0xffff  }
0x42: {  	v1 =	vld [tilespmem:s21+$0xAC80];
	_ =	sdelay $0x2  }
0x43: {  	v3 =	vor.u32 $0x2, v2;
	_ =	sdelay $0x1  }
0x44: {  	v0 =	vmul.f32 v1, v0;
	_ =	sdelay $0x1  }
0x45: {  	[tilespmem:s21+$0xAC80] =	vst v0  }
0x46: {  	v1 =	vld.idx.msk [tilespmem:v3+s2+$0x0], $0xffff  }
0x47: {  	v3 =	vld [tilespmem:s21+$0xB480];
	_ =	sdelay $0x1  }
.Ltmp0:
0x48: {  	(pc) =	sbr.rel @p0 .LBB2_3-.Ltmp0, $3  }
0x49: {  	v0 =	vor.u32 $0x3, v2;
	_ =	sdelay $0x1  }
0x4a: {  	v1 =	vmul.f32 v3, v1  }
0x4b: {  	s23 =	sshra.s32 s22, $0x2;
	s22 =	sadd.s32 $0x40, s22  }
0x4c: {  	_ =	sdelay $0x1  }
0x4d: {  	v2 =	vld [tilespmem:s23+$0x9C80]  }
0x4e: {  	[tilespmem:s21+$0xB480] =	vst v1;
	v58 =	vld [tilespmem:s21+$0xBC80]  }
0x4f: {  	v0 =	vld.idx.msk [tilespmem:v0+s2+$0x0], $0xffff;
	_ =	sdelay $0x3  }
0x50: {  	v2 =	vshll.u32 v2, $0x2  }
0x51: {  	v0 =	vmul.f32 v58, v0;
	_ =	sdelay $0x1  }
0x52: {  	[tilespmem:s21+$0xBC80] =	vst v0  }
0x53: {  	v59 =	vld [tilespmem:s23+$0xA480]  }
0x54: {  	v0 =	vld.idx.msk [tilespmem:v2+s2+$0x0], $0xffff;
	_ =	sdelay $0x2  }
0x55: {  	v3 =	vor.u32 $0x1, v2;
	_ =	sdelay $0x1  }
0x56: {  	v0 =	vmul.f32 v59, v0;
	_ =	sdelay $0x1  }
0x57: {  	v60 =	vld [tilespmem:s23+$0xAC80];
	[tilespmem:s23+$0xA480] =	vst v0  }
0x58: {  	v0 =	vld.idx.msk [tilespmem:v3+s2+$0x0], $0xffff;
	_ =	sdelay $0x2  }
0x59: {  	v61 =	vor.u32 $0x2, v2;
	_ =	sdelay $0x1  }
0x5a: {  	v0 =	vmul.f32 v60, v0;
	_ =	sdelay $0x1  }
0x5b: {  	v62 =	vld [tilespmem:s23+$0xB480];
	[tilespmem:s23+$0xAC80] =	vst v0  }
0x5c: {  	v0 =	vld.idx.msk [tilespmem:v61+s2+$0x0], $0xffff;
	_ =	sdelay $0x2  }
0x5d: {  	v2 =	vor.u32 $0x3, v2;
	_ =	sdelay $0x1  }
0x5e: {  	v0 =	vmul.f32 v62, v0;
	_ =	sdelay $0x1  }
0x5f: {  	v63 =	vld [tilespmem:s23+$0xBC80];
	[tilespmem:s23+$0xB480] =	vst v0  }
0x60: {  	v0 =	vld.idx.msk [tilespmem:v2+s2+$0x0], $0xffff;
	_ =	sdelay $0x4  }
0x61: {  	v0 =	vmul.f32 v63, v0;
	_ =	sdelay $0x1  }
0x62: {  	s17 =	sadd.s32 s6, s17;
	[tilespmem:s23+$0xBC80] =	vst v0  }
0x63: {  	[hbm4b:s17+s2] =	stream.linear.scatter [tilespmem:s11], [sflag:$0x1], $0x7D0, $0x38;
	[tilespmem:$0xC480] =	vst v63  }
0x64: {  	_ =	swait.ge [sflag:s9], $0x7D0  }
0x65: {  	[sflag:s9] =	ssyncset.done $0x0  }
0x66: {  	s29 =	sadd.s32 s6, s18;
	[sflag:s9] =	ssyncadd.s32 $0xFFFFF830  }
0x67: {  	[hbm4b:s29+s2] =	stream.linear.scatter [tilespmem:s12], [sflag:$0x1], $0x7D0, $0x38;
	[tilespmem:$0xC480] =	vst v63  }
0x68: {  	_ =	swait.ge [sflag:s9], $0x7D0  }
0x69: {  	[sflag:s9] =	ssyncset.done $0x0  }
0x6a: {  	s30 =	sadd.s32 s6, s19;
	[sflag:s9] =	ssyncadd.s32 $0xFFFFF830  }
0x6b: {  	[hbm4b:s30+s2] =	stream.linear.scatter [tilespmem:s13], [sflag:$0x1], $0x7D0, $0x38;
	[tilespmem:$0xC480] =	vst v63  }
0x6c: {  	s16 =	sadd.s32 $0x1, s16;
	_ =	swait.ge [sflag:s9], $0x7D0  }
0x6d: {  	p0 =	sne.s32 s16, $0x5;
	[sflag:s9] =	ssyncset.done $0x0  }
.Ltmp1:
0x6e: {  	s31 =	sadd.s32 s6, s20;
	[sflag:s9] =	ssyncadd.s32 $0xFFFFF830;
	(pc) =	sbr.rel @p0 .LBB2_2-.Ltmp1, $4  }
0x6f: {  	[hbm4b:s31+s2] =	stream.linear.scatter [tilespmem:s14], [sflag:$0x1], $0x7D0, $0x38;
	[tilespmem:$0xC480] =	vst v63  }
0x70: {  	_ =	swait.ge [sflag:s9], $0x7D0  }
0x71: {  	[sflag:s9] =	ssyncset.done $0x0  }
0x72: {  	[sflag:s9] =	ssyncadd.s32 $0xFFFFF830  }
0x73: {  	s15 =	sadd.s32 $0x1, s15  }
0x74: {  	p0 =	sne.s32 s15, s8  }
.Ltmp2:
0x75: {  	_ = 	snop;
	(pc) =	sbr.rel @p0 .LBB2_1-.Ltmp2, $1  }
0x76: {  	_ =	sdelay $0x3  }
0x77: {  	_ =	sfence.sel $0x180000  }
0x78: {  	[bflag:$0x0] =	sbarrier.arrive $0xFFFF  }
0x79: {  	p0 =	sne.s32 s3, $0x0;
	_ =	strace $0x9000004A  }
0x7a: {  	s0 =	sadd.s32 @!p0 $0x100000, s0;
	[bflag:$0x2] =	sbarrier.arrive $0xFFFF  }
0x7b: {  	[sflag:s0] =	ssyncadd.tile.s32 @!p0 $0x1;
	_ =	shalt  }
.Lfunc_end2:
_tile_overlayer_lowered:
.L_overlay_start_2:
0x7c: {  	(tag) =	ssettag $0x2  }
0x7d: {  	s0 =	rddreg [dreg:$0x0];
	s2 =	stileid.u32  }
0x7e: {  	s1 =	rddreg [dreg:$0x1];
	p0 =	sne.s32 s2, $0x0  }
0x7f: {  	s3 =	rddreg [dreg:$0x2];
	[bflag:$0x3] =	sbarrier.arrive $0xFFFF;
	s2 =	simm.s32 @!p0 $0x1C01  }
0x80: {  	[timem:s3], [sflag:s2] =	dma.local @!p0 [hbm:s0], s1  }
0x81: {  	s0 =	simm.s32 @!p0 $0x1  }
0x82: {  	_ =	swait.ge @!p0 [sflag:s0], s1  }
0x83: {  	s1 =	ssub.s32 @!p0 $0x0, s1;
	[sflag:s0] =	ssyncset.done @!p0 $0x0  }
0x84: {  	[sflag:s0] =	ssyncadd.s32 @!p0 s1  }
0x85: {  	[bflag:$0x3] =	sbarrier.arrive $0xFFFF  }
0x86: {  	_ =	shalt  }

// kernel: kernel.19.cloned.1.call-start
scs
__scs_entry_jumppad:
0x0: {  	(pc) =	sbr.rel $0x88, $3  }
0x1: {  	(tag) =	ssettag $0x0;
	lr =	simm.s32 $0x1  }
0x2: {  	[smem:$0x3F97] =	sst lr;
	_ =	strace $0xD0000000  }
0x3: {  	_ = 	snop  }
0x4: {  	_ = 	snop  }
0x5: {  	_ = 	snop  }
0x6: {  	_ = 	snop  }
0x7: {  	_ = 	snop  }
__scs_overlays_trampoline_lowered:
0x8: {  	[smem:$0x3FA6] =	sst s0  }
0x9: {  	[smem:$0x3FA7] =	sst s1  }
0xa: {  	[smem:$0x3FA8] =	sst s2  }
0xb: {  	[smem:$0x3FA9] =	sst s3  }
0xc: {  	[smem:$0x3FAA] =	sst s4  }
0xd: {  	[smem:$0x3FAB] =	sst s5  }
0xe: {  	[smem:$0x3FAC] =	sst s6  }
0xf: {  	[smem:$0x3FAD] =	sst s7  }
0x10: {  	[smem:$0x3FAE] =	sst s8  }
0x11: {  	[smem:$0x3FAF] =	sst s9;
	s0 =	simm.s32 @!p0 $0x0  }
0x12: {  	s1 =	sld [smem:$0x3F95];
	s0 =	simm.s32 @p0 $0x1  }
0x13: {  	[smem:$0x3FB0] =	sst s0;
	s0 =	simm.s32 @!p1 $0x0  }
0x14: {  	s2 =	sld [smem:$0x3F94];
	s0 =	simm.s32 @p1 $0x1  }
0x15: {  	[smem:$0x3FB1] =	sst s0;
	s0 =	simm.s32 @!p2 $0x0  }
0x16: {  	s3 =	sld [smem:$0x3FDB];
	s0 =	simm.s32 @p2 $0x1  }
0x17: {  	s4 =	simm.s32 $0x1BF5;
	[smem:$0x3FB3] =	sst s0  }
0x18: {  	s0 =	sld [smem:$0x3F96];
	_ =	swait.ge [sflag:s4], $0x0  }
0x19: {  	s7 =	sld [smem:$0x3F97]  }
0x1a: {  	s8 =	sadd.s32 $0xFFFFE003, lr  }
0x1b: {  	s9 =	sadd.s32 $0xFFFFFEF7, lr;
	s5 =	simm.s32 $0xFFFFFFFF;
	p2 =	slt.u32 s8, $0xFFFFF086  }
0x1c: {  	p1 =	slt.u32 s9, $0xF7A;
	s5 =	simm.s32 @!p2 $0x0  }
0x1d: {  	s5 =	simm.s32 @p1 $0x1;
	p0 =	seq.s32 s7, s2  }
0x1e: {  	s7 =	smul.u32 @!p0 $0xF7A, s2;
	p2 =	seq.s32 @!p0 s5, $0x0  }
0x1f: {  	s9 =	smul.u32 $0xF7A, s1;
	s8 =	simm.s32 @!p0 $0x1BF5;
	p2 =	por !p2, p0  }
0x20: {  	[sflag:s8] =	ssyncset.s32 @!p0 $0xFFFFF086;
	s6 =	sadd.s32 @!p0 s3, s7;
	s7 =	simm.s32 @!p0 $0x108  }
0x21: {  	s3 =	sadd.s32 s3, s9;
	s6 =	sadd.s32 @!p0 $0x88, s6;
	s7 =	simm.s32 @p2 $0x1082  }
0x22: {  	[simem:s7], [sflag:s8] =	dma.local @!p0 [hbm:s6], $0xF7A  }
0x23: {  	s9 =	sor.u32 $0xD0000000, s2;
	s6 =	simm.s32 $0x108;
	_ =	swait.ge @!p0 [sflag:s8], $0x0  }
0x24: {  	s3 =	sadd.s32 $0x88, s3;
	s6 =	simm.s32 @!p1 $0x1082;
	[sflag:s4] =	ssyncset.s32 $0xFFFFF086  }
0x25: {  	[simem:s6], [sflag:s4] =	dma.local [hbm:s3], $0xF7A  }
0x26: {  	[smem:$0x3F97] =	sst s1;
	(tag) =	ssettag s2;
	_ =	strace s9  }
0x27: {  	s1 =	sld [smem:$0x3FA7]  }
0x28: {  	s2 =	sld [smem:$0x3FA8]  }
0x29: {  	s4 =	sld [smem:$0x3FAA]  }
0x2a: {  	p0 =	seq.s32 s5, $0x0;
	s5 =	sld [smem:$0x3FAB]  }
0x2b: {  	s6 =	sld [smem:$0x3FAC]  }
0x2c: {  	s7 =	sld [smem:$0x3FAD]  }
0x2d: {  	s3 =	simm.s32 $0x108;
	s8 =	sld [smem:$0x3FAE]  }
0x2e: {  	s3 =	simm.s32 @!p0 $0x1082;
	s9 =	sld [smem:$0x3FAF]  }
0x2f: {  	lr =	sadd.s32 s0, s3;
	s0 =	sld [smem:$0x3FA6]  }
0x30: {  	s3 =	sld [smem:$0x3FA9]  }
0x31: {  	[smem:$0x3FB2] =	sst s10  }
0x32: {  	s10 =	sld [smem:$0x3FB0];
	_ =	sdelay $0x3  }
0x33: {  	p0 =	seq.s32 s10, $0x1;
	s10 =	sld [smem:$0x3FB2];
	_ =	sdelay $0x3  }
0x34: {  	[smem:$0x3FB2] =	sst s10  }
0x35: {  	s10 =	sld [smem:$0x3FB1];
	_ =	sdelay $0x3  }
0x36: {  	p1 =	seq.s32 s10, $0x1;
	s10 =	sld [smem:$0x3FB2];
	_ =	sdelay $0x3  }
0x37: {  	[smem:$0x3FB2] =	sst s10  }
0x38: {  	s10 =	sld [smem:$0x3FB3]  }
0x39: {  	_ = 	snop;
	(pc) =	sbr.ind lr, $3  }
0x3a: {  	_ = 	snop  }
0x3b: {  	_ = 	snop  }
0x3c: {  	p2 =	seq.s32 s10, $0x1;
	s10 =	sld [smem:$0x3FB2]  }
0x3d: {  	_ =	shalt  }
0x3e: {  	_ =	shalt  }
0x3f: {  	_ =	shalt  }
0x40: {  	_ =	shalt  }
0x41: {  	_ =	shalt  }
0x42: {  	_ =	shalt  }
0x43: {  	_ =	shalt  }
0x44: {  	_ =	shalt  }
0x45: {  	_ =	shalt  }
0x46: {  	_ =	shalt  }
0x47: {  	_ =	shalt  }
0x48: {  	_ =	shalt  }
0x49: {  	_ =	shalt  }
0x4a: {  	_ =	shalt  }
0x4b: {  	_ =	shalt  }
0x4c: {  	_ =	shalt  }
0x4d: {  	_ =	shalt  }
0x4e: {  	_ =	shalt  }
0x4f: {  	_ =	shalt  }
0x50: {  	_ =	shalt  }
0x51: {  	_ =	shalt  }
0x52: {  	_ =	shalt  }
0x53: {  	_ =	shalt  }
0x54: {  	_ =	shalt  }
0x55: {  	_ =	shalt  }
0x56: {  	_ =	shalt  }
0x57: {  	_ =	shalt  }
0x58: {  	_ =	shalt  }
0x59: {  	_ =	shalt  }
0x5a: {  	_ =	shalt  }
0x5b: {  	_ =	shalt  }
0x5c: {  	_ =	shalt  }
0x5d: {  	_ =	shalt  }
0x5e: {  	_ =	shalt  }
0x5f: {  	_ =	shalt  }
0x60: {  	_ =	shalt  }
0x61: {  	_ =	shalt  }
0x62: {  	_ =	shalt  }
0x63: {  	_ =	shalt  }
0x64: {  	_ =	shalt  }
0x65: {  	_ =	shalt  }
0x66: {  	_ =	shalt  }
0x67: {  	_ =	shalt  }
0x68: {  	_ =	shalt  }
0x69: {  	_ =	shalt  }
0x6a: {  	_ =	shalt  }
0x6b: {  	_ =	shalt  }
0x6c: {  	_ =	shalt  }
0x6d: {  	_ =	shalt  }
0x6e: {  	_ =	shalt  }
0x6f: {  	_ =	shalt  }
0x70: {  	_ =	shalt  }
0x71: {  	_ =	shalt  }
0x72: {  	_ =	shalt  }
0x73: {  	_ =	shalt  }
0x74: {  	_ =	shalt  }
0x75: {  	_ =	shalt  }
0x76: {  	_ =	shalt  }
0x77: {  	_ =	shalt  }
0x78: {  	_ =	shalt  }
0x79: {  	_ =	shalt  }
0x7a: {  	_ =	shalt  }
0x7b: {  	_ =	shalt  }
0x7c: {  	_ =	shalt  }
0x7d: {  	_ =	shalt  }
0x7e: {  	_ =	shalt  }
0x7f: {  	_ =	shalt  }
0x80: {  	_ =	shalt  }
0x81: {  	_ =	shalt  }
0x82: {  	_ =	shalt  }
0x83: {  	_ =	shalt  }
0x84: {  	_ =	shalt  }
0x85: {  	_ =	shalt  }
0x86: {  	_ =	shalt  }
0x87: {  	_ =	shalt  }
.Lfunc_end0:
.L_simem_size_0:
called_computation.2_lowered:
.L_overlay_start_0:
0x88: {  	s2 =	sld [smem:$0x3FD9]  }
0x89: {  	s3 =	sld [smem:$0x3FFE];
	_ =	sdelay $0x1  }
0x8a: {  	s1 =	srdreg.scid  }
0x8b: {  	s0 =	sand.u32 $0x1, s1  }
0x8c: {  	s17 =	sshll.u32 s0, $0xA;
	s2 =	sadd.s32 s3, s2  }
0x8d: {  	s2 =	sadd.s32 s2, s17  }
0x8e: {  	[smem:$0x3FBE] =	sst s2  }
0x8f: {  	_ = 	snop  }
0x90: {  	s2 =	sld [smem:$0x3FD0];
	(tm) =	ssettm $0x1  }
0x91: {  	s18 =	sld [smem:$0x3FFB];
	_ =	sdelay $0x3  }
0x92: {  	_ =	strace s18  }
0x93: {  	s3 =	sld [smem:$0x3FFC];
	_ =	sdelay $0x3  }
0x94: {  	_ =	strace s3  }
0x95: {  	s3 =	sld [smem:$0x3FFD];
	_ =	sdelay $0x3  }
0x96: {  	_ =	strace s3  }
0x97: {  	_ =	strace $0x8FFFFFFF  }
0x98: {  	s19 =	sld [smem:$0x3FDB];
	_ =	sdelay $0x1  }
0x99: {  	s4 =	simm.s32 $_scs_section_size  }
0x9a: {  	s5 =	simm.s32 $_size__tile_overlayer_lowered;
	s6 =	simm.s32 $_tile_overlayer_lowered  }
0x9b: {  	s22 =	simm.s32 $0x1BFF;
	s21 =	sshll.u32 s6, $0x1;
	s3 =	sadd.s32 s4, s19  }
0x9c: {  	s7 =	simm.s32 $0x0;
	s20 =	sshll.u32 s5, $0x1;
	s5 =	sadd.s32 s21, s3  }
0x9d: {  	[timem:s7], [sflag:s22] =	dma.local [hbm:s5], s20  }
0x9e: {  	_ =	swait.ge [sflag:s22], s20  }
0x9f: {  	s4 =	ssub.s32 $0x0, s20;
	[sflag:s22] =	ssyncset.done $0x0  }
0xa0: {  	[sflag:s22] =	ssyncadd.s32 s4;
	_ =	sdelay $0x1  }
0xa1: {  	s23 =	simm.s32 $0x1B8B  }
0xa2: {  	_ =	swait.ge [sflag:s23], $0x1  }
0xa3: {  	[sflag:s23] =	ssyncset.done $0x0  }
0xa4: {  	s25 =	simm.s32 $0x1B8E;
	s24 =	sld [smem:$0x3FFE];
	[sflag:s23] =	ssyncadd.s32 $0xFFFFFFFF  }
0xa5: {  	s26 =	simm.s32 $execute0_lowered;
	[smem:$0x3FD2] =	sst s25  }
0xa6: {  	s5 =	sshll.u32 s26, $0x1;
	_ =	strace $0x8000004C;
	[dreg:$0x1] =	wrdreg $0xFFFFFFFF  }
0xa7: {  	s28 =	simm.s32 $_size_execute0_lowered;
	s3 =	sadd.s32 s3, s5;
	[dreg:$0x0] =	wrdreg $0x0  }
0xa8: {  	s5 =	sshll.u32 s28, $0x1;
	[dreg:$0x2] =	wrdreg s3  }
0xa9: {  	[dreg:$0x3] =	wrdreg s5  }
0xaa: {  	[dreg:$0x4] =	wrdreg $0xC0  }
0xab: {  	_ =	task [dreg:s7], $0x5FFFF  }
0xac: {  	[dreg:$0x1] =	wrdreg $0xFFFFFFFF  }
0xad: {  	[dreg:$0x0] =	wrdreg $0x60  }
0xae: {  	[dreg:$0x2] =	wrdreg s24  }
0xaf: {  	[dreg:$0x3] =	wrdreg s2  }
0xb0: {  	[dreg:$0x4] =	wrdreg $0x61000  }
0xb1: {  	[dreg:$0x5] =	wrdreg $0x9  }
0xb2: {  	_ =	task.clear_ibuf [dreg:s7], $0x6FFFF;
	_ =	strace $0x9000004C  }
0xb3: {  	s29 =	simm.s32 $0x9;
	_ =	strace $0x8000004E  }
0xb4: {  	_ =	swait.ge [sflag:s29], $0x1  }
0xb5: {  	[sflag:s29] =	ssyncadd.s32 $0xFFFFFFFF  }
0xb6: {  	_ =	strace $0x9000004E  }
0xb7: {  	_ =	sfence  }
0xb8: {  	s30 =	sld [smem:$0x0];
	_ =	sdelay $0x2  }
0xb9: {  	s31 =	sshll.u32 s1, $0xD;
	s1 =	sshrl.u32 s1, $0x2  }
0xba: {  	s3 =	sand.u32 $0x4000, s31;
	s1 =	sadd.s32 s1, s30  }
0xbb: {  	s0 =	sor.u32 s3, s0;
	s1 =	sshll.u32 s1, $0x11  }
0xbc: {  	s0 =	sor.u32 s1, s0  }
0xbd: {  	s0 =	sadd.s32 $0x8F2B, s0  }
0xbe: {  	[sflag:s0] =	ssyncadd.remote.s32 $0x1  }
0xbf: {  	_ =	sfence.sel $0xFFFF  }
0xc0: {  	[dreg:$0x0] =	wrdreg $0xFFFFFFFF;
	(pc) =	sbr.abs _section_cstart, $3  }
0xc1: {  	[dreg:$0x1] =	wrdreg $0xFFFFFFFF  }
0xc2: {  	_ =	task.clear_ibuf [dreg:s7], $0x2FFFF;
	_ =	strace $0x9FFFFFFF  }
0xc3: {  	(tm) =	ssettm $0x7FFFFFFF  }
tec
execute0_lowered:
.L_overlay_start_1:
0x0: {  	(tag) =	ssettag $0x1  }
0x1: {  	s0 =	rddreg [dreg:$0x0]  }
0x2: {  	s1 =	rddreg [dreg:$0x1]  }
0x3: {  	s2 =	rddreg [dreg:$0x2]  }
0x4: {  	s3 =	simm.s32 $0x0;
	s19 =	stileid.u32;
	s4 =	srdreg.scid  }
0x5: {  	s23 =	simm.s32 $0x800;
	s28 =	simm.s32 $0x1;
	s29 =	simm.s32 $0x1080  }
0x6: {  	s30 =	simm.s32 $0x0;
	[smem:$0x7FF] =	sst s3;
	s5 =	sadd.s32 $0x1000, s0  }
0x7: {  	s6 =	sadd.s32 $0x33400, s0;
	s7 =	sadd.s32 $0xAE00, s0;
	s8 =	smul.u32 $0x50000, s19  }
0x8: {  	s0 =	sadd.s32 $0x5A600, s0;
	s4 =	sand.u32 $0x1, s4;
	s9 =	sshll.u32 s19, $0x1  }
0x9: {  	s24 =	smul.u32 $0x2800, s19;
	s22 =	sadd.s32 $0x12C000, s2;
	s18 =	sadd.s32 $0x133800, s2  }
0xa: {  	s17 =	sadd.s32 $0x131000, s2;
	p0 =	seq.s32 s19, $0xF;
	_ =	strace $0x8000004D  }
0xb: {  	s10 =	ssub.s32 $0x2, s4;
	s9 =	sor.u32 s4, s9;
	s26 =	smul.u32 $0x27100, s4  }
0xc: {  	s4 =	smul.u32 $0x138800, s4;
	[dreg:$0x8] =	wrdreg s22;
	s11 =	sshrl.u32 s8, $0x2  }
0xd: {  	s12 =	sshrl.u32 s10, $0x1;
	s8 =	smul.u32 $0x2710, s9;
	s9 =	sadd.s32 s11, s2  }
0xe: {  	s10 =	ssub.s32 s10, s12;
	s12 =	sadd.s32 $0x12E800, s2;
	s11 =	sadd.s32 s24, s26  }
0xf: {  	s4 =	sshrl.u32 s4, $0x3;
	s24 =	simm.s32 $0x50;
	s26 =	simm.s32 $0x1100  }
0x10: {  	s13 =	sadd.s32 $0x2800, s9;
	s25 =	sadd.s32 $0x5000, s9;
	s20 =	sadd.s32 $0x7800, s9  }
0x11: {  	s21 =	sadd.s32 $0xA000, s9;
	s14 =	sadd.s32 $0xC800, s9;
	s15 =	sadd.s32 $0xF000, s9  }
0x12: {  	s16 =	sadd.s32 $0x11800, s9;
	s11 =	sadd.s32 s0, s11;
	[dreg:$0x4] =	wrdreg s13  }
0x13: {  	s0 =	sadd.s32 s0, s4;
	s31 =	smax.u32 s10, $0x1;
	[dreg:$0x5] =	wrdreg s25  }
0x14: {  	s13 =	sadd.s32 $0x136000, s2;
	[dreg:$0x9] =	wrdreg s11;
	s0 =	sadd.s32 $0x25800, s0  }
0x15: {  	s20 =	smov.u32 @p0 s22;
	s21 =	smov.u32 @p0 s12;
	[dreg:$0xb] =	wrdreg s31  }
0x16: {  	s14 =	smov.u32 @p0 s17;
	s15 =	smov.u32 @p0 s18;
	[dreg:$0xa] =	wrdreg s0  }
0x17: {  	v1 =	vlaneseq.u32;
	s22 =	simm.s32 $0x2;
	s25 =	simm.s32 $0x1000;
	[dreg:$0x6] =	wrdreg s20  }
0x18: {  	v0 =	vimm.f32 $0.0e+00;
	v1 =	vmul.u32 $0x80, v1;
	[dreg:$0x7] =	wrdreg s21;
	s16 =	smov.u32 @p0 s13;
	s21 =	simm.s32 $0x3900  }
.LBB2_1:
0x19: {  	s0 =	simm.s32 $0x0;
	s4 =	simm.s32 $0x200  }
.LBB2_2:
0x1a: {  	p1 =	sne.s32 s4, $0x9E00;
	[tilespmem:s0+$0x3970] =	vst v0  }
0x1b: {  	[tilespmem:s0+$0x3900] =	vst v0  }
0x1c: {  	[tilespmem:s0+$0x3910] =	vst v0  }
.Ltmp0:
0x1d: {  	[tilespmem:s0+$0x3920] =	vst v0;
	(pc) =	sbr.rel @p1 .LBB2_2-.Ltmp0, $4  }
0x1e: {  	[tilespmem:s0+$0x3930] =	vst v0  }
0x1f: {  	[tilespmem:s0+$0x3940] =	vst v0  }
0x20: {  	[tilespmem:s0+$0x3950] =	vst v0  }
0x21: {  	[tilespmem:s0+$0x3960] =	vst v0;
	s0 =	sshra.s32 s4, $0x2;
	s4 =	sadd.s32 $0x200, s4  }
0x22: {  	[tilespmem:s0+$0x3970] =	vst v0  }
0x23: {  	[tilespmem:s0+$0x3900] =	vst v0  }
0x24: {  	[tilespmem:s0+$0x3910] =	vst v0  }
0x25: {  	[tilespmem:s0+$0x3920] =	vst v0  }
0x26: {  	[tilespmem:s0+$0x3930] =	vst v0  }
0x27: {  	[tilespmem:s0+$0x3940] =	vst v0  }
0x28: {  	[tilespmem:s0+$0x3950] =	vst v0  }
0x29: {  	[tilespmem:s0+$0x3960] =	vst v0;
	s0 =	simm.s32 @!p0 $0x3900;
	s4 =	simm.s32 @!p0 $0x2  }
0x2a: {  	[spmem:s9] =	stream.linear.scatter @!p0 [tilespmem:s0], [sflag:$0x2], $0x2800, $0x38;
	[tilespmem:$0x1B980] =	vst v63  }
0x2b: {  	_ =	swait.ge @!p0 [sflag:s4], $0x2800  }
0x2c: {  	[sflag:s4] =	ssyncset.done @!p0 $0x0  }
0x2d: {  	s10 =	rddreg [dreg:$0x4];
	[sflag:s4] =	ssyncadd.s32 @!p0 $0xFFFFD800  }
0x2e: {  	[spmem:s10] =	stream.linear.scatter @!p0 [tilespmem:s0], [sflag:$0x2], $0x2800, $0x38;
	[tilespmem:$0x1B980] =	vst v63  }
0x2f: {  	_ =	swait.ge @!p0 [sflag:s4], $0x2800  }
0x30: {  	[sflag:s4] =	ssyncset.done @!p0 $0x0  }
0x31: {  	s10 =	rddreg [dreg:$0x5];
	[sflag:s4] =	ssyncadd.s32 @!p0 $0xFFFFD800  }
0x32: {  	[spmem:s10] =	stream.linear.scatter @!p0 [tilespmem:s0], [sflag:$0x2], $0x2800, $0x38;
	[tilespmem:$0x1B980] =	vst v63  }
0x33: {  	_ =	swait.ge @!p0 [sflag:s4], $0x2800  }
0x34: {  	[sflag:s4] =	ssyncset.done @!p0 $0x0  }
0x35: {  	s19 =	rddreg [dreg:$0x6];
	[sflag:s4] =	ssyncadd.s32 @!p0 $0xFFFFD800  }
0x36: {  	[spmem:s19] =	stream.linear.scatter [tilespmem:s21], [sflag:$0x2], $0x2800, $0x38;
	[tilespmem:$0x1B980] =	vst v63  }
0x37: {  	_ =	swait.ge [sflag:s22], $0x2800  }
0x38: {  	[sflag:s22] =	ssyncset.done $0x0  }
0x39: {  	s20 =	rddreg [dreg:$0x7];
	[sflag:s22] =	ssyncadd.s32 $0xFFFFD800  }
0x3a: {  	[spmem:s20] =	stream.linear.scatter [tilespmem:s21], [sflag:$0x2], $0x2800, $0x38;
	[tilespmem:$0x1B980] =	vst v63  }
0x3b: {  	_ =	swait.ge [sflag:s22], $0x2800  }
0x3c: {  	[sflag:s22] =	ssyncset.done $0x0  }
0x3d: {  	[sflag:s22] =	ssyncadd.s32 $0xFFFFD800  }
0x3e: {  	[spmem:s14] =	stream.linear.scatter [tilespmem:s21], [sflag:$0x2], $0x2800, $0x38;
	[tilespmem:$0x1B980] =	vst v63  }
0x3f: {  	_ =	swait.ge [sflag:s22], $0x2800  }
0x40: {  	[sflag:s22] =	ssyncset.done $0x0  }
0x41: {  	[sflag:s22] =	ssyncadd.s32 $0xFFFFD800  }
0x42: {  	[spmem:s15] =	stream.linear.scatter [tilespmem:s21], [sflag:$0x2], $0x2800, $0x38;
	[tilespmem:$0x1B980] =	vst v63  }
0x43: {  	_ =	swait.ge [sflag:s22], $0x2800  }
0x44: {  	[sflag:s22] =	ssyncset.done $0x0  }
0x45: {  	[sflag:s22] =	ssyncadd.s32 $0xFFFFD800  }
0x46: {  	[spmem:s16] =	stream.linear.scatter [tilespmem:s21], [sflag:$0x2], $0x2800, $0x38;
	[tilespmem:$0x1B980] =	vst v63  }
0x47: {  	_ =	swait.ge [sflag:s22], $0x2800  }
0x48: {  	[sflag:s22] =	ssyncset.done $0x0  }
0x49: {  	[sflag:s22] =	ssyncadd.s32 $0xFFFFD800  }
0x4a: {  	s31 =	simm.s32 $0x0;
	[bflag:$0x0] =	sbarrier.arrive $0xFFFF  }
.LBB2_4:
0x4b: {  	s0 =	smul.u32 $0x7D0, s31;
	_ =	sdelay $0x1  }
0x4c: {  	s0 =	sadd.s32 s8, s0  }
0x4d: {  	s0 =	sshrl.u32 s0, $0x3  }
0x4e: {  	s4 =	sadd.s32 s5, s0  }
0x4f: {  	[tilespmem:s30], [sflag:$0x2] =	stream.linear.gather [hbm4b:s4+s30], $0x7D0, $0x38;
	[tilespmem:$0x1B980] =	vst v63  }
0x50: {  	_ =	swait.ge [sflag:s22], $0x7D0  }
0x51: {  	[sflag:s22] =	ssyncset.done $0x0  }
0x52: {  	s18 =	sadd.s32 s1, s0;
	[sflag:s22] =	ssyncadd.s32 $0xFFFFF830  }
0x53: {  	[tilespmem:s23], [sflag:$0x2] =	stream.linear.gather [hbm4b:s18+s30], $0x7D0, $0x38;
	[tilespmem:$0x1B980] =	vst v63  }
0x54: {  	_ =	swait.ge [sflag:s22], $0x7D0  }
0x55: {  	[sflag:s22] =	ssyncset.done $0x0  }
0x56: {  	s13 =	simm.s32 $0x19980;
	s0 =	sadd.s32 s6, s0;
	[sflag:s22] =	ssyncadd.s32 $0xFFFFF830  }
0x57: {  	[tilespmem:s13], [sflag:$0x2] =	stream.linear.gather [hbm4b:s0+s30], $0x7D0, $0x38;
	[tilespmem:$0x1B980] =	vst v63  }
0x58: {  	_ =	swait.ge [sflag:s22], $0x7D0  }
0x59: {  	[sflag:s22] =	ssyncset.done $0x0  }
0x5a: {  	s12 =	simm.s32 $0x1A180;
	s19 =	sadd.s32 $0x9C40, s0;
	[sflag:s22] =	ssyncadd.s32 $0xFFFFF830  }
0x5b: {  	[tilespmem:s12], [sflag:$0x2] =	stream.linear.gather [hbm4b:s19+s30], $0x7D0, $0x38;
	[tilespmem:$0x1B980] =	vst v63  }
0x5c: {  	_ =	swait.ge [sflag:s22], $0x7D0  }
0x5d: {  	[sflag:s22] =	ssyncset.done $0x0  }
0x5e: {  	s17 =	simm.s32 $0x1A980;
	s20 =	sadd.s32 $0x13880, s0;
	[sflag:s22] =	ssyncadd.s32 $0xFFFFF830  }
0x5f: {  	[tilespmem:s17], [sflag:$0x2] =	stream.linear.gather [hbm4b:s20+s30], $0x7D0, $0x38;
	[tilespmem:$0x1B980] =	vst v63  }
0x60: {  	_ =	swait.ge [sflag:s22], $0x7D0  }
0x61: {  	[sflag:s22] =	ssyncset.done $0x0  }
0x62: {  	s0 =	sadd.s32 $0x1D4C0, s0;
	s20 =	simm.s32 $0x1B180;
	[sflag:s22] =	ssyncadd.s32 $0xFFFFF830  }
0x63: {  	[tilespmem:s20], [sflag:$0x2] =	stream.linear.gather [hbm4b:s0+s30], $0x7D0, $0x38;
	[tilespmem:$0x1B980] =	vst v63  }
0x64: {  	_ =	swait.ge [sflag:s22], $0x7D0  }
0x65: {  	[sflag:s22] =	ssyncset.done $0x0  }
0x66: {  	s18 =	simm.s32 $0x0;
	[sflag:s22] =	ssyncadd.s32 $0xFFFFF830  }
.LBB2_5:
0x67: {  	s0 =	smul.u32 $0x50, s18;
	_ =	sdelay $0x1  }
0x68: {  	v2 =	vld [tilespmem:s0+$0x0];
	_ =	sdelay $0x4  }
0x69: {  	[tilespmem:$0x1000] =	vst v2  }
0x6a: {  	v2 =	vld [tilespmem:s0+$0x800];
	_ =	sdelay $0x4  }
0x6b: {  	[tilespmem:$0x1080] =	vst v2  }
0x6c: {  	v2 =	vld [tilespmem:s0+$0x10];
	_ =	sdelay $0x4  }
0x6d: {  	[tilespmem:$0x1010] =	vst v2  }
0x6e: {  	v2 =	vld [tilespmem:s0+$0x810];
	_ =	sdelay $0x4  }
0x6f: {  	[tilespmem:$0x1090] =	vst v2  }
0x70: {  	v2 =	vld [tilespmem:s0+$0x20];
	_ =	sdelay $0x4  }
0x71: {  	[tilespmem:$0x1020] =	vst v2  }
0x72: {  	v2 =	vld [tilespmem:s0+$0x820];
	_ =	sdelay $0x4  }
0x73: {  	[tilespmem:$0x10A0] =	vst v2  }
0x74: {  	v2 =	vld [tilespmem:s0+$0x30];
	_ =	sdelay $0x4  }
0x75: {  	[tilespmem:$0x1030] =	vst v2  }
0x76: {  	v2 =	vld [tilespmem:s0+$0x830];
	_ =	sdelay $0x4  }
0x77: {  	[tilespmem:$0x10B0] =	vst v2  }
0x78: {  	v2 =	vld [tilespmem:s0+$0x40];
	_ =	sdelay $0x4  }
0x79: {  	[tilespmem:$0x1040] =	vst v2  }
0x7a: {  	v2 =	vld [tilespmem:s0+$0x840];
	_ =	sdelay $0x4  }
0x7b: {  	[tilespmem:$0x10C0] =	vst v2  }
0x7c: {  	[tilespmem:s26], [sflag:$0x1] =	stream.indirect.gather [hbm4b:s7+s24], $0x80, s25, s24, $0xb8;
	[tilespmem:$0x1B980] =	vst v63  }
0x7d: {  	s19 =	simm.s32 $0x0;
	_ =	swait.ge [sflag:s28], $0x2800  }
0x7e: {  	s11 =	smov.u32 s20;
	s10 =	smov.u32 s17;
	[sflag:s28] =	ssyncset.done $0x0  }
0x7f: {  	s4 =	smov.u32 s12;
	s0 =	smov.u32 s13;
	[sflag:s28] =	ssyncadd.s32 $0xFFFFD800  }
.LBB2_6:
0x80: {  	v2 =	vmov s19  }
0x81: {  	v2 =	vshll.u32 v2, $0x7  }
0x82: {  	v2 =	vor.u32 v1, v2;
	_ =	sdelay $0x3  }
0x83: {  	v3 =	vld [tilespmem:s0+$0x0]  }
0x84: {  	v4 =	vld.idx.msk [tilespmem:v2+s26+$0x0], $0xffff;
	_ =	sdelay $0x2  }
0x85: {  	v5 =	vor.u32 $0x1, v2;
	_ =	sdelay $0x1  }
0x86: {  	v4 =	vmul.f32 v4, v3;
	_ =	sdelay $0x1  }
0x87: {  	[tilespmem:v2+s21+$0x0] =	vst.idx.msk $0xffff, v4  }
0x88: {  	v4 =	vld.idx.msk [tilespmem:v5+s26+$0x0], $0xffff;
	_ =	sdelay $0x2  }
0x89: {  	v6 =	vor.u32 $0x2, v2;
	_ =	sdelay $0x1  }
0x8a: {  	v4 =	vmul.f32 v4, v3;
	_ =	sdelay $0x1  }
0x8b: {  	[tilespmem:v5+s21+$0x0] =	vst.idx.msk $0xffff, v4  }
0x8c: {  	v4 =	vld.idx.msk [tilespmem:v6+s26+$0x0], $0xffff;
	_ =	sdelay $0x2  }
0x8d: {  	v47 =	vor.u32 $0x3, v2;
	_ =	sdelay $0x1  }
0x8e: {  	v4 =	vmul.f32 v4, v3;
	_ =	sdelay $0x1  }
0x8f: {  	[tilespmem:v6+s21+$0x0] =	vst.idx.msk $0xffff, v4  }
0x90: {  	v4 =	vld.idx.msk [tilespmem:v47+s26+$0x0], $0xffff;
	_ =	sdelay $0x2  }
0x91: {  	v48 =	vor.u32 $0x4, v2;
	_ =	sdelay $0x1  }
0x92: {  	v4 =	vmul.f32 v4, v3;
	_ =	sdelay $0x1  }
0x93: {  	[tilespmem:v47+s21+$0x0] =	vst.idx.msk $0xffff, v4  }
0x94: {  	v4 =	vld.idx.msk [tilespmem:v48+s26+$0x0], $0xffff;
	_ =	sdelay $0x2  }
0x95: {  	v49 =	vor.u32 $0x5, v2;
	_ =	sdelay $0x1  }
0x96: {  	v4 =	vmul.f32 v4, v3;
	_ =	sdelay $0x1  }
0x97: {  	[tilespmem:v48+s21+$0x0] =	vst.idx.msk $0xffff, v4  }
0x98: {  	v4 =	vld.idx.msk [tilespmem:v49+s26+$0x0], $0xffff;
	_ =	sdelay $0x2  }
0x99: {  	v50 =	vor.u32 $0x6, v2;
	_ =	sdelay $0x1  }
0x9a: {  	v4 =	vmul.f32 v4, v3;
	_ =	sdelay $0x1  }
0x9b: {  	[tilespmem:v49+s21+$0x0] =	vst.idx.msk $0xffff, v4  }
0x9c: {  	v4 =	vld.idx.msk [tilespmem:v50+s26+$0x0], $0xffff;
	_ =	sdelay $0x2  }
0x9d: {  	v51 =	vor.u32 $0x7, v2;
	_ =	sdelay $0x1  }
0x9e: {  	v4 =	vmul.f32 v4, v3;
	_ =	sdelay $0x1  }
0x9f: {  	[tilespmem:v50+s21+$0x0] =	vst.idx.msk $0xffff, v4  }
0xa0: {  	v4 =	vld.idx.msk [tilespmem:v51+s26+$0x0], $0xffff;
	_ =	sdelay $0x2  }
0xa1: {  	v52 =	vor.u32 $0x8, v2;
	_ =	sdelay $0x1  }
0xa2: {  	v4 =	vmul.f32 v4, v3;
	_ =	sdelay $0x1  }
0xa3: {  	[tilespmem:v51+s21+$0x0] =	vst.idx.msk $0xffff, v4  }
0xa4: {  	v4 =	vld.idx.msk [tilespmem:v52+s26+$0x0], $0xffff;
	_ =	sdelay $0x2  }
0xa5: {  	v53 =	vor.u32 $0x9, v2;
	_ =	sdelay $0x1  }
0xa6: {  	v4 =	vmul.f32 v4, v3;
	_ =	sdelay $0x1  }
0xa7: {  	[tilespmem:v52+s21+$0x0] =	vst.idx.msk $0xffff, v4  }
0xa8: {  	v4 =	vld.idx.msk [tilespmem:v53+s26+$0x0], $0xffff;
	_ =	sdelay $0x2  }
0xa9: {  	v54 =	vor.u32 $0xA, v2;
	_ =	sdelay $0x1  }
0xaa: {  	v4 =	vmul.f32 v4, v3;
	_ =	sdelay $0x1  }
0xab: {  	[tilespmem:v53+s21+$0x0] =	vst.idx.msk $0xffff, v4  }
0xac: {  	v4 =	vld.idx.msk [tilespmem:v54+s26+$0x0], $0xffff;
	_ =	sdelay $0x2  }
0xad: {  	v55 =	vor.u32 $0xB, v2;
	_ =	sdelay $0x1  }
0xae: {  	v4 =	vmul.f32 v4, v3;
	_ =	sdelay $0x1  }
0xaf: {  	[tilespmem:v54+s21+$0x0] =	vst.idx.msk $0xffff, v4  }
0xb0: {  	v4 =	vld.idx.msk [tilespmem:v55+s26+$0x0], $0xffff;
	_ =	sdelay $0x2  }
0xb1: {  	v56 =	vor.u32 $0xC, v2;
	_ =	sdelay $0x1  }
0xb2: {  	v4 =	vmul.f32 v4, v3;
	_ =	sdelay $0x1  }
0xb3: {  	[tilespmem:v55+s21+$0x0] =	vst.idx.msk $0xffff, v4  }
0xb4: {  	v4 =	vld.idx.msk [tilespmem:v56+s26+$0x0], $0xffff;
	_ =	sdelay $0x2  }
0xb5: {  	v57 =	vor.u32 $0xD, v2;
	_ =	sdelay $0x1  }
0xb6: {  	v4 =	vmul.f32 v4, v3;
	_ =	sdelay $0x1  }
0xb7: {  	[tilespmem:v56+s21+$0x0] =	vst.idx.msk $0xffff, v4  }
0xb8: {  	v4 =	vld.idx.msk [tilespmem:v57+s26+$0x0], $0xffff;
	_ =	sdelay $0x2  }
0xb9: {  	v58 =	vor.u32 $0xE, v2;
	_ =	sdelay $0x1  }
0xba: {  	v4 =	vmul.f32 v4, v3;
	_ =	sdelay $0x1  }
0xbb: {  	[tilespmem:v57+s21+$0x0] =	vst.idx.msk $0xffff, v4  }
0xbc: {  	v4 =	vld.idx.msk [tilespmem:v58+s26+$0x0], $0xffff;
	_ =	sdelay $0x2  }
0xbd: {  	v59 =	vor.u32 $0xF, v2;
	_ =	sdelay $0x1  }
0xbe: {  	v4 =	vmul.f32 v4, v3;
	_ =	sdelay $0x1  }
0xbf: {  	[tilespmem:v58+s21+$0x0] =	vst.idx.msk $0xffff, v4  }
0xc0: {  	v4 =	vld.idx.msk [tilespmem:v59+s26+$0x0], $0xffff;
	_ =	sdelay $0x2  }
0xc1: {  	v60 =	vor.u32 $0x10, v2;
	_ =	sdelay $0x1  }
0xc2: {  	v4 =	vmul.f32 v4, v3;
	_ =	sdelay $0x1  }
0xc3: {  	[tilespmem:v59+s21+$0x0] =	vst.idx.msk $0xffff, v4  }
0xc4: {  	v4 =	vld.idx.msk [tilespmem:v60+s26+$0x0], $0xffff;
	_ =	sdelay $0x2  }
0xc5: {  	v61 =	vor.u32 $0x11, v2;
	_ =	sdelay $0x1  }
0xc6: {  	v4 =	vmul.f32 v4, v3;
	_ =	sdelay $0x1  }
0xc7: {  	[tilespmem:v60+s21+$0x0] =	vst.idx.msk $0xffff, v4  }
0xc8: {  	v4 =	vld.idx.msk [tilespmem:v61+s26+$0x0], $0xffff;
	_ =	sdelay $0x2  }
0xc9: {  	v62 =	vor.u32 $0x12, v2;
	_ =	sdelay $0x1  }
0xca: {  	v4 =	vmul.f32 v4, v3;
	_ =	sdelay $0x1  }
0xcb: {  	[tilespmem:v61+s21+$0x0] =	vst.idx.msk $0xffff, v4  }
0xcc: {  	v4 =	vld.idx.msk [tilespmem:v62+s26+$0x0], $0xffff;
	_ =	sdelay $0x2  }
0xcd: {  	v63 =	vor.u32 $0x13, v2;
	_ =	sdelay $0x1  }
0xce: {  	v4 =	vmul.f32 v4, v3;
	_ =	sdelay $0x1  }
0xcf: {  	[tilespmem:v62+s21+$0x0] =	vst.idx.msk $0xffff, v4  }
0xd0: {  	v4 =	vld.idx.msk [tilespmem:v63+s26+$0x0], $0xffff;
	_ =	sdelay $0x2  }
0xd1: {  	v9 =	vor.u32 $0x14, v2;
	_ =	sdelay $0x1  }
0xd2: {  	v4 =	vmul.f32 v4, v3;
	_ =	sdelay $0x1  }
0xd3: {  	[tilespmem:v63+s21+$0x0] =	vst.idx.msk $0xffff, v4  }
0xd4: {  	v4 =	vld.idx.msk [tilespmem:v9+s26+$0x0], $0xffff;
	_ =	sdelay $0x2  }
0xd5: {  	v10 =	vor.u32 $0x15, v2;
	_ =	sdelay $0x1  }
0xd6: {  	v4 =	vmul.f32 v4, v3;
	_ =	sdelay $0x1  }
0xd7: {  	[tilespmem:v9+s21+$0x0] =	vst.idx.msk $0xffff, v4  }
0xd8: {  	v4 =	vld.idx.msk [tilespmem:v10+s26+$0x0], $0xffff;
	_ =	sdelay $0x2  }
0xd9: {  	v11 =	vor.u32 $0x16, v2;
	_ =	sdelay $0x1  }
0xda: {  	v4 =	vmul.f32 v4, v3;
	_ =	sdelay $0x1  }
0xdb: {  	[tilespmem:v10+s21+$0x0] =	vst.idx.msk $0xffff, v4  }
0xdc: {  	v4 =	vld.idx.msk [tilespmem:v11+s26+$0x0], $0xffff;
	_ =	sdelay $0x2  }
0xdd: {  	v12 =	vor.u32 $0x17, v2;
	_ =	sdelay $0x1  }
0xde: {  	v4 =	vmul.f32 v4, v3;
	_ =	sdelay $0x1  }
0xdf: {  	[tilespmem:v11+s21+$0x0] =	vst.idx.msk $0xffff, v4  }
0xe0: {  	v4 =	vld.idx.msk [tilespmem:v12+s26+$0x0], $0xffff;
	_ =	sdelay $0x2  }
0xe1: {  	v13 =	vor.u32 $0x18, v2;
	_ =	sdelay $0x1  }
0xe2: {  	v4 =	vmul.f32 v4, v3;
	_ =	sdelay $0x1  }
0xe3: {  	[tilespmem:v12+s21+$0x0] =	vst.idx.msk $0xffff, v4  }
0xe4: {  	v4 =	vld.idx.msk [tilespmem:v13+s26+$0x0], $0xffff;
	_ =	sdelay $0x2  }
0xe5: {  	v14 =	vor.u32 $0x19, v2;
	_ =	sdelay $0x1  }
0xe6: {  	v4 =	vmul.f32 v4, v3;
	_ =	sdelay $0x1  }
0xe7: {  	[tilespmem:v13+s21+$0x0] =	vst.idx.msk $0xffff, v4  }
0xe8: {  	v4 =	vld.idx.msk [tilespmem:v14+s26+$0x0], $0xffff;
	_ =	sdelay $0x2  }
0xe9: {  	v15 =	vor.u32 $0x1A, v2;
	_ =	sdelay $0x1  }
0xea: {  	v4 =	vmul.f32 v4, v3;
	_ =	sdelay $0x1  }
0xeb: {  	[tilespmem:v14+s21+$0x0] =	vst.idx.msk $0xffff, v4  }
0xec: {  	v4 =	vld.idx.msk [tilespmem:v15+s26+$0x0], $0xffff;
	_ =	sdelay $0x2  }
0xed: {  	v16 =	vor.u32 $0x1B, v2;
	_ =	sdelay $0x1  }
0xee: {  	v4 =	vmul.f32 v4, v3;
	_ =	sdelay $0x1  }
0xef: {  	[tilespmem:v15+s21+$0x0] =	vst.idx.msk $0xffff, v4  }
0xf0: {  	v4 =	vld.idx.msk [tilespmem:v16+s26+$0x0], $0xffff;
	_ =	sdelay $0x2  }
0xf1: {  	v17 =	vor.u32 $0x1C, v2;
	_ =	sdelay $0x1  }
0xf2: {  	v4 =	vmul.f32 v4, v3;
	_ =	sdelay $0x1  }
0xf3: {  	[tilespmem:v16+s21+$0x0] =	vst.idx.msk $0xffff, v4  }
0xf4: {  	v4 =	vld.idx.msk [tilespmem:v17+s26+$0x0], $0xffff;
	_ =	sdelay $0x2  }
0xf5: {  	v18 =	vor.u32 $0x1D, v2;
	_ =	sdelay $0x1  }
0xf6: {  	v4 =	vmul.f32 v4, v3;
	_ =	sdelay $0x1  }
0xf7: {  	[tilespmem:v17+s21+$0x0] =	vst.idx.msk $0xffff, v4  }
0xf8: {  	v4 =	vld.idx.msk [tilespmem:v18+s26+$0x0], $0xffff;
	_ =	sdelay $0x2  }
0xf9: {  	v19 =	vor.u32 $0x1E, v2;
	_ =	sdelay $0x1  }
0xfa: {  	v4 =	vmul.f32 v4, v3;
	_ =	sdelay $0x1  }
0xfb: {  	[tilespmem:v18+s21+$0x0] =	vst.idx.msk $0xffff, v4  }
0xfc: {  	v4 =	vld.idx.msk [tilespmem:v19+s26+$0x0], $0xffff;
	_ =	sdelay $0x2  }
0xfd: {  	v20 =	vor.u32 $0x1F, v2;
	_ =	sdelay $0x1  }
0xfe: {  	v4 =	vmul.f32 v4, v3;
	_ =	sdelay $0x1  }
0xff: {  	[tilespmem:v19+s21+$0x0] =	vst.idx.msk $0xffff, v4  }
0x100: {  	v4 =	vld.idx.msk [tilespmem:v20+s26+$0x0], $0xffff;
	_ =	sdelay $0x3  }
0x101: {  	v21 =	vor.u32 $0x20, v2  }
0x102: {  	v3 =	vmul.f32 v4, v3;
	_ =	sdelay $0x1  }
0x103: {  	[tilespmem:v20+s21+$0x0] =	vst.idx.msk $0xffff, v3  }
0x104: {  	v3 =	vld [tilespmem:s4+$0x0]  }
0x105: {  	v22 =	vld.idx.msk [tilespmem:v21+s26+$0x0], $0xffff;
	_ =	sdelay $0x2  }
0x106: {  	v23 =	vor.u32 $0x21, v2;
	_ =	sdelay $0x1  }
0x107: {  	v4 =	vmul.f32 v22, v3;
	_ =	sdelay $0x1  }
0x108: {  	[tilespmem:v21+s21+$0x0] =	vst.idx.msk $0xffff, v4  }
0x109: {  	v4 =	vld.idx.msk [tilespmem:v23+s26+$0x0], $0xffff;
	_ =	sdelay $0x2  }
0x10a: {  	v24 =	vor.u32 $0x22, v2;
	_ =	sdelay $0x1  }
0x10b: {  	v4 =	vmul.f32 v4, v3;
	_ =	sdelay $0x1  }
0x10c: {  	[tilespmem:v23+s21+$0x0] =	vst.idx.msk $0xffff, v4  }
0x10d: {  	v4 =	vld.idx.msk [tilespmem:v24+s26+$0x0], $0xffff;
	_ =	sdelay $0x2  }
0x10e: {  	v25 =	vor.u32 $0x23, v2;
	_ =	sdelay $0x1  }
0x10f: {  	v4 =	vmul.f32 v4, v3;
	_ =	sdelay $0x1  }
0x110: {  	[tilespmem:v24+s21+$0x0] =	vst.idx.msk $0xffff, v4  }
0x111: {  	v4 =	vld.idx.msk [tilespmem:v25+s26+$0x0], $0xffff;
	_ =	sdelay $0x2  }
0x112: {  	v26 =	vor.u32 $0x24, v2;
	_ =	sdelay $0x1  }
0x113: {  	v4 =	vmul.f32 v4, v3;
	_ =	sdelay $0x1  }
0x114: {  	[tilespmem:v25+s21+$0x0] =	vst.idx.msk $0xffff, v4  }
0x115: {  	v4 =	vld.idx.msk [tilespmem:v26+s26+$0x0], $0xffff;
	_ =	sdelay $0x2  }
0x116: {  	v27 =	vor.u32 $0x25, v2;
	_ =	sdelay $0x1  }
0x117: {  	v4 =	vmul.f32 v4, v3;
	_ =	sdelay $0x1  }
0x118: {  	[tilespmem:v26+s21+$0x0] =	vst.idx.msk $0xffff, v4  }
0x119: {  	v4 =	vld.idx.msk [tilespmem:v27+s26+$0x0], $0xffff;
	_ =	sdelay $0x2  }
0x11a: {  	v28 =	vor.u32 $0x26, v2;
	_ =	sdelay $0x1  }
0x11b: {  	v4 =	vmul.f32 v4, v3;
	_ =	sdelay $0x1  }
0x11c: {  	[tilespmem:v27+s21+$0x0] =	vst.idx.msk $0xffff, v4  }
0x11d: {  	v4 =	vld.idx.msk [tilespmem:v28+s26+$0x0], $0xffff;
	_ =	sdelay $0x2  }
0x11e: {  	v29 =	vor.u32 $0x27, v2;
	_ =	sdelay $0x1  }
0x11f: {  	v4 =	vmul.f32 v4, v3;
	_ =	sdelay $0x1  }
0x120: {  	[tilespmem:v28+s21+$0x0] =	vst.idx.msk $0xffff, v4  }
0x121: {  	v4 =	vld.idx.msk [tilespmem:v29+s26+$0x0], $0xffff;
	_ =	sdelay $0x2  }
0x122: {  	v30 =	vor.u32 $0x28, v2;
	_ =	sdelay $0x1  }
0x123: {  	v4 =	vmul.f32 v4, v3;
	_ =	sdelay $0x1  }
0x124: {  	[tilespmem:v29+s21+$0x0] =	vst.idx.msk $0xffff, v4  }
0x125: {  	v4 =	vld.idx.msk [tilespmem:v30+s26+$0x0], $0xffff;
	_ =	sdelay $0x2  }
0x126: {  	v31 =	vor.u32 $0x29, v2;
	_ =	sdelay $0x1  }
0x127: {  	v4 =	vmul.f32 v4, v3;
	_ =	sdelay $0x1  }
0x128: {  	[tilespmem:v30+s21+$0x0] =	vst.idx.msk $0xffff, v4  }
0x129: {  	v4 =	vld.idx.msk [tilespmem:v31+s26+$0x0], $0xffff;
	_ =	sdelay $0x2  }
0x12a: {  	v32 =	vor.u32 $0x2A, v2;
	_ =	sdelay $0x1  }
0x12b: {  	v4 =	vmul.f32 v4, v3;
	_ =	sdelay $0x1  }
0x12c: {  	[tilespmem:v31+s21+$0x0] =	vst.idx.msk $0xffff, v4  }
0x12d: {  	v4 =	vld.idx.msk [tilespmem:v32+s26+$0x0], $0xffff;
	_ =	sdelay $0x2  }
0x12e: {  	v33 =	vor.u32 $0x2B, v2;
	_ =	sdelay $0x1  }
0x12f: {  	v4 =	vmul.f32 v4, v3;
	_ =	sdelay $0x1  }
0x130: {  	[tilespmem:v32+s21+$0x0] =	vst.idx.msk $0xffff, v4  }
0x131: {  	v4 =	vld.idx.msk [tilespmem:v33+s26+$0x0], $0xffff;
	_ =	sdelay $0x2  }
0x132: {  	v34 =	vor.u32 $0x2C, v2;
	_ =	sdelay $0x1  }
0x133: {  	v4 =	vmul.f32 v4, v3;
	_ =	sdelay $0x1  }
0x134: {  	[tilespmem:v33+s21+$0x0] =	vst.idx.msk $0xffff, v4  }
0x135: {  	v4 =	vld.idx.msk [tilespmem:v34+s26+$0x0], $0xffff;
	_ =	sdelay $0x2  }
0x136: {  	v35 =	vor.u32 $0x2D, v2;
	_ =	sdelay $0x1  }
0x137: {  	v4 =	vmul.f32 v4, v3;
	_ =	sdelay $0x1  }
0x138: {  	[tilespmem:v34+s21+$0x0] =	vst.idx.msk $0xffff, v4  }
0x139: {  	v4 =	vld.idx.msk [tilespmem:v35+s26+$0x0], $0xffff;
	_ =	sdelay $0x2  }
0x13a: {  	v36 =	vor.u32 $0x2E, v2;
	_ =	sdelay $0x1  }
0x13b: {  	v4 =	vmul.f32 v4, v3;
	_ =	sdelay $0x1  }
0x13c: {  	[tilespmem:v35+s21+$0x0] =	vst.idx.msk $0xffff, v4  }
0x13d: {  	v4 =	vld.idx.msk [tilespmem:v36+s26+$0x0], $0xffff;
	_ =	sdelay $0x2  }
0x13e: {  	v37 =	vor.u32 $0x2F, v2;
	_ =	sdelay $0x1  }
0x13f: {  	v4 =	vmul.f32 v4, v3;
	_ =	sdelay $0x1  }
0x140: {  	[tilespmem:v36+s21+$0x0] =	vst.idx.msk $0xffff, v4  }
0x141: {  	v4 =	vld.idx.msk [tilespmem:v37+s26+$0x0], $0xffff;
	_ =	sdelay $0x2  }
0x142: {  	v38 =	vor.u32 $0x30, v2;
	_ =	sdelay $0x1  }
0x143: {  	v4 =	vmul.f32 v4, v3;
	_ =	sdelay $0x1  }
0x144: {  	[tilespmem:v37+s21+$0x0] =	vst.idx.msk $0xffff, v4  }
0x145: {  	v4 =	vld.idx.msk [tilespmem:v38+s26+$0x0], $0xffff;
	_ =	sdelay $0x2  }
0x146: {  	v39 =	vor.u32 $0x31, v2;
	_ =	sdelay $0x1  }
0x147: {  	v4 =	vmul.f32 v4, v3;
	_ =	sdelay $0x1  }
0x148: {  	[tilespmem:v38+s21+$0x0] =	vst.idx.msk $0xffff, v4  }
0x149: {  	v4 =	vld.idx.msk [tilespmem:v39+s26+$0x0], $0xffff;
	_ =	sdelay $0x2  }
0x14a: {  	v40 =	vor.u32 $0x32, v2;
	_ =	sdelay $0x1  }
0x14b: {  	v4 =	vmul.f32 v4, v3;
	_ =	sdelay $0x1  }
0x14c: {  	[tilespmem:v39+s21+$0x0] =	vst.idx.msk $0xffff, v4  }
0x14d: {  	v4 =	vld.idx.msk [tilespmem:v40+s26+$0x0], $0xffff;
	_ =	sdelay $0x2  }
0x14e: {  	v41 =	vor.u32 $0x33, v2;
	_ =	sdelay $0x1  }
0x14f: {  	v4 =	vmul.f32 v4, v3;
	_ =	sdelay $0x1  }
0x150: {  	[tilespmem:v40+s21+$0x0] =	vst.idx.msk $0xffff, v4  }
0x151: {  	v4 =	vld.idx.msk [tilespmem:v41+s26+$0x0], $0xffff;
	_ =	sdelay $0x2  }
0x152: {  	v42 =	vor.u32 $0x34, v2;
	_ =	sdelay $0x1  }
0x153: {  	v4 =	vmul.f32 v4, v3;
	_ =	sdelay $0x1  }
0x154: {  	[tilespmem:v41+s21+$0x0] =	vst.idx.msk $0xffff, v4  }
0x155: {  	v4 =	vld.idx.msk [tilespmem:v42+s26+$0x0], $0xffff;
	_ =	sdelay $0x2  }
0x156: {  	v43 =	vor.u32 $0x35, v2;
	_ =	sdelay $0x1  }
0x157: {  	v4 =	vmul.f32 v4, v3;
	_ =	sdelay $0x1  }
0x158: {  	[tilespmem:v42+s21+$0x0] =	vst.idx.msk $0xffff, v4  }
0x159: {  	v4 =	vld.idx.msk [tilespmem:v43+s26+$0x0], $0xffff;
	_ =	sdelay $0x2  }
0x15a: {  	v44 =	vor.u32 $0x36, v2;
	_ =	sdelay $0x1  }
0x15b: {  	v4 =	vmul.f32 v4, v3;
	_ =	sdelay $0x1  }
0x15c: {  	[tilespmem:v43+s21+$0x0] =	vst.idx.msk $0xffff, v4  }
0x15d: {  	v4 =	vld.idx.msk [tilespmem:v44+s26+$0x0], $0xffff;
	_ =	sdelay $0x2  }
0x15e: {  	v45 =	vor.u32 $0x37, v2;
	_ =	sdelay $0x1  }
0x15f: {  	v4 =	vmul.f32 v4, v3;
	_ =	sdelay $0x1  }
0x160: {  	[tilespmem:v44+s21+$0x0] =	vst.idx.msk $0xffff, v4  }
0x161: {  	v4 =	vld.idx.msk [tilespmem:v45+s26+$0x0], $0xffff;
	_ =	sdelay $0x2  }
0x162: {  	v46 =	vor.u32 $0x38, v2;
	_ =	sdelay $0x1  }
0x163: {  	v4 =	vmul.f32 v4, v3;
	_ =	sdelay $0x1  }
0x164: {  	[tilespmem:v45+s21+$0x0] =	vst.idx.msk $0xffff, v4  }
0x165: {  	v4 =	vld.idx.msk [tilespmem:v46+s26+$0x0], $0xffff;
	_ =	sdelay $0x2  }
0x166: {  	v47 =	vor.u32 $0x39, v2;
	_ =	sdelay $0x1  }
0x167: {  	v4 =	vmul.f32 v4, v3;
	_ =	sdelay $0x1  }
0x168: {  	[tilespmem:v46+s21+$0x0] =	vst.idx.msk $0xffff, v4  }
0x169: {  	v4 =	vld.idx.msk [tilespmem:v47+s26+$0x0], $0xffff;
	_ =	sdelay $0x2  }
0x16a: {  	v48 =	vor.u32 $0x3A, v2;
	_ =	sdelay $0x1  }
0x16b: {  	v4 =	vmul.f32 v4, v3;
	_ =	sdelay $0x1  }
0x16c: {  	[tilespmem:v47+s21+$0x0] =	vst.idx.msk $0xffff, v4  }
0x16d: {  	v4 =	vld.idx.msk [tilespmem:v48+s26+$0x0], $0xffff;
	_ =	sdelay $0x2  }
0x16e: {  	v49 =	vor.u32 $0x3B, v2;
	_ =	sdelay $0x1  }
0x16f: {  	v4 =	vmul.f32 v4, v3;
	_ =	sdelay $0x1  }
0x170: {  	[tilespmem:v48+s21+$0x0] =	vst.idx.msk $0xffff, v4  }
0x171: {  	v4 =	vld.idx.msk [tilespmem:v49+s26+$0x0], $0xffff;
	_ =	sdelay $0x2  }
0x172: {  	v50 =	vor.u32 $0x3C, v2;
	_ =	sdelay $0x1  }
0x173: {  	v4 =	vmul.f32 v4, v3;
	_ =	sdelay $0x1  }
0x174: {  	[tilespmem:v49+s21+$0x0] =	vst.idx.msk $0xffff, v4  }
0x175: {  	v4 =	vld.idx.msk [tilespmem:v50+s26+$0x0], $0xffff;
	_ =	sdelay $0x2  }
0x176: {  	v51 =	vor.u32 $0x3D, v2;
	_ =	sdelay $0x1  }
0x177: {  	v4 =	vmul.f32 v4, v3;
	_ =	sdelay $0x1  }
0x178: {  	[tilespmem:v50+s21+$0x0] =	vst.idx.msk $0xffff, v4  }
0x179: {  	v4 =	vld.idx.msk [tilespmem:v51+s26+$0x0], $0xffff;
	_ =	sdelay $0x2  }
0x17a: {  	v52 =	vor.u32 $0x3E, v2;
	_ =	sdelay $0x1  }
0x17b: {  	v4 =	vmul.f32 v4, v3;
	_ =	sdelay $0x1  }
0x17c: {  	[tilespmem:v51+s21+$0x0] =	vst.idx.msk $0xffff, v4  }
0x17d: {  	v4 =	vld.idx.msk [tilespmem:v52+s26+$0x0], $0xffff;
	_ =	sdelay $0x2  }
0x17e: {  	v53 =	vor.u32 $0x3F, v2;
	_ =	sdelay $0x1  }
0x17f: {  	v4 =	vmul.f32 v4, v3;
	_ =	sdelay $0x1  }
0x180: {  	[tilespmem:v52+s21+$0x0] =	vst.idx.msk $0xffff, v4  }
0x181: {  	v4 =	vld.idx.msk [tilespmem:v53+s26+$0x0], $0xffff;
	_ =	sdelay $0x3  }
0x182: {  	v54 =	vor.u32 $0x40, v2  }
0x183: {  	v3 =	vmul.f32 v4, v3;
	_ =	sdelay $0x1  }
0x184: {  	[tilespmem:v53+s21+$0x0] =	vst.idx.msk $0xffff, v3  }
0x185: {  	v3 =	vld [tilespmem:s10+$0x0]  }
0x186: {  	v55 =	vld.idx.msk [tilespmem:v54+s26+$0x0], $0xffff;
	_ =	sdelay $0x2  }
0x187: {  	v56 =	vor.u32 $0x41, v2;
	_ =	sdelay $0x1  }
0x188: {  	v4 =	vmul.f32 v55, v3;
	_ =	sdelay $0x1  }
0x189: {  	[tilespmem:v54+s21+$0x0] =	vst.idx.msk $0xffff, v4  }
0x18a: {  	v4 =	vld.idx.msk [tilespmem:v56+s26+$0x0], $0xffff;
	_ =	sdelay $0x2  }
0x18b: {  	v57 =	vor.u32 $0x42, v2;
	_ =	sdelay $0x1  }
0x18c: {  	v4 =	vmul.f32 v4, v3;
	_ =	sdelay $0x1  }
0x18d: {  	[tilespmem:v56+s21+$0x0] =	vst.idx.msk $0xffff, v4  }
0x18e: {  	v4 =	vld.idx.msk [tilespmem:v57+s26+$0x0], $0xffff;
	_ =	sdelay $0x2  }
0x18f: {  	v58 =	vor.u32 $0x43, v2;
	_ =	sdelay $0x1  }
0x190: {  	v4 =	vmul.f32 v4, v3;
	_ =	sdelay $0x1  }
0x191: {  	[tilespmem:v57+s21+$0x0] =	vst.idx.msk $0xffff, v4  }
0x192: {  	v4 =	vld.idx.msk [tilespmem:v58+s26+$0x0], $0xffff;
	_ =	sdelay $0x2  }
0x193: {  	v59 =	vor.u32 $0x44, v2;
	_ =	sdelay $0x1  }
0x194: {  	v4 =	vmul.f32 v4, v3;
	_ =	sdelay $0x1  }
0x195: {  	[tilespmem:v58+s21+$0x0] =	vst.idx.msk $0xffff, v4  }
0x196: {  	v4 =	vld.idx.msk [tilespmem:v59+s26+$0x0], $0xffff;
	_ =	sdelay $0x2  }
0x197: {  	v60 =	vor.u32 $0x45, v2;
	_ =	sdelay $0x1  }
0x198: {  	v4 =	vmul.f32 v4, v3;
	_ =	sdelay $0x1  }
0x199: {  	[tilespmem:v59+s21+$0x0] =	vst.idx.msk $0xffff, v4  }
0x19a: {  	v4 =	vld.idx.msk [tilespmem:v60+s26+$0x0], $0xffff;
	_ =	sdelay $0x2  }
0x19b: {  	v61 =	vor.u32 $0x46, v2;
	_ =	sdelay $0x1  }
0x19c: {  	v4 =	vmul.f32 v4, v3;
	_ =	sdelay $0x1  }
0x19d: {  	[tilespmem:v60+s21+$0x0] =	vst.idx.msk $0xffff, v4  }
0x19e: {  	v4 =	vld.idx.msk [tilespmem:v61+s26+$0x0], $0xffff;
	_ =	sdelay $0x2  }
0x19f: {  	v62 =	vor.u32 $0x47, v2;
	_ =	sdelay $0x1  }
0x1a0: {  	v4 =	vmul.f32 v4, v3;
	_ =	sdelay $0x1  }
0x1a1: {  	[tilespmem:v61+s21+$0x0] =	vst.idx.msk $0xffff, v4  }
0x1a2: {  	v4 =	vld.idx.msk [tilespmem:v62+s26+$0x0], $0xffff;
	_ =	sdelay $0x2  }
0x1a3: {  	v63 =	vor.u32 $0x48, v2;
	_ =	sdelay $0x1  }
0x1a4: {  	v4 =	vmul.f32 v4, v3;
	_ =	sdelay $0x1  }
0x1a5: {  	[tilespmem:v62+s21+$0x0] =	vst.idx.msk $0xffff, v4  }
0x1a6: {  	v4 =	vld.idx.msk [tilespmem:v63+s26+$0x0], $0xffff;
	_ =	sdelay $0x2  }
0x1a7: {  	v9 =	vor.u32 $0x49, v2;
	_ =	sdelay $0x1  }
0x1a8: {  	v4 =	vmul.f32 v4, v3;
	_ =	sdelay $0x1  }
0x1a9: {  	[tilespmem:v63+s21+$0x0] =	vst.idx.msk $0xffff, v4  }
0x1aa: {  	v4 =	vld.idx.msk [tilespmem:v9+s26+$0x0], $0xffff;
	_ =	sdelay $0x2  }
0x1ab: {  	v10 =	vor.u32 $0x4A, v2;
	_ =	sdelay $0x1  }
0x1ac: {  	v4 =	vmul.f32 v4, v3;
	_ =	sdelay $0x1  }
0x1ad: {  	[tilespmem:v9+s21+$0x0] =	vst.idx.msk $0xffff, v4  }
0x1ae: {  	v4 =	vld.idx.msk [tilespmem:v10+s26+$0x0], $0xffff;
	_ =	sdelay $0x2  }
0x1af: {  	v11 =	vor.u32 $0x4B, v2;
	_ =	sdelay $0x1  }
0x1b0: {  	v4 =	vmul.f32 v4, v3;
	_ =	sdelay $0x1  }
0x1b1: {  	[tilespmem:v10+s21+$0x0] =	vst.idx.msk $0xffff, v4  }
0x1b2: {  	v4 =	vld.idx.msk [tilespmem:v11+s26+$0x0], $0xffff;
	_ =	sdelay $0x2  }
0x1b3: {  	v12 =	vor.u32 $0x4C, v2;
	_ =	sdelay $0x1  }
0x1b4: {  	v4 =	vmul.f32 v4, v3;
	_ =	sdelay $0x1  }
0x1b5: {  	[tilespmem:v11+s21+$0x0] =	vst.idx.msk $0xffff, v4  }
0x1b6: {  	v4 =	vld.idx.msk [tilespmem:v12+s26+$0x0], $0xffff;
	_ =	sdelay $0x2  }
0x1b7: {  	v13 =	vor.u32 $0x4D, v2;
	_ =	sdelay $0x1  }
0x1b8: {  	v4 =	vmul.f32 v4, v3;
	_ =	sdelay $0x1  }
0x1b9: {  	[tilespmem:v12+s21+$0x0] =	vst.idx.msk $0xffff, v4  }
0x1ba: {  	v4 =	vld.idx.msk [tilespmem:v13+s26+$0x0], $0xffff;
	_ =	sdelay $0x2  }
0x1bb: {  	v14 =	vor.u32 $0x4E, v2;
	_ =	sdelay $0x1  }
0x1bc: {  	v4 =	vmul.f32 v4, v3;
	_ =	sdelay $0x1  }
0x1bd: {  	[tilespmem:v13+s21+$0x0] =	vst.idx.msk $0xffff, v4  }
0x1be: {  	v4 =	vld.idx.msk [tilespmem:v14+s26+$0x0], $0xffff;
	_ =	sdelay $0x2  }
0x1bf: {  	v15 =	vor.u32 $0x4F, v2;
	_ =	sdelay $0x1  }
0x1c0: {  	v4 =	vmul.f32 v4, v3;
	_ =	sdelay $0x1  }
0x1c1: {  	[tilespmem:v14+s21+$0x0] =	vst.idx.msk $0xffff, v4  }
0x1c2: {  	v4 =	vld.idx.msk [tilespmem:v15+s26+$0x0], $0xffff;
	_ =	sdelay $0x2  }
0x1c3: {  	v16 =	vor.u32 $0x50, v2;
	_ =	sdelay $0x1  }
0x1c4: {  	v4 =	vmul.f32 v4, v3;
	_ =	sdelay $0x1  }
0x1c5: {  	[tilespmem:v15+s21+$0x0] =	vst.idx.msk $0xffff, v4  }
0x1c6: {  	v4 =	vld.idx.msk [tilespmem:v16+s26+$0x0], $0xffff;
	_ =	sdelay $0x2  }
0x1c7: {  	v17 =	vor.u32 $0x51, v2;
	_ =	sdelay $0x1  }
0x1c8: {  	v4 =	vmul.f32 v4, v3;
	_ =	sdelay $0x1  }
0x1c9: {  	[tilespmem:v16+s21+$0x0] =	vst.idx.msk $0xffff, v4  }
0x1ca: {  	v4 =	vld.idx.msk [tilespmem:v17+s26+$0x0], $0xffff;
	_ =	sdelay $0x2  }
0x1cb: {  	v18 =	vor.u32 $0x52, v2;
	_ =	sdelay $0x1  }
0x1cc: {  	v4 =	vmul.f32 v4, v3;
	_ =	sdelay $0x1  }
0x1cd: {  	[tilespmem:v17+s21+$0x0] =	vst.idx.msk $0xffff, v4  }
0x1ce: {  	v4 =	vld.idx.msk [tilespmem:v18+s26+$0x0], $0xffff;
	_ =	sdelay $0x2  }
0x1cf: {  	v19 =	vor.u32 $0x53, v2;
	_ =	sdelay $0x1  }
0x1d0: {  	v4 =	vmul.f32 v4, v3;
	_ =	sdelay $0x1  }
0x1d1: {  	[tilespmem:v18+s21+$0x0] =	vst.idx.msk $0xffff, v4  }
0x1d2: {  	v4 =	vld.idx.msk [tilespmem:v19+s26+$0x0], $0xffff;
	_ =	sdelay $0x2  }
0x1d3: {  	v20 =	vor.u32 $0x54, v2;
	_ =	sdelay $0x1  }
0x1d4: {  	v4 =	vmul.f32 v4, v3;
	_ =	sdelay $0x1  }
0x1d5: {  	[tilespmem:v19+s21+$0x0] =	vst.idx.msk $0xffff, v4  }
0x1d6: {  	v4 =	vld.idx.msk [tilespmem:v20+s26+$0x0], $0xffff;
	_ =	sdelay $0x2  }
0x1d7: {  	v21 =	vor.u32 $0x55, v2;
	_ =	sdelay $0x1  }
0x1d8: {  	v4 =	vmul.f32 v4, v3;
	_ =	sdelay $0x1  }
0x1d9: {  	[tilespmem:v20+s21+$0x0] =	vst.idx.msk $0xffff, v4  }
0x1da: {  	v4 =	vld.idx.msk [tilespmem:v21+s26+$0x0], $0xffff;
	_ =	sdelay $0x2  }
0x1db: {  	v22 =	vor.u32 $0x56, v2;
	_ =	sdelay $0x1  }
0x1dc: {  	v4 =	vmul.f32 v4, v3;
	_ =	sdelay $0x1  }
0x1dd: {  	[tilespmem:v21+s21+$0x0] =	vst.idx.msk $0xffff, v4  }
0x1de: {  	v4 =	vld.idx.msk [tilespmem:v22+s26+$0x0], $0xffff;
	_ =	sdelay $0x2  }
0x1df: {  	v23 =	vor.u32 $0x57, v2;
	_ =	sdelay $0x1  }
0x1e0: {  	v4 =	vmul.f32 v4, v3;
	_ =	sdelay $0x1  }
0x1e1: {  	[tilespmem:v22+s21+$0x0] =	vst.idx.msk $0xffff, v4  }
0x1e2: {  	v4 =	vld.idx.msk [tilespmem:v23+s26+$0x0], $0xffff;
	_ =	sdelay $0x2  }
0x1e3: {  	v24 =	vor.u32 $0x58, v2;
	_ =	sdelay $0x1  }
0x1e4: {  	v4 =	vmul.f32 v4, v3;
	_ =	sdelay $0x1  }
0x1e5: {  	[tilespmem:v23+s21+$0x0] =	vst.idx.msk $0xffff, v4  }
0x1e6: {  	v4 =	vld.idx.msk [tilespmem:v24+s26+$0x0], $0xffff;
	_ =	sdelay $0x2  }
0x1e7: {  	v25 =	vor.u32 $0x59, v2;
	_ =	sdelay $0x1  }
0x1e8: {  	v4 =	vmul.f32 v4, v3;
	_ =	sdelay $0x1  }
0x1e9: {  	[tilespmem:v24+s21+$0x0] =	vst.idx.msk $0xffff, v4  }
0x1ea: {  	v4 =	vld.idx.msk [tilespmem:v25+s26+$0x0], $0xffff;
	_ =	sdelay $0x2  }
0x1eb: {  	v26 =	vor.u32 $0x5A, v2;
	_ =	sdelay $0x1  }
0x1ec: {  	v4 =	vmul.f32 v4, v3;
	_ =	sdelay $0x1  }
0x1ed: {  	[tilespmem:v25+s21+$0x0] =	vst.idx.msk $0xffff, v4  }
0x1ee: {  	v4 =	vld.idx.msk [tilespmem:v26+s26+$0x0], $0xffff;
	_ =	sdelay $0x2  }
0x1ef: {  	v27 =	vor.u32 $0x5B, v2;
	_ =	sdelay $0x1  }
0x1f0: {  	v4 =	vmul.f32 v4, v3;
	_ =	sdelay $0x1  }
0x1f1: {  	[tilespmem:v26+s21+$0x0] =	vst.idx.msk $0xffff, v4  }
0x1f2: {  	v4 =	vld.idx.msk [tilespmem:v27+s26+$0x0], $0xffff;
	_ =	sdelay $0x2  }
0x1f3: {  	v28 =	vor.u32 $0x5C, v2;
	_ =	sdelay $0x1  }
0x1f4: {  	v4 =	vmul.f32 v4, v3;
	_ =	sdelay $0x1  }
0x1f5: {  	[tilespmem:v27+s21+$0x0] =	vst.idx.msk $0xffff, v4  }
0x1f6: {  	v4 =	vld.idx.msk [tilespmem:v28+s26+$0x0], $0xffff;
	_ =	sdelay $0x2  }
0x1f7: {  	v29 =	vor.u32 $0x5D, v2;
	_ =	sdelay $0x1  }
0x1f8: {  	v4 =	vmul.f32 v4, v3;
	_ =	sdelay $0x1  }
0x1f9: {  	[tilespmem:v28+s21+$0x0] =	vst.idx.msk $0xffff, v4  }
0x1fa: {  	v4 =	vld.idx.msk [tilespmem:v29+s26+$0x0], $0xffff;
	_ =	sdelay $0x2  }
0x1fb: {  	v30 =	vor.u32 $0x5E, v2;
	_ =	sdelay $0x1  }
0x1fc: {  	v4 =	vmul.f32 v4, v3;
	_ =	sdelay $0x1  }
0x1fd: {  	[tilespmem:v29+s21+$0x0] =	vst.idx.msk $0xffff, v4  }
0x1fe: {  	v4 =	vld.idx.msk [tilespmem:v30+s26+$0x0], $0xffff;
	_ =	sdelay $0x2  }
0x1ff: {  	v31 =	vor.u32 $0x5F, v2;
	_ =	sdelay $0x1  }
0x200: {  	v4 =	vmul.f32 v4, v3;
	_ =	sdelay $0x1  }
0x201: {  	[tilespmem:v30+s21+$0x0] =	vst.idx.msk $0xffff, v4  }
0x202: {  	v4 =	vld.idx.msk [tilespmem:v31+s26+$0x0], $0xffff;
	_ =	sdelay $0x3  }
0x203: {  	v32 =	vor.u32 $0x60, v2  }
0x204: {  	v3 =	vmul.f32 v4, v3;
	_ =	sdelay $0x1  }
0x205: {  	[tilespmem:v31+s21+$0x0] =	vst.idx.msk $0xffff, v3  }
0x206: {  	v3 =	vld [tilespmem:s11+$0x0]  }
0x207: {  	v33 =	vld.idx.msk [tilespmem:v32+s26+$0x0], $0xffff;
	_ =	sdelay $0x2  }
0x208: {  	v34 =	vor.u32 $0x61, v2;
	_ =	sdelay $0x1  }
0x209: {  	v4 =	vmul.f32 v33, v3;
	_ =	sdelay $0x1  }
0x20a: {  	[tilespmem:v32+s21+$0x0] =	vst.idx.msk $0xffff, v4  }
0x20b: {  	v4 =	vld.idx.msk [tilespmem:v34+s26+$0x0], $0xffff;
	_ =	sdelay $0x2  }
0x20c: {  	v35 =	vor.u32 $0x62, v2;
	_ =	sdelay $0x1  }
0x20d: {  	v4 =	vmul.f32 v4, v3;
	_ =	sdelay $0x1  }
0x20e: {  	[tilespmem:v34+s21+$0x0] =	vst.idx.msk $0xffff, v4  }
0x20f: {  	v4 =	vld.idx.msk [tilespmem:v35+s26+$0x0], $0xffff;
	_ =	sdelay $0x2  }
0x210: {  	v36 =	vor.u32 $0x63, v2;
	_ =	sdelay $0x1  }
0x211: {  	v4 =	vmul.f32 v4, v3;
	_ =	sdelay $0x1  }
0x212: {  	[tilespmem:v35+s21+$0x0] =	vst.idx.msk $0xffff, v4  }
0x213: {  	v4 =	vld.idx.msk [tilespmem:v36+s26+$0x0], $0xffff;
	_ =	sdelay $0x2  }
0x214: {  	v37 =	vor.u32 $0x64, v2;
	_ =	sdelay $0x1  }
0x215: {  	v4 =	vmul.f32 v4, v3;
	_ =	sdelay $0x1  }
0x216: {  	[tilespmem:v36+s21+$0x0] =	vst.idx.msk $0xffff, v4  }
0x217: {  	v4 =	vld.idx.msk [tilespmem:v37+s26+$0x0], $0xffff;
	_ =	sdelay $0x2  }
0x218: {  	v38 =	vor.u32 $0x65, v2;
	_ =	sdelay $0x1  }
0x219: {  	v4 =	vmul.f32 v4, v3;
	_ =	sdelay $0x1  }
0x21a: {  	[tilespmem:v37+s21+$0x0] =	vst.idx.msk $0xffff, v4  }
0x21b: {  	v4 =	vld.idx.msk [tilespmem:v38+s26+$0x0], $0xffff;
	_ =	sdelay $0x2  }
0x21c: {  	v39 =	vor.u32 $0x66, v2;
	_ =	sdelay $0x1  }
0x21d: {  	v4 =	vmul.f32 v4, v3;
	_ =	sdelay $0x1  }
0x21e: {  	[tilespmem:v38+s21+$0x0] =	vst.idx.msk $0xffff, v4  }
0x21f: {  	v4 =	vld.idx.msk [tilespmem:v39+s26+$0x0], $0xffff;
	_ =	sdelay $0x2  }
0x220: {  	v40 =	vor.u32 $0x67, v2;
	_ =	sdelay $0x1  }
0x221: {  	v4 =	vmul.f32 v4, v3;
	_ =	sdelay $0x1  }
0x222: {  	[tilespmem:v39+s21+$0x0] =	vst.idx.msk $0xffff, v4  }
0x223: {  	v4 =	vld.idx.msk [tilespmem:v40+s26+$0x0], $0xffff;
	_ =	sdelay $0x2  }
0x224: {  	v41 =	vor.u32 $0x68, v2;
	_ =	sdelay $0x1  }
0x225: {  	v4 =	vmul.f32 v4, v3;
	_ =	sdelay $0x1  }
0x226: {  	[tilespmem:v40+s21+$0x0] =	vst.idx.msk $0xffff, v4  }
0x227: {  	v4 =	vld.idx.msk [tilespmem:v41+s26+$0x0], $0xffff;
	_ =	sdelay $0x2  }
0x228: {  	v42 =	vor.u32 $0x69, v2;
	_ =	sdelay $0x1  }
0x229: {  	v4 =	vmul.f32 v4, v3;
	_ =	sdelay $0x1  }
0x22a: {  	[tilespmem:v41+s21+$0x0] =	vst.idx.msk $0xffff, v4  }
0x22b: {  	v4 =	vld.idx.msk [tilespmem:v42+s26+$0x0], $0xffff;
	_ =	sdelay $0x2  }
0x22c: {  	v43 =	vor.u32 $0x6A, v2;
	_ =	sdelay $0x1  }
0x22d: {  	v4 =	vmul.f32 v4, v3;
	_ =	sdelay $0x1  }
0x22e: {  	[tilespmem:v42+s21+$0x0] =	vst.idx.msk $0xffff, v4  }
0x22f: {  	v4 =	vld.idx.msk [tilespmem:v43+s26+$0x0], $0xffff;
	_ =	sdelay $0x2  }
0x230: {  	v44 =	vor.u32 $0x6B, v2;
	_ =	sdelay $0x1  }
0x231: {  	v4 =	vmul.f32 v4, v3;
	_ =	sdelay $0x1  }
0x232: {  	[tilespmem:v43+s21+$0x0] =	vst.idx.msk $0xffff, v4  }
0x233: {  	v4 =	vld.idx.msk [tilespmem:v44+s26+$0x0], $0xffff;
	_ =	sdelay $0x2  }
0x234: {  	v45 =	vor.u32 $0x6C, v2;
	_ =	sdelay $0x1  }
0x235: {  	v4 =	vmul.f32 v4, v3;
	_ =	sdelay $0x1  }
0x236: {  	[tilespmem:v44+s21+$0x0] =	vst.idx.msk $0xffff, v4  }
0x237: {  	v4 =	vld.idx.msk [tilespmem:v45+s26+$0x0], $0xffff;
	_ =	sdelay $0x2  }
0x238: {  	v46 =	vor.u32 $0x6D, v2;
	_ =	sdelay $0x1  }
0x239: {  	v4 =	vmul.f32 v4, v3;
	_ =	sdelay $0x1  }
0x23a: {  	[tilespmem:v45+s21+$0x0] =	vst.idx.msk $0xffff, v4  }
0x23b: {  	v4 =	vld.idx.msk [tilespmem:v46+s26+$0x0], $0xffff;
	_ =	sdelay $0x2  }
0x23c: {  	v47 =	vor.u32 $0x6E, v2;
	_ =	sdelay $0x1  }
0x23d: {  	v4 =	vmul.f32 v4, v3;
	_ =	sdelay $0x1  }
0x23e: {  	[tilespmem:v46+s21+$0x0] =	vst.idx.msk $0xffff, v4  }
0x23f: {  	v4 =	vld.idx.msk [tilespmem:v47+s26+$0x0], $0xffff;
	_ =	sdelay $0x2  }
0x240: {  	v48 =	vor.u32 $0x6F, v2;
	_ =	sdelay $0x1  }
0x241: {  	v4 =	vmul.f32 v4, v3;
	_ =	sdelay $0x1  }
0x242: {  	[tilespmem:v47+s21+$0x0] =	vst.idx.msk $0xffff, v4  }
0x243: {  	v4 =	vld.idx.msk [tilespmem:v48+s26+$0x0], $0xffff;
	_ =	sdelay $0x2  }
0x244: {  	v49 =	vor.u32 $0x70, v2;
	_ =	sdelay $0x1  }
0x245: {  	v4 =	vmul.f32 v4, v3;
	_ =	sdelay $0x1  }
0x246: {  	[tilespmem:v48+s21+$0x0] =	vst.idx.msk $0xffff, v4  }
0x247: {  	v4 =	vld.idx.msk [tilespmem:v49+s26+$0x0], $0xffff;
	_ =	sdelay $0x2  }
0x248: {  	v50 =	vor.u32 $0x71, v2;
	_ =	sdelay $0x1  }
0x249: {  	v4 =	vmul.f32 v4, v3;
	_ =	sdelay $0x1  }
0x24a: {  	[tilespmem:v49+s21+$0x0] =	vst.idx.msk $0xffff, v4  }
0x24b: {  	v4 =	vld.idx.msk [tilespmem:v50+s26+$0x0], $0xffff;
	_ =	sdelay $0x2  }
0x24c: {  	v51 =	vor.u32 $0x72, v2;
	_ =	sdelay $0x1  }
0x24d: {  	v4 =	vmul.f32 v4, v3;
	_ =	sdelay $0x1  }
0x24e: {  	[tilespmem:v50+s21+$0x0] =	vst.idx.msk $0xffff, v4  }
0x24f: {  	v4 =	vld.idx.msk [tilespmem:v51+s26+$0x0], $0xffff;
	_ =	sdelay $0x2  }
0x250: {  	v52 =	vor.u32 $0x73, v2;
	_ =	sdelay $0x1  }
0x251: {  	v4 =	vmul.f32 v4, v3;
	_ =	sdelay $0x1  }
0x252: {  	[tilespmem:v51+s21+$0x0] =	vst.idx.msk $0xffff, v4  }
0x253: {  	v4 =	vld.idx.msk [tilespmem:v52+s26+$0x0], $0xffff;
	_ =	sdelay $0x2  }
0x254: {  	v53 =	vor.u32 $0x74, v2;
	_ =	sdelay $0x1  }
0x255: {  	v4 =	vmul.f32 v4, v3;
	_ =	sdelay $0x1  }
0x256: {  	[tilespmem:v52+s21+$0x0] =	vst.idx.msk $0xffff, v4  }
0x257: {  	v4 =	vld.idx.msk [tilespmem:v53+s26+$0x0], $0xffff;
	_ =	sdelay $0x2  }
0x258: {  	v54 =	vor.u32 $0x75, v2;
	_ =	sdelay $0x1  }
0x259: {  	v4 =	vmul.f32 v4, v3;
	_ =	sdelay $0x1  }
0x25a: {  	[tilespmem:v53+s21+$0x0] =	vst.idx.msk $0xffff, v4  }
0x25b: {  	v4 =	vld.idx.msk [tilespmem:v54+s26+$0x0], $0xffff;
	_ =	sdelay $0x2  }
0x25c: {  	v55 =	vor.u32 $0x76, v2;
	_ =	sdelay $0x1  }
0x25d: {  	v4 =	vmul.f32 v4, v3;
	_ =	sdelay $0x1  }
0x25e: {  	[tilespmem:v54+s21+$0x0] =	vst.idx.msk $0xffff, v4  }
0x25f: {  	v4 =	vld.idx.msk [tilespmem:v55+s26+$0x0], $0xffff;
	_ =	sdelay $0x2  }
0x260: {  	v56 =	vor.u32 $0x77, v2;
	_ =	sdelay $0x1  }
0x261: {  	v4 =	vmul.f32 v4, v3;
	_ =	sdelay $0x1  }
0x262: {  	[tilespmem:v55+s21+$0x0] =	vst.idx.msk $0xffff, v4  }
0x263: {  	v4 =	vld.idx.msk [tilespmem:v56+s26+$0x0], $0xffff;
	_ =	sdelay $0x2  }
0x264: {  	v57 =	vor.u32 $0x78, v2;
	_ =	sdelay $0x1  }
0x265: {  	v4 =	vmul.f32 v4, v3;
	_ =	sdelay $0x1  }
0x266: {  	[tilespmem:v56+s21+$0x0] =	vst.idx.msk $0xffff, v4  }
0x267: {  	v4 =	vld.idx.msk [tilespmem:v57+s26+$0x0], $0xffff;
	_ =	sdelay $0x2  }
0x268: {  	v58 =	vor.u32 $0x79, v2;
	_ =	sdelay $0x1  }
0x269: {  	v4 =	vmul.f32 v4, v3;
	_ =	sdelay $0x1  }
0x26a: {  	[tilespmem:v57+s21+$0x0] =	vst.idx.msk $0xffff, v4  }
0x26b: {  	v4 =	vld.idx.msk [tilespmem:v58+s26+$0x0], $0xffff;
	_ =	sdelay $0x2  }
0x26c: {  	v59 =	vor.u32 $0x7A, v2;
	_ =	sdelay $0x1  }
0x26d: {  	v4 =	vmul.f32 v4, v3;
	_ =	sdelay $0x1  }
0x26e: {  	[tilespmem:v58+s21+$0x0] =	vst.idx.msk $0xffff, v4  }
0x26f: {  	v4 =	vld.idx.msk [tilespmem:v59+s26+$0x0], $0xffff;
	_ =	sdelay $0x2  }
0x270: {  	v60 =	vor.u32 $0x7B, v2;
	_ =	sdelay $0x1  }
0x271: {  	v4 =	vmul.f32 v4, v3;
	_ =	sdelay $0x1  }
0x272: {  	[tilespmem:v59+s21+$0x0] =	vst.idx.msk $0xffff, v4  }
0x273: {  	v4 =	vld.idx.msk [tilespmem:v60+s26+$0x0], $0xffff;
	_ =	sdelay $0x2  }
0x274: {  	v61 =	vor.u32 $0x7C, v2;
	_ =	sdelay $0x1  }
0x275: {  	v4 =	vmul.f32 v4, v3;
	_ =	sdelay $0x1  }
0x276: {  	[tilespmem:v60+s21+$0x0] =	vst.idx.msk $0xffff, v4  }
0x277: {  	v4 =	vld.idx.msk [tilespmem:v61+s26+$0x0], $0xffff;
	_ =	sdelay $0x2  }
0x278: {  	v62 =	vor.u32 $0x7D, v2;
	_ =	sdelay $0x1  }
0x279: {  	v4 =	vmul.f32 v4, v3;
	_ =	sdelay $0x1  }
0x27a: {  	[tilespmem:v61+s21+$0x0] =	vst.idx.msk $0xffff, v4  }
0x27b: {  	v4 =	vld.idx.msk [tilespmem:v62+s26+$0x0], $0xffff;
	_ =	sdelay $0x2  }
0x27c: {  	v63 =	vor.u32 $0x7E, v2;
	_ =	sdelay $0x1  }
0x27d: {  	v4 =	vmul.f32 v4, v3;
	_ =	sdelay $0x1  }
0x27e: {  	[tilespmem:v62+s21+$0x0] =	vst.idx.msk $0xffff, v4  }
0x27f: {  	v4 =	vld.idx.msk [tilespmem:v63+s26+$0x0], $0xffff;
	_ =	sdelay $0x2  }
0x280: {  	v2 =	vor.u32 $0x7F, v2;
	_ =	sdelay $0x1  }
0x281: {  	v4 =	vmul.f32 v4, v3;
	_ =	sdelay $0x1  }
0x282: {  	[tilespmem:v63+s21+$0x0] =	vst.idx.msk $0xffff, v4  }
0x283: {  	v4 =	vld.idx.msk [tilespmem:v2+s26+$0x0], $0xffff;
	_ =	sdelay $0x1  }
0x284: {  	p1 =	sne.s32 s19, $0x40  }
.Ltmp1:
0x285: {  	_ = 	snop;
	(pc) =	sbr.rel @p1 .LBB2_6-.Ltmp1, $4  }
0x286: {  	_ = 	snop  }
0x287: {  	v3 =	vmul.f32 v4, v3  }
0x288: {  	s0 =	sadd.s32 $0x10, s0;
	s19 =	sadd.s32 $0x10, s19  }
0x289: {  	s4 =	sadd.s32 $0x10, s4;
	s10 =	sadd.s32 $0x10, s10;
	s11 =	sadd.s32 $0x10, s11;
	[tilespmem:v2+s21+$0x0] =	vst.idx.msk $0xffff, v3  }
0x28a: {  	s18 =	sadd.s32 $0x1, s18  }
0x28b: {  	p1 =	sne.s32 s18, $0x19  }
.Ltmp2:
0x28c: {  	_ = 	snop;
	(pc) =	sbr.rel @p1 .LBB2_5-.Ltmp2, $4  }
0x28d: {  	[spmem:s2] =	stream.indirect.scatter.add.f32 [tilespmem:s21], [sflag:$0x2], $0x80, s29, s24, $0xb8;
	[tilespmem:$0x1B980] =	vst v63  }
0x28e: {  	_ =	swait.ge [sflag:s22], $0x2800  }
0x28f: {  	s13 =	sadd.s32 $0x50, s13;
	s12 =	sadd.s32 $0x50, s12;
	[sflag:s22] =	ssyncset.done $0x0  }
0x290: {  	s17 =	sadd.s32 $0x50, s17;
	s20 =	sadd.s32 $0x50, s20;
	[sflag:s22] =	ssyncadd.s32 $0xFFFFD800  }
0x291: {  	s31 =	sadd.s32 $0x1, s31  }
0x292: {  	p1 =	sne.s32 s31, $0x5  }
.Ltmp3:
0x293: {  	_ = 	snop;
	(pc) =	sbr.rel @p1 .LBB2_4-.Ltmp3, $1  }
0x294: {  	_ =	sdelay $0x3  }
0x295: {  	[bflag:$0x0] =	sbarrier.arrive $0xFFFF  }
0x296: {  	s0 =	rddreg [dreg:$0x8]  }
0x297: {  	s4 =	simm.s32 @p0 $0x1FC2;
	s10 =	rddreg [dreg:$0xa];
	s0 =	sshrl.u32 @p0 s0, $0x3  }
0x298: {  	[hbm:s10], [sflag:s4] =	dma.local @p0 [spmem:s0], $0x1900  }
0x299: {  	s0 =	simm.s32 @p0 $0x2  }
0x29a: {  	s4 =	stileid.u32;
	_ =	swait.ge @p0 [sflag:s0], $0x1900  }
0x29b: {  	s4 =	sshll.u32 @!p0 s4, $0x6;
	[sflag:s0] =	ssyncset.done @p0 $0x0;
	s10 =	rddreg [dreg:$0x9]  }
0x29c: {  	[sflag:s0] =	ssyncadd.s32 @p0 $0xFFFFE700;
	s0 =	sor.u32 @!p0 $0x1C02, s4;
	s4 =	sshrl.u32 @!p0 s9, $0x3  }
0x29d: {  	[hbm:s10], [sflag:s0] =	dma.local @!p0 [spmem:s4], $0x2800  }
0x29e: {  	s0 =	simm.s32 @!p0 $0x2  }
0x29f: {  	_ =	swait.ge @!p0 [sflag:s0], $0x2800  }
0x2a0: {  	s3 =	sadd.s32 $0x1, s3;
	s31 =	rddreg [dreg:$0xb]  }
0x2a1: {  	p1 =	sne.s32 s3, s31  }
.Ltmp4:
0x2a2: {  	_ = 	snop;
	(pc) =	sbr.rel @p1 .LBB2_1-.Ltmp4, $3  }
0x2a3: {  	_ =	sdelay $0x1  }
0x2a4: {  	[sflag:s0] =	ssyncset.done @!p0 $0x0  }
0x2a5: {  	[sflag:s0] =	ssyncadd.s32 @!p0 $0xFFFFD800  }
0x2a6: {  	_ =	sfence.sel $0x180000  }
0x2a7: {  	[bflag:$0x0] =	sbarrier.arrive $0xFFFF  }
0x2a8: {  	_ =	strace $0x9000004D  }
0x2a9: {  	s0 =	stileid.u32;
	[bflag:$0x2] =	sbarrier.arrive $0xFFFF  }
0x2aa: {  	p0 =	sne.s32 s0, $0x0;
	s0 =	rddreg [dreg:$0x3]  }
0x2ab: {  	s0 =	sadd.s32 @!p0 $0x100000, s0  }
0x2ac: {  	[sflag:s0] =	ssyncadd.tile.s32 @!p0 $0x1;
	_ =	shalt  }
.Lfunc_end2:
_tile_overlayer_lowered:
.L_overlay_start_2:
0x2ad: {  	(tag) =	ssettag $0x2  }
0x2ae: {  	s0 =	rddreg [dreg:$0x0];
	s2 =	stileid.u32  }
0x2af: {  	s1 =	rddreg [dreg:$0x1];
	p0 =	sne.s32 s2, $0x0  }
0x2b0: {  	s3 =	rddreg [dreg:$0x2];
	[bflag:$0x3] =	sbarrier.arrive $0xFFFF;
	s2 =	simm.s32 @!p0 $0x1C02  }
0x2b1: {  	[timem:s3], [sflag:s2] =	dma.local @!p0 [hbm:s0], s1  }
0x2b2: {  	s0 =	simm.s32 @!p0 $0x2  }
0x2b3: {  	_ =	swait.ge @!p0 [sflag:s0], s1  }
0x2b4: {  	s1 =	ssub.s32 @!p0 $0x0, s1;
	[sflag:s0] =	ssyncset.done @!p0 $0x0  }
0x2b5: {  	[sflag:s0] =	ssyncadd.s32 @!p0 s1  }
0x2b6: {  	[bflag:$0x3] =	sbarrier.arrive $0xFFFF  }
0x2b7: {  	_ =	shalt  }

// kernel: kernel.22.cloned.1.call-start
scs
__scs_entry_jumppad:
0x0: {  	(pc) =	sbr.rel $0x88, $3  }
0x1: {  	(tag) =	ssettag $0x0;
	lr =	simm.s32 $0x1  }
0x2: {  	[smem:$0x3F97] =	sst lr;
	_ =	strace $0xD0000000  }
0x3: {  	_ = 	snop  }
0x4: {  	_ = 	snop  }
0x5: {  	_ = 	snop  }
0x6: {  	_ = 	snop  }
0x7: {  	_ = 	snop  }
__scs_overlays_trampoline_lowered:
0x8: {  	[smem:$0x3FA6] =	sst s0  }
0x9: {  	[smem:$0x3FA7] =	sst s1  }
0xa: {  	[smem:$0x3FA8] =	sst s2  }
0xb: {  	[smem:$0x3FA9] =	sst s3  }
0xc: {  	[smem:$0x3FAA] =	sst s4  }
0xd: {  	[smem:$0x3FAB] =	sst s5  }
0xe: {  	[smem:$0x3FAC] =	sst s6  }
0xf: {  	[smem:$0x3FAD] =	sst s7  }
0x10: {  	[smem:$0x3FAE] =	sst s8  }
0x11: {  	[smem:$0x3FAF] =	sst s9;
	s0 =	simm.s32 @!p0 $0x0  }
0x12: {  	s1 =	sld [smem:$0x3F95];
	s0 =	simm.s32 @p0 $0x1  }
0x13: {  	[smem:$0x3FB0] =	sst s0;
	s0 =	simm.s32 @!p1 $0x0  }
0x14: {  	s2 =	sld [smem:$0x3F94];
	s0 =	simm.s32 @p1 $0x1  }
0x15: {  	[smem:$0x3FB1] =	sst s0;
	s0 =	simm.s32 @!p2 $0x0  }
0x16: {  	s3 =	sld [smem:$0x3FDB];
	s0 =	simm.s32 @p2 $0x1  }
0x17: {  	s4 =	simm.s32 $0x1BF5;
	[smem:$0x3FB3] =	sst s0  }
0x18: {  	s0 =	sld [smem:$0x3F96];
	_ =	swait.ge [sflag:s4], $0x0  }
0x19: {  	s7 =	sld [smem:$0x3F97]  }
0x1a: {  	s8 =	sadd.s32 $0xFFFFE003, lr  }
0x1b: {  	s9 =	sadd.s32 $0xFFFFFEF7, lr;
	s5 =	simm.s32 $0xFFFFFFFF;
	p2 =	slt.u32 s8, $0xFFFFF086  }
0x1c: {  	p1 =	slt.u32 s9, $0xF7A;
	s5 =	simm.s32 @!p2 $0x0  }
0x1d: {  	s5 =	simm.s32 @p1 $0x1;
	p0 =	seq.s32 s7, s2  }
0x1e: {  	s7 =	smul.u32 @!p0 $0xF7A, s2;
	p2 =	seq.s32 @!p0 s5, $0x0  }
0x1f: {  	s9 =	smul.u32 $0xF7A, s1;
	s8 =	simm.s32 @!p0 $0x1BF5;
	p2 =	por !p2, p0  }
0x20: {  	[sflag:s8] =	ssyncset.s32 @!p0 $0xFFFFF086;
	s6 =	sadd.s32 @!p0 s3, s7;
	s7 =	simm.s32 @!p0 $0x108  }
0x21: {  	s3 =	sadd.s32 s3, s9;
	s6 =	sadd.s32 @!p0 $0x88, s6;
	s7 =	simm.s32 @p2 $0x1082  }
0x22: {  	[simem:s7], [sflag:s8] =	dma.local @!p0 [hbm:s6], $0xF7A  }
0x23: {  	s9 =	sor.u32 $0xD0000000, s2;
	s6 =	simm.s32 $0x108;
	_ =	swait.ge @!p0 [sflag:s8], $0x0  }
0x24: {  	s3 =	sadd.s32 $0x88, s3;
	s6 =	simm.s32 @!p1 $0x1082;
	[sflag:s4] =	ssyncset.s32 $0xFFFFF086  }
0x25: {  	[simem:s6], [sflag:s4] =	dma.local [hbm:s3], $0xF7A  }
0x26: {  	[smem:$0x3F97] =	sst s1;
	(tag) =	ssettag s2;
	_ =	strace s9  }
0x27: {  	s1 =	sld [smem:$0x3FA7]  }
0x28: {  	s2 =	sld [smem:$0x3FA8]  }
0x29: {  	s4 =	sld [smem:$0x3FAA]  }
0x2a: {  	p0 =	seq.s32 s5, $0x0;
	s5 =	sld [smem:$0x3FAB]  }
0x2b: {  	s6 =	sld [smem:$0x3FAC]  }
0x2c: {  	s7 =	sld [smem:$0x3FAD]  }
0x2d: {  	s3 =	simm.s32 $0x108;
	s8 =	sld [smem:$0x3FAE]  }
0x2e: {  	s3 =	simm.s32 @!p0 $0x1082;
	s9 =	sld [smem:$0x3FAF]  }
0x2f: {  	lr =	sadd.s32 s0, s3;
	s0 =	sld [smem:$0x3FA6]  }
0x30: {  	s3 =	sld [smem:$0x3FA9]  }
0x31: {  	[smem:$0x3FB2] =	sst s10  }
0x32: {  	s10 =	sld [smem:$0x3FB0];
	_ =	sdelay $0x3  }
0x33: {  	p0 =	seq.s32 s10, $0x1;
	s10 =	sld [smem:$0x3FB2];
	_ =	sdelay $0x3  }
0x34: {  	[smem:$0x3FB2] =	sst s10  }
0x35: {  	s10 =	sld [smem:$0x3FB1];
	_ =	sdelay $0x3  }
0x36: {  	p1 =	seq.s32 s10, $0x1;
	s10 =	sld [smem:$0x3FB2];
	_ =	sdelay $0x3  }
0x37: {  	[smem:$0x3FB2] =	sst s10  }
0x38: {  	s10 =	sld [smem:$0x3FB3]  }
0x39: {  	_ = 	snop;
	(pc) =	sbr.ind lr, $3  }
0x3a: {  	_ = 	snop  }
0x3b: {  	_ = 	snop  }
0x3c: {  	p2 =	seq.s32 s10, $0x1;
	s10 =	sld [smem:$0x3FB2]  }
0x3d: {  	_ =	shalt  }
0x3e: {  	_ =	shalt  }
0x3f: {  	_ =	shalt  }
0x40: {  	_ =	shalt  }
0x41: {  	_ =	shalt  }
0x42: {  	_ =	shalt  }
0x43: {  	_ =	shalt  }
0x44: {  	_ =	shalt  }
0x45: {  	_ =	shalt  }
0x46: {  	_ =	shalt  }
0x47: {  	_ =	shalt  }
0x48: {  	_ =	shalt  }
0x49: {  	_ =	shalt  }
0x4a: {  	_ =	shalt  }
0x4b: {  	_ =	shalt  }
0x4c: {  	_ =	shalt  }
0x4d: {  	_ =	shalt  }
0x4e: {  	_ =	shalt  }
0x4f: {  	_ =	shalt  }
0x50: {  	_ =	shalt  }
0x51: {  	_ =	shalt  }
0x52: {  	_ =	shalt  }
0x53: {  	_ =	shalt  }
0x54: {  	_ =	shalt  }
0x55: {  	_ =	shalt  }
0x56: {  	_ =	shalt  }
0x57: {  	_ =	shalt  }
0x58: {  	_ =	shalt  }
0x59: {  	_ =	shalt  }
0x5a: {  	_ =	shalt  }
0x5b: {  	_ =	shalt  }
0x5c: {  	_ =	shalt  }
0x5d: {  	_ =	shalt  }
0x5e: {  	_ =	shalt  }
0x5f: {  	_ =	shalt  }
0x60: {  	_ =	shalt  }
0x61: {  	_ =	shalt  }
0x62: {  	_ =	shalt  }
0x63: {  	_ =	shalt  }
0x64: {  	_ =	shalt  }
0x65: {  	_ =	shalt  }
0x66: {  	_ =	shalt  }
0x67: {  	_ =	shalt  }
0x68: {  	_ =	shalt  }
0x69: {  	_ =	shalt  }
0x6a: {  	_ =	shalt  }
0x6b: {  	_ =	shalt  }
0x6c: {  	_ =	shalt  }
0x6d: {  	_ =	shalt  }
0x6e: {  	_ =	shalt  }
0x6f: {  	_ =	shalt  }
0x70: {  	_ =	shalt  }
0x71: {  	_ =	shalt  }
0x72: {  	_ =	shalt  }
0x73: {  	_ =	shalt  }
0x74: {  	_ =	shalt  }
0x75: {  	_ =	shalt  }
0x76: {  	_ =	shalt  }
0x77: {  	_ =	shalt  }
0x78: {  	_ =	shalt  }
0x79: {  	_ =	shalt  }
0x7a: {  	_ =	shalt  }
0x7b: {  	_ =	shalt  }
0x7c: {  	_ =	shalt  }
0x7d: {  	_ =	shalt  }
0x7e: {  	_ =	shalt  }
0x7f: {  	_ =	shalt  }
0x80: {  	_ =	shalt  }
0x81: {  	_ =	shalt  }
0x82: {  	_ =	shalt  }
0x83: {  	_ =	shalt  }
0x84: {  	_ =	shalt  }
0x85: {  	_ =	shalt  }
0x86: {  	_ =	shalt  }
0x87: {  	_ =	shalt  }
.Lfunc_end0:
.L_simem_size_0:
called_computation.3_lowered:
.L_overlay_start_0:
0x88: {  	s2 =	sld [smem:$0x3FD9]  }
0x89: {  	s3 =	sld [smem:$0x3FFE];
	_ =	sdelay $0x1  }
0x8a: {  	s1 =	srdreg.scid  }
0x8b: {  	s0 =	sand.u32 $0x1, s1  }
0x8c: {  	s17 =	sshll.u32 s0, $0xA;
	s2 =	sadd.s32 s3, s2  }
0x8d: {  	s2 =	sadd.s32 s2, s17  }
0x8e: {  	[smem:$0x3FBE] =	sst s2  }
0x8f: {  	_ = 	snop  }
0x90: {  	s2 =	sld [smem:$0x3FD0];
	(tm) =	ssettm $0x1  }
0x91: {  	s18 =	sld [smem:$0x3FFB];
	_ =	sdelay $0x3  }
0x92: {  	_ =	strace s18  }
0x93: {  	s3 =	sld [smem:$0x3FFC];
	_ =	sdelay $0x3  }
0x94: {  	_ =	strace s3  }
0x95: {  	s3 =	sld [smem:$0x3FFD];
	_ =	sdelay $0x3  }
0x96: {  	_ =	strace s3  }
0x97: {  	_ =	strace $0x8FFFFFFF  }
0x98: {  	s19 =	sld [smem:$0x3FDB];
	_ =	sdelay $0x1  }
0x99: {  	s4 =	simm.s32 $_scs_section_size  }
0x9a: {  	s5 =	simm.s32 $_size__tile_overlayer_lowered;
	s6 =	simm.s32 $_tile_overlayer_lowered  }
0x9b: {  	s22 =	simm.s32 $0x1BFF;
	s21 =	sshll.u32 s6, $0x1;
	s3 =	sadd.s32 s4, s19  }
0x9c: {  	s7 =	simm.s32 $0x0;
	s20 =	sshll.u32 s5, $0x1;
	s5 =	sadd.s32 s21, s3  }
0x9d: {  	[timem:s7], [sflag:s22] =	dma.local [hbm:s5], s20  }
0x9e: {  	_ =	swait.ge [sflag:s22], s20  }
0x9f: {  	s4 =	ssub.s32 $0x0, s20;
	[sflag:s22] =	ssyncset.done $0x0  }
0xa0: {  	[sflag:s22] =	ssyncadd.s32 s4;
	_ =	sdelay $0x1  }
0xa1: {  	s23 =	simm.s32 $0x1B8B  }
0xa2: {  	_ =	swait.ge [sflag:s23], $0x1  }
0xa3: {  	[sflag:s23] =	ssyncset.done $0x0  }
0xa4: {  	s25 =	simm.s32 $0x1B8E;
	s24 =	sld [smem:$0x3FFE];
	[sflag:s23] =	ssyncadd.s32 $0xFFFFFFFF  }
0xa5: {  	s26 =	simm.s32 $execute0_lowered;
	[smem:$0x3FD2] =	sst s25  }
0xa6: {  	s5 =	sshll.u32 s26, $0x1;
	_ =	strace $0x8000004F;
	[dreg:$0x1] =	wrdreg $0xFFFFFFFF  }
0xa7: {  	s28 =	simm.s32 $_size_execute0_lowered;
	s3 =	sadd.s32 s3, s5;
	[dreg:$0x0] =	wrdreg $0x0  }
0xa8: {  	s5 =	sshll.u32 s28, $0x1;
	[dreg:$0x2] =	wrdreg s3  }
0xa9: {  	[dreg:$0x3] =	wrdreg s5  }
0xaa: {  	[dreg:$0x4] =	wrdreg $0xC0  }
0xab: {  	_ =	task [dreg:s7], $0x5FFFF  }
0xac: {  	[dreg:$0x1] =	wrdreg $0xFFFFFFFF  }
0xad: {  	[dreg:$0x0] =	wrdreg $0x60  }
0xae: {  	[dreg:$0x2] =	wrdreg s24  }
0xaf: {  	[dreg:$0x3] =	wrdreg s2  }
0xb0: {  	[dreg:$0x4] =	wrdreg $0x9  }
0xb1: {  	_ =	task.clear_ibuf [dreg:s7], $0x5FFFF;
	_ =	strace $0x9000004F  }
0xb2: {  	s29 =	simm.s32 $0x9;
	_ =	strace $0x80000051  }
0xb3: {  	_ =	swait.ge [sflag:s29], $0x1  }
0xb4: {  	[sflag:s29] =	ssyncadd.s32 $0xFFFFFFFF  }
0xb5: {  	_ =	strace $0x90000051  }
0xb6: {  	_ =	sfence  }
0xb7: {  	s30 =	sld [smem:$0x0];
	_ =	sdelay $0x2  }
0xb8: {  	s31 =	sshll.u32 s1, $0xD;
	s1 =	sshrl.u32 s1, $0x2  }
0xb9: {  	s3 =	sand.u32 $0x4000, s31;
	s1 =	sadd.s32 s1, s30  }
0xba: {  	s0 =	sor.u32 s3, s0;
	s1 =	sshll.u32 s1, $0x11  }
0xbb: {  	s0 =	sor.u32 s1, s0  }
0xbc: {  	s0 =	sadd.s32 $0x8F2B, s0  }
0xbd: {  	[sflag:s0] =	ssyncadd.remote.s32 $0x1  }
0xbe: {  	_ =	sfence.sel $0xFFFF  }
0xbf: {  	[dreg:$0x0] =	wrdreg $0xFFFFFFFF;
	(pc) =	sbr.abs _section_cstart, $3  }
0xc0: {  	[dreg:$0x1] =	wrdreg $0xFFFFFFFF  }
0xc1: {  	_ =	task.clear_ibuf [dreg:s7], $0x2FFFF;
	_ =	strace $0x9FFFFFFF  }
0xc2: {  	(tm) =	ssettm $0x7FFFFFFF  }
0xc3: {  	_ =	shalt  }
tec
execute0_lowered:
.L_overlay_start_1:
0x0: {  	(tag) =	ssettag $0x1  }
0x1: {  	s9 =	rddreg [dreg:$0x0]  }
0x2: {  	s2 =	rddreg [dreg:$0x1]  }
0x3: {  	s0 =	rddreg [dreg:$0x2]  }
0x4: {  	s4 =	srdreg.scid;
	s1 =	stileid.u32;
	s3 =	simm.s32 $0x0  }
0x5: {  	s13 =	simm.s32 $0x7680;
	s14 =	simm.s32 $0x7E80;
	s15 =	simm.s32 $0x4F00  }
0x6: {  	s16 =	simm.s32 $0x8680;
	s7 =	sand.u32 $0x1, s4;
	s31 =	sshll.u32 s1, $0x1  }
0x7: {  	s17 =	simm.s32 $0x0;
	[smem:$0x7FF] =	sst s3;
	s4 =	sor.u32 s7, s31  }
0x8: {  	s5 =	sadd.s32 $0x1000, s9;
	s6 =	sadd.s32 $0x32000, s9;
	s4 =	smul.u32 $0x2710, s4  }
0x9: {  	s8 =	sadd.s32 $0x3CA00, s9;
	_ =	strace $0x80000050;
	s10 =	ssub.s32 $0x2, s7  }
0xa: {  	s7 =	sadd.s32 $0x32600, s9;
	s12 =	sshrl.u32 s10, $0x1;
	s11 =	sshrl.u32 s4, $0x3  }
0xb: {  	s10 =	ssub.s32 s10, s12;
	s12 =	simm.s32 $0x2780;
	s9 =	sadd.s32 s11, s9  }
0xc: {  	v0 =	vimm.f32 $0.0e+00;
	s10 =	smax.u32 s10, $0x1;
	s11 =	simm.s32 $0x1;
	s9 =	sadd.s32 $0x32C00, s9  }
.LBB2_1:
0xd: {  	[tilespmem:s3], [sflag:$0x1] =	stream.linear.gather [hbm4b:s6+s3], $0x2780, $0x38;
	[tilespmem:$0x8E80] =	vst v63  }
0xe: {  	_ =	swait.ge [sflag:s11], $0x2780  }
0xf: {  	[sflag:s11] =	ssyncset.done $0x0  }
0x10: {  	[sflag:s11] =	ssyncadd.s32 $0xFFFFD880  }
0x11: {  	[tilespmem:s12], [sflag:$0x1] =	stream.linear.gather [hbm4b:s7+s3], $0x2780, $0x38;
	[tilespmem:$0x8E80] =	vst v63  }
0x12: {  	_ =	swait.ge [sflag:s11], $0x2780  }
0x13: {  	[sflag:s11] =	ssyncset.done $0x0  }
0x14: {  	s18 =	simm.s32 $0x40;
	s19 =	simm.s32 $0x0;
	[sflag:s11] =	ssyncadd.s32 $0xFFFFD880  }
.LBB2_2:
0x15: {  	p0 =	sne.s32 s18, $0x9C00;
	[tilespmem:s19+$0x4F00] =	vst v0;
	s19 =	smov.u32 s18;
	s18 =	sadd.s32 $0x40, s18  }
.Ltmp0:
0x16: {  	(pc) =	sbr.rel @p0 .LBB2_2-.Ltmp0, $2  }
0x17: {  	_ =	sdelay $0x2  }
0x18: {  	s19 =	sshra.s32 s19, $0x2  }
0x19: {  	[tilespmem:s19+$0x4F00] =	vst v0;
	s18 =	simm.s32 $0x0;
	s19 =	simm.s32 $0x0  }
.LBB2_4:
0x1a: {  	s20 =	smul.u32 $0x7D0, s19;
	_ =	sdelay $0x1  }
0x1b: {  	s20 =	sadd.s32 s4, s20  }
0x1c: {  	s20 =	sshrl.u32 s20, $0x3  }
0x1d: {  	s21 =	sadd.s32 s5, s20  }
0x1e: {  	[tilespmem:s13], [sflag:$0x1] =	stream.linear.gather [hbm4b:s21+s18], $0x7D0, $0x38;
	[tilespmem:$0x8E80] =	vst v63  }
0x1f: {  	_ =	swait.ge [sflag:s11], $0x7D0  }
0x20: {  	[sflag:s11] =	ssyncset.done $0x0  }
0x21: {  	s31 =	sadd.s32 s2, s20;
	[sflag:s11] =	ssyncadd.s32 $0xFFFFF830  }
0x22: {  	[tilespmem:s14], [sflag:$0x1] =	stream.linear.gather [hbm4b:s31+s18], $0x7D0, $0x38;
	[tilespmem:$0x8E80] =	vst v63  }
0x23: {  	_ =	swait.ge [sflag:s11], $0x7D0  }
0x24: {  	[sflag:s11] =	ssyncset.done $0x0  }
0x25: {  	s21 =	simm.s32 $0x0;
	[sflag:s11] =	ssyncadd.s32 $0xFFFFF830  }
0x26: {  	v1 =	vld [tilespmem:s21+$0x7E80]  }
0x27: {  	s22 =	simm.s32 $0x40;
	v2 =	vld [tilespmem:s21+$0x7680]  }
.LBB2_5:
0x28: {  	p0 =	sne.s32 s22, $0x1F00;
	_ =	sdelay $0x5  }
0x29: {  	v3 =	vld.idx.msk [tilespmem:v1+s12+$0x0], $0xffff  }
0x2a: {  	v2 =	vld.idx.msk [tilespmem:v2+s3+$0x0], $0xffff;
	_ =	sdelay $0x5  }
0x2b: {  	v2 =	vadd.f32 v3, v2;
	_ =	sdelay $0x1  }
0x2c: {  	v3 =	vmul.f32 $2.000000030e-01, v2  }
0x2d: {  	vm0 =	vge.f32 v2, $0.0e+00  }
0x2e: {  	v2 =	vsel vm0, v2, v3  }
0x2f: {  	v2 =	vmul.f32 $1.442695020e+00, v2;
	_ =	sdelay $0x1  }
0x30: {  	(erf) = vpow2.f32 v2;
	_ =	sdelay $0x8  }
.Ltmp1:
0x31: {  	v2 =	vpop (erf);
	(pc) =	sbr.rel @p0 .LBB2_5-.Ltmp1, $4  }
0x32: {  	[tilespmem:s21+$0x8680] =	vst v2  }
0x33: {  	s21 =	sshra.s32 s22, $0x2;
	[tilespmem:v1+s15+$0x0] =	vst.idx.add.f32.msk $0xffff, v2  }
0x34: {  	v1 =	vld [tilespmem:s21+$0x7E80]  }
0x35: {  	s22 =	sadd.s32 $0x40, s22;
	v2 =	vld [tilespmem:s21+$0x7680]  }
0x36: {  	_ =	sdelay $0x6  }
0x37: {  	v3 =	vld.idx.msk [tilespmem:v1+s12+$0x0], $0xffff  }
0x38: {  	v2 =	vld.idx.msk [tilespmem:v2+s3+$0x0], $0xffff;
	_ =	sdelay $0x4  }
0x39: {  	v2 =	vadd.f32 v3, v2;
	_ =	sdelay $0x1  }
0x3a: {  	v3 =	vmul.f32 $2.000000030e-01, v2  }
0x3b: {  	vm0 =	vge.f32 v2, $0.0e+00  }
0x3c: {  	v2 =	vsel vm0, v2, v3  }
0x3d: {  	v2 =	vmul.f32 $1.442695020e+00, v2;
	_ =	sdelay $0x1  }
0x3e: {  	(erf) = vpow2.f32 v2;
	_ =	sdelay $0x8  }
0x3f: {  	s19 =	sadd.s32 $0x1, s19;
	v2 =	vpop (erf)  }
0x40: {  	p0 =	sne.s32 s19, $0x5;
	[tilespmem:s21+$0x8680] =	vst v2  }
.Ltmp2:
0x41: {  	s20 =	sadd.s32 s8, s20;
	[tilespmem:v1+s15+$0x0] =	vst.idx.add.f32.msk $0xffff, v2;
	(pc) =	sbr.rel @p0 .LBB2_4-.Ltmp2, $4  }
0x42: {  	[hbm4b:s20+s3] =	stream.linear.scatter [tilespmem:s16], [sflag:$0x1], $0x7D0, $0x38;
	[tilespmem:$0x8E80] =	vst v63  }
0x43: {  	_ =	swait.ge [sflag:s11], $0x7D0  }
0x44: {  	[sflag:s11] =	ssyncset.done $0x0  }
0x45: {  	[sflag:s11] =	ssyncadd.s32 $0xFFFFF830  }
0x46: {  	s17 =	sadd.s32 $0x1, s17  }
0x47: {  	p0 =	sne.s32 s17, s10  }
.Ltmp3:
0x48: {  	_ = 	snop;
	(pc) =	sbr.rel @p0 .LBB2_1-.Ltmp3, $4  }
0x49: {  	[hbm4b:s9+s3] =	stream.linear.scatter [tilespmem:s15], [sflag:$0x1], $0x2710, $0x38;
	[tilespmem:$0x8E80] =	vst v63  }
0x4a: {  	_ =	swait.ge [sflag:s11], $0x2710  }
0x4b: {  	[sflag:s11] =	ssyncset.done $0x0  }
0x4c: {  	[sflag:s11] =	ssyncadd.s32 $0xFFFFD8F0  }
0x4d: {  	_ =	sfence.sel $0x180000  }
0x4e: {  	[bflag:$0x0] =	sbarrier.arrive $0xFFFF  }
0x4f: {  	p0 =	sne.s32 s1, $0x0;
	_ =	strace $0x90000050  }
0x50: {  	s0 =	sadd.s32 @!p0 $0x100000, s0;
	[bflag:$0x2] =	sbarrier.arrive $0xFFFF  }
0x51: {  	[sflag:s0] =	ssyncadd.tile.s32 @!p0 $0x1;
	_ =	shalt  }
.Lfunc_end2:
_tile_overlayer_lowered:
.L_overlay_start_2:
0x52: {  	(tag) =	ssettag $0x2  }
0x53: {  	s0 =	rddreg [dreg:$0x0];
	s2 =	stileid.u32  }
0x54: {  	s1 =	rddreg [dreg:$0x1];
	p0 =	sne.s32 s2, $0x0  }
0x55: {  	s3 =	rddreg [dreg:$0x2];
	[bflag:$0x3] =	sbarrier.arrive $0xFFFF;
	s2 =	simm.s32 @!p0 $0x1C01  }
0x56: {  	[timem:s3], [sflag:s2] =	dma.local @!p0 [hbm:s0], s1  }
0x57: {  	s0 =	simm.s32 @!p0 $0x1  }
0x58: {  	_ =	swait.ge @!p0 [sflag:s0], s1  }
0x59: {  	s1 =	ssub.s32 @!p0 $0x0, s1;
	[sflag:s0] =	ssyncset.done @!p0 $0x0  }
0x5a: {  	[sflag:s0] =	ssyncadd.s32 @!p0 s1  }
0x5b: {  	[bflag:$0x3] =	sbarrier.arrive $0xFFFF  }
0x5c: {  	_ =	shalt  }

// kernel: kernel.25.cloned.1.call-start
scs
__scs_entry_jumppad:
0x0: {  	(pc) =	sbr.rel $0x88, $3  }
0x1: {  	(tag) =	ssettag $0x0;
	lr =	simm.s32 $0x1  }
0x2: {  	[smem:$0x3F97] =	sst lr;
	_ =	strace $0xD0000000  }
0x3: {  	_ = 	snop  }
0x4: {  	_ = 	snop  }
0x5: {  	_ = 	snop  }
0x6: {  	_ = 	snop  }
0x7: {  	_ = 	snop  }
__scs_overlays_trampoline_lowered:
0x8: {  	[smem:$0x3FA6] =	sst s0  }
0x9: {  	[smem:$0x3FA7] =	sst s1  }
0xa: {  	[smem:$0x3FA8] =	sst s2  }
0xb: {  	[smem:$0x3FA9] =	sst s3  }
0xc: {  	[smem:$0x3FAA] =	sst s4  }
0xd: {  	[smem:$0x3FAB] =	sst s5  }
0xe: {  	[smem:$0x3FAC] =	sst s6  }
0xf: {  	[smem:$0x3FAD] =	sst s7  }
0x10: {  	[smem:$0x3FAE] =	sst s8  }
0x11: {  	[smem:$0x3FAF] =	sst s9;
	s0 =	simm.s32 @!p0 $0x0  }
0x12: {  	s1 =	sld [smem:$0x3F95];
	s0 =	simm.s32 @p0 $0x1  }
0x13: {  	[smem:$0x3FB0] =	sst s0;
	s0 =	simm.s32 @!p1 $0x0  }
0x14: {  	s2 =	sld [smem:$0x3F94];
	s0 =	simm.s32 @p1 $0x1  }
0x15: {  	[smem:$0x3FB1] =	sst s0;
	s0 =	simm.s32 @!p2 $0x0  }
0x16: {  	s3 =	sld [smem:$0x3FDB];
	s0 =	simm.s32 @p2 $0x1  }
0x17: {  	s4 =	simm.s32 $0x1BF5;
	[smem:$0x3FB3] =	sst s0  }
0x18: {  	s0 =	sld [smem:$0x3F96];
	_ =	swait.ge [sflag:s4], $0x0  }
0x19: {  	s7 =	sld [smem:$0x3F97]  }
0x1a: {  	s8 =	sadd.s32 $0xFFFFE003, lr  }
0x1b: {  	s9 =	sadd.s32 $0xFFFFFEF7, lr;
	s5 =	simm.s32 $0xFFFFFFFF;
	p2 =	slt.u32 s8, $0xFFFFF086  }
0x1c: {  	p1 =	slt.u32 s9, $0xF7A;
	s5 =	simm.s32 @!p2 $0x0  }
0x1d: {  	s5 =	simm.s32 @p1 $0x1;
	p0 =	seq.s32 s7, s2  }
0x1e: {  	s7 =	smul.u32 @!p0 $0xF7A, s2;
	p2 =	seq.s32 @!p0 s5, $0x0  }
0x1f: {  	s9 =	smul.u32 $0xF7A, s1;
	s8 =	simm.s32 @!p0 $0x1BF5;
	p2 =	por !p2, p0  }
0x20: {  	[sflag:s8] =	ssyncset.s32 @!p0 $0xFFFFF086;
	s6 =	sadd.s32 @!p0 s3, s7;
	s7 =	simm.s32 @!p0 $0x108  }
0x21: {  	s3 =	sadd.s32 s3, s9;
	s6 =	sadd.s32 @!p0 $0x88, s6;
	s7 =	simm.s32 @p2 $0x1082  }
0x22: {  	[simem:s7], [sflag:s8] =	dma.local @!p0 [hbm:s6], $0xF7A  }
0x23: {  	s9 =	sor.u32 $0xD0000000, s2;
	s6 =	simm.s32 $0x108;
	_ =	swait.ge @!p0 [sflag:s8], $0x0  }
0x24: {  	s3 =	sadd.s32 $0x88, s3;
	s6 =	simm.s32 @!p1 $0x1082;
	[sflag:s4] =	ssyncset.s32 $0xFFFFF086  }
0x25: {  	[simem:s6], [sflag:s4] =	dma.local [hbm:s3], $0xF7A  }
0x26: {  	[smem:$0x3F97] =	sst s1;
	(tag) =	ssettag s2;
	_ =	strace s9  }
0x27: {  	s1 =	sld [smem:$0x3FA7]  }
0x28: {  	s2 =	sld [smem:$0x3FA8]  }
0x29: {  	s4 =	sld [smem:$0x3FAA]  }
0x2a: {  	p0 =	seq.s32 s5, $0x0;
	s5 =	sld [smem:$0x3FAB]  }
0x2b: {  	s6 =	sld [smem:$0x3FAC]  }
0x2c: {  	s7 =	sld [smem:$0x3FAD]  }
0x2d: {  	s3 =	simm.s32 $0x108;
	s8 =	sld [smem:$0x3FAE]  }
0x2e: {  	s3 =	simm.s32 @!p0 $0x1082;
	s9 =	sld [smem:$0x3FAF]  }
0x2f: {  	lr =	sadd.s32 s0, s3;
	s0 =	sld [smem:$0x3FA6]  }
0x30: {  	s3 =	sld [smem:$0x3FA9]  }
0x31: {  	[smem:$0x3FB2] =	sst s10  }
0x32: {  	s10 =	sld [smem:$0x3FB0];
	_ =	sdelay $0x3  }
0x33: {  	p0 =	seq.s32 s10, $0x1;
	s10 =	sld [smem:$0x3FB2];
	_ =	sdelay $0x3  }
0x34: {  	[smem:$0x3FB2] =	sst s10  }
0x35: {  	s10 =	sld [smem:$0x3FB1];
	_ =	sdelay $0x3  }
0x36: {  	p1 =	seq.s32 s10, $0x1;
	s10 =	sld [smem:$0x3FB2];
	_ =	sdelay $0x3  }
0x37: {  	[smem:$0x3FB2] =	sst s10  }
0x38: {  	s10 =	sld [smem:$0x3FB3]  }
0x39: {  	_ = 	snop;
	(pc) =	sbr.ind lr, $3  }
0x3a: {  	_ = 	snop  }
0x3b: {  	_ = 	snop  }
0x3c: {  	p2 =	seq.s32 s10, $0x1;
	s10 =	sld [smem:$0x3FB2]  }
0x3d: {  	_ =	shalt  }
0x3e: {  	_ =	shalt  }
0x3f: {  	_ =	shalt  }
0x40: {  	_ =	shalt  }
0x41: {  	_ =	shalt  }
0x42: {  	_ =	shalt  }
0x43: {  	_ =	shalt  }
0x44: {  	_ =	shalt  }
0x45: {  	_ =	shalt  }
0x46: {  	_ =	shalt  }
0x47: {  	_ =	shalt  }
0x48: {  	_ =	shalt  }
0x49: {  	_ =	shalt  }
0x4a: {  	_ =	shalt  }
0x4b: {  	_ =	shalt  }
0x4c: {  	_ =	shalt  }
0x4d: {  	_ =	shalt  }
0x4e: {  	_ =	shalt  }
0x4f: {  	_ =	shalt  }
0x50: {  	_ =	shalt  }
0x51: {  	_ =	shalt  }
0x52: {  	_ =	shalt  }
0x53: {  	_ =	shalt  }
0x54: {  	_ =	shalt  }
0x55: {  	_ =	shalt  }
0x56: {  	_ =	shalt  }
0x57: {  	_ =	shalt  }
0x58: {  	_ =	shalt  }
0x59: {  	_ =	shalt  }
0x5a: {  	_ =	shalt  }
0x5b: {  	_ =	shalt  }
0x5c: {  	_ =	shalt  }
0x5d: {  	_ =	shalt  }
0x5e: {  	_ =	shalt  }
0x5f: {  	_ =	shalt  }
0x60: {  	_ =	shalt  }
0x61: {  	_ =	shalt  }
0x62: {  	_ =	shalt  }
0x63: {  	_ =	shalt  }
0x64: {  	_ =	shalt  }
0x65: {  	_ =	shalt  }
0x66: {  	_ =	shalt  }
0x67: {  	_ =	shalt  }
0x68: {  	_ =	shalt  }
0x69: {  	_ =	shalt  }
0x6a: {  	_ =	shalt  }
0x6b: {  	_ =	shalt  }
0x6c: {  	_ =	shalt  }
0x6d: {  	_ =	shalt  }
0x6e: {  	_ =	shalt  }
0x6f: {  	_ =	shalt  }
0x70: {  	_ =	shalt  }
0x71: {  	_ =	shalt  }
0x72: {  	_ =	shalt  }
0x73: {  	_ =	shalt  }
0x74: {  	_ =	shalt  }
0x75: {  	_ =	shalt  }
0x76: {  	_ =	shalt  }
0x77: {  	_ =	shalt  }
0x78: {  	_ =	shalt  }
0x79: {  	_ =	shalt  }
0x7a: {  	_ =	shalt  }
0x7b: {  	_ =	shalt  }
0x7c: {  	_ =	shalt  }
0x7d: {  	_ =	shalt  }
0x7e: {  	_ =	shalt  }
0x7f: {  	_ =	shalt  }
0x80: {  	_ =	shalt  }
0x81: {  	_ =	shalt  }
0x82: {  	_ =	shalt  }
0x83: {  	_ =	shalt  }
0x84: {  	_ =	shalt  }
0x85: {  	_ =	shalt  }
0x86: {  	_ =	shalt  }
0x87: {  	_ =	shalt  }
.Lfunc_end0:
.L_simem_size_0:
called_computation.4_lowered:
.L_overlay_start_0:
0x88: {  	s2 =	sld [smem:$0x3FD9]  }
0x89: {  	s3 =	sld [smem:$0x3FFE];
	_ =	sdelay $0x1  }
0x8a: {  	s1 =	srdreg.scid  }
0x8b: {  	s0 =	sand.u32 $0x1, s1  }
0x8c: {  	s17 =	sshll.u32 s0, $0xA;
	s2 =	sadd.s32 s3, s2  }
0x8d: {  	s2 =	sadd.s32 s2, s17  }
0x8e: {  	[smem:$0x3FBE] =	sst s2  }
0x8f: {  	_ = 	snop  }
0x90: {  	s2 =	sld [smem:$0x3FD0];
	(tm) =	ssettm $0x1  }
0x91: {  	s18 =	sld [smem:$0x3FFB];
	_ =	sdelay $0x3  }
0x92: {  	_ =	strace s18  }
0x93: {  	s3 =	sld [smem:$0x3FFC];
	_ =	sdelay $0x3  }
0x94: {  	_ =	strace s3  }
0x95: {  	s3 =	sld [smem:$0x3FFD];
	_ =	sdelay $0x3  }
0x96: {  	_ =	strace s3  }
0x97: {  	_ =	strace $0x8FFFFFFF  }
0x98: {  	s19 =	sld [smem:$0x3FDB];
	_ =	sdelay $0x1  }
0x99: {  	s4 =	simm.s32 $_scs_section_size  }
0x9a: {  	s5 =	simm.s32 $_size__tile_overlayer_lowered;
	s6 =	simm.s32 $_tile_overlayer_lowered  }
0x9b: {  	s22 =	simm.s32 $0x1BFF;
	s21 =	sshll.u32 s6, $0x1;
	s3 =	sadd.s32 s4, s19  }
0x9c: {  	s7 =	simm.s32 $0x0;
	s20 =	sshll.u32 s5, $0x1;
	s5 =	sadd.s32 s21, s3  }
0x9d: {  	[timem:s7], [sflag:s22] =	dma.local [hbm:s5], s20  }
0x9e: {  	_ =	swait.ge [sflag:s22], s20  }
0x9f: {  	s4 =	ssub.s32 $0x0, s20;
	[sflag:s22] =	ssyncset.done $0x0  }
0xa0: {  	[sflag:s22] =	ssyncadd.s32 s4;
	_ =	sdelay $0x1  }
0xa1: {  	s23 =	simm.s32 $0x1B8B  }
0xa2: {  	_ =	swait.ge [sflag:s23], $0x1  }
0xa3: {  	[sflag:s23] =	ssyncset.done $0x0  }
0xa4: {  	s25 =	simm.s32 $0x1B8E;
	s24 =	sld [smem:$0x3FFE];
	[sflag:s23] =	ssyncadd.s32 $0xFFFFFFFF  }
0xa5: {  	s26 =	simm.s32 $execute0_lowered;
	[smem:$0x3FD2] =	sst s25  }
0xa6: {  	s5 =	sshll.u32 s26, $0x1;
	_ =	strace $0x80000052;
	[dreg:$0x1] =	wrdreg $0xFFFFFFFF  }
0xa7: {  	s28 =	simm.s32 $_size_execute0_lowered;
	s3 =	sadd.s32 s3, s5;
	[dreg:$0x0] =	wrdreg $0x0  }
0xa8: {  	s5 =	sshll.u32 s28, $0x1;
	[dreg:$0x2] =	wrdreg s3  }
0xa9: {  	[dreg:$0x3] =	wrdreg s5  }
0xaa: {  	[dreg:$0x4] =	wrdreg $0xC0  }
0xab: {  	_ =	task [dreg:s7], $0x5FFFF  }
0xac: {  	[dreg:$0x1] =	wrdreg $0xFFFFFFFF  }
0xad: {  	[dreg:$0x0] =	wrdreg $0x60  }
0xae: {  	[dreg:$0x2] =	wrdreg s2  }
0xaf: {  	[dreg:$0x3] =	wrdreg s24  }
0xb0: {  	[dreg:$0x4] =	wrdreg $0x9  }
0xb1: {  	_ =	task.clear_ibuf [dreg:s7], $0x5FFFF;
	_ =	strace $0x90000052  }
0xb2: {  	s29 =	simm.s32 $0x9;
	_ =	strace $0x80000054  }
0xb3: {  	_ =	swait.ge [sflag:s29], $0x1  }
0xb4: {  	[sflag:s29] =	ssyncadd.s32 $0xFFFFFFFF  }
0xb5: {  	_ =	strace $0x90000054  }
0xb6: {  	_ =	sfence  }
0xb7: {  	s30 =	sld [smem:$0x0];
	_ =	sdelay $0x2  }
0xb8: {  	s31 =	sshll.u32 s1, $0xD;
	s1 =	sshrl.u32 s1, $0x2  }
0xb9: {  	s3 =	sand.u32 $0x4000, s31;
	s1 =	sadd.s32 s1, s30  }
0xba: {  	s0 =	sor.u32 s3, s0;
	s1 =	sshll.u32 s1, $0x11  }
0xbb: {  	s0 =	sor.u32 s1, s0  }
0xbc: {  	s0 =	sadd.s32 $0x8F2B, s0  }
0xbd: {  	[sflag:s0] =	ssyncadd.remote.s32 $0x1  }
0xbe: {  	_ =	sfence.sel $0xFFFF  }
0xbf: {  	[dreg:$0x0] =	wrdreg $0xFFFFFFFF;
	(pc) =	sbr.abs _section_cstart, $3  }
0xc0: {  	[dreg:$0x1] =	wrdreg $0xFFFFFFFF  }
0xc1: {  	_ =	task.clear_ibuf [dreg:s7], $0x2FFFF;
	_ =	strace $0x9FFFFFFF  }
0xc2: {  	(tm) =	ssettm $0x7FFFFFFF  }
0xc3: {  	_ =	shalt  }
tec
execute0_lowered:
.L_overlay_start_1:
0x0: {  	(tag) =	ssettag $0x1  }
0x1: {  	s1 =	rddreg [dreg:$0x0]  }
0x2: {  	s6 =	rddreg [dreg:$0x1]  }
0x3: {  	s0 =	rddreg [dreg:$0x2];
	s2 =	simm.s32 $0x0;
	s3 =	srdreg.scid  }
0x4: {  	s11 =	simm.s32 $0x2F80;
	s12 =	simm.s32 $0x0;
	[smem:$0x7FF] =	sst s2  }
0x5: {  	s7 =	sand.u32 $0x1, s3;
	s4 =	sadd.s32 $0x3CA00, s6;
	s3 =	stileid.u32  }
0x6: {  	s5 =	sadd.s32 $0x32000, s6;
	s6 =	sadd.s32 $0x32600, s6;
	s8 =	ssub.s32 $0x2, s7  }
0x7: {  	_ =	strace $0x80000053;
	s10 =	sshll.u32 s3, $0x1;
	s9 =	sshrl.u32 s8, $0x1  }
0x8: {  	s7 =	sor.u32 s7, s10;
	s10 =	simm.s32 $0x2780;
	s8 =	ssub.s32 s8, s9  }
0x9: {  	s7 =	smul.u32 $0x2710, s7;
	s9 =	simm.s32 $0x1;
	s8 =	smax.u32 s8, $0x1  }
.LBB2_1:
0xa: {  	[tilespmem:s2], [sflag:$0x1] =	stream.linear.gather [hbm4b:s5+s2], $0x2780, $0x38;
	[tilespmem:$0x3780] =	vst v63  }
0xb: {  	_ =	swait.ge [sflag:s9], $0x2780  }
0xc: {  	[sflag:s9] =	ssyncset.done $0x0  }
0xd: {  	s13 =	simm.s32 $0x0;
	[sflag:s9] =	ssyncadd.s32 $0xFFFFD880  }
.LBB2_2:
0xe: {  	s14 =	smul.u32 $0x7D0, s13;
	_ =	sdelay $0x1  }
0xf: {  	s14 =	sadd.s32 s7, s14  }
0x10: {  	s14 =	sshrl.u32 s14, $0x3  }
0x11: {  	s16 =	simm.s32 $0x0;
	s15 =	sadd.s32 s1, s14  }
0x12: {  	[tilespmem:s10], [sflag:$0x1] =	stream.linear.gather [hbm4b:s15+s16], $0x7D0, $0x38;
	[tilespmem:$0x3780] =	vst v63  }
0x13: {  	_ =	swait.ge [sflag:s9], $0x7D0  }
0x14: {  	[sflag:s9] =	ssyncset.done $0x0  }
0x15: {  	s31 =	sadd.s32 s4, s14;
	[sflag:s9] =	ssyncadd.s32 $0xFFFFF830  }
0x16: {  	[tilespmem:s11], [sflag:$0x1] =	stream.linear.gather [hbm4b:s31+s16], $0x7D0, $0x38;
	[tilespmem:$0x3780] =	vst v63  }
0x17: {  	_ =	swait.ge [sflag:s9], $0x7D0  }
0x18: {  	[sflag:s9] =	ssyncset.done $0x0  }
0x19: {  	s16 =	simm.s32 $0x0;
	[sflag:s9] =	ssyncadd.s32 $0xFFFFF830  }
0x1a: {  	v1 =	vld [tilespmem:s16+$0x2780];
	_ =	sdelay $0x5  }
0x1b: {  	s15 =	simm.s32 $0x10  }
0x1c: {  	v0 =	vld [tilespmem:s15+$0x2780]  }
0x1d: {  	s17 =	simm.s32 $0x80;
	v1 =	vld.idx.msk [tilespmem:v1+s2+$0x0], $0xffff  }
.LBB2_3:
0x1e: {  	p0 =	sne.s32 s17, $0x1F00;
	v2 =	vld [tilespmem:s16+$0x2F80];
	_ =	sdelay $0x2  }
0x1f: {  	v3 =	vmov v0  }
.Ltmp0:
0x20: {  	(pc) =	sbr.rel @p0 .LBB2_3-.Ltmp0, $4  }
0x21: {  	v1 =	vmul.f32 v2, v1  }
0x22: {  	s18 =	sshra.s32 s17, $0x2  }
0x23: {  	v0 =	vld [tilespmem:s18+$0x2780];
	[tilespmem:s16+$0x2F80] =	vst v1;
	s16 =	smov.u32 s15;
	s15 =	smov.u32 s18  }
0x24: {  	s17 =	sadd.s32 $0x40, s17;
	v1 =	vld.idx.msk [tilespmem:v3+s2+$0x0], $0xffff  }
0x25: {  	v2 =	vld [tilespmem:s16+$0x2F80];
	_ =	sdelay $0x4  }
0x26: {  	v1 =	vmul.f32 v2, v1;
	_ =	sdelay $0x1  }
0x27: {  	[tilespmem:s16+$0x2F80] =	vst v1  }
0x28: {  	v0 =	vld.idx.msk [tilespmem:v0+s2+$0x0], $0xffff  }
0x29: {  	v1 =	vld [tilespmem:s15+$0x2F80];
	_ =	sdelay $0x4  }
0x2a: {  	s13 =	sadd.s32 $0x1, s13;
	v0 =	vmul.f32 v1, v0  }
0x2b: {  	p0 =	sne.s32 s13, $0x5  }
.Ltmp1:
0x2c: {  	s14 =	sadd.s32 s6, s14;
	[tilespmem:s15+$0x2F80] =	vst v0;
	(pc) =	sbr.rel @p0 .LBB2_2-.Ltmp1, $4  }
0x2d: {  	[hbm4b:s14+s2] =	stream.linear.scatter [tilespmem:s11], [sflag:$0x1], $0x7D0, $0x38;
	[tilespmem:$0x3780] =	vst v63  }
0x2e: {  	_ =	swait.ge [sflag:s9], $0x7D0  }
0x2f: {  	[sflag:s9] =	ssyncset.done $0x0  }
0x30: {  	[sflag:s9] =	ssyncadd.s32 $0xFFFFF830  }
0x31: {  	s12 =	sadd.s32 $0x1, s12  }
0x32: {  	p0 =	sne.s32 s12, s8  }
.Ltmp2:
0x33: {  	_ = 	snop;
	(pc) =	sbr.rel @p0 .LBB2_1-.Ltmp2, $1  }
0x34: {  	_ =	sdelay $0x3  }
0x35: {  	_ =	sfence.sel $0x180000  }
0x36: {  	[bflag:$0x0] =	sbarrier.arrive $0xFFFF  }
0x37: {  	p0 =	sne.s32 s3, $0x0;
	_ =	strace $0x90000053  }
0x38: {  	s0 =	sadd.s32 @!p0 $0x100000, s0;
	[bflag:$0x2] =	sbarrier.arrive $0xFFFF  }
0x39: {  	[sflag:s0] =	ssyncadd.tile.s32 @!p0 $0x1;
	_ =	shalt  }
.Lfunc_end2:
_tile_overlayer_lowered:
.L_overlay_start_2:
0x3a: {  	(tag) =	ssettag $0x2  }
0x3b: {  	s0 =	rddreg [dreg:$0x0];
	s2 =	stileid.u32  }
0x3c: {  	s1 =	rddreg [dreg:$0x1];
	p0 =	sne.s32 s2, $0x0  }
0x3d: {  	s3 =	rddreg [dreg:$0x2];
	[bflag:$0x3] =	sbarrier.arrive $0xFFFF;
	s2 =	simm.s32 @!p0 $0x1C01  }
0x3e: {  	[timem:s3], [sflag:s2] =	dma.local @!p0 [hbm:s0], s1  }
0x3f: {  	s0 =	simm.s32 @!p0 $0x1  }
0x40: {  	_ =	swait.ge @!p0 [sflag:s0], s1  }
0x41: {  	s1 =	ssub.s32 @!p0 $0x0, s1;
	[sflag:s0] =	ssyncset.done @!p0 $0x0  }
0x42: {  	[sflag:s0] =	ssyncadd.s32 @!p0 s1  }
0x43: {  	[bflag:$0x3] =	sbarrier.arrive $0xFFFF  }
0x44: {  	_ =	shalt  }

// kernel: kernel.28.cloned.1.call-start
scs
__scs_entry_jumppad:
0x0: {  	(pc) =	sbr.rel $0x88, $3  }
0x1: {  	(tag) =	ssettag $0x0;
	lr =	simm.s32 $0x1  }
0x2: {  	[smem:$0x3F97] =	sst lr;
	_ =	strace $0xD0000000  }
0x3: {  	_ = 	snop  }
0x4: {  	_ = 	snop  }
0x5: {  	_ = 	snop  }
0x6: {  	_ = 	snop  }
0x7: {  	_ = 	snop  }
__scs_overlays_trampoline_lowered:
0x8: {  	[smem:$0x3FA6] =	sst s0  }
0x9: {  	[smem:$0x3FA7] =	sst s1  }
0xa: {  	[smem:$0x3FA8] =	sst s2  }
0xb: {  	[smem:$0x3FA9] =	sst s3  }
0xc: {  	[smem:$0x3FAA] =	sst s4  }
0xd: {  	[smem:$0x3FAB] =	sst s5  }
0xe: {  	[smem:$0x3FAC] =	sst s6  }
0xf: {  	[smem:$0x3FAD] =	sst s7  }
0x10: {  	[smem:$0x3FAE] =	sst s8  }
0x11: {  	[smem:$0x3FAF] =	sst s9;
	s0 =	simm.s32 @!p0 $0x0  }
0x12: {  	s1 =	sld [smem:$0x3F95];
	s0 =	simm.s32 @p0 $0x1  }
0x13: {  	[smem:$0x3FB0] =	sst s0;
	s0 =	simm.s32 @!p1 $0x0  }
0x14: {  	s2 =	sld [smem:$0x3F94];
	s0 =	simm.s32 @p1 $0x1  }
0x15: {  	[smem:$0x3FB1] =	sst s0;
	s0 =	simm.s32 @!p2 $0x0  }
0x16: {  	s3 =	sld [smem:$0x3FDB];
	s0 =	simm.s32 @p2 $0x1  }
0x17: {  	s4 =	simm.s32 $0x1BF5;
	[smem:$0x3FB3] =	sst s0  }
0x18: {  	s0 =	sld [smem:$0x3F96];
	_ =	swait.ge [sflag:s4], $0x0  }
0x19: {  	s7 =	sld [smem:$0x3F97]  }
0x1a: {  	s8 =	sadd.s32 $0xFFFFE003, lr  }
0x1b: {  	s9 =	sadd.s32 $0xFFFFFEF7, lr;
	s5 =	simm.s32 $0xFFFFFFFF;
	p2 =	slt.u32 s8, $0xFFFFF086  }
0x1c: {  	p1 =	slt.u32 s9, $0xF7A;
	s5 =	simm.s32 @!p2 $0x0  }
0x1d: {  	s5 =	simm.s32 @p1 $0x1;
	p0 =	seq.s32 s7, s2  }
0x1e: {  	s7 =	smul.u32 @!p0 $0xF7A, s2;
	p2 =	seq.s32 @!p0 s5, $0x0  }
0x1f: {  	s9 =	smul.u32 $0xF7A, s1;
	s8 =	simm.s32 @!p0 $0x1BF5;
	p2 =	por !p2, p0  }
0x20: {  	[sflag:s8] =	ssyncset.s32 @!p0 $0xFFFFF086;
	s6 =	sadd.s32 @!p0 s3, s7;
	s7 =	simm.s32 @!p0 $0x108  }
0x21: {  	s3 =	sadd.s32 s3, s9;
	s6 =	sadd.s32 @!p0 $0x88, s6;
	s7 =	simm.s32 @p2 $0x1082  }
0x22: {  	[simem:s7], [sflag:s8] =	dma.local @!p0 [hbm:s6], $0xF7A  }
0x23: {  	s9 =	sor.u32 $0xD0000000, s2;
	s6 =	simm.s32 $0x108;
	_ =	swait.ge @!p0 [sflag:s8], $0x0  }
0x24: {  	s3 =	sadd.s32 $0x88, s3;
	s6 =	simm.s32 @!p1 $0x1082;
	[sflag:s4] =	ssyncset.s32 $0xFFFFF086  }
0x25: {  	[simem:s6], [sflag:s4] =	dma.local [hbm:s3], $0xF7A  }
0x26: {  	[smem:$0x3F97] =	sst s1;
	(tag) =	ssettag s2;
	_ =	strace s9  }
0x27: {  	s1 =	sld [smem:$0x3FA7]  }
0x28: {  	s2 =	sld [smem:$0x3FA8]  }
0x29: {  	s4 =	sld [smem:$0x3FAA]  }
0x2a: {  	p0 =	seq.s32 s5, $0x0;
	s5 =	sld [smem:$0x3FAB]  }
0x2b: {  	s6 =	sld [smem:$0x3FAC]  }
0x2c: {  	s7 =	sld [smem:$0x3FAD]  }
0x2d: {  	s3 =	simm.s32 $0x108;
	s8 =	sld [smem:$0x3FAE]  }
0x2e: {  	s3 =	simm.s32 @!p0 $0x1082;
	s9 =	sld [smem:$0x3FAF]  }
0x2f: {  	lr =	sadd.s32 s0, s3;
	s0 =	sld [smem:$0x3FA6]  }
0x30: {  	s3 =	sld [smem:$0x3FA9]  }
0x31: {  	[smem:$0x3FB2] =	sst s10  }
0x32: {  	s10 =	sld [smem:$0x3FB0];
	_ =	sdelay $0x3  }
0x33: {  	p0 =	seq.s32 s10, $0x1;
	s10 =	sld [smem:$0x3FB2];
	_ =	sdelay $0x3  }
0x34: {  	[smem:$0x3FB2] =	sst s10  }
0x35: {  	s10 =	sld [smem:$0x3FB1];
	_ =	sdelay $0x3  }
0x36: {  	p1 =	seq.s32 s10, $0x1;
	s10 =	sld [smem:$0x3FB2];
	_ =	sdelay $0x3  }
0x37: {  	[smem:$0x3FB2] =	sst s10  }
0x38: {  	s10 =	sld [smem:$0x3FB3]  }
0x39: {  	_ = 	snop;
	(pc) =	sbr.ind lr, $3  }
0x3a: {  	_ = 	snop  }
0x3b: {  	_ = 	snop  }
0x3c: {  	p2 =	seq.s32 s10, $0x1;
	s10 =	sld [smem:$0x3FB2]  }
0x3d: {  	_ =	shalt  }
0x3e: {  	_ =	shalt  }
0x3f: {  	_ =	shalt  }
0x40: {  	_ =	shalt  }
0x41: {  	_ =	shalt  }
0x42: {  	_ =	shalt  }
0x43: {  	_ =	shalt  }
0x44: {  	_ =	shalt  }
0x45: {  	_ =	shalt  }
0x46: {  	_ =	shalt  }
0x47: {  	_ =	shalt  }
0x48: {  	_ =	shalt  }
0x49: {  	_ =	shalt  }
0x4a: {  	_ =	shalt  }
0x4b: {  	_ =	shalt  }
0x4c: {  	_ =	shalt  }
0x4d: {  	_ =	shalt  }
0x4e: {  	_ =	shalt  }
0x4f: {  	_ =	shalt  }
0x50: {  	_ =	shalt  }
0x51: {  	_ =	shalt  }
0x52: {  	_ =	shalt  }
0x53: {  	_ =	shalt  }
0x54: {  	_ =	shalt  }
0x55: {  	_ =	shalt  }
0x56: {  	_ =	shalt  }
0x57: {  	_ =	shalt  }
0x58: {  	_ =	shalt  }
0x59: {  	_ =	shalt  }
0x5a: {  	_ =	shalt  }
0x5b: {  	_ =	shalt  }
0x5c: {  	_ =	shalt  }
0x5d: {  	_ =	shalt  }
0x5e: {  	_ =	shalt  }
0x5f: {  	_ =	shalt  }
0x60: {  	_ =	shalt  }
0x61: {  	_ =	shalt  }
0x62: {  	_ =	shalt  }
0x63: {  	_ =	shalt  }
0x64: {  	_ =	shalt  }
0x65: {  	_ =	shalt  }
0x66: {  	_ =	shalt  }
0x67: {  	_ =	shalt  }
0x68: {  	_ =	shalt  }
0x69: {  	_ =	shalt  }
0x6a: {  	_ =	shalt  }
0x6b: {  	_ =	shalt  }
0x6c: {  	_ =	shalt  }
0x6d: {  	_ =	shalt  }
0x6e: {  	_ =	shalt  }
0x6f: {  	_ =	shalt  }
0x70: {  	_ =	shalt  }
0x71: {  	_ =	shalt  }
0x72: {  	_ =	shalt  }
0x73: {  	_ =	shalt  }
0x74: {  	_ =	shalt  }
0x75: {  	_ =	shalt  }
0x76: {  	_ =	shalt  }
0x77: {  	_ =	shalt  }
0x78: {  	_ =	shalt  }
0x79: {  	_ =	shalt  }
0x7a: {  	_ =	shalt  }
0x7b: {  	_ =	shalt  }
0x7c: {  	_ =	shalt  }
0x7d: {  	_ =	shalt  }
0x7e: {  	_ =	shalt  }
0x7f: {  	_ =	shalt  }
0x80: {  	_ =	shalt  }
0x81: {  	_ =	shalt  }
0x82: {  	_ =	shalt  }
0x83: {  	_ =	shalt  }
0x84: {  	_ =	shalt  }
0x85: {  	_ =	shalt  }
0x86: {  	_ =	shalt  }
0x87: {  	_ =	shalt  }
.Lfunc_end0:
.L_simem_size_0:
called_computation.5_lowered:
.L_overlay_start_0:
0x88: {  	s2 =	sld [smem:$0x3FD9]  }
0x89: {  	s3 =	sld [smem:$0x3FFE];
	_ =	sdelay $0x1  }
0x8a: {  	s1 =	srdreg.scid  }
0x8b: {  	s0 =	sand.u32 $0x1, s1  }
0x8c: {  	s17 =	sshll.u32 s0, $0xA;
	s2 =	sadd.s32 s3, s2  }
0x8d: {  	s2 =	sadd.s32 s2, s17  }
0x8e: {  	[smem:$0x3FBE] =	sst s2  }
0x8f: {  	_ = 	snop  }
0x90: {  	s2 =	sld [smem:$0x3FD0];
	(tm) =	ssettm $0x1  }
0x91: {  	s18 =	sld [smem:$0x3FFB];
	_ =	sdelay $0x3  }
0x92: {  	_ =	strace s18  }
0x93: {  	s3 =	sld [smem:$0x3FFC];
	_ =	sdelay $0x3  }
0x94: {  	_ =	strace s3  }
0x95: {  	s3 =	sld [smem:$0x3FFD];
	_ =	sdelay $0x3  }
0x96: {  	_ =	strace s3  }
0x97: {  	_ =	strace $0x8FFFFFFF  }
0x98: {  	s19 =	sld [smem:$0x3FDB];
	_ =	sdelay $0x1  }
0x99: {  	s4 =	simm.s32 $_scs_section_size  }
0x9a: {  	s5 =	simm.s32 $_size__tile_overlayer_lowered;
	s6 =	simm.s32 $_tile_overlayer_lowered  }
0x9b: {  	s22 =	simm.s32 $0x1BFF;
	s21 =	sshll.u32 s6, $0x1;
	s3 =	sadd.s32 s4, s19  }
0x9c: {  	s7 =	simm.s32 $0x0;
	s20 =	sshll.u32 s5, $0x1;
	s5 =	sadd.s32 s21, s3  }
0x9d: {  	[timem:s7], [sflag:s22] =	dma.local [hbm:s5], s20  }
0x9e: {  	_ =	swait.ge [sflag:s22], s20  }
0x9f: {  	s4 =	ssub.s32 $0x0, s20;
	[sflag:s22] =	ssyncset.done $0x0  }
0xa0: {  	[sflag:s22] =	ssyncadd.s32 s4;
	_ =	sdelay $0x1  }
0xa1: {  	s23 =	simm.s32 $0x1B8B  }
0xa2: {  	_ =	swait.ge [sflag:s23], $0x1  }
0xa3: {  	[sflag:s23] =	ssyncset.done $0x0  }
0xa4: {  	s25 =	simm.s32 $0x1B8E;
	s24 =	sld [smem:$0x3FFE];
	[sflag:s23] =	ssyncadd.s32 $0xFFFFFFFF  }
0xa5: {  	s26 =	simm.s32 $execute0_lowered;
	[smem:$0x3FD2] =	sst s25  }
0xa6: {  	s5 =	sshll.u32 s26, $0x1;
	_ =	strace $0x80000055;
	[dreg:$0x1] =	wrdreg $0xFFFFFFFF  }
0xa7: {  	s28 =	simm.s32 $_size_execute0_lowered;
	s3 =	sadd.s32 s3, s5;
	[dreg:$0x0] =	wrdreg $0x0  }
0xa8: {  	s5 =	sshll.u32 s28, $0x1;
	[dreg:$0x2] =	wrdreg s3  }
0xa9: {  	[dreg:$0x3] =	wrdreg s5  }
0xaa: {  	[dreg:$0x4] =	wrdreg $0xC0  }
0xab: {  	_ =	task [dreg:s7], $0x5FFFF  }
0xac: {  	[dreg:$0x1] =	wrdreg $0xFFFFFFFF  }
0xad: {  	[dreg:$0x0] =	wrdreg $0x60  }
0xae: {  	[dreg:$0x2] =	wrdreg s24  }
0xaf: {  	[dreg:$0x3] =	wrdreg s2  }
0xb0: {  	[dreg:$0x4] =	wrdreg $0x61000  }
0xb1: {  	[dreg:$0x5] =	wrdreg $0x9  }
0xb2: {  	_ =	task.clear_ibuf [dreg:s7], $0x6FFFF;
	_ =	strace $0x90000055  }
0xb3: {  	s29 =	simm.s32 $0x9;
	_ =	strace $0x80000057  }
0xb4: {  	_ =	swait.ge [sflag:s29], $0x1  }
0xb5: {  	[sflag:s29] =	ssyncadd.s32 $0xFFFFFFFF  }
0xb6: {  	_ =	strace $0x90000057  }
0xb7: {  	_ =	sfence  }
0xb8: {  	s30 =	sld [smem:$0x0];
	_ =	sdelay $0x2  }
0xb9: {  	s31 =	sshll.u32 s1, $0xD;
	s1 =	sshrl.u32 s1, $0x2  }
0xba: {  	s3 =	sand.u32 $0x4000, s31;
	s1 =	sadd.s32 s1, s30  }
0xbb: {  	s0 =	sor.u32 s3, s0;
	s1 =	sshll.u32 s1, $0x11  }
0xbc: {  	s0 =	sor.u32 s1, s0  }
0xbd: {  	s0 =	sadd.s32 $0x8F2B, s0  }
0xbe: {  	[sflag:s0] =	ssyncadd.remote.s32 $0x1  }
0xbf: {  	_ =	sfence.sel $0xFFFF  }
0xc0: {  	[dreg:$0x0] =	wrdreg $0xFFFFFFFF;
	(pc) =	sbr.abs _section_cstart, $3  }
0xc1: {  	[dreg:$0x1] =	wrdreg $0xFFFFFFFF  }
0xc2: {  	_ =	task.clear_ibuf [dreg:s7], $0x2FFFF;
	_ =	strace $0x9FFFFFFF  }
0xc3: {  	(tm) =	ssettm $0x7FFFFFFF  }
tec
execute0_lowered:
.L_overlay_start_1:
0x0: {  	(tag) =	ssettag $0x1  }
0x1: {  	s0 =	rddreg [dreg:$0x0]  }
0x2: {  	s1 =	rddreg [dreg:$0x1]  }
0x3: {  	s2 =	rddreg [dreg:$0x2];
	s3 =	simm.s32 $0x0  }
0x4: {  	s19 =	stileid.u32;
	s4 =	srdreg.scid;
	s23 =	simm.s32 $0x800  }
0x5: {  	s24 =	simm.s32 $0x50;
	s25 =	simm.s32 $0x1000;
	s28 =	simm.s32 $0x1  }
0x6: {  	s29 =	simm.s32 $0x1080;
	s30 =	simm.s32 $0x0;
	[smem:$0x7FF] =	sst s3  }
0x7: {  	s5 =	sadd.s32 $0x1000, s0;
	s6 =	sadd.s32 $0x32600, s0;
	s7 =	sadd.s32 $0xAE00, s0  }
0x8: {  	s8 =	smul.u32 $0x50000, s19;
	s0 =	sadd.s32 $0x3C400, s0;
	s4 =	sand.u32 $0x1, s4  }
0x9: {  	s9 =	sshll.u32 s19, $0x1;
	s26 =	smul.u32 $0x2800, s19;
	s20 =	sadd.s32 $0x12E800, s2  }
0xa: {  	s21 =	sadd.s32 $0x131000, s2;
	s22 =	sadd.s32 $0x133800, s2;
	p0 =	seq.s32 s19, $0xF  }
0xb: {  	_ =	strace $0x80000056;
	s10 =	ssub.s32 $0x2, s4;
	s18 =	smul.u32 $0x27100, s4  }
0xc: {  	s9 =	sor.u32 s4, s9;
	s4 =	smul.u32 $0x138800, s4;
	s11 =	sshrl.u32 s8, $0x2  }
0xd: {  	s17 =	sshrl.u32 s10, $0x1;
	s8 =	smul.u32 $0x2710, s9;
	s9 =	sadd.s32 s11, s2  }
0xe: {  	s10 =	ssub.s32 s10, s17;
	s17 =	sadd.s32 $0x12C000, s2;
	s11 =	sadd.s32 s26, s18  }
0xf: {  	s18 =	sadd.s32 $0x136000, s2;
	s4 =	sshrl.u32 s4, $0x3;
	s26 =	simm.s32 $0x1100  }
0x10: {  	s12 =	sadd.s32 $0x2800, s9;
	s31 =	sadd.s32 $0x5000, s9;
	s13 =	sadd.s32 $0xA000, s9  }
0x11: {  	s14 =	sadd.s32 $0xC800, s9;
	s15 =	sadd.s32 $0xF000, s9;
	[dreg:$0x4] =	wrdreg s12  }
0x12: {  	s16 =	sadd.s32 $0x11800, s9;
	s11 =	sadd.s32 s0, s11;
	[dreg:$0x5] =	wrdreg s31  }
0x13: {  	s0 =	sadd.s32 s0, s4;
	s12 =	sadd.s32 $0x7800, s9;
	[dreg:$0x6] =	wrdreg s11  }
0x14: {  	s19 =	sadd.s32 $0x25800, s0;
	s13 =	smov.u32 @p0 s20;
	s20 =	smax.u32 s10, $0x1  }
0x15: {  	v1 =	vlaneseq.u32;
	s14 =	smov.u32 @p0 s21;
	s15 =	smov.u32 @p0 s22;
	s16 =	smov.u32 @p0 s18  }
0x16: {  	v0 =	vimm.f32 $0.0e+00;
	v1 =	vmul.u32 $0x80, v1;
	s21 =	simm.s32 $0x3900;
	s22 =	simm.s32 $0x2;
	s12 =	smov.u32 @p0 s17  }
.LBB2_1:
0x17: {  	s0 =	simm.s32 $0x0;
	s4 =	simm.s32 $0x200  }
.LBB2_2:
0x18: {  	p1 =	sne.s32 s4, $0x9E00;
	[tilespmem:s0+$0x3970] =	vst v0  }
0x19: {  	[tilespmem:s0+$0x3900] =	vst v0  }
0x1a: {  	[tilespmem:s0+$0x3910] =	vst v0  }
.Ltmp0:
0x1b: {  	[tilespmem:s0+$0x3920] =	vst v0;
	(pc) =	sbr.rel @p1 .LBB2_2-.Ltmp0, $4  }
0x1c: {  	[tilespmem:s0+$0x3930] =	vst v0  }
0x1d: {  	[tilespmem:s0+$0x3940] =	vst v0  }
0x1e: {  	[tilespmem:s0+$0x3950] =	vst v0  }
0x1f: {  	[tilespmem:s0+$0x3960] =	vst v0;
	s0 =	sshra.s32 s4, $0x2;
	s4 =	sadd.s32 $0x200, s4  }
0x20: {  	[tilespmem:s0+$0x3970] =	vst v0  }
0x21: {  	[tilespmem:s0+$0x3900] =	vst v0  }
0x22: {  	[tilespmem:s0+$0x3910] =	vst v0  }
0x23: {  	[tilespmem:s0+$0x3920] =	vst v0  }
0x24: {  	[tilespmem:s0+$0x3930] =	vst v0  }
0x25: {  	[tilespmem:s0+$0x3940] =	vst v0  }
0x26: {  	[tilespmem:s0+$0x3950] =	vst v0  }
0x27: {  	[tilespmem:s0+$0x3960] =	vst v0;
	s0 =	simm.s32 @!p0 $0x3900;
	s4 =	simm.s32 @!p0 $0x2  }
0x28: {  	[spmem:s9] =	stream.linear.scatter @!p0 [tilespmem:s0], [sflag:$0x2], $0x2800, $0x38;
	[tilespmem:$0x1A180] =	vst v63  }
0x29: {  	_ =	swait.ge @!p0 [sflag:s4], $0x2800  }
0x2a: {  	[sflag:s4] =	ssyncset.done @!p0 $0x0  }
0x2b: {  	s10 =	rddreg [dreg:$0x4];
	[sflag:s4] =	ssyncadd.s32 @!p0 $0xFFFFD800  }
0x2c: {  	[spmem:s10] =	stream.linear.scatter @!p0 [tilespmem:s0], [sflag:$0x2], $0x2800, $0x38;
	[tilespmem:$0x1A180] =	vst v63  }
0x2d: {  	_ =	swait.ge @!p0 [sflag:s4], $0x2800  }
0x2e: {  	[sflag:s4] =	ssyncset.done @!p0 $0x0  }
0x2f: {  	s10 =	rddreg [dreg:$0x5];
	[sflag:s4] =	ssyncadd.s32 @!p0 $0xFFFFD800  }
0x30: {  	[spmem:s10] =	stream.linear.scatter @!p0 [tilespmem:s0], [sflag:$0x2], $0x2800, $0x38;
	[tilespmem:$0x1A180] =	vst v63  }
0x31: {  	_ =	swait.ge @!p0 [sflag:s4], $0x2800  }
0x32: {  	[sflag:s4] =	ssyncset.done @!p0 $0x0  }
0x33: {  	[sflag:s4] =	ssyncadd.s32 @!p0 $0xFFFFD800  }
0x34: {  	[spmem:s12] =	stream.linear.scatter [tilespmem:s21], [sflag:$0x2], $0x2800, $0x38;
	[tilespmem:$0x1A180] =	vst v63  }
0x35: {  	_ =	swait.ge [sflag:s22], $0x2800  }
0x36: {  	[sflag:s22] =	ssyncset.done $0x0  }
0x37: {  	[sflag:s22] =	ssyncadd.s32 $0xFFFFD800  }
0x38: {  	[spmem:s13] =	stream.linear.scatter [tilespmem:s21], [sflag:$0x2], $0x2800, $0x38;
	[tilespmem:$0x1A180] =	vst v63  }
0x39: {  	_ =	swait.ge [sflag:s22], $0x2800  }
0x3a: {  	[sflag:s22] =	ssyncset.done $0x0  }
0x3b: {  	[sflag:s22] =	ssyncadd.s32 $0xFFFFD800  }
0x3c: {  	[spmem:s14] =	stream.linear.scatter [tilespmem:s21], [sflag:$0x2], $0x2800, $0x38;
	[tilespmem:$0x1A180] =	vst v63  }
0x3d: {  	_ =	swait.ge [sflag:s22], $0x2800  }
0x3e: {  	[sflag:s22] =	ssyncset.done $0x0  }
0x3f: {  	[sflag:s22] =	ssyncadd.s32 $0xFFFFD800  }
0x40: {  	[spmem:s15] =	stream.linear.scatter [tilespmem:s21], [sflag:$0x2], $0x2800, $0x38;
	[tilespmem:$0x1A180] =	vst v63  }
0x41: {  	_ =	swait.ge [sflag:s22], $0x2800  }
0x42: {  	[sflag:s22] =	ssyncset.done $0x0  }
0x43: {  	[sflag:s22] =	ssyncadd.s32 $0xFFFFD800  }
0x44: {  	[spmem:s16] =	stream.linear.scatter [tilespmem:s21], [sflag:$0x2], $0x2800, $0x38;
	[tilespmem:$0x1A180] =	vst v63  }
0x45: {  	_ =	swait.ge [sflag:s22], $0x2800  }
0x46: {  	[sflag:s22] =	ssyncset.done $0x0  }
0x47: {  	[sflag:s22] =	ssyncadd.s32 $0xFFFFD800  }
0x48: {  	s31 =	simm.s32 $0x0;
	[bflag:$0x0] =	sbarrier.arrive $0xFFFF  }
.LBB2_4:
0x49: {  	s0 =	smul.u32 $0x7D0, s31;
	_ =	sdelay $0x1  }
0x4a: {  	s0 =	sadd.s32 s8, s0  }
0x4b: {  	s0 =	sshrl.u32 s0, $0x3  }
0x4c: {  	s4 =	sadd.s32 s5, s0  }
0x4d: {  	[tilespmem:s30], [sflag:$0x2] =	stream.linear.gather [hbm4b:s4+s30], $0x7D0, $0x38;
	[tilespmem:$0x1A180] =	vst v63  }
0x4e: {  	_ =	swait.ge [sflag:s22], $0x7D0  }
0x4f: {  	[sflag:s22] =	ssyncset.done $0x0  }
0x50: {  	s18 =	sadd.s32 s1, s0;
	[sflag:s22] =	ssyncadd.s32 $0xFFFFF830  }
0x51: {  	[tilespmem:s23], [sflag:$0x2] =	stream.linear.gather [hbm4b:s18+s30], $0x7D0, $0x38;
	[tilespmem:$0x1A180] =	vst v63  }
0x52: {  	_ =	swait.ge [sflag:s22], $0x7D0  }
0x53: {  	[sflag:s22] =	ssyncset.done $0x0  }
0x54: {  	s11 =	simm.s32 $0x19980;
	s0 =	sadd.s32 s6, s0;
	[sflag:s22] =	ssyncadd.s32 $0xFFFFF830  }
0x55: {  	[tilespmem:s11], [sflag:$0x2] =	stream.linear.gather [hbm4b:s0+s30], $0x7D0, $0x38;
	[tilespmem:$0x1A180] =	vst v63  }
0x56: {  	_ =	swait.ge [sflag:s22], $0x7D0  }
0x57: {  	[sflag:s22] =	ssyncset.done $0x0  }
0x58: {  	s4 =	simm.s32 $0x0;
	[sflag:s22] =	ssyncadd.s32 $0xFFFFF830  }
.LBB2_5:
0x59: {  	s0 =	smul.u32 $0x50, s4;
	_ =	sdelay $0x1  }
0x5a: {  	v2 =	vld [tilespmem:s0+$0x0];
	_ =	sdelay $0x4  }
0x5b: {  	[tilespmem:$0x1000] =	vst v2  }
0x5c: {  	v2 =	vld [tilespmem:s0+$0x800];
	_ =	sdelay $0x4  }
0x5d: {  	[tilespmem:$0x1080] =	vst v2  }
0x5e: {  	v2 =	vld [tilespmem:s0+$0x10];
	_ =	sdelay $0x4  }
0x5f: {  	[tilespmem:$0x1010] =	vst v2  }
0x60: {  	v2 =	vld [tilespmem:s0+$0x810];
	_ =	sdelay $0x4  }
0x61: {  	[tilespmem:$0x1090] =	vst v2  }
0x62: {  	v2 =	vld [tilespmem:s0+$0x20];
	_ =	sdelay $0x4  }
0x63: {  	[tilespmem:$0x1020] =	vst v2  }
0x64: {  	v2 =	vld [tilespmem:s0+$0x820];
	_ =	sdelay $0x4  }
0x65: {  	[tilespmem:$0x10A0] =	vst v2  }
0x66: {  	v2 =	vld [tilespmem:s0+$0x30];
	_ =	sdelay $0x4  }
0x67: {  	[tilespmem:$0x1030] =	vst v2  }
0x68: {  	v2 =	vld [tilespmem:s0+$0x830];
	_ =	sdelay $0x4  }
0x69: {  	[tilespmem:$0x10B0] =	vst v2  }
0x6a: {  	v2 =	vld [tilespmem:s0+$0x40];
	_ =	sdelay $0x4  }
0x6b: {  	[tilespmem:$0x1040] =	vst v2  }
0x6c: {  	v2 =	vld [tilespmem:s0+$0x840];
	_ =	sdelay $0x1  }
0x6d: {  	s10 =	simm.s32 $0x0  }
0x6e: {  	v3 =	vmov s10  }
0x6f: {  	v3 =	vshll.u32 v3, $0x7  }
0x70: {  	[tilespmem:$0x10C0] =	vst v2;
	v2 =	vor.u32 v1, v3  }
0x71: {  	[tilespmem:s26], [sflag:$0x1] =	stream.indirect.gather [hbm4b:s7+s24], $0x80, s25, s24, $0xb8;
	[tilespmem:$0x1A180] =	vst v63  }
0x72: {  	_ =	swait.ge [sflag:s28], $0x2800  }
0x73: {  	[sflag:s28] =	ssyncset.done $0x0  }
0x74: {  	[sflag:s28] =	ssyncadd.s32 $0xFFFFD800  }
0x75: {  	v4 =	vld.idx.msk [tilespmem:v2+s26+$0x0], $0xffff  }
0x76: {  	v3 =	vld [tilespmem:s11+$0x0];
	_ =	sdelay $0x2  }
0x77: {  	v5 =	vor.u32 $0x1, v2;
	_ =	sdelay $0x1  }
0x78: {  	v4 =	vmul.f32 v4, v3;
	_ =	sdelay $0x1  }
0x79: {  	[tilespmem:v2+s21+$0x0] =	vst.idx.msk $0xffff, v4  }
0x7a: {  	v4 =	vld.idx.msk [tilespmem:v5+s26+$0x0], $0xffff;
	_ =	sdelay $0x2  }
0x7b: {  	v6 =	vor.u32 $0x2, v2;
	_ =	sdelay $0x1  }
0x7c: {  	v4 =	vmul.f32 v4, v3;
	_ =	sdelay $0x1  }
0x7d: {  	[tilespmem:v5+s21+$0x0] =	vst.idx.msk $0xffff, v4  }
0x7e: {  	v4 =	vld.idx.msk [tilespmem:v6+s26+$0x0], $0xffff;
	_ =	sdelay $0x2  }
0x7f: {  	v5 =	vor.u32 $0x3, v2;
	_ =	sdelay $0x1  }
0x80: {  	v4 =	vmul.f32 v4, v3;
	_ =	sdelay $0x1  }
0x81: {  	[tilespmem:v6+s21+$0x0] =	vst.idx.msk $0xffff, v4  }
0x82: {  	v4 =	vld.idx.msk [tilespmem:v5+s26+$0x0], $0xffff;
	_ =	sdelay $0x2  }
0x83: {  	v6 =	vor.u32 $0x4, v2;
	_ =	sdelay $0x1  }
0x84: {  	v4 =	vmul.f32 v4, v3;
	_ =	sdelay $0x1  }
0x85: {  	[tilespmem:v5+s21+$0x0] =	vst.idx.msk $0xffff, v4  }
0x86: {  	v4 =	vld.idx.msk [tilespmem:v6+s26+$0x0], $0xffff;
	_ =	sdelay $0x2  }
0x87: {  	v5 =	vor.u32 $0x5, v2;
	_ =	sdelay $0x1  }
0x88: {  	v4 =	vmul.f32 v4, v3;
	_ =	sdelay $0x1  }
0x89: {  	[tilespmem:v6+s21+$0x0] =	vst.idx.msk $0xffff, v4  }
0x8a: {  	v4 =	vld.idx.msk [tilespmem:v5+s26+$0x0], $0xffff;
	_ =	sdelay $0x2  }
0x8b: {  	v6 =	vor.u32 $0x6, v2;
	_ =	sdelay $0x1  }
0x8c: {  	v4 =	vmul.f32 v4, v3;
	_ =	sdelay $0x1  }
0x8d: {  	[tilespmem:v5+s21+$0x0] =	vst.idx.msk $0xffff, v4  }
0x8e: {  	v4 =	vld.idx.msk [tilespmem:v6+s26+$0x0], $0xffff;
	_ =	sdelay $0x2  }
0x8f: {  	v5 =	vor.u32 $0x7, v2;
	_ =	sdelay $0x1  }
0x90: {  	v4 =	vmul.f32 v4, v3;
	_ =	sdelay $0x1  }
0x91: {  	[tilespmem:v6+s21+$0x0] =	vst.idx.msk $0xffff, v4  }
0x92: {  	v4 =	vld.idx.msk [tilespmem:v5+s26+$0x0], $0xffff;
	_ =	sdelay $0x2  }
0x93: {  	v6 =	vor.u32 $0x8, v2;
	_ =	sdelay $0x1  }
0x94: {  	v4 =	vmul.f32 v4, v3;
	_ =	sdelay $0x1  }
0x95: {  	[tilespmem:v5+s21+$0x0] =	vst.idx.msk $0xffff, v4  }
0x96: {  	v4 =	vld.idx.msk [tilespmem:v6+s26+$0x0], $0xffff;
	_ =	sdelay $0x2  }
0x97: {  	v5 =	vor.u32 $0x9, v2;
	_ =	sdelay $0x1  }
0x98: {  	v4 =	vmul.f32 v4, v3;
	_ =	sdelay $0x1  }
0x99: {  	[tilespmem:v6+s21+$0x0] =	vst.idx.msk $0xffff, v4  }
0x9a: {  	v4 =	vld.idx.msk [tilespmem:v5+s26+$0x0], $0xffff;
	_ =	sdelay $0x2  }
0x9b: {  	v6 =	vor.u32 $0xA, v2;
	_ =	sdelay $0x1  }
0x9c: {  	v4 =	vmul.f32 v4, v3;
	_ =	sdelay $0x1  }
0x9d: {  	[tilespmem:v5+s21+$0x0] =	vst.idx.msk $0xffff, v4  }
0x9e: {  	v4 =	vld.idx.msk [tilespmem:v6+s26+$0x0], $0xffff;
	_ =	sdelay $0x2  }
0x9f: {  	v5 =	vor.u32 $0xB, v2;
	_ =	sdelay $0x1  }
0xa0: {  	v4 =	vmul.f32 v4, v3;
	_ =	sdelay $0x1  }
0xa1: {  	[tilespmem:v6+s21+$0x0] =	vst.idx.msk $0xffff, v4  }
0xa2: {  	v4 =	vld.idx.msk [tilespmem:v5+s26+$0x0], $0xffff;
	_ =	sdelay $0x2  }
0xa3: {  	v6 =	vor.u32 $0xC, v2;
	_ =	sdelay $0x1  }
0xa4: {  	v4 =	vmul.f32 v4, v3;
	_ =	sdelay $0x1  }
0xa5: {  	[tilespmem:v5+s21+$0x0] =	vst.idx.msk $0xffff, v4  }
0xa6: {  	v4 =	vld.idx.msk [tilespmem:v6+s26+$0x0], $0xffff;
	_ =	sdelay $0x2  }
0xa7: {  	v5 =	vor.u32 $0xD, v2;
	_ =	sdelay $0x1  }
0xa8: {  	v4 =	vmul.f32 v4, v3;
	_ =	sdelay $0x1  }
0xa9: {  	[tilespmem:v6+s21+$0x0] =	vst.idx.msk $0xffff, v4  }
0xaa: {  	v4 =	vld.idx.msk [tilespmem:v5+s26+$0x0], $0xffff;
	_ =	sdelay $0x2  }
0xab: {  	v6 =	vor.u32 $0xE, v2;
	_ =	sdelay $0x1  }
0xac: {  	v4 =	vmul.f32 v4, v3;
	_ =	sdelay $0x1  }
0xad: {  	[tilespmem:v5+s21+$0x0] =	vst.idx.msk $0xffff, v4  }
0xae: {  	v4 =	vld.idx.msk [tilespmem:v6+s26+$0x0], $0xffff;
	_ =	sdelay $0x2  }
0xaf: {  	v5 =	vor.u32 $0xF, v2;
	_ =	sdelay $0x1  }
0xb0: {  	v4 =	vmul.f32 v4, v3;
	_ =	sdelay $0x1  }
0xb1: {  	[tilespmem:v6+s21+$0x0] =	vst.idx.msk $0xffff, v4  }
0xb2: {  	v4 =	vld.idx.msk [tilespmem:v5+s26+$0x0], $0xffff;
	_ =	sdelay $0x2  }
0xb3: {  	v6 =	vor.u32 $0x10, v2;
	_ =	sdelay $0x1  }
0xb4: {  	v4 =	vmul.f32 v4, v3;
	_ =	sdelay $0x1  }
0xb5: {  	[tilespmem:v5+s21+$0x0] =	vst.idx.msk $0xffff, v4  }
0xb6: {  	v4 =	vld.idx.msk [tilespmem:v6+s26+$0x0], $0xffff;
	_ =	sdelay $0x2  }
0xb7: {  	v5 =	vor.u32 $0x11, v2;
	_ =	sdelay $0x1  }
0xb8: {  	v4 =	vmul.f32 v4, v3;
	_ =	sdelay $0x1  }
0xb9: {  	[tilespmem:v6+s21+$0x0] =	vst.idx.msk $0xffff, v4  }
0xba: {  	v4 =	vld.idx.msk [tilespmem:v5+s26+$0x0], $0xffff;
	_ =	sdelay $0x2  }
0xbb: {  	v6 =	vor.u32 $0x12, v2;
	_ =	sdelay $0x1  }
0xbc: {  	v4 =	vmul.f32 v4, v3;
	_ =	sdelay $0x1  }
0xbd: {  	[tilespmem:v5+s21+$0x0] =	vst.idx.msk $0xffff, v4  }
0xbe: {  	v4 =	vld.idx.msk [tilespmem:v6+s26+$0x0], $0xffff;
	_ =	sdelay $0x2  }
0xbf: {  	v5 =	vor.u32 $0x13, v2;
	_ =	sdelay $0x1  }
0xc0: {  	v4 =	vmul.f32 v4, v3;
	_ =	sdelay $0x1  }
0xc1: {  	[tilespmem:v6+s21+$0x0] =	vst.idx.msk $0xffff, v4  }
0xc2: {  	v4 =	vld.idx.msk [tilespmem:v5+s26+$0x0], $0xffff;
	_ =	sdelay $0x2  }
0xc3: {  	v6 =	vor.u32 $0x14, v2;
	_ =	sdelay $0x1  }
0xc4: {  	v4 =	vmul.f32 v4, v3;
	_ =	sdelay $0x1  }
0xc5: {  	[tilespmem:v5+s21+$0x0] =	vst.idx.msk $0xffff, v4  }
0xc6: {  	v4 =	vld.idx.msk [tilespmem:v6+s26+$0x0], $0xffff;
	_ =	sdelay $0x2  }
0xc7: {  	v5 =	vor.u32 $0x15, v2;
	_ =	sdelay $0x1  }
0xc8: {  	v4 =	vmul.f32 v4, v3;
	_ =	sdelay $0x1  }
0xc9: {  	[tilespmem:v6+s21+$0x0] =	vst.idx.msk $0xffff, v4  }
0xca: {  	v4 =	vld.idx.msk [tilespmem:v5+s26+$0x0], $0xffff;
	_ =	sdelay $0x2  }
0xcb: {  	v6 =	vor.u32 $0x16, v2;
	_ =	sdelay $0x1  }
0xcc: {  	v4 =	vmul.f32 v4, v3;
	_ =	sdelay $0x1  }
0xcd: {  	[tilespmem:v5+s21+$0x0] =	vst.idx.msk $0xffff, v4  }
0xce: {  	v4 =	vld.idx.msk [tilespmem:v6+s26+$0x0], $0xffff;
	_ =	sdelay $0x2  }
0xcf: {  	v5 =	vor.u32 $0x17, v2;
	_ =	sdelay $0x1  }
0xd0: {  	v4 =	vmul.f32 v4, v3;
	_ =	sdelay $0x1  }
0xd1: {  	[tilespmem:v6+s21+$0x0] =	vst.idx.msk $0xffff, v4  }
0xd2: {  	v4 =	vld.idx.msk [tilespmem:v5+s26+$0x0], $0xffff;
	_ =	sdelay $0x2  }
0xd3: {  	v6 =	vor.u32 $0x18, v2;
	_ =	sdelay $0x1  }
0xd4: {  	v4 =	vmul.f32 v4, v3;
	_ =	sdelay $0x1  }
0xd5: {  	[tilespmem:v5+s21+$0x0] =	vst.idx.msk $0xffff, v4  }
0xd6: {  	v4 =	vld.idx.msk [tilespmem:v6+s26+$0x0], $0xffff;
	_ =	sdelay $0x2  }
0xd7: {  	v5 =	vor.u32 $0x19, v2;
	_ =	sdelay $0x1  }
0xd8: {  	v4 =	vmul.f32 v4, v3;
	_ =	sdelay $0x1  }
0xd9: {  	[tilespmem:v6+s21+$0x0] =	vst.idx.msk $0xffff, v4  }
0xda: {  	v4 =	vld.idx.msk [tilespmem:v5+s26+$0x0], $0xffff;
	_ =	sdelay $0x2  }
0xdb: {  	v6 =	vor.u32 $0x1A, v2;
	_ =	sdelay $0x1  }
0xdc: {  	v4 =	vmul.f32 v4, v3;
	_ =	sdelay $0x1  }
0xdd: {  	[tilespmem:v5+s21+$0x0] =	vst.idx.msk $0xffff, v4  }
0xde: {  	v4 =	vld.idx.msk [tilespmem:v6+s26+$0x0], $0xffff;
	_ =	sdelay $0x2  }
0xdf: {  	v5 =	vor.u32 $0x1B, v2;
	_ =	sdelay $0x1  }
0xe0: {  	v4 =	vmul.f32 v4, v3;
	_ =	sdelay $0x1  }
0xe1: {  	[tilespmem:v6+s21+$0x0] =	vst.idx.msk $0xffff, v4  }
0xe2: {  	v4 =	vld.idx.msk [tilespmem:v5+s26+$0x0], $0xffff;
	_ =	sdelay $0x2  }
0xe3: {  	v6 =	vor.u32 $0x1C, v2;
	_ =	sdelay $0x1  }
0xe4: {  	v4 =	vmul.f32 v4, v3;
	_ =	sdelay $0x1  }
0xe5: {  	[tilespmem:v5+s21+$0x0] =	vst.idx.msk $0xffff, v4  }
0xe6: {  	v4 =	vld.idx.msk [tilespmem:v6+s26+$0x0], $0xffff;
	_ =	sdelay $0x2  }
0xe7: {  	v5 =	vor.u32 $0x1D, v2;
	_ =	sdelay $0x1  }
0xe8: {  	v4 =	vmul.f32 v4, v3;
	_ =	sdelay $0x1  }
0xe9: {  	[tilespmem:v6+s21+$0x0] =	vst.idx.msk $0xffff, v4  }
0xea: {  	v4 =	vld.idx.msk [tilespmem:v5+s26+$0x0], $0xffff;
	_ =	sdelay $0x2  }
0xeb: {  	v6 =	vor.u32 $0x1E, v2;
	_ =	sdelay $0x1  }
0xec: {  	v4 =	vmul.f32 v4, v3;
	_ =	sdelay $0x1  }
0xed: {  	[tilespmem:v5+s21+$0x0] =	vst.idx.msk $0xffff, v4  }
0xee: {  	v5 =	vld.idx.msk [tilespmem:v6+s26+$0x0], $0xffff;
	_ =	sdelay $0x2  }
0xef: {  	v4 =	vor.u32 $0x1F, v2;
	_ =	sdelay $0x1  }
0xf0: {  	v2 =	vmul.f32 v5, v3;
	_ =	sdelay $0x1  }
0xf1: {  	[tilespmem:v6+s21+$0x0] =	vst.idx.msk $0xffff, v2  }
0xf2: {  	s18 =	simm.s32 $0x10;
	v5 =	vld.idx.msk [tilespmem:v4+s26+$0x0], $0xffff  }
0xf3: {  	v2 =	vmov s18  }
0xf4: {  	v2 =	vshll.u32 v2, $0x7  }
0xf5: {  	v2 =	vor.u32 v1, v2;
	_ =	sdelay $0x1  }
0xf6: {  	s10 =	simm.s32 $0x20;
	s0 =	smov.u32 s11;
	v3 =	vmul.f32 v5, v3  }
.LBB2_6:
0xf7: {  	p1 =	sne.s32 s10, $0x40  }
0xf8: {  	s0 =	sadd.s32 $0x10, s0;
	s18 =	smov.u32 s10;
	s10 =	sadd.s32 $0x10, s10;
	[tilespmem:v4+s21+$0x0] =	vst.idx.msk $0xffff, v3  }
0xf9: {  	v4 =	vld.idx.msk [tilespmem:v2+s26+$0x0], $0xffff  }
0xfa: {  	v3 =	vld [tilespmem:s0+$0x0];
	_ =	sdelay $0x2  }
0xfb: {  	v5 =	vor.u32 $0x1, v2;
	_ =	sdelay $0x1  }
0xfc: {  	v4 =	vmul.f32 v4, v3;
	_ =	sdelay $0x1  }
0xfd: {  	[tilespmem:v2+s21+$0x0] =	vst.idx.msk $0xffff, v4  }
0xfe: {  	v4 =	vld.idx.msk [tilespmem:v5+s26+$0x0], $0xffff;
	_ =	sdelay $0x3  }
0xff: {  	v6 =	vor.u32 $0x2, v2;
	_ =	sdelay $0x1  }
0x100: {  	v4 =	vmul.f32 v4, v3;
	_ =	sdelay $0x1  }
0x101: {  	[tilespmem:v5+s21+$0x0] =	vst.idx.msk $0xffff, v4  }
0x102: {  	v4 =	vld.idx.msk [tilespmem:v6+s26+$0x0], $0xffff;
	_ =	sdelay $0x3  }
0x103: {  	v5 =	vor.u32 $0x3, v2;
	_ =	sdelay $0x1  }
0x104: {  	v4 =	vmul.f32 v4, v3;
	_ =	sdelay $0x1  }
0x105: {  	[tilespmem:v6+s21+$0x0] =	vst.idx.msk $0xffff, v4  }
0x106: {  	v4 =	vld.idx.msk [tilespmem:v5+s26+$0x0], $0xffff;
	_ =	sdelay $0x3  }
0x107: {  	v6 =	vor.u32 $0x4, v2;
	_ =	sdelay $0x1  }
0x108: {  	v4 =	vmul.f32 v4, v3;
	_ =	sdelay $0x1  }
0x109: {  	[tilespmem:v5+s21+$0x0] =	vst.idx.msk $0xffff, v4  }
0x10a: {  	v4 =	vld.idx.msk [tilespmem:v6+s26+$0x0], $0xffff;
	_ =	sdelay $0x3  }
0x10b: {  	v5 =	vor.u32 $0x5, v2;
	_ =	sdelay $0x1  }
0x10c: {  	v4 =	vmul.f32 v4, v3;
	_ =	sdelay $0x1  }
0x10d: {  	[tilespmem:v6+s21+$0x0] =	vst.idx.msk $0xffff, v4  }
0x10e: {  	v4 =	vld.idx.msk [tilespmem:v5+s26+$0x0], $0xffff;
	_ =	sdelay $0x3  }
0x10f: {  	v6 =	vor.u32 $0x6, v2;
	_ =	sdelay $0x1  }
0x110: {  	v4 =	vmul.f32 v4, v3;
	_ =	sdelay $0x1  }
0x111: {  	[tilespmem:v5+s21+$0x0] =	vst.idx.msk $0xffff, v4  }
0x112: {  	v4 =	vld.idx.msk [tilespmem:v6+s26+$0x0], $0xffff;
	_ =	sdelay $0x3  }
0x113: {  	v5 =	vor.u32 $0x7, v2;
	_ =	sdelay $0x1  }
0x114: {  	v4 =	vmul.f32 v4, v3;
	_ =	sdelay $0x1  }
0x115: {  	[tilespmem:v6+s21+$0x0] =	vst.idx.msk $0xffff, v4  }
0x116: {  	v4 =	vld.idx.msk [tilespmem:v5+s26+$0x0], $0xffff;
	_ =	sdelay $0x3  }
0x117: {  	v6 =	vor.u32 $0x8, v2;
	_ =	sdelay $0x1  }
0x118: {  	v4 =	vmul.f32 v4, v3;
	_ =	sdelay $0x1  }
0x119: {  	[tilespmem:v5+s21+$0x0] =	vst.idx.msk $0xffff, v4  }
0x11a: {  	v4 =	vld.idx.msk [tilespmem:v6+s26+$0x0], $0xffff;
	_ =	sdelay $0x3  }
0x11b: {  	v5 =	vor.u32 $0x9, v2;
	_ =	sdelay $0x1  }
0x11c: {  	v4 =	vmul.f32 v4, v3;
	_ =	sdelay $0x1  }
0x11d: {  	[tilespmem:v6+s21+$0x0] =	vst.idx.msk $0xffff, v4  }
0x11e: {  	v4 =	vld.idx.msk [tilespmem:v5+s26+$0x0], $0xffff;
	_ =	sdelay $0x3  }
0x11f: {  	v6 =	vor.u32 $0xA, v2;
	_ =	sdelay $0x1  }
0x120: {  	v4 =	vmul.f32 v4, v3;
	_ =	sdelay $0x1  }
0x121: {  	[tilespmem:v5+s21+$0x0] =	vst.idx.msk $0xffff, v4  }
0x122: {  	v4 =	vld.idx.msk [tilespmem:v6+s26+$0x0], $0xffff;
	_ =	sdelay $0x3  }
0x123: {  	v5 =	vor.u32 $0xB, v2;
	_ =	sdelay $0x1  }
0x124: {  	v4 =	vmul.f32 v4, v3;
	_ =	sdelay $0x1  }
0x125: {  	[tilespmem:v6+s21+$0x0] =	vst.idx.msk $0xffff, v4  }
0x126: {  	v4 =	vld.idx.msk [tilespmem:v5+s26+$0x0], $0xffff;
	_ =	sdelay $0x3  }
0x127: {  	v6 =	vor.u32 $0xC, v2;
	_ =	sdelay $0x1  }
0x128: {  	v4 =	vmul.f32 v4, v3;
	_ =	sdelay $0x1  }
0x129: {  	[tilespmem:v5+s21+$0x0] =	vst.idx.msk $0xffff, v4  }
0x12a: {  	v4 =	vld.idx.msk [tilespmem:v6+s26+$0x0], $0xffff;
	_ =	sdelay $0x3  }
0x12b: {  	v5 =	vor.u32 $0xD, v2;
	_ =	sdelay $0x1  }
0x12c: {  	v4 =	vmul.f32 v4, v3;
	_ =	sdelay $0x1  }
0x12d: {  	[tilespmem:v6+s21+$0x0] =	vst.idx.msk $0xffff, v4  }
0x12e: {  	v4 =	vld.idx.msk [tilespmem:v5+s26+$0x0], $0xffff;
	_ =	sdelay $0x3  }
0x12f: {  	v6 =	vor.u32 $0xE, v2;
	_ =	sdelay $0x1  }
0x130: {  	v4 =	vmul.f32 v4, v3;
	_ =	sdelay $0x1  }
0x131: {  	[tilespmem:v5+s21+$0x0] =	vst.idx.msk $0xffff, v4  }
0x132: {  	v4 =	vld.idx.msk [tilespmem:v6+s26+$0x0], $0xffff;
	_ =	sdelay $0x3  }
0x133: {  	v5 =	vor.u32 $0xF, v2;
	_ =	sdelay $0x1  }
0x134: {  	v4 =	vmul.f32 v4, v3;
	_ =	sdelay $0x1  }
0x135: {  	[tilespmem:v6+s21+$0x0] =	vst.idx.msk $0xffff, v4  }
0x136: {  	v4 =	vld.idx.msk [tilespmem:v5+s26+$0x0], $0xffff;
	_ =	sdelay $0x3  }
0x137: {  	v6 =	vor.u32 $0x10, v2;
	_ =	sdelay $0x1  }
0x138: {  	v4 =	vmul.f32 v4, v3;
	_ =	sdelay $0x1  }
0x139: {  	[tilespmem:v5+s21+$0x0] =	vst.idx.msk $0xffff, v4  }
0x13a: {  	v4 =	vld.idx.msk [tilespmem:v6+s26+$0x0], $0xffff;
	_ =	sdelay $0x3  }
0x13b: {  	v5 =	vor.u32 $0x11, v2;
	_ =	sdelay $0x1  }
0x13c: {  	v4 =	vmul.f32 v4, v3;
	_ =	sdelay $0x1  }
0x13d: {  	[tilespmem:v6+s21+$0x0] =	vst.idx.msk $0xffff, v4  }
0x13e: {  	v4 =	vld.idx.msk [tilespmem:v5+s26+$0x0], $0xffff;
	_ =	sdelay $0x3  }
0x13f: {  	v6 =	vor.u32 $0x12, v2;
	_ =	sdelay $0x1  }
0x140: {  	v4 =	vmul.f32 v4, v3;
	_ =	sdelay $0x1  }
0x141: {  	[tilespmem:v5+s21+$0x0] =	vst.idx.msk $0xffff, v4  }
0x142: {  	v4 =	vld.idx.msk [tilespmem:v6+s26+$0x0], $0xffff;
	_ =	sdelay $0x3  }
0x143: {  	v5 =	vor.u32 $0x13, v2;
	_ =	sdelay $0x1  }
0x144: {  	v4 =	vmul.f32 v4, v3;
	_ =	sdelay $0x1  }
0x145: {  	[tilespmem:v6+s21+$0x0] =	vst.idx.msk $0xffff, v4  }
0x146: {  	v4 =	vld.idx.msk [tilespmem:v5+s26+$0x0], $0xffff;
	_ =	sdelay $0x3  }
0x147: {  	v6 =	vor.u32 $0x14, v2;
	_ =	sdelay $0x1  }
0x148: {  	v4 =	vmul.f32 v4, v3;
	_ =	sdelay $0x1  }
0x149: {  	[tilespmem:v5+s21+$0x0] =	vst.idx.msk $0xffff, v4  }
0x14a: {  	v4 =	vld.idx.msk [tilespmem:v6+s26+$0x0], $0xffff;
	_ =	sdelay $0x3  }
0x14b: {  	v5 =	vor.u32 $0x15, v2;
	_ =	sdelay $0x1  }
0x14c: {  	v4 =	vmul.f32 v4, v3;
	_ =	sdelay $0x1  }
0x14d: {  	[tilespmem:v6+s21+$0x0] =	vst.idx.msk $0xffff, v4  }
0x14e: {  	v4 =	vld.idx.msk [tilespmem:v5+s26+$0x0], $0xffff;
	_ =	sdelay $0x3  }
0x14f: {  	v6 =	vor.u32 $0x16, v2;
	_ =	sdelay $0x1  }
0x150: {  	v4 =	vmul.f32 v4, v3;
	_ =	sdelay $0x1  }
0x151: {  	[tilespmem:v5+s21+$0x0] =	vst.idx.msk $0xffff, v4  }
0x152: {  	v4 =	vld.idx.msk [tilespmem:v6+s26+$0x0], $0xffff;
	_ =	sdelay $0x3  }
0x153: {  	v5 =	vor.u32 $0x17, v2;
	_ =	sdelay $0x1  }
0x154: {  	v4 =	vmul.f32 v4, v3;
	_ =	sdelay $0x1  }
0x155: {  	[tilespmem:v6+s21+$0x0] =	vst.idx.msk $0xffff, v4  }
0x156: {  	v4 =	vld.idx.msk [tilespmem:v5+s26+$0x0], $0xffff;
	_ =	sdelay $0x3  }
0x157: {  	v6 =	vor.u32 $0x18, v2;
	_ =	sdelay $0x1  }
0x158: {  	v4 =	vmul.f32 v4, v3;
	_ =	sdelay $0x1  }
0x159: {  	[tilespmem:v5+s21+$0x0] =	vst.idx.msk $0xffff, v4  }
0x15a: {  	v4 =	vld.idx.msk [tilespmem:v6+s26+$0x0], $0xffff;
	_ =	sdelay $0x3  }
0x15b: {  	v5 =	vor.u32 $0x19, v2;
	_ =	sdelay $0x1  }
0x15c: {  	v4 =	vmul.f32 v4, v3;
	_ =	sdelay $0x1  }
0x15d: {  	[tilespmem:v6+s21+$0x0] =	vst.idx.msk $0xffff, v4  }
0x15e: {  	v4 =	vld.idx.msk [tilespmem:v5+s26+$0x0], $0xffff;
	_ =	sdelay $0x3  }
0x15f: {  	v6 =	vor.u32 $0x1A, v2;
	_ =	sdelay $0x1  }
0x160: {  	v4 =	vmul.f32 v4, v3;
	_ =	sdelay $0x1  }
0x161: {  	[tilespmem:v5+s21+$0x0] =	vst.idx.msk $0xffff, v4  }
0x162: {  	v4 =	vld.idx.msk [tilespmem:v6+s26+$0x0], $0xffff;
	_ =	sdelay $0x3  }
0x163: {  	v5 =	vor.u32 $0x1B, v2;
	_ =	sdelay $0x1  }
0x164: {  	v4 =	vmul.f32 v4, v3;
	_ =	sdelay $0x1  }
0x165: {  	[tilespmem:v6+s21+$0x0] =	vst.idx.msk $0xffff, v4  }
0x166: {  	v4 =	vld.idx.msk [tilespmem:v5+s26+$0x0], $0xffff;
	_ =	sdelay $0x3  }
0x167: {  	v6 =	vor.u32 $0x1C, v2;
	_ =	sdelay $0x1  }
0x168: {  	v4 =	vmul.f32 v4, v3;
	_ =	sdelay $0x1  }
0x169: {  	[tilespmem:v5+s21+$0x0] =	vst.idx.msk $0xffff, v4  }
0x16a: {  	v4 =	vld.idx.msk [tilespmem:v6+s26+$0x0], $0xffff;
	_ =	sdelay $0x3  }
0x16b: {  	v5 =	vor.u32 $0x1D, v2;
	_ =	sdelay $0x1  }
0x16c: {  	v4 =	vmul.f32 v4, v3;
	_ =	sdelay $0x1  }
0x16d: {  	[tilespmem:v6+s21+$0x0] =	vst.idx.msk $0xffff, v4  }
0x16e: {  	v4 =	vld.idx.msk [tilespmem:v5+s26+$0x0], $0xffff;
	_ =	sdelay $0x3  }
0x16f: {  	v6 =	vor.u32 $0x1E, v2;
	_ =	sdelay $0x1  }
0x170: {  	v4 =	vmul.f32 v4, v3;
	_ =	sdelay $0x1  }
0x171: {  	[tilespmem:v5+s21+$0x0] =	vst.idx.msk $0xffff, v4  }
0x172: {  	v5 =	vld.idx.msk [tilespmem:v6+s26+$0x0], $0xffff;
	_ =	sdelay $0x3  }
0x173: {  	v4 =	vor.u32 $0x1F, v2;
	_ =	sdelay $0x1  }
0x174: {  	v2 =	vmul.f32 v5, v3;
	_ =	sdelay $0x1  }
0x175: {  	[tilespmem:v6+s21+$0x0] =	vst.idx.msk $0xffff, v2  }
0x176: {  	v5 =	vld.idx.msk [tilespmem:v4+s26+$0x0], $0xffff;
	_ =	sdelay $0x1  }
.Ltmp1:
0x177: {  	v2 =	vmov s18;
	(pc) =	sbr.rel @p1 .LBB2_6-.Ltmp1, $3  }
0x178: {  	v2 =	vshll.u32 v2, $0x7  }
0x179: {  	v2 =	vor.u32 v1, v2;
	_ =	sdelay $0x1  }
0x17a: {  	v3 =	vmul.f32 v5, v3  }
0x17b: {  	_ =	sdelay $0x3  }
0x17c: {  	[tilespmem:v4+s21+$0x0] =	vst.idx.msk $0xffff, v3  }
0x17d: {  	s0 =	sadd.s32 $0x10, s0;
	v3 =	vld.idx.msk [tilespmem:v2+s26+$0x0], $0xffff  }
0x17e: {  	v4 =	vld [tilespmem:s0+$0x0];
	_ =	sdelay $0x2  }
0x17f: {  	v5 =	vor.u32 $0x1, v2;
	_ =	sdelay $0x1  }
0x180: {  	v3 =	vmul.f32 v3, v4;
	_ =	sdelay $0x1  }
0x181: {  	[tilespmem:v2+s21+$0x0] =	vst.idx.msk $0xffff, v3  }
0x182: {  	v3 =	vld.idx.msk [tilespmem:v5+s26+$0x0], $0xffff;
	_ =	sdelay $0x2  }
0x183: {  	v6 =	vor.u32 $0x2, v2;
	_ =	sdelay $0x1  }
0x184: {  	v3 =	vmul.f32 v3, v4;
	_ =	sdelay $0x1  }
0x185: {  	[tilespmem:v5+s21+$0x0] =	vst.idx.msk $0xffff, v3  }
0x186: {  	v3 =	vld.idx.msk [tilespmem:v6+s26+$0x0], $0xffff;
	_ =	sdelay $0x2  }
0x187: {  	v36 =	vor.u32 $0x3, v2;
	_ =	sdelay $0x1  }
0x188: {  	v3 =	vmul.f32 v3, v4;
	_ =	sdelay $0x1  }
0x189: {  	[tilespmem:v6+s21+$0x0] =	vst.idx.msk $0xffff, v3  }
0x18a: {  	v3 =	vld.idx.msk [tilespmem:v36+s26+$0x0], $0xffff;
	_ =	sdelay $0x2  }
0x18b: {  	v37 =	vor.u32 $0x4, v2;
	_ =	sdelay $0x1  }
0x18c: {  	v3 =	vmul.f32 v3, v4;
	_ =	sdelay $0x1  }
0x18d: {  	[tilespmem:v36+s21+$0x0] =	vst.idx.msk $0xffff, v3  }
0x18e: {  	v3 =	vld.idx.msk [tilespmem:v37+s26+$0x0], $0xffff;
	_ =	sdelay $0x2  }
0x18f: {  	v38 =	vor.u32 $0x5, v2;
	_ =	sdelay $0x1  }
0x190: {  	v3 =	vmul.f32 v3, v4;
	_ =	sdelay $0x1  }
0x191: {  	[tilespmem:v37+s21+$0x0] =	vst.idx.msk $0xffff, v3  }
0x192: {  	v3 =	vld.idx.msk [tilespmem:v38+s26+$0x0], $0xffff;
	_ =	sdelay $0x2  }
0x193: {  	v39 =	vor.u32 $0x6, v2;
	_ =	sdelay $0x1  }
0x194: {  	v3 =	vmul.f32 v3, v4;
	_ =	sdelay $0x1  }
0x195: {  	[tilespmem:v38+s21+$0x0] =	vst.idx.msk $0xffff, v3  }
0x196: {  	v3 =	vld.idx.msk [tilespmem:v39+s26+$0x0], $0xffff;
	_ =	sdelay $0x2  }
0x197: {  	v40 =	vor.u32 $0x7, v2;
	_ =	sdelay $0x1  }
0x198: {  	v3 =	vmul.f32 v3, v4;
	_ =	sdelay $0x1  }
0x199: {  	[tilespmem:v39+s21+$0x0] =	vst.idx.msk $0xffff, v3  }
0x19a: {  	v3 =	vld.idx.msk [tilespmem:v40+s26+$0x0], $0xffff;
	_ =	sdelay $0x2  }
0x19b: {  	v41 =	vor.u32 $0x8, v2;
	_ =	sdelay $0x1  }
0x19c: {  	v3 =	vmul.f32 v3, v4;
	_ =	sdelay $0x1  }
0x19d: {  	[tilespmem:v40+s21+$0x0] =	vst.idx.msk $0xffff, v3  }
0x19e: {  	v3 =	vld.idx.msk [tilespmem:v41+s26+$0x0], $0xffff;
	_ =	sdelay $0x2  }
0x19f: {  	v42 =	vor.u32 $0x9, v2;
	_ =	sdelay $0x1  }
0x1a0: {  	v3 =	vmul.f32 v3, v4;
	_ =	sdelay $0x1  }
0x1a1: {  	[tilespmem:v41+s21+$0x0] =	vst.idx.msk $0xffff, v3  }
0x1a2: {  	v3 =	vld.idx.msk [tilespmem:v42+s26+$0x0], $0xffff;
	_ =	sdelay $0x2  }
0x1a3: {  	v43 =	vor.u32 $0xA, v2;
	_ =	sdelay $0x1  }
0x1a4: {  	v3 =	vmul.f32 v3, v4;
	_ =	sdelay $0x1  }
0x1a5: {  	[tilespmem:v42+s21+$0x0] =	vst.idx.msk $0xffff, v3  }
0x1a6: {  	v3 =	vld.idx.msk [tilespmem:v43+s26+$0x0], $0xffff;
	_ =	sdelay $0x2  }
0x1a7: {  	v44 =	vor.u32 $0xB, v2;
	_ =	sdelay $0x1  }
0x1a8: {  	v3 =	vmul.f32 v3, v4;
	_ =	sdelay $0x1  }
0x1a9: {  	[tilespmem:v43+s21+$0x0] =	vst.idx.msk $0xffff, v3  }
0x1aa: {  	v3 =	vld.idx.msk [tilespmem:v44+s26+$0x0], $0xffff;
	_ =	sdelay $0x2  }
0x1ab: {  	v45 =	vor.u32 $0xC, v2;
	_ =	sdelay $0x1  }
0x1ac: {  	v3 =	vmul.f32 v3, v4;
	_ =	sdelay $0x1  }
0x1ad: {  	[tilespmem:v44+s21+$0x0] =	vst.idx.msk $0xffff, v3  }
0x1ae: {  	v3 =	vld.idx.msk [tilespmem:v45+s26+$0x0], $0xffff;
	_ =	sdelay $0x2  }
0x1af: {  	v46 =	vor.u32 $0xD, v2;
	_ =	sdelay $0x1  }
0x1b0: {  	v3 =	vmul.f32 v3, v4;
	_ =	sdelay $0x1  }
0x1b1: {  	[tilespmem:v45+s21+$0x0] =	vst.idx.msk $0xffff, v3  }
0x1b2: {  	v3 =	vld.idx.msk [tilespmem:v46+s26+$0x0], $0xffff;
	_ =	sdelay $0x2  }
0x1b3: {  	v47 =	vor.u32 $0xE, v2;
	_ =	sdelay $0x1  }
0x1b4: {  	v3 =	vmul.f32 v3, v4;
	_ =	sdelay $0x1  }
0x1b5: {  	[tilespmem:v46+s21+$0x0] =	vst.idx.msk $0xffff, v3  }
0x1b6: {  	v3 =	vld.idx.msk [tilespmem:v47+s26+$0x0], $0xffff;
	_ =	sdelay $0x2  }
0x1b7: {  	v48 =	vor.u32 $0xF, v2;
	_ =	sdelay $0x1  }
0x1b8: {  	v3 =	vmul.f32 v3, v4;
	_ =	sdelay $0x1  }
0x1b9: {  	[tilespmem:v47+s21+$0x0] =	vst.idx.msk $0xffff, v3  }
0x1ba: {  	v3 =	vld.idx.msk [tilespmem:v48+s26+$0x0], $0xffff;
	_ =	sdelay $0x2  }
0x1bb: {  	v49 =	vor.u32 $0x10, v2;
	_ =	sdelay $0x1  }
0x1bc: {  	v3 =	vmul.f32 v3, v4;
	_ =	sdelay $0x1  }
0x1bd: {  	[tilespmem:v48+s21+$0x0] =	vst.idx.msk $0xffff, v3  }
0x1be: {  	v3 =	vld.idx.msk [tilespmem:v49+s26+$0x0], $0xffff;
	_ =	sdelay $0x2  }
0x1bf: {  	v50 =	vor.u32 $0x11, v2;
	_ =	sdelay $0x1  }
0x1c0: {  	v3 =	vmul.f32 v3, v4;
	_ =	sdelay $0x1  }
0x1c1: {  	[tilespmem:v49+s21+$0x0] =	vst.idx.msk $0xffff, v3  }
0x1c2: {  	v3 =	vld.idx.msk [tilespmem:v50+s26+$0x0], $0xffff;
	_ =	sdelay $0x2  }
0x1c3: {  	v51 =	vor.u32 $0x12, v2;
	_ =	sdelay $0x1  }
0x1c4: {  	v3 =	vmul.f32 v3, v4;
	_ =	sdelay $0x1  }
0x1c5: {  	[tilespmem:v50+s21+$0x0] =	vst.idx.msk $0xffff, v3  }
0x1c6: {  	v3 =	vld.idx.msk [tilespmem:v51+s26+$0x0], $0xffff;
	_ =	sdelay $0x2  }
0x1c7: {  	v52 =	vor.u32 $0x13, v2;
	_ =	sdelay $0x1  }
0x1c8: {  	v3 =	vmul.f32 v3, v4;
	_ =	sdelay $0x1  }
0x1c9: {  	[tilespmem:v51+s21+$0x0] =	vst.idx.msk $0xffff, v3  }
0x1ca: {  	v3 =	vld.idx.msk [tilespmem:v52+s26+$0x0], $0xffff;
	_ =	sdelay $0x2  }
0x1cb: {  	v53 =	vor.u32 $0x14, v2;
	_ =	sdelay $0x1  }
0x1cc: {  	v3 =	vmul.f32 v3, v4;
	_ =	sdelay $0x1  }
0x1cd: {  	[tilespmem:v52+s21+$0x0] =	vst.idx.msk $0xffff, v3  }
0x1ce: {  	v3 =	vld.idx.msk [tilespmem:v53+s26+$0x0], $0xffff;
	_ =	sdelay $0x2  }
0x1cf: {  	v54 =	vor.u32 $0x15, v2;
	_ =	sdelay $0x1  }
0x1d0: {  	v3 =	vmul.f32 v3, v4;
	_ =	sdelay $0x1  }
0x1d1: {  	[tilespmem:v53+s21+$0x0] =	vst.idx.msk $0xffff, v3  }
0x1d2: {  	v3 =	vld.idx.msk [tilespmem:v54+s26+$0x0], $0xffff;
	_ =	sdelay $0x2  }
0x1d3: {  	v55 =	vor.u32 $0x16, v2;
	_ =	sdelay $0x1  }
0x1d4: {  	v3 =	vmul.f32 v3, v4;
	_ =	sdelay $0x1  }
0x1d5: {  	[tilespmem:v54+s21+$0x0] =	vst.idx.msk $0xffff, v3  }
0x1d6: {  	v3 =	vld.idx.msk [tilespmem:v55+s26+$0x0], $0xffff;
	_ =	sdelay $0x2  }
0x1d7: {  	v56 =	vor.u32 $0x17, v2;
	_ =	sdelay $0x1  }
0x1d8: {  	v3 =	vmul.f32 v3, v4;
	_ =	sdelay $0x1  }
0x1d9: {  	[tilespmem:v55+s21+$0x0] =	vst.idx.msk $0xffff, v3  }
0x1da: {  	v3 =	vld.idx.msk [tilespmem:v56+s26+$0x0], $0xffff;
	_ =	sdelay $0x2  }
0x1db: {  	v57 =	vor.u32 $0x18, v2;
	_ =	sdelay $0x1  }
0x1dc: {  	v3 =	vmul.f32 v3, v4;
	_ =	sdelay $0x1  }
0x1dd: {  	[tilespmem:v56+s21+$0x0] =	vst.idx.msk $0xffff, v3  }
0x1de: {  	v3 =	vld.idx.msk [tilespmem:v57+s26+$0x0], $0xffff;
	_ =	sdelay $0x2  }
0x1df: {  	v58 =	vor.u32 $0x19, v2;
	_ =	sdelay $0x1  }
0x1e0: {  	v3 =	vmul.f32 v3, v4;
	_ =	sdelay $0x1  }
0x1e1: {  	[tilespmem:v57+s21+$0x0] =	vst.idx.msk $0xffff, v3  }
0x1e2: {  	v3 =	vld.idx.msk [tilespmem:v58+s26+$0x0], $0xffff;
	_ =	sdelay $0x2  }
0x1e3: {  	v59 =	vor.u32 $0x1A, v2;
	_ =	sdelay $0x1  }
0x1e4: {  	v3 =	vmul.f32 v3, v4;
	_ =	sdelay $0x1  }
0x1e5: {  	[tilespmem:v58+s21+$0x0] =	vst.idx.msk $0xffff, v3  }
0x1e6: {  	v3 =	vld.idx.msk [tilespmem:v59+s26+$0x0], $0xffff;
	_ =	sdelay $0x2  }
0x1e7: {  	v60 =	vor.u32 $0x1B, v2;
	_ =	sdelay $0x1  }
0x1e8: {  	v3 =	vmul.f32 v3, v4;
	_ =	sdelay $0x1  }
0x1e9: {  	[tilespmem:v59+s21+$0x0] =	vst.idx.msk $0xffff, v3  }
0x1ea: {  	v3 =	vld.idx.msk [tilespmem:v60+s26+$0x0], $0xffff;
	_ =	sdelay $0x2  }
0x1eb: {  	v61 =	vor.u32 $0x1C, v2;
	_ =	sdelay $0x1  }
0x1ec: {  	v3 =	vmul.f32 v3, v4;
	_ =	sdelay $0x1  }
0x1ed: {  	[tilespmem:v60+s21+$0x0] =	vst.idx.msk $0xffff, v3  }
0x1ee: {  	v3 =	vld.idx.msk [tilespmem:v61+s26+$0x0], $0xffff;
	_ =	sdelay $0x2  }
0x1ef: {  	v62 =	vor.u32 $0x1D, v2;
	_ =	sdelay $0x1  }
0x1f0: {  	v3 =	vmul.f32 v3, v4;
	_ =	sdelay $0x1  }
0x1f1: {  	[tilespmem:v61+s21+$0x0] =	vst.idx.msk $0xffff, v3  }
0x1f2: {  	v3 =	vld.idx.msk [tilespmem:v62+s26+$0x0], $0xffff;
	_ =	sdelay $0x2  }
0x1f3: {  	v63 =	vor.u32 $0x1E, v2;
	_ =	sdelay $0x1  }
0x1f4: {  	v3 =	vmul.f32 v3, v4;
	_ =	sdelay $0x1  }
0x1f5: {  	[tilespmem:v62+s21+$0x0] =	vst.idx.msk $0xffff, v3  }
0x1f6: {  	v3 =	vld.idx.msk [tilespmem:v63+s26+$0x0], $0xffff;
	_ =	sdelay $0x2  }
0x1f7: {  	v2 =	vor.u32 $0x1F, v2;
	_ =	sdelay $0x1  }
0x1f8: {  	v3 =	vmul.f32 v3, v4;
	_ =	sdelay $0x1  }
0x1f9: {  	[tilespmem:v63+s21+$0x0] =	vst.idx.msk $0xffff, v3  }
0x1fa: {  	v3 =	vld.idx.msk [tilespmem:v2+s26+$0x0], $0xffff;
	_ =	sdelay $0x4  }
0x1fb: {  	s4 =	sadd.s32 $0x1, s4;
	v3 =	vmul.f32 v3, v4  }
0x1fc: {  	p1 =	sne.s32 s4, $0x19  }
.Ltmp2:
0x1fd: {  	[tilespmem:v2+s21+$0x0] =	vst.idx.msk $0xffff, v3;
	(pc) =	sbr.rel @p1 .LBB2_5-.Ltmp2, $4  }
0x1fe: {  	[spmem:s2] =	stream.indirect.scatter.add.f32 [tilespmem:s21], [sflag:$0x2], $0x80, s29, s24, $0xb8;
	[tilespmem:$0x1A180] =	vst v63  }
0x1ff: {  	_ =	swait.ge [sflag:s22], $0x2800  }
0x200: {  	[sflag:s22] =	ssyncset.done $0x0  }
0x201: {  	s11 =	sadd.s32 $0x50, s11;
	[sflag:s22] =	ssyncadd.s32 $0xFFFFD800  }
0x202: {  	s31 =	sadd.s32 $0x1, s31  }
0x203: {  	p1 =	sne.s32 s31, $0x5  }
.Ltmp3:
0x204: {  	_ = 	snop;
	(pc) =	sbr.rel @p1 .LBB2_4-.Ltmp3, $1  }
0x205: {  	_ =	sdelay $0x3  }
0x206: {  	[bflag:$0x0] =	sbarrier.arrive $0xFFFF;
	s0 =	sshrl.u32 @p0 s17, $0x3;
	s4 =	simm.s32 @p0 $0x1FC2  }
0x207: {  	[hbm:s19], [sflag:s4] =	dma.local @p0 [spmem:s0], $0x1900  }
0x208: {  	s3 =	sadd.s32 $0x1, s3;
	s0 =	simm.s32 @p0 $0x2  }
0x209: {  	s4 =	stileid.u32;
	p1 =	sne.s32 s3, s20;
	_ =	swait.ge @p0 [sflag:s0], $0x1900  }
0x20a: {  	s4 =	sshll.u32 @!p0 s4, $0x6;
	[sflag:s0] =	ssyncset.done @p0 $0x0;
	s10 =	rddreg [dreg:$0x6]  }
0x20b: {  	[sflag:s0] =	ssyncadd.s32 @p0 $0xFFFFE700;
	s0 =	sor.u32 @!p0 $0x1C02, s4;
	s4 =	sshrl.u32 @!p0 s9, $0x3  }
0x20c: {  	[hbm:s10], [sflag:s0] =	dma.local @!p0 [spmem:s4], $0x2800  }
.Ltmp4:
0x20d: {  	_ = 	snop;
	(pc) =	sbr.rel @p1 .LBB2_1-.Ltmp4, $4  }
0x20e: {  	s0 =	simm.s32 @!p0 $0x2  }
0x20f: {  	_ =	swait.ge @!p0 [sflag:s0], $0x2800  }
0x210: {  	[sflag:s0] =	ssyncset.done @!p0 $0x0  }
0x211: {  	[sflag:s0] =	ssyncadd.s32 @!p0 $0xFFFFD800  }
0x212: {  	_ =	sfence.sel $0x180000  }
0x213: {  	[bflag:$0x0] =	sbarrier.arrive $0xFFFF  }
0x214: {  	_ =	strace $0x90000056  }
0x215: {  	s0 =	stileid.u32;
	[bflag:$0x2] =	sbarrier.arrive $0xFFFF  }
0x216: {  	p0 =	sne.s32 s0, $0x0;
	s0 =	rddreg [dreg:$0x3]  }
0x217: {  	s0 =	sadd.s32 @!p0 $0x100000, s0  }
0x218: {  	[sflag:s0] =	ssyncadd.tile.s32 @!p0 $0x1;
	_ =	shalt  }
.Lfunc_end2:
_tile_overlayer_lowered:
.L_overlay_start_2:
0x219: {  	(tag) =	ssettag $0x2  }
0x21a: {  	s0 =	rddreg [dreg:$0x0];
	s2 =	stileid.u32  }
0x21b: {  	s1 =	rddreg [dreg:$0x1];
	p0 =	sne.s32 s2, $0x0  }
0x21c: {  	s3 =	rddreg [dreg:$0x2];
	[bflag:$0x3] =	sbarrier.arrive $0xFFFF;
	s2 =	simm.s32 @!p0 $0x1C02  }
0x21d: {  	[timem:s3], [sflag:s2] =	dma.local @!p0 [hbm:s0], s1  }
0x21e: {  	s0 =	simm.s32 @!p0 $0x2  }
0x21f: {  	_ =	swait.ge @!p0 [sflag:s0], s1  }
0x220: {  	s1 =	ssub.s32 @!p0 $0x0, s1;
	[sflag:s0] =	ssyncset.done @!p0 $0x0  }
0x221: {  	[sflag:s0] =	ssyncadd.s32 @!p0 s1  }
0x222: {  	[bflag:$0x3] =	sbarrier.arrive $0xFFFF  }
0x223: {  	_ =	shalt  }

</sc_bundles>
